<compile_context>
chip_gen: v7x
topology: tpu7x:2x2x1
jax: 0.10.2.dev20260603
libtpu: 0.0.44.dev20260713+nightly
codegen_flags: <defaults>
</compile_context>

<pallas_src>
import functools

import jax
import jax.numpy as jnp
from jax import lax
from jax.experimental import pallas as pl
from jax.experimental.pallas import tpu as pltpu
from jax.experimental.pallas import tpu_sc as plsc

NC = 2
NS = 16
NW = NC * NS
CHUNK = 128
SUB = 8
NSUB = 5
GC = SUB * NSUB
NBUF = 8
PCOLS = 32
TDT = jnp.bfloat16


def _round_up(a, b):
    return (a + b - 1) // b * b



def _make_sc_segsum(n_nodes, n_groups, n_pass, with_counts):
    R = _round_up(2 * n_nodes + 8, NS * 8)
    stripe = R // NS
    nzfull = stripe // CHUNK
    ztail = stripe - nzfull * CHUNK

    out_type = [jax.ShapeDtypeStruct((NC, n_pass, R, PCOLS), TDT)]
    if with_counts:
        out_type.append(jax.ShapeDtypeStruct((NC, R, PCOLS), TDT))

    mesh = plsc.VectorSubcoreMesh(core_axis_name="c", subcore_axis_name="s")

    scratch = (
        [pltpu.VMEM((GC, CHUNK), jnp.int32),
         pltpu.VMEM((GC, CHUNK), jnp.int32)]
        + [pltpu.VMEM((CHUNK, PCOLS), TDT) for _ in range(NBUF)]
        + [pltpu.VMEM_SHARED((R, PCOLS), TDT),
           pltpu.SemaphoreType.DMA,
           pltpu.SemaphoreType.DMA]
    )

    @functools.partial(pl.kernel, out_type=out_type, mesh=mesh,
                       scratch_types=scratch,
                       compiler_params=pltpu.CompilerParams(
                           use_tc_tiling_on_sc=False))
    def kern(*refs):
        tabs = refs[:n_pass]
        src_hbm, scat_hbm = refs[n_pass], refs[n_pass + 1]
        sums_hbm = refs[n_pass + 2]
        k = n_pass + 3
        cnts_hbm = refs[k] if with_counts else None
        k += 1 if with_counts else 0
        srcb, scatb = refs[k], refs[k + 1]
        rows = refs[k + 2:k + 2 + NBUF]
        acc, gsem, ssem = refs[k + 2 + NBUF:k + 5 + NBUF]

        c = lax.axis_index("c")
        s = lax.axis_index("s")
        wid = c * NS + s
        base = s * stripe

        def _fill(buf, val):
            def f(i, carry):
                buf[i] = jnp.full((PCOLS,), val, TDT)
                return carry
            lax.fori_loop(0, CHUNK, f, 0)

        def _zero_stripe():
            def zf(i, carry):
                pltpu.async_copy(
                    rows[0], acc.at[pl.ds(base + i * CHUNK, CHUNK)], ssem)
                return carry
            lax.fori_loop(0, nzfull, zf, 0)

            def zw(i, carry):
                pltpu.make_async_copy(
                    rows[0], acc.at[pl.ds(base + i * CHUNK, CHUNK)],
                    ssem).wait()
                return carry
            lax.fori_loop(0, nzfull, zw, 0)
            if ztail:
                pltpu.sync_copy(
                    rows[0].at[pl.ds(0, ztail)],
                    acc.at[pl.ds(base + nzfull * CHUNK, ztail)])

        H1 = SUB // 2

        for p in range(n_pass):
            _fill(rows[0], 0.0)
            _zero_stripe()
            plsc.subcore_barrier()

            def _drain4():
                for _ in range(H1):
                    pltpu.make_async_copy(rows[H1],
                                          acc.at[scatb.at[0]], ssem).wait()

            def _group(g, carry):
                @pl.when(g > 0)
                def _():
                    _drain4()
                pltpu.sync_copy(src_hbm.at[wid, g], srcb)
                pltpu.sync_copy(scat_hbm.at[wid, g], scatb)

                def _sub(t, carry2):
                    b0 = t * SUB
                    gd = [pltpu.async_copy(tabs[p].at[srcb.at[b0 + j]],
                                           rows[j], gsem)
                          for j in range(H1)]
                    @pl.when(t > 0)
                    def _():
                        _drain4()
                    gd += [pltpu.async_copy(tabs[p].at[srcb.at[b0 + j]],
                                            rows[j], gsem)
                           for j in range(H1, SUB)]
                    for j in range(H1):
                        gd[j].wait()
                    sd = [pltpu.async_copy(rows[j], acc.at[scatb.at[b0 + j]],
                                           ssem, add=True)
                          for j in range(H1)]
                    for j in range(H1, SUB):
                        gd[j].wait()
                    for d in sd:
                        d.wait()
                    for j in range(H1, SUB):
                        pltpu.async_copy(rows[j], acc.at[scatb.at[b0 + j]],
                                         ssem, add=True)
                    return carry2
                return lax.fori_loop(0, NSUB, _sub, carry)
            lax.fori_loop(0, n_groups, _group, 0)
            _drain4()
            plsc.subcore_barrier()
            pltpu.sync_copy(acc.at[pl.ds(base, stripe)],
                            sums_hbm.at[c, p, pl.ds(base, stripe)])

        if with_counts:
            _fill(rows[0], 0.0)
            _zero_stripe()
            plsc.subcore_barrier()
            for b in range(NBUF):
                _fill(rows[b], 1.0)

            def _cgroup(g, carry):
                pltpu.sync_copy(scat_hbm.at[wid, g], scatb)

                def _csub(t, carry2):
                    b0 = t * SUB
                    sd = [pltpu.async_copy(rows[j], acc.at[scatb.at[b0 + j]],
                                           ssem, add=True)
                          for j in range(SUB)]
                    for d in sd:
                        d.wait()
                    return carry2
                return lax.fori_loop(0, NSUB, _csub, carry)
            lax.fori_loop(0, n_groups, _cgroup, 0)
            plsc.subcore_barrier()
            pltpu.sync_copy(acc.at[pl.ds(base, stripe)],
                            cnts_hbm.at[c, pl.ds(base, stripe)])

    return kern, R



def _sum_cores_concat(t):
    ts = t[0].astype(jnp.float32) + t[1].astype(jnp.float32)
    return jnp.concatenate([ts[p] for p in range(ts.shape[0])], axis=-1)


def _mean(sums_blk, cnt_blk):
    cnt = (cnt_blk[0].astype(jnp.float32)
           + cnt_blk[1].astype(jnp.float32))[:, 0:1]
    return _sum_cores_concat(sums_blk) / jnp.maximum(cnt, 1.0)


def _dot(a, b):
    return jnp.dot(a, b, preferred_element_type=jnp.float32)


def _layer1_body(xr, spr, snr, cpr, cnr, wb, bb, wu, bu, z1r, *zcr):
    x = xr[...]
    mp = _mean(spr[...], cpr[...])
    mn = _mean(snr[...], cnr[...])
    hb = _dot(mp, wb[0:64]) + _dot(x, wb[64:128]) + bb[...]
    hu = _dot(mn, wu[0:64]) + _dot(x, wu[64:128]) + bu[...]
    z1 = jnp.tanh(jnp.concatenate([hb, hu], axis=1))
    z1r[...] = z1
    for p, r in enumerate(zcr):
        r[...] = z1[:, p * PCOLS:(p + 1) * PCOLS].astype(TDT)


def _layer2_body(z1r, spr, snr, cpr, cnr, wb, bb, wu, bu, ww, bw, m1, c1,
                 zr, h1pr, statsr):
    z1 = z1r[...]
    mp = _mean(spr[...], cpr[...])
    mn = _mean(snr[...], cnr[...])
    hb = (_dot(mp[:, 0:32], wb[0:32]) + _dot(mn[:, 32:64], wb[32:64])
          + _dot(z1[:, 0:32], wb[64:96]) + bb[...])
    hu = (_dot(mp[:, 32:64], wu[0:32]) + _dot(mn[:, 0:32], wu[32:64])
          + _dot(z1[:, 32:64], wu[64:96]) + bu[...])
    z2 = jnp.tanh(jnp.concatenate([hb, hu], axis=1))
    z = jnp.tanh(_dot(z2, ww[...]) + bw[...])
    zr[...] = z
    h1p = _dot(z, m1[...]) + c1[...]
    h1pr[...] = h1p

    @pl.when(pl.program_id(0) == 0)
    def _():
        statsr[...] = jnp.zeros_like(statsr)
    statsr[0:1, :] += jnp.sum(h1p, axis=0, keepdims=True)
    statsr[1:2, :] += jnp.sum(h1p * h1p, axis=0, keepdims=True)


def _bn_relu(h, stats, g, b, n):
    m = stats[0:1, :] / n
    v = stats[1:2, :] / n - m * m
    return jnp.maximum((h - m) * lax.rsqrt(v + 1e-5) * g + b, 0.0)


def _mlp_mid_body(n_nodes, h1pr, statsr, g1, be1, m2, c2, h2pr, stats2r):
    h1 = _bn_relu(h1pr[...], statsr[...], g1[...], be1[...], n_nodes)
    h2p = _dot(h1, m2[...]) + c2[...]
    h2pr[...] = h2p

    @pl.when(pl.program_id(0) == 0)
    def _():
        stats2r[...] = jnp.zeros_like(stats2r)
    stats2r[0:1, :] += jnp.sum(h2p, axis=0, keepdims=True)
    stats2r[1:2, :] += jnp.sum(h2p * h2p, axis=0, keepdims=True)


def _mlp_out_body(n_nodes, h2pr, statsr, g2, be2, m3t, c3, probr):
    h2 = _bn_relu(h2pr[...], statsr[...], g2[...], be2[...], n_nodes)
    logit = jnp.sum(h2 * m3t[...], axis=1, keepdims=True) + c3[...]
    probr[...] = jax.nn.sigmoid(logit)



def kernel(init_emb, edge_index_s, Wb1, bb1, Wu1, bu1, Wb2, bb2, Wu2, bu2,
           Ww, bw, M1, c1, g1, be1, M2, c2, g2, be2, M3, c3):
    N, D = init_emb.shape
    E = edge_index_s.shape[0]
    H = Wb1.shape[1]
    n_pass = D // PCOLS
    n_groups = _round_up(E, NW * GC * CHUNK) // (NW * GC * CHUNK)
    Ep = NW * n_groups * GC * CHUNK

    src = edge_index_s[:, 0].astype(jnp.int32)
    dst = edge_index_s[:, 1].astype(jnp.int32)
    sgn = edge_index_s[:, 2]
    scat = dst + N * (sgn < 0).astype(jnp.int32)
    pad_ar = jnp.arange(Ep - E, dtype=jnp.int32)
    src_r = jnp.concatenate([src, pad_ar % N]).reshape(NW, n_groups, GC, CHUNK)
    scat_r = jnp.concatenate([scat, 2 * N + pad_ar % 88]).reshape(
        NW, n_groups, GC, CHUNK)

    sc1, R = _make_sc_segsum(N, n_groups, n_pass, with_counts=True)
    sc2, _ = _make_sc_segsum(N, n_groups, n_pass, with_counts=False)

    xcols = [init_emb[:, p * PCOLS:(p + 1) * PCOLS].astype(TDT)
             for p in range(n_pass)]
    sums1, cnts = sc1(*xcols, src_r, scat_r)

    B = 2000
    NB = N // B
    grid = (NB,)
    f32 = jnp.float32

    spec_x = pl.BlockSpec((B, D), lambda i: (i, 0))
    spec_sp = pl.BlockSpec((NC, n_pass, B, PCOLS), lambda i: (0, 0, i, 0))
    spec_sn = pl.BlockSpec((NC, n_pass, B, PCOLS), lambda i: (0, 0, i + NB, 0))
    spec_cp = pl.BlockSpec((NC, B, PCOLS), lambda i: (0, i, 0))
    spec_cn = pl.BlockSpec((NC, B, PCOLS), lambda i: (0, i + NB, 0))

    def whole(shape):
        nd = len(shape)
        return pl.BlockSpec(shape, lambda i, _n=nd: (0,) * _n)

    z1, *zcols = pl.pallas_call(
        _layer1_body,
        grid=grid,
        in_specs=[spec_x, spec_sp, spec_sn, spec_cp, spec_cn,
                  whole((2 * D, H)), whole((1, H)),
                  whole((2 * D, H)), whole((1, H))],
        out_specs=[pl.BlockSpec((B, D), lambda i: (i, 0))]
        + [pl.BlockSpec((B, PCOLS), lambda i: (i, 0))] * n_pass,
        out_shape=[jax.ShapeDtypeStruct((N, D), f32)]
        + [jax.ShapeDtypeStruct((N, PCOLS), TDT)] * n_pass,
    )(init_emb, sums1, sums1, cnts, cnts, Wb1, bb1.reshape(1, H),
      Wu1, bu1.reshape(1, H))

    (sums2,) = sc2(*zcols, src_r, scat_r)

    z, h1p, stats1 = pl.pallas_call(
        _layer2_body,
        grid=grid,
        in_specs=[spec_x, spec_sp, spec_sn, spec_cp, spec_cn,
                  whole((3 * H, H)), whole((1, H)),
                  whole((3 * H, H)), whole((1, H)),
                  whole((D, D)), whole((1, D)),
                  whole((D, D)), whole((1, D))],
        out_specs=[pl.BlockSpec((B, D), lambda i: (i, 0)),
                   pl.BlockSpec((B, D), lambda i: (i, 0)),
                   pl.BlockSpec((2, D), lambda i: (0, 0))],
        out_shape=[jax.ShapeDtypeStruct((N, D), f32),
                   jax.ShapeDtypeStruct((N, D), f32),
                   jax.ShapeDtypeStruct((2, D), f32)],
    )(z1, sums2, sums2, cnts, cnts, Wb2, bb2.reshape(1, H),
      Wu2, bu2.reshape(1, H), Ww, bw.reshape(1, D), M1, c1.reshape(1, D))

    h2p, stats2 = pl.pallas_call(
        functools.partial(_mlp_mid_body, float(N)),
        grid=grid,
        in_specs=[spec_x, whole((2, D)), whole((1, D)), whole((1, D)),
                  whole((D, D)), whole((1, D))],
        out_specs=[pl.BlockSpec((B, D), lambda i: (i, 0)),
                   pl.BlockSpec((2, D), lambda i: (0, 0))],
        out_shape=[jax.ShapeDtypeStruct((N, D), f32),
                   jax.ShapeDtypeStruct((2, D), f32)],
    )(h1p, stats1, g1.reshape(1, D), be1.reshape(1, D), M2, c2.reshape(1, D))

    prob = pl.pallas_call(
        functools.partial(_mlp_out_body, float(N)),
        grid=grid,
        in_specs=[spec_x, whole((2, D)), whole((1, D)), whole((1, D)),
                  whole((1, D)), whole((1, 1))],
        out_specs=pl.BlockSpec((B, 1), lambda i: (i, 0)),
        out_shape=jax.ShapeDtypeStruct((N, 1), f32),
    )(h2p, stats2, g2.reshape(1, D), be2.reshape(1, D),
      M3.reshape(1, D), c3.reshape(1, 1))

    return (z, prob)

# --- scband reference (transcript-rebuilt; emitter-appended) ---
"""Pipeline reference for scband-polar-gate-37744172597711 (READ-ONLY COPY).

The authoritative reference and input builder live on the scoring server;
editing this copy changes nothing except your own understanding.
"""

import jax, jax.numpy as jnp
import numpy as np

N = 50000
E = 800000
D = 64
H = 32  # out_dim // 2


def _seg_mean(v, idx, n):
    s = jax.ops.segment_sum(v, idx, num_segments=n)
    c = jax.ops.segment_sum(jnp.ones((v.shape[0],), v.dtype), idx, num_segments=n)
    return s / jnp.clip(c, 1.0)[:, None]


def _seg_mean_masked(v, idx, m, n):
    w = m.astype(v.dtype)
    s = jax.ops.segment_sum(v * w[:, None], idx, num_segments=n)
    c = jax.ops.segment_sum(w, idx, num_segments=n)
    return s / jnp.clip(c, 1.0)[:, None]


def setup_inputs(seed: int = 0):
    key = jax.random.key(seed)
    ks = jax.random.split(key, 16)
    init_emb = jax.random.normal(ks[0], (N, D), jnp.float32)
    src = jax.random.randint(ks[1], (E,), 0, N)
    dst = jax.random.randint(ks[2], (E,), 0, N)
    sign = 2 * jax.random.randint(ks[3], (E,), 0, 2) - 1  # +1 / -1 edge signs
    edge_index_s = jnp.stack([src, dst, sign], axis=1)

    def lin(k, fi, fo):
        return jax.random.normal(k, (fi, fo), jnp.float32) / np.sqrt(fi)

    return {
        "init_emb": init_emb,
        "edge_index_s": edge_index_s,
        "Wb1": lin(ks[4], 2 * D, H), "bb1": jnp.zeros((H,), jnp.float32),
        "Wu1": lin(ks[5], 2 * D, H), "bu1": jnp.zeros((H,), jnp.float32),
        "Wb2": lin(ks[6], 3 * H, H), "bb2": jnp.zeros((H,), jnp.float32),
        "Wu2": lin(ks[7], 3 * H, H), "bu2": jnp.zeros((H,), jnp.float32),
        "Ww": lin(ks[8], D, D), "bw": jnp.zeros((D,), jnp.float32),
        "M1": lin(ks[9], D, D), "c1": jnp.zeros((D,), jnp.float32),
        "g1": jnp.ones((D,), jnp.float32), "be1": jnp.zeros((D,), jnp.float32),
        "M2": lin(ks[10], D, D), "c2": jnp.zeros((D,), jnp.float32),
        "g2": jnp.ones((D,), jnp.float32), "be2": jnp.zeros((D,), jnp.float32),
        "M3": lin(ks[11], D, 1), "c3": jnp.zeros((1,), jnp.float32),
    }


def reference(init_emb, edge_index_s, Wb1, bb1, Wu1, bu1, Wb2, bb2, Wu2, bu2,
              Ww, bw, M1, c1, g1, be1, M2, c2, g2, be2, M3, c3):
    sgn = edge_index_s[:, 2]
    src = edge_index_s[:, 0]
    dst = edge_index_s[:, 1]
    pm = sgn > 0
    nm = sgn < 0

    x = init_emb
    # first signed conv: balanced path from pos edges, unbalanced from neg edges
    hb = jnp.concatenate([_seg_mean_masked(x[src], dst, pm, N), x], axis=1) @ Wb1 + bb1
    hu = jnp.concatenate([_seg_mean_masked(x[src], dst, nm, N), x], axis=1) @ Wu1 + bu1
    z = jnp.tanh(jnp.concatenate([hb, hu], axis=1))

    # rest conv (balance-theory path mixing)
    xb, xu = z[:, :H], z[:, H:]
    hb2 = jnp.concatenate([_seg_mean_masked(xb[src], dst, pm, N), _seg_mean_masked(xu[src], dst, nm, N), xb], axis=1) @ Wb2 + bb2
    hu2 = jnp.concatenate([_seg_mean_masked(xu[src], dst, pm, N), _seg_mean_masked(xb[src], dst, nm, N), xu], axis=1) @ Wu2 + bu2
    z = jnp.tanh(jnp.concatenate([hb2, hu2], axis=1))

    z = jnp.tanh(z @ Ww + bw)

    def bn(h, g, b):
        m = h.mean(axis=0)
        v = h.var(axis=0)
        return (h - m) / jnp.sqrt(v + 1e-5) * g + b

    h = jnp.maximum(bn(z @ M1 + c1, g1, be1), 0.0)
    h = jnp.maximum(bn(h @ M2 + c2, g2, be2), 0.0)
    prob = jax.nn.sigmoid(h @ M3 + c3)
    return (z, prob)

if __name__ == "__main__":
    import jax
    _d = setup_inputs()
    print(jax.jit(kernel)(*tuple(_d.values())))

</pallas_src>

<mosaic_0001>
#map = affine_map<(d0, d1) -> (0, 0)>
#map1 = affine_map<(d0, d1) -> (0, 0, 0, 0)>
#map2 = affine_map<(d0, d1) -> (0, 0, 0)>
module attributes {stable_mosaic.version = 14 : i64} {
  func.func @kern(%arg0: i32, %arg1: i32, %arg2: memref<50000x32xbf16, #tpu.memory_space<hbm>>, %arg3: memref<50000x32xbf16, #tpu.memory_space<hbm>>, %arg4: memref<32x5x40x128xi32, #tpu.memory_space<hbm>>, %arg5: memref<32x5x40x128xi32, #tpu.memory_space<hbm>>, %arg6: memref<2x2x100096x32xbf16, #tpu.memory_space<hbm>>, %arg7: memref<2x100096x32xbf16, #tpu.memory_space<hbm>>, %arg8: memref<40x128xi32, #tpu.memory_space<vmem>>, %arg9: memref<40x128xi32, #tpu.memory_space<vmem>>, %arg10: memref<128x32xbf16, #tpu.memory_space<vmem>>, %arg11: memref<128x32xbf16, #tpu.memory_space<vmem>>, %arg12: memref<128x32xbf16, #tpu.memory_space<vmem>>, %arg13: memref<128x32xbf16, #tpu.memory_space<vmem>>, %arg14: memref<128x32xbf16, #tpu.memory_space<vmem>>, %arg15: memref<128x32xbf16, #tpu.memory_space<vmem>>, %arg16: memref<128x32xbf16, #tpu.memory_space<vmem>>, %arg17: memref<128x32xbf16, #tpu.memory_space<vmem>>, %arg18: memref<100096x32xbf16, #tpu.memory_space<vmem_shared>>, %arg19: memref<!tpu.dma_semaphore, #tpu.memory_space<semaphore_mem>>, %arg20: memref<!tpu.dma_semaphore, #tpu.memory_space<semaphore_mem>>) attributes {dimension_semantics = [#tpu.dimension_semantics<core_parallel>, #tpu.dimension_semantics<subcore_parallel>], iteration_bounds = array<i64: 2, 16>, scalar_prefetch = 0 : i64, scratch_operands = 13 : i64, tpu.core_type = #tpu.core_type<sc_vector_subcore>, window_params = [{transform_indices = #map}, {transform_indices = #map}, {transform_indices = #map1}, {transform_indices = #map1}, {transform_indices = #map1}, {transform_indices = #map2}]} {
    %mul3A = arith.constant 16 : i32
    %mul3A_0 = arith.muli %arg0, %mul3A : i32
    %add3A = arith.addi %mul3A_0, %arg1 : i32
    %mul3A_1 = arith.constant 6256 : i32
    %mul3A_2 = arith.muli %arg1, %mul3A_1 : i32
    %scan3A = arith.constant 0 : i32
    %scan3A_3 = arith.constant 0 : i32
    %scan3A_4 = arith.constant 128 : i32
    %scan3A_5 = arith.addi %scan3A_3, %scan3A_4 : i32
    %scan3A_6 = arith.constant 1 : i32
    scf.for %scan3A_189 = %scan3A_3 to %scan3A_5 step %scan3A_6  : i32 {
      %broadcast_in_dim3A = arith.constant 0.000000e+00 : bf16
      %broadcast_in_dim3A_190 = vector.broadcast %broadcast_in_dim3A : bf16 to vector<32xbf16>
      %swap3A = arith.index_cast %scan3A_189 : i32 to index
      %swap3A_191 = arith.constant 0 : index
      %swap3A_192 = tpu.vector_load %arg10[%swap3A, %swap3A_191] {strides = array<i32>} : memref<128x32xbf16, #tpu.memory_space<vmem>>, vector<1x32xbf16>,
      %swap3A_193 = vector.shape_cast %swap3A_192 : vector<1x32xbf16> to vector<32xbf16>
      %swap3A_194 = vector.shape_cast %broadcast_in_dim3A_190 : vector<32xbf16> to vector<1x32xbf16>
      tpu.vector_store %arg10[%swap3A, %swap3A_191], %swap3A_194 {strides = array<i32>} : memref<128x32xbf16, #tpu.memory_space<vmem>>, vector<1x32xbf16>,
    }
    %scan3A_7 = arith.constant 128 : i32
    %scan3A_8 = arith.constant 0 : i32
    %scan3A_9 = arith.constant 0 : i32
    %scan3A_10 = arith.constant 48 : i32
    %scan3A_11 = arith.addi %scan3A_9, %scan3A_10 : i32
    %scan3A_12 = arith.constant 1 : i32
    scf.for %scan3A_189 = %scan3A_9 to %scan3A_11 step %scan3A_12  : i32 {
      %mul3A_190 = arith.constant 128 : i32
      %mul3A_191 = arith.muli %scan3A_189, %mul3A_190 : i32
      %add3A_192 = arith.addi %mul3A_2, %mul3A_191 : i32
      %dma_start3A = arith.constant 0 : i32
      %dma_start3A_193 = tpu.memref_slice %arg18[%add3A_192, %dma_start3A] : memref<100096x32xbf16, #tpu.memory_space<vmem_shared>> -> memref<128x32xbf16, #tpu.memory_space<vmem_shared>>
      %dma_start3A_194 = arith.constant 0 : i32
      %dma_start3A_195 = tpu.memref_slice %arg18[%add3A_192, %dma_start3A_194] : memref<100096x32xbf16, #tpu.memory_space<vmem_shared>> -> memref<128x32xbf16, #tpu.memory_space<vmem_shared>>
      tpu.enqueue_dma source(%arg10 : memref<128x32xbf16, #tpu.memory_space<vmem>>) target(%dma_start3A_195 : memref<128x32xbf16, #tpu.memory_space<vmem_shared>>) target_semaphore(%arg20 : memref<!tpu.dma_semaphore, #tpu.memory_space<semaphore_mem>>)
    }
    %scan3A_13 = arith.constant 48 : i32
    %scan3A_14 = arith.constant 0 : i32
    %scan3A_15 = arith.constant 0 : i32
    %scan3A_16 = arith.constant 48 : i32
    %scan3A_17 = arith.addi %scan3A_15, %scan3A_16 : i32
    %scan3A_18 = arith.constant 1 : i32
    scf.for %scan3A_189 = %scan3A_15 to %scan3A_17 step %scan3A_18  : i32 {
      %mul3A_190 = arith.constant 128 : i32
      %mul3A_191 = arith.muli %scan3A_189, %mul3A_190 : i32
      %add3A_192 = arith.addi %mul3A_2, %mul3A_191 : i32
      %dma_wait3A_193 = arith.constant 0 : i32
      %dma_wait3A_194 = tpu.memref_slice %arg18[%add3A_192, %dma_wait3A_193] : memref<100096x32xbf16, #tpu.memory_space<vmem_shared>> -> memref<128x32xbf16, #tpu.memory_space<vmem_shared>>
      %dma_wait3A_195 = arith.constant 0 : i32
      %dma_wait3A_196 = tpu.memref_slice %arg18[%add3A_192, %dma_wait3A_195] : memref<100096x32xbf16, #tpu.memory_space<vmem_shared>> -> memref<128x32xbf16, #tpu.memory_space<vmem_shared>>
      tpu.wait_dma2 semaphore(%arg20 : memref<!tpu.dma_semaphore, #tpu.memory_space<semaphore_mem>>) src(%arg10 : memref<128x32xbf16, #tpu.memory_space<vmem>>) dst(%dma_wait3A_196 : memref<128x32xbf16, #tpu.memory_space<vmem_shared>>)
    }
    %scan3A_19 = arith.constant 48 : i32
    %add3A_20 = arith.constant 6144 : i32
    %add3A_21 = arith.addi %mul3A_2, %add3A_20 : i32
    "tpu.region"() ({
      %run_scoped3A_189 = tpu.sem_alloc : memref<!tpu.dma_semaphore, #tpu.memory_space<semaphore_mem>>
      %dma_start3A = arith.constant 0 : i32
      %dma_start3A_190 = arith.constant 0 : i32
      %dma_start3A_191 = tpu.memref_slice %arg10[%dma_start3A, %dma_start3A_190] : memref<128x32xbf16, #tpu.memory_space<vmem>> -> memref<112x32xbf16, #tpu.memory_space<vmem>>
      %dma_start3A_192 = arith.constant 0 : i32
      %dma_start3A_193 = tpu.memref_slice %arg18[%add3A_21, %dma_start3A_192] : memref<100096x32xbf16, #tpu.memory_space<vmem_shared>> -> memref<112x32xbf16, #tpu.memory_space<vmem_shared>>
      %dma_start3A_194 = arith.constant 0 : i32
      %dma_start3A_195 = tpu.memref_slice %arg18[%add3A_21, %dma_start3A_194] : memref<100096x32xbf16, #tpu.memory_space<vmem_shared>> -> memref<112x32xbf16, #tpu.memory_space<vmem_shared>>
      %dma_start3A_196 = arith.constant 0 : i32
      %dma_start3A_197 = arith.constant 0 : i32
      %dma_start3A_198 = tpu.memref_slice %arg10[%dma_start3A_196, %dma_start3A_197] : memref<128x32xbf16, #tpu.memory_space<vmem>> -> memref<112x32xbf16, #tpu.memory_space<vmem>>
      tpu.enqueue_dma source(%dma_start3A_198 : memref<112x32xbf16, #tpu.memory_space<vmem>>) target(%dma_start3A_195 : memref<112x32xbf16, #tpu.memory_space<vmem_shared>>) target_semaphore(%run_scoped3A_189 : memref<!tpu.dma_semaphore, #tpu.memory_space<semaphore_mem>>)
      %dma_wait3A_199 = arith.constant 0 : i32
      %dma_wait3A_200 = arith.constant 0 : i32
      %dma_wait3A_201 = tpu.memref_slice %arg10[%dma_wait3A_199, %dma_wait3A_200] : memref<128x32xbf16, #tpu.memory_space<vmem>> -> memref<112x32xbf16, #tpu.memory_space<vmem>>
      %dma_wait3A_202 = arith.constant 0 : i32
      %dma_wait3A_203 = tpu.memref_slice %arg18[%add3A_21, %dma_wait3A_202] : memref<100096x32xbf16, #tpu.memory_space<vmem_shared>> -> memref<112x32xbf16, #tpu.memory_space<vmem_shared>>
      %dma_wait3A_204 = arith.constant 0 : i32
      %dma_wait3A_205 = tpu.memref_slice %arg18[%add3A_21, %dma_wait3A_204] : memref<100096x32xbf16, #tpu.memory_space<vmem_shared>> -> memref<112x32xbf16, #tpu.memory_space<vmem_shared>>
      %dma_wait3A_206 = arith.constant 0 : i32
      %dma_wait3A_207 = arith.constant 0 : i32
      %dma_wait3A_208 = tpu.memref_slice %arg10[%dma_wait3A_206, %dma_wait3A_207] : memref<128x32xbf16, #tpu.memory_space<vmem>> -> memref<112x32xbf16, #tpu.memory_space<vmem>>
      tpu.wait_dma2 semaphore(%run_scoped3A_189 : memref<!tpu.dma_semaphore, #tpu.memory_space<semaphore_mem>>) src(%dma_wait3A_208 : memref<112x32xbf16, #tpu.memory_space<vmem>>) dst(%dma_wait3A_205 : memref<112x32xbf16, #tpu.memory_space<vmem_shared>>)
      tpu.yield
    }) : () -> ()
    %barrier3A = arith.constant 0 : index
    tpu.barrier barrier_id(%barrier3A)
    %scan3A_22 = arith.constant 0 : i32
    %scan3A_23 = arith.constant 0 : i32
    %scan3A_24 = arith.constant 5 : i32
    %scan3A_25 = arith.addi %scan3A_23, %scan3A_24 : i32
    %scan3A_26 = arith.constant 1 : i32
    scf.for %scan3A_189 = %scan3A_23 to %scan3A_25 step %scan3A_26  : i32 {
      %gt3A = arith.constant 0 : i32
      %gt3A_190 = arith.cmpi sgt, %scan3A_189, %gt3A : i32
      %convert_element_type3A = arith.extui %gt3A_190 : i1 to i32
      %cond3A = arith.constant 0 : i32
      %cond3A_191 = arith.cmpi ne, %convert_element_type3A, %cond3A : i32
      scf.if %cond3A_191 {
        %dma_wait3A_197 = arith.constant 0 : i32
        %dma_wait3A_198 = arith.constant 0 : i32
        %dma_wait3A_199 = tpu.memref_slice %arg9[%dma_wait3A_197, %dma_wait3A_198] : memref<40x128xi32, #tpu.memory_space<vmem>> -> memref<1x128xi32, #tpu.memory_space<vmem>>
        %dma_wait3A_200 = tpu.memref_squeeze %dma_wait3A_199 : memref<1x128xi32, #tpu.memory_space<vmem>> -> memref<128xi32, #tpu.memory_space<vmem>>
        %dma_wait3A_201 = arith.constant 0 : i32
        %dma_wait3A_202 = arith.constant 0 : i32
        %dma_wait3A_203 = tpu.memref_slice %arg18[%dma_wait3A_201, %dma_wait3A_202] : memref<100096x32xbf16, #tpu.memory_space<vmem_shared>> -> memref<100096x32xbf16, #tpu.memory_space<vmem_shared>>
        tpu.wait_indirect_dma semaphore(%arg20 : memref<!tpu.dma_semaphore, #tpu.memory_space<semaphore_mem>>) src(%arg14 : memref<128x32xbf16, #tpu.memory_space<vmem>>) dst(%dma_wait3A_203 : memref<100096x32xbf16, #tpu.memory_space<vmem_shared>>)
        %dma_wait3A_204 = arith.constant 0 : i32
        %dma_wait3A_205 = arith.constant 0 : i32
        %dma_wait3A_206 = tpu.memref_slice %arg9[%dma_wait3A_204, %dma_wait3A_205] : memref<40x128xi32, #tpu.memory_space<vmem>> -> memref<1x128xi32, #tpu.memory_space<vmem>>
        %dma_wait3A_207 = tpu.memref_squeeze %dma_wait3A_206 : memref<1x128xi32, #tpu.memory_space<vmem>> -> memref<128xi32, #tpu.memory_space<vmem>>
        %dma_wait3A_208 = arith.constant 0 : i32
        %dma_wait3A_209 = arith.constant 0 : i32
        %dma_wait3A_210 = tpu.memref_slice %arg18[%dma_wait3A_208, %dma_wait3A_209] : memref<100096x32xbf16, #tpu.memory_space<vmem_shared>> -> memref<100096x32xbf16, #tpu.memory_space<vmem_shared>>
        tpu.wait_indirect_dma semaphore(%arg20 : memref<!tpu.dma_semaphore, #tpu.memory_space<semaphore_mem>>) src(%arg14 : memref<128x32xbf16, #tpu.memory_space<vmem>>) dst(%dma_wait3A_210 : memref<100096x32xbf16, #tpu.memory_space<vmem_shared>>)
        %dma_wait3A_211 = arith.constant 0 : i32
        %dma_wait3A_212 = arith.constant 0 : i32
        %dma_wait3A_213 = tpu.memref_slice %arg9[%dma_wait3A_211, %dma_wait3A_212] : memref<40x128xi32, #tpu.memory_space<vmem>> -> memref<1x128xi32, #tpu.memory_space<vmem>>
        %dma_wait3A_214 = tpu.memref_squeeze %dma_wait3A_213 : memref<1x128xi32, #tpu.memory_space<vmem>> -> memref<128xi32, #tpu.memory_space<vmem>>
        %dma_wait3A_215 = arith.constant 0 : i32
        %dma_wait3A_216 = arith.constant 0 : i32
        %dma_wait3A_217 = tpu.memref_slice %arg18[%dma_wait3A_215, %dma_wait3A_216] : memref<100096x32xbf16, #tpu.memory_space<vmem_shared>> -> memref<100096x32xbf16, #tpu.memory_space<vmem_shared>>
        tpu.wait_indirect_dma semaphore(%arg20 : memref<!tpu.dma_semaphore, #tpu.memory_space<semaphore_mem>>) src(%arg14 : memref<128x32xbf16, #tpu.memory_space<vmem>>) dst(%dma_wait3A_217 : memref<100096x32xbf16, #tpu.memory_space<vmem_shared>>)
        %dma_wait3A_218 = arith.constant 0 : i32
        %dma_wait3A_219 = arith.constant 0 : i32
        %dma_wait3A_220 = tpu.memref_slice %arg9[%dma_wait3A_218, %dma_wait3A_219] : memref<40x128xi32, #tpu.memory_space<vmem>> -> memref<1x128xi32, #tpu.memory_space<vmem>>
        %dma_wait3A_221 = tpu.memref_squeeze %dma_wait3A_220 : memref<1x128xi32, #tpu.memory_space<vmem>> -> memref<128xi32, #tpu.memory_space<vmem>>
        %dma_wait3A_222 = arith.constant 0 : i32
        %dma_wait3A_223 = arith.constant 0 : i32
        %dma_wait3A_224 = tpu.memref_slice %arg18[%dma_wait3A_222, %dma_wait3A_223] : memref<100096x32xbf16, #tpu.memory_space<vmem_shared>> -> memref<100096x32xbf16, #tpu.memory_space<vmem_shared>>
        tpu.wait_indirect_dma semaphore(%arg20 : memref<!tpu.dma_semaphore, #tpu.memory_space<semaphore_mem>>) src(%arg14 : memref<128x32xbf16, #tpu.memory_space<vmem>>) dst(%dma_wait3A_224 : memref<100096x32xbf16, #tpu.memory_space<vmem_shared>>)
      } else {
      }
      "tpu.region"() ({
        %run_scoped3A_197 = tpu.sem_alloc : memref<!tpu.dma_semaphore, #tpu.memory_space<semaphore_mem>>
        %dma_start3A = arith.constant 0 : i32
        %dma_start3A_198 = arith.constant 0 : i32
        %dma_start3A_199 = tpu.memref_slice %arg4[%add3A, %scan3A_189, %dma_start3A, %dma_start3A_198] : memref<32x5x40x128xi32, #tpu.memory_space<hbm>> -> memref<1x1x40x128xi32, #tpu.memory_space<hbm>>
        %dma_start3A_200 = tpu.memref_squeeze %dma_start3A_199 : memref<1x1x40x128xi32, #tpu.memory_space<hbm>> -> memref<40x128xi32, #tpu.memory_space<hbm>>
        %dma_start3A_201 = arith.constant 0 : i32
        %dma_start3A_202 = arith.constant 0 : i32
        %dma_start3A_203 = tpu.memref_slice %arg4[%add3A, %scan3A_189, %dma_start3A_201, %dma_start3A_202] : memref<32x5x40x128xi32, #tpu.memory_space<hbm>> -> memref<1x1x40x128xi32, #tpu.memory_space<hbm>>
        %dma_start3A_204 = tpu.memref_squeeze %dma_start3A_203 : memref<1x1x40x128xi32, #tpu.memory_space<hbm>> -> memref<40x128xi32, #tpu.memory_space<hbm>>
        tpu.enqueue_dma source(%dma_start3A_204 : memref<40x128xi32, #tpu.memory_space<hbm>>) target(%arg8 : memref<40x128xi32, #tpu.memory_space<vmem>>) target_semaphore(%run_scoped3A_197 : memref<!tpu.dma_semaphore, #tpu.memory_space<semaphore_mem>>)
        %dma_wait3A_205 = arith.constant 0 : i32
        %dma_wait3A_206 = arith.constant 0 : i32
        %dma_wait3A_207 = tpu.memref_slice %arg4[%add3A, %scan3A_189, %dma_wait3A_205, %dma_wait3A_206] : memref<32x5x40x128xi32, #tpu.memory_space<hbm>> -> memref<1x1x40x128xi32, #tpu.memory_space<hbm>>
        %dma_wait3A_208 = tpu.memref_squeeze %dma_wait3A_207 : memref<1x1x40x128xi32, #tpu.memory_space<hbm>> -> memref<40x128xi32, #tpu.memory_space<hbm>>
        %dma_wait3A_209 = arith.constant 0 : i32
        %dma_wait3A_210 = arith.constant 0 : i32
        %dma_wait3A_211 = tpu.memref_slice %arg4[%add3A, %scan3A_189, %dma_wait3A_209, %dma_wait3A_210] : memref<32x5x40x128xi32, #tpu.memory_space<hbm>> -> memref<1x1x40x128xi32, #tpu.memory_space<hbm>>
        %dma_wait3A_212 = tpu.memref_squeeze %dma_wait3A_211 : memref<1x1x40x128xi32, #tpu.memory_space<hbm>> -> memref<40x128xi32, #tpu.memory_space<hbm>>
        tpu.wait_dma2 semaphore(%run_scoped3A_197 : memref<!tpu.dma_semaphore, #tpu.memory_space<semaphore_mem>>) src(%dma_wait3A_212 : memref<40x128xi32, #tpu.memory_space<hbm>>) dst(%arg8 : memref<40x128xi32, #tpu.memory_space<vmem>>)
        tpu.yield
      }) : () -> ()
      "tpu.region"() ({
        %run_scoped3A_197 = tpu.sem_alloc : memref<!tpu.dma_semaphore, #tpu.memory_space<semaphore_mem>>
        %dma_start3A = arith.constant 0 : i32
        %dma_start3A_198 = arith.constant 0 : i32
        %dma_start3A_199 = tpu.memref_slice %arg5[%add3A, %scan3A_189, %dma_start3A, %dma_start3A_198] : memref<32x5x40x128xi32, #tpu.memory_space<hbm>> -> memref<1x1x40x128xi32, #tpu.memory_space<hbm>>
        %dma_start3A_200 = tpu.memref_squeeze %dma_start3A_199 : memref<1x1x40x128xi32, #tpu.memory_space<hbm>> -> memref<40x128xi32, #tpu.memory_space<hbm>>
        %dma_start3A_201 = arith.constant 0 : i32
        %dma_start3A_202 = arith.constant 0 : i32
        %dma_start3A_203 = tpu.memref_slice %arg5[%add3A, %scan3A_189, %dma_start3A_201, %dma_start3A_202] : memref<32x5x40x128xi32, #tpu.memory_space<hbm>> -> memref<1x1x40x128xi32, #tpu.memory_space<hbm>>
        %dma_start3A_204 = tpu.memref_squeeze %dma_start3A_203 : memref<1x1x40x128xi32, #tpu.memory_space<hbm>> -> memref<40x128xi32, #tpu.memory_space<hbm>>
        tpu.enqueue_dma source(%dma_start3A_204 : memref<40x128xi32, #tpu.memory_space<hbm>>) target(%arg9 : memref<40x128xi32, #tpu.memory_space<vmem>>) target_semaphore(%run_scoped3A_197 : memref<!tpu.dma_semaphore, #tpu.memory_space<semaphore_mem>>)
        %dma_wait3A_205 = arith.constant 0 : i32
        %dma_wait3A_206 = arith.constant 0 : i32
        %dma_wait3A_207 = tpu.memref_slice %arg5[%add3A, %scan3A_189, %dma_wait3A_205, %dma_wait3A_206] : memref<32x5x40x128xi32, #tpu.memory_space<hbm>> -> memref<1x1x40x128xi32, #tpu.memory_space<hbm>>
        %dma_wait3A_208 = tpu.memref_squeeze %dma_wait3A_207 : memref<1x1x40x128xi32, #tpu.memory_space<hbm>> -> memref<40x128xi32, #tpu.memory_space<hbm>>
        %dma_wait3A_209 = arith.constant 0 : i32
        %dma_wait3A_210 = arith.constant 0 : i32
        %dma_wait3A_211 = tpu.memref_slice %arg5[%add3A, %scan3A_189, %dma_wait3A_209, %dma_wait3A_210] : memref<32x5x40x128xi32, #tpu.memory_space<hbm>> -> memref<1x1x40x128xi32, #tpu.memory_space<hbm>>
        %dma_wait3A_212 = tpu.memref_squeeze %dma_wait3A_211 : memref<1x1x40x128xi32, #tpu.memory_space<hbm>> -> memref<40x128xi32, #tpu.memory_space<hbm>>
        tpu.wait_dma2 semaphore(%run_scoped3A_197 : memref<!tpu.dma_semaphore, #tpu.memory_space<semaphore_mem>>) src(%dma_wait3A_212 : memref<40x128xi32, #tpu.memory_space<hbm>>) dst(%arg9 : memref<40x128xi32, #tpu.memory_space<vmem>>)
        tpu.yield
      }) : () -> ()
      %scan3A_192 = arith.constant 0 : i32
      %scan3A_193 = arith.constant 5 : i32
      %scan3A_194 = arith.addi %scan3A_192, %scan3A_193 : i32
      %scan3A_195 = arith.constant 1 : i32
      scf.for %scan3A_197 = %scan3A_192 to %scan3A_194 step %scan3A_195  : i32 {
        %mul3A_198 = arith.constant 8 : i32
        %mul3A_199 = arith.muli %scan3A_197, %mul3A_198 : i32
        %add3A_200 = arith.constant 0 : i32
        %add3A_201 = arith.addi %mul3A_199, %add3A_200 : i32
        %dma_start3A = arith.constant 0 : i32
        %dma_start3A_202 = tpu.memref_slice %arg8[%add3A_201, %dma_start3A] : memref<40x128xi32, #tpu.memory_space<vmem>> -> memref<1x128xi32, #tpu.memory_space<vmem>>
        %dma_start3A_203 = tpu.memref_squeeze %dma_start3A_202 : memref<1x128xi32, #tpu.memory_space<vmem>> -> memref<128xi32, #tpu.memory_space<vmem>>
        %dma_start3A_204 = arith.constant 0 : i32
        %dma_start3A_205 = arith.constant 0 : i32
        %dma_start3A_206 = tpu.memref_slice %arg2[%dma_start3A_204, %dma_start3A_205] : memref<50000x32xbf16, #tpu.memory_space<hbm>> -> memref<50000x32xbf16, #tpu.memory_space<hbm>>
        tpu.enqueue_indirect_dma source(%dma_start3A_206 : memref<50000x32xbf16, #tpu.memory_space<hbm>>) target(%arg10 : memref<128x32xbf16, #tpu.memory_space<vmem>>) offsets(%dma_start3A_203 : memref<128xi32, #tpu.memory_space<vmem>>) semaphore(%arg19 : memref<!tpu.dma_semaphore, #tpu.memory_space<semaphore_mem>>)
        %add3A_207 = arith.constant 1 : i32
        %add3A_208 = arith.addi %mul3A_199, %add3A_207 : i32
        %dma_start3A_209 = arith.constant 0 : i32
        %dma_start3A_210 = tpu.memref_slice %arg8[%add3A_208, %dma_start3A_209] : memref<40x128xi32, #tpu.memory_space<vmem>> -> memref<1x128xi32, #tpu.memory_space<vmem>>
        %dma_start3A_211 = tpu.memref_squeeze %dma_start3A_210 : memref<1x128xi32, #tpu.memory_space<vmem>> -> memref<128xi32, #tpu.memory_space<vmem>>
        %dma_start3A_212 = arith.constant 0 : i32
        %dma_start3A_213 = arith.constant 0 : i32
        %dma_start3A_214 = tpu.memref_slice %arg2[%dma_start3A_212, %dma_start3A_213] : memref<50000x32xbf16, #tpu.memory_space<hbm>> -> memref<50000x32xbf16, #tpu.memory_space<hbm>>
        tpu.enqueue_indirect_dma source(%dma_start3A_214 : memref<50000x32xbf16, #tpu.memory_space<hbm>>) target(%arg11 : memref<128x32xbf16, #tpu.memory_space<vmem>>) offsets(%dma_start3A_211 : memref<128xi32, #tpu.memory_space<vmem>>) semaphore(%arg19 : memref<!tpu.dma_semaphore, #tpu.memory_space<semaphore_mem>>)
        %add3A_215 = arith.constant 2 : i32
        %add3A_216 = arith.addi %mul3A_199, %add3A_215 : i32
        %dma_start3A_217 = arith.constant 0 : i32
        %dma_start3A_218 = tpu.memref_slice %arg8[%add3A_216, %dma_start3A_217] : memref<40x128xi32, #tpu.memory_space<vmem>> -> memref<1x128xi32, #tpu.memory_space<vmem>>
        %dma_start3A_219 = tpu.memref_squeeze %dma_start3A_218 : memref<1x128xi32, #tpu.memory_space<vmem>> -> memref<128xi32, #tpu.memory_space<vmem>>
        %dma_start3A_220 = arith.constant 0 : i32
        %dma_start3A_221 = arith.constant 0 : i32
        %dma_start3A_222 = tpu.memref_slice %arg2[%dma_start3A_220, %dma_start3A_221] : memref<50000x32xbf16, #tpu.memory_space<hbm>> -> memref<50000x32xbf16, #tpu.memory_space<hbm>>
        tpu.enqueue_indirect_dma source(%dma_start3A_222 : memref<50000x32xbf16, #tpu.memory_space<hbm>>) target(%arg12 : memref<128x32xbf16, #tpu.memory_space<vmem>>) offsets(%dma_start3A_219 : memref<128xi32, #tpu.memory_space<vmem>>) semaphore(%arg19 : memref<!tpu.dma_semaphore, #tpu.memory_space<semaphore_mem>>)
        %add3A_223 = arith.constant 3 : i32
        %add3A_224 = arith.addi %mul3A_199, %add3A_223 : i32
        %dma_start3A_225 = arith.constant 0 : i32
        %dma_start3A_226 = tpu.memref_slice %arg8[%add3A_224, %dma_start3A_225] : memref<40x128xi32, #tpu.memory_space<vmem>> -> memref<1x128xi32, #tpu.memory_space<vmem>>
        %dma_start3A_227 = tpu.memref_squeeze %dma_start3A_226 : memref<1x128xi32, #tpu.memory_space<vmem>> -> memref<128xi32, #tpu.memory_space<vmem>>
        %dma_start3A_228 = arith.constant 0 : i32
        %dma_start3A_229 = arith.constant 0 : i32
        %dma_start3A_230 = tpu.memref_slice %arg2[%dma_start3A_228, %dma_start3A_229] : memref<50000x32xbf16, #tpu.memory_space<hbm>> -> memref<50000x32xbf16, #tpu.memory_space<hbm>>
        tpu.enqueue_indirect_dma source(%dma_start3A_230 : memref<50000x32xbf16, #tpu.memory_space<hbm>>) target(%arg13 : memref<128x32xbf16, #tpu.memory_space<vmem>>) offsets(%dma_start3A_227 : memref<128xi32, #tpu.memory_space<vmem>>) semaphore(%arg19 : memref<!tpu.dma_semaphore, #tpu.memory_space<semaphore_mem>>)
        %gt3A_231 = arith.constant 0 : i32
        %gt3A_232 = arith.cmpi sgt, %scan3A_197, %gt3A_231 : i32
        %convert_element_type3A_233 = arith.extui %gt3A_232 : i1 to i32
        %cond3A_234 = arith.constant 0 : i32
        %cond3A_235 = arith.cmpi ne, %convert_element_type3A_233, %cond3A_234 : i32
        scf.if %cond3A_235 {
          %dma_wait3A_404 = arith.constant 0 : i32
          %dma_wait3A_405 = arith.constant 0 : i32
          %dma_wait3A_406 = tpu.memref_slice %arg9[%dma_wait3A_404, %dma_wait3A_405] : memref<40x128xi32, #tpu.memory_space<vmem>> -> memref<1x128xi32, #tpu.memory_space<vmem>>
          %dma_wait3A_407 = tpu.memref_squeeze %dma_wait3A_406 : memref<1x128xi32, #tpu.memory_space<vmem>> -> memref<128xi32, #tpu.memory_space<vmem>>
          %dma_wait3A_408 = arith.constant 0 : i32
          %dma_wait3A_409 = arith.constant 0 : i32
          %dma_wait3A_410 = tpu.memref_slice %arg18[%dma_wait3A_408, %dma_wait3A_409] : memref<100096x32xbf16, #tpu.memory_space<vmem_shared>> -> memref<100096x32xbf16, #tpu.memory_space<vmem_shared>>
          tpu.wait_indirect_dma semaphore(%arg20 : memref<!tpu.dma_semaphore, #tpu.memory_space<semaphore_mem>>) src(%arg14 : memref<128x32xbf16, #tpu.memory_space<vmem>>) dst(%dma_wait3A_410 : memref<100096x32xbf16, #tpu.memory_space<vmem_shared>>)
          %dma_wait3A_411 = arith.constant 0 : i32
          %dma_wait3A_412 = arith.constant 0 : i32
          %dma_wait3A_413 = tpu.memref_slice %arg9[%dma_wait3A_411, %dma_wait3A_412] : memref<40x128xi32, #tpu.memory_space<vmem>> -> memref<1x128xi32, #tpu.memory_space<vmem>>
          %dma_wait3A_414 = tpu.memref_squeeze %dma_wait3A_413 : memref<1x128xi32, #tpu.memory_space<vmem>> -> memref<128xi32, #tpu.memory_space<vmem>>
          %dma_wait3A_415 = arith.constant 0 : i32
          %dma_wait3A_416 = arith.constant 0 : i32
          %dma_wait3A_417 = tpu.memref_slice %arg18[%dma_wait3A_415, %dma_wait3A_416] : memref<100096x32xbf16, #tpu.memory_space<vmem_shared>> -> memref<100096x32xbf16, #tpu.memory_space<vmem_shared>>
          tpu.wait_indirect_dma semaphore(%arg20 : memref<!tpu.dma_semaphore, #tpu.memory_space<semaphore_mem>>) src(%arg14 : memref<128x32xbf16, #tpu.memory_space<vmem>>) dst(%dma_wait3A_417 : memref<100096x32xbf16, #tpu.memory_space<vmem_shared>>)
          %dma_wait3A_418 = arith.constant 0 : i32
          %dma_wait3A_419 = arith.constant 0 : i32
          %dma_wait3A_420 = tpu.memref_slice %arg9[%dma_wait3A_418, %dma_wait3A_419] : memref<40x128xi32, #tpu.memory_space<vmem>> -> memref<1x128xi32, #tpu.memory_space<vmem>>
          %dma_wait3A_421 = tpu.memref_squeeze %dma_wait3A_420 : memref<1x128xi32, #tpu.memory_space<vmem>> -> memref<128xi32, #tpu.memory_space<vmem>>
          %dma_wait3A_422 = arith.constant 0 : i32
          %dma_wait3A_423 = arith.constant 0 : i32
          %dma_wait3A_424 = tpu.memref_slice %arg18[%dma_wait3A_422, %dma_wait3A_423] : memref<100096x32xbf16, #tpu.memory_space<vmem_shared>> -> memref<100096x32xbf16, #tpu.memory_space<vmem_shared>>
          tpu.wait_indirect_dma semaphore(%arg20 : memref<!tpu.dma_semaphore, #tpu.memory_space<semaphore_mem>>) src(%arg14 : memref<128x32xbf16, #tpu.memory_space<vmem>>) dst(%dma_wait3A_424 : memref<100096x32xbf16, #tpu.memory_space<vmem_shared>>)
          %dma_wait3A_425 = arith.constant 0 : i32
          %dma_wait3A_426 = arith.constant 0 : i32
          %dma_wait3A_427 = tpu.memref_slice %arg9[%dma_wait3A_425, %dma_wait3A_426] : memref<40x128xi32, #tpu.memory_space<vmem>> -> memref<1x128xi32, #tpu.memory_space<vmem>>
          %dma_wait3A_428 = tpu.memref_squeeze %dma_wait3A_427 : memref<1x128xi32, #tpu.memory_space<vmem>> -> memref<128xi32, #tpu.memory_space<vmem>>
          %dma_wait3A_429 = arith.constant 0 : i32
          %dma_wait3A_430 = arith.constant 0 : i32
          %dma_wait3A_431 = tpu.memref_slice %arg18[%dma_wait3A_429, %dma_wait3A_430] : memref<100096x32xbf16, #tpu.memory_space<vmem_shared>> -> memref<100096x32xbf16, #tpu.memory_space<vmem_shared>>
          tpu.wait_indirect_dma semaphore(%arg20 : memref<!tpu.dma_semaphore, #tpu.memory_space<semaphore_mem>>) src(%arg14 : memref<128x32xbf16, #tpu.memory_space<vmem>>) dst(%dma_wait3A_431 : memref<100096x32xbf16, #tpu.memory_space<vmem_shared>>)
        } else {
        }
        %add3A_236 = arith.constant 4 : i32
        %add3A_237 = arith.addi %mul3A_199, %add3A_236 : i32
        %dma_start3A_238 = arith.constant 0 : i32
        %dma_start3A_239 = tpu.memref_slice %arg8[%add3A_237, %dma_start3A_238] : memref<40x128xi32, #tpu.memory_space<vmem>> -> memref<1x128xi32, #tpu.memory_space<vmem>>
        %dma_start3A_240 = tpu.memref_squeeze %dma_start3A_239 : memref<1x128xi32, #tpu.memory_space<vmem>> -> memref<128xi32, #tpu.memory_space<vmem>>
        %dma_start3A_241 = arith.constant 0 : i32
        %dma_start3A_242 = arith.constant 0 : i32
        %dma_start3A_243 = tpu.memref_slice %arg2[%dma_start3A_241, %dma_start3A_242] : memref<50000x32xbf16, #tpu.memory_space<hbm>> -> memref<50000x32xbf16, #tpu.memory_space<hbm>>
        tpu.enqueue_indirect_dma source(%dma_start3A_243 : memref<50000x32xbf16, #tpu.memory_space<hbm>>) target(%arg14 : memref<128x32xbf16, #tpu.memory_space<vmem>>) offsets(%dma_start3A_240 : memref<128xi32, #tpu.memory_space<vmem>>) semaphore(%arg19 : memref<!tpu.dma_semaphore, #tpu.memory_space<semaphore_mem>>)
        %add3A_244 = arith.constant 5 : i32
        %add3A_245 = arith.addi %mul3A_199, %add3A_244 : i32
        %dma_start3A_246 = arith.constant 0 : i32
        %dma_start3A_247 = tpu.memref_slice %arg8[%add3A_245, %dma_start3A_246] : memref<40x128xi32, #tpu.memory_space<vmem>> -> memref<1x128xi32, #tpu.memory_space<vmem>>
        %dma_start3A_248 = tpu.memref_squeeze %dma_start3A_247 : memref<1x128xi32, #tpu.memory_space<vmem>> -> memref<128xi32, #tpu.memory_space<vmem>>
        %dma_start3A_249 = arith.constant 0 : i32
        %dma_start3A_250 = arith.constant 0 : i32
        %dma_start3A_251 = tpu.memref_slice %arg2[%dma_start3A_249, %dma_start3A_250] : memref<50000x32xbf16, #tpu.memory_space<hbm>> -> memref<50000x32xbf16, #tpu.memory_space<hbm>>
        tpu.enqueue_indirect_dma source(%dma_start3A_251 : memref<50000x32xbf16, #tpu.memory_space<hbm>>) target(%arg15 : memref<128x32xbf16, #tpu.memory_space<vmem>>) offsets(%dma_start3A_248 : memref<128xi32, #tpu.memory_space<vmem>>) semaphore(%arg19 : memref<!tpu.dma_semaphore, #tpu.memory_space<semaphore_mem>>)
        %add3A_252 = arith.constant 6 : i32
        %add3A_253 = arith.addi %mul3A_199, %add3A_252 : i32
        %dma_start3A_254 = arith.constant 0 : i32
        %dma_start3A_255 = tpu.memref_slice %arg8[%add3A_253, %dma_start3A_254] : memref<40x128xi32, #tpu.memory_space<vmem>> -> memref<1x128xi32, #tpu.memory_space<vmem>>
        %dma_start3A_256 = tpu.memref_squeeze %dma_start3A_255 : memref<1x128xi32, #tpu.memory_space<vmem>> -> memref<128xi32, #tpu.memory_space<vmem>>
        %dma_start3A_257 = arith.constant 0 : i32
        %dma_start3A_258 = arith.constant 0 : i32
        %dma_start3A_259 = tpu.memref_slice %arg2[%dma_start3A_257, %dma_start3A_258] : memref<50000x32xbf16, #tpu.memory_space<hbm>> -> memref<50000x32xbf16, #tpu.memory_space<hbm>>
        tpu.enqueue_indirect_dma source(%dma_start3A_259 : memref<50000x32xbf16, #tpu.memory_space<hbm>>) target(%arg16 : memref<128x32xbf16, #tpu.memory_space<vmem>>) offsets(%dma_start3A_256 : memref<128xi32, #tpu.memory_space<vmem>>) semaphore(%arg19 : memref<!tpu.dma_semaphore, #tpu.memory_space<semaphore_mem>>)
        %add3A_260 = arith.constant 7 : i32
        %add3A_261 = arith.addi %mul3A_199, %add3A_260 : i32
        %dma_start3A_262 = arith.constant 0 : i32
        %dma_start3A_263 = tpu.memref_slice %arg8[%add3A_261, %dma_start3A_262] : memref<40x128xi32, #tpu.memory_space<vmem>> -> memref<1x128xi32, #tpu.memory_space<vmem>>
        %dma_start3A_264 = tpu.memref_squeeze %dma_start3A_263 : memref<1x128xi32, #tpu.memory_space<vmem>> -> memref<128xi32, #tpu.memory_space<vmem>>
        %dma_start3A_265 = arith.constant 0 : i32
        %dma_start3A_266 = arith.constant 0 : i32
        %dma_start3A_267 = tpu.memref_slice %arg2[%dma_start3A_265, %dma_start3A_266] : memref<50000x32xbf16, #tpu.memory_space<hbm>> -> memref<50000x32xbf16, #tpu.memory_space<hbm>>
        tpu.enqueue_indirect_dma source(%dma_start3A_267 : memref<50000x32xbf16, #tpu.memory_space<hbm>>) target(%arg17 : memref<128x32xbf16, #tpu.memory_space<vmem>>) offsets(%dma_start3A_264 : memref<128xi32, #tpu.memory_space<vmem>>) semaphore(%arg19 : memref<!tpu.dma_semaphore, #tpu.memory_space<semaphore_mem>>)
        %dma_wait3A_268 = arith.constant 0 : i32
        %dma_wait3A_269 = tpu.memref_slice %arg8[%add3A_201, %dma_wait3A_268] : memref<40x128xi32, #tpu.memory_space<vmem>> -> memref<1x128xi32, #tpu.memory_space<vmem>>
        %dma_wait3A_270 = tpu.memref_squeeze %dma_wait3A_269 : memref<1x128xi32, #tpu.memory_space<vmem>> -> memref<128xi32, #tpu.memory_space<vmem>>
        %dma_wait3A_271 = arith.constant 0 : i32
        %dma_wait3A_272 = arith.constant 0 : i32
        %dma_wait3A_273 = tpu.memref_slice %arg2[%dma_wait3A_271, %dma_wait3A_272] : memref<50000x32xbf16, #tpu.memory_space<hbm>> -> memref<50000x32xbf16, #tpu.memory_space<hbm>>
        tpu.wait_indirect_dma semaphore(%arg19 : memref<!tpu.dma_semaphore, #tpu.memory_space<semaphore_mem>>) src(%dma_wait3A_273 : memref<50000x32xbf16, #tpu.memory_space<hbm>>) dst(%arg10 : memref<128x32xbf16, #tpu.memory_space<vmem>>)
        %dma_wait3A_274 = arith.constant 0 : i32
        %dma_wait3A_275 = tpu.memref_slice %arg8[%add3A_208, %dma_wait3A_274] : memref<40x128xi32, #tpu.memory_space<vmem>> -> memref<1x128xi32, #tpu.memory_space<vmem>>
        %dma_wait3A_276 = tpu.memref_squeeze %dma_wait3A_275 : memref<1x128xi32, #tpu.memory_space<vmem>> -> memref<128xi32, #tpu.memory_space<vmem>>
        %dma_wait3A_277 = arith.constant 0 : i32
        %dma_wait3A_278 = arith.constant 0 : i32
        %dma_wait3A_279 = tpu.memref_slice %arg2[%dma_wait3A_277, %dma_wait3A_278] : memref<50000x32xbf16, #tpu.memory_space<hbm>> -> memref<50000x32xbf16, #tpu.memory_space<hbm>>
        tpu.wait_indirect_dma semaphore(%arg19 : memref<!tpu.dma_semaphore, #tpu.memory_space<semaphore_mem>>) src(%dma_wait3A_279 : memref<50000x32xbf16, #tpu.memory_space<hbm>>) dst(%arg11 : memref<128x32xbf16, #tpu.memory_space<vmem>>)
        %dma_wait3A_280 = arith.constant 0 : i32
        %dma_wait3A_281 = tpu.memref_slice %arg8[%add3A_216, %dma_wait3A_280] : memref<40x128xi32, #tpu.memory_space<vmem>> -> memref<1x128xi32, #tpu.memory_space<vmem>>
        %dma_wait3A_282 = tpu.memref_squeeze %dma_wait3A_281 : memref<1x128xi32, #tpu.memory_space<vmem>> -> memref<128xi32, #tpu.memory_space<vmem>>
        %dma_wait3A_283 = arith.constant 0 : i32
        %dma_wait3A_284 = arith.constant 0 : i32
        %dma_wait3A_285 = tpu.memref_slice %arg2[%dma_wait3A_283, %dma_wait3A_284] : memref<50000x32xbf16, #tpu.memory_space<hbm>> -> memref<50000x32xbf16, #tpu.memory_space<hbm>>
        tpu.wait_indirect_dma semaphore(%arg19 : memref<!tpu.dma_semaphore, #tpu.memory_space<semaphore_mem>>) src(%dma_wait3A_285 : memref<50000x32xbf16, #tpu.memory_space<hbm>>) dst(%arg12 : memref<128x32xbf16, #tpu.memory_space<vmem>>)
        %dma_wait3A_286 = arith.constant 0 : i32
        %dma_wait3A_287 = tpu.memref_slice %arg8[%add3A_224, %dma_wait3A_286] : memref<40x128xi32, #tpu.memory_space<vmem>> -> memref<1x128xi32, #tpu.memory_space<vmem>>
        %dma_wait3A_288 = tpu.memref_squeeze %dma_wait3A_287 : memref<1x128xi32, #tpu.memory_space<vmem>> -> memref<128xi32, #tpu.memory_space<vmem>>
        %dma_wait3A_289 = arith.constant 0 : i32
        %dma_wait3A_290 = arith.constant 0 : i32
        %dma_wait3A_291 = tpu.memref_slice %arg2[%dma_wait3A_289, %dma_wait3A_290] : memref<50000x32xbf16, #tpu.memory_space<hbm>> -> memref<50000x32xbf16, #tpu.memory_space<hbm>>
        tpu.wait_indirect_dma semaphore(%arg19 : memref<!tpu.dma_semaphore, #tpu.memory_space<semaphore_mem>>) src(%dma_wait3A_291 : memref<50000x32xbf16, #tpu.memory_space<hbm>>) dst(%arg13 : memref<128x32xbf16, #tpu.memory_space<vmem>>)
        %add3A_292 = arith.constant 0 : i32
        %add3A_293 = arith.addi %mul3A_199, %add3A_292 : i32
        %dma_start3A_294 = arith.constant 0 : i32
        %dma_start3A_295 = tpu.memref_slice %arg9[%add3A_293, %dma_start3A_294] : memref<40x128xi32, #tpu.memory_space<vmem>> -> memref<1x128xi32, #tpu.memory_space<vmem>>
        %dma_start3A_296 = tpu.memref_squeeze %dma_start3A_295 : memref<1x128xi32, #tpu.memory_space<vmem>> -> memref<128xi32, #tpu.memory_space<vmem>>
        %dma_start3A_297 = arith.constant 0 : i32
        %dma_start3A_298 = arith.constant 0 : i32
        %dma_start3A_299 = tpu.memref_slice %arg18[%dma_start3A_297, %dma_start3A_298] : memref<100096x32xbf16, #tpu.memory_space<vmem_shared>> -> memref<100096x32xbf16, #tpu.memory_space<vmem_shared>>
        tpu.enqueue_indirect_dma source(%arg10 : memref<128x32xbf16, #tpu.memory_space<vmem>>) target(%dma_start3A_299 : memref<100096x32xbf16, #tpu.memory_space<vmem_shared>>) offsets(%dma_start3A_296 : memref<128xi32, #tpu.memory_space<vmem>>) semaphore(%arg20 : memref<!tpu.dma_semaphore, #tpu.memory_space<semaphore_mem>>) {add = true}
        %add3A_300 = arith.constant 1 : i32
        %add3A_301 = arith.addi %mul3A_199, %add3A_300 : i32
        %dma_start3A_302 = arith.constant 0 : i32
        %dma_start3A_303 = tpu.memref_slice %arg9[%add3A_301, %dma_start3A_302] : memref<40x128xi32, #tpu.memory_space<vmem>> -> memref<1x128xi32, #tpu.memory_space<vmem>>
        %dma_start3A_304 = tpu.memref_squeeze %dma_start3A_303 : memref<1x128xi32, #tpu.memory_space<vmem>> -> memref<128xi32, #tpu.memory_space<vmem>>
        %dma_start3A_305 = arith.constant 0 : i32
        %dma_start3A_306 = arith.constant 0 : i32
        %dma_start3A_307 = tpu.memref_slice %arg18[%dma_start3A_305, %dma_start3A_306] : memref<100096x32xbf16, #tpu.memory_space<vmem_shared>> -> memref<100096x32xbf16, #tpu.memory_space<vmem_shared>>
        tpu.enqueue_indirect_dma source(%arg11 : memref<128x32xbf16, #tpu.memory_space<vmem>>) target(%dma_start3A_307 : memref<100096x32xbf16, #tpu.memory_space<vmem_shared>>) offsets(%dma_start3A_304 : memref<128xi32, #tpu.memory_space<vmem>>) semaphore(%arg20 : memref<!tpu.dma_semaphore, #tpu.memory_space<semaphore_mem>>) {add = true}
        %add3A_308 = arith.constant 2 : i32
        %add3A_309 = arith.addi %mul3A_199, %add3A_308 : i32
        %dma_start3A_310 = arith.constant 0 : i32
        %dma_start3A_311 = tpu.memref_slice %arg9[%add3A_309, %dma_start3A_310] : memref<40x128xi32, #tpu.memory_space<vmem>> -> memref<1x128xi32, #tpu.memory_space<vmem>>
        %dma_start3A_312 = tpu.memref_squeeze %dma_start3A_311 : memref<1x128xi32, #tpu.memory_space<vmem>> -> memref<128xi32, #tpu.memory_space<vmem>>
        %dma_start3A_313 = arith.constant 0 : i32
        %dma_start3A_314 = arith.constant 0 : i32
        %dma_start3A_315 = tpu.memref_slice %arg18[%dma_start3A_313, %dma_start3A_314] : memref<100096x32xbf16, #tpu.memory_space<vmem_shared>> -> memref<100096x32xbf16, #tpu.memory_space<vmem_shared>>
        tpu.enqueue_indirect_dma source(%arg12 : memref<128x32xbf16, #tpu.memory_space<vmem>>) target(%dma_start3A_315 : memref<100096x32xbf16, #tpu.memory_space<vmem_shared>>) offsets(%dma_start3A_312 : memref<128xi32, #tpu.memory_space<vmem>>) semaphore(%arg20 : memref<!tpu.dma_semaphore, #tpu.memory_space<semaphore_mem>>) {add = true}
        %add3A_316 = arith.constant 3 : i32
        %add3A_317 = arith.addi %mul3A_199, %add3A_316 : i32
        %dma_start3A_318 = arith.constant 0 : i32
        %dma_start3A_319 = tpu.memref_slice %arg9[%add3A_317, %dma_start3A_318] : memref<40x128xi32, #tpu.memory_space<vmem>> -> memref<1x128xi32, #tpu.memory_space<vmem>>
        %dma_start3A_320 = tpu.memref_squeeze %dma_start3A_319 : memref<1x128xi32, #tpu.memory_space<vmem>> -> memref<128xi32, #tpu.memory_space<vmem>>
        %dma_start3A_321 = arith.constant 0 : i32
        %dma_start3A_322 = arith.constant 0 : i32
        %dma_start3A_323 = tpu.memref_slice %arg18[%dma_start3A_321, %dma_start3A_322] : memref<100096x32xbf16, #tpu.memory_space<vmem_shared>> -> memref<100096x32xbf16, #tpu.memory_space<vmem_shared>>
        tpu.enqueue_indirect_dma source(%arg13 : memref<128x32xbf16, #tpu.memory_space<vmem>>) target(%dma_start3A_323 : memref<100096x32xbf16, #tpu.memory_space<vmem_shared>>) offsets(%dma_start3A_320 : memref<128xi32, #tpu.memory_space<vmem>>) semaphore(%arg20 : memref<!tpu.dma_semaphore, #tpu.memory_space<semaphore_mem>>) {add = true}
        %dma_wait3A_324 = arith.constant 0 : i32
        %dma_wait3A_325 = tpu.memref_slice %arg8[%add3A_237, %dma_wait3A_324] : memref<40x128xi32, #tpu.memory_space<vmem>> -> memref<1x128xi32, #tpu.memory_space<vmem>>
        %dma_wait3A_326 = tpu.memref_squeeze %dma_wait3A_325 : memref<1x128xi32, #tpu.memory_space<vmem>> -> memref<128xi32, #tpu.memory_space<vmem>>
        %dma_wait3A_327 = arith.constant 0 : i32
        %dma_wait3A_328 = arith.constant 0 : i32
        %dma_wait3A_329 = tpu.memref_slice %arg2[%dma_wait3A_327, %dma_wait3A_328] : memref<50000x32xbf16, #tpu.memory_space<hbm>> -> memref<50000x32xbf16, #tpu.memory_space<hbm>>
        tpu.wait_indirect_dma semaphore(%arg19 : memref<!tpu.dma_semaphore, #tpu.memory_space<semaphore_mem>>) src(%dma_wait3A_329 : memref<50000x32xbf16, #tpu.memory_space<hbm>>) dst(%arg14 : memref<128x32xbf16, #tpu.memory_space<vmem>>)
        %dma_wait3A_330 = arith.constant 0 : i32
        %dma_wait3A_331 = tpu.memref_slice %arg8[%add3A_245, %dma_wait3A_330] : memref<40x128xi32, #tpu.memory_space<vmem>> -> memref<1x128xi32, #tpu.memory_space<vmem>>
        %dma_wait3A_332 = tpu.memref_squeeze %dma_wait3A_331 : memref<1x128xi32, #tpu.memory_space<vmem>> -> memref<128xi32, #tpu.memory_space<vmem>>
        %dma_wait3A_333 = arith.constant 0 : i32
        %dma_wait3A_334 = arith.constant 0 : i32
        %dma_wait3A_335 = tpu.memref_slice %arg2[%dma_wait3A_333, %dma_wait3A_334] : memref<50000x32xbf16, #tpu.memory_space<hbm>> -> memref<50000x32xbf16, #tpu.memory_space<hbm>>
        tpu.wait_indirect_dma semaphore(%arg19 : memref<!tpu.dma_semaphore, #tpu.memory_space<semaphore_mem>>) src(%dma_wait3A_335 : memref<50000x32xbf16, #tpu.memory_space<hbm>>) dst(%arg15 : memref<128x32xbf16, #tpu.memory_space<vmem>>)
        %dma_wait3A_336 = arith.constant 0 : i32
        %dma_wait3A_337 = tpu.memref_slice %arg8[%add3A_253, %dma_wait3A_336] : memref<40x128xi32, #tpu.memory_space<vmem>> -> memref<1x128xi32, #tpu.memory_space<vmem>>
        %dma_wait3A_338 = tpu.memref_squeeze %dma_wait3A_337 : memref<1x128xi32, #tpu.memory_space<vmem>> -> memref<128xi32, #tpu.memory_space<vmem>>
        %dma_wait3A_339 = arith.constant 0 : i32
        %dma_wait3A_340 = arith.constant 0 : i32
        %dma_wait3A_341 = tpu.memref_slice %arg2[%dma_wait3A_339, %dma_wait3A_340] : memref<50000x32xbf16, #tpu.memory_space<hbm>> -> memref<50000x32xbf16, #tpu.memory_space<hbm>>
        tpu.wait_indirect_dma semaphore(%arg19 : memref<!tpu.dma_semaphore, #tpu.memory_space<semaphore_mem>>) src(%dma_wait3A_341 : memref<50000x32xbf16, #tpu.memory_space<hbm>>) dst(%arg16 : memref<128x32xbf16, #tpu.memory_space<vmem>>)
        %dma_wait3A_342 = arith.constant 0 : i32
        %dma_wait3A_343 = tpu.memref_slice %arg8[%add3A_261, %dma_wait3A_342] : memref<40x128xi32, #tpu.memory_space<vmem>> -> memref<1x128xi32, #tpu.memory_space<vmem>>
        %dma_wait3A_344 = tpu.memref_squeeze %dma_wait3A_343 : memref<1x128xi32, #tpu.memory_space<vmem>> -> memref<128xi32, #tpu.memory_space<vmem>>
        %dma_wait3A_345 = arith.constant 0 : i32
        %dma_wait3A_346 = arith.constant 0 : i32
        %dma_wait3A_347 = tpu.memref_slice %arg2[%dma_wait3A_345, %dma_wait3A_346] : memref<50000x32xbf16, #tpu.memory_space<hbm>> -> memref<50000x32xbf16, #tpu.memory_space<hbm>>
        tpu.wait_indirect_dma semaphore(%arg19 : memref<!tpu.dma_semaphore, #tpu.memory_space<semaphore_mem>>) src(%dma_wait3A_347 : memref<50000x32xbf16, #tpu.memory_space<hbm>>) dst(%arg17 : memref<128x32xbf16, #tpu.memory_space<vmem>>)
        %dma_wait3A_348 = arith.constant 0 : i32
        %dma_wait3A_349 = tpu.memref_slice %arg9[%add3A_293, %dma_wait3A_348] : memref<40x128xi32, #tpu.memory_space<vmem>> -> memref<1x128xi32, #tpu.memory_space<vmem>>
        %dma_wait3A_350 = tpu.memref_squeeze %dma_wait3A_349 : memref<1x128xi32, #tpu.memory_space<vmem>> -> memref<128xi32, #tpu.memory_space<vmem>>
        %dma_wait3A_351 = arith.constant 0 : i32
        %dma_wait3A_352 = arith.constant 0 : i32
        %dma_wait3A_353 = tpu.memref_slice %arg18[%dma_wait3A_351, %dma_wait3A_352] : memref<100096x32xbf16, #tpu.memory_space<vmem_shared>> -> memref<100096x32xbf16, #tpu.memory_space<vmem_shared>>
        tpu.wait_indirect_dma semaphore(%arg20 : memref<!tpu.dma_semaphore, #tpu.memory_space<semaphore_mem>>) src(%arg10 : memref<128x32xbf16, #tpu.memory_space<vmem>>) dst(%dma_wait3A_353 : memref<100096x32xbf16, #tpu.memory_space<vmem_shared>>)
        %dma_wait3A_354 = arith.constant 0 : i32
        %dma_wait3A_355 = tpu.memref_slice %arg9[%add3A_301, %dma_wait3A_354] : memref<40x128xi32, #tpu.memory_space<vmem>> -> memref<1x128xi32, #tpu.memory_space<vmem>>
        %dma_wait3A_356 = tpu.memref_squeeze %dma_wait3A_355 : memref<1x128xi32, #tpu.memory_space<vmem>> -> memref<128xi32, #tpu.memory_space<vmem>>
        %dma_wait3A_357 = arith.constant 0 : i32
        %dma_wait3A_358 = arith.constant 0 : i32
        %dma_wait3A_359 = tpu.memref_slice %arg18[%dma_wait3A_357, %dma_wait3A_358] : memref<100096x32xbf16, #tpu.memory_space<vmem_shared>> -> memref<100096x32xbf16, #tpu.memory_space<vmem_shared>>
        tpu.wait_indirect_dma semaphore(%arg20 : memref<!tpu.dma_semaphore, #tpu.memory_space<semaphore_mem>>) src(%arg11 : memref<128x32xbf16, #tpu.memory_space<vmem>>) dst(%dma_wait3A_359 : memref<100096x32xbf16, #tpu.memory_space<vmem_shared>>)
        %dma_wait3A_360 = arith.constant 0 : i32
        %dma_wait3A_361 = tpu.memref_slice %arg9[%add3A_309, %dma_wait3A_360] : memref<40x128xi32, #tpu.memory_space<vmem>> -> memref<1x128xi32, #tpu.memory_space<vmem>>
        %dma_wait3A_362 = tpu.memref_squeeze %dma_wait3A_361 : memref<1x128xi32, #tpu.memory_space<vmem>> -> memref<128xi32, #tpu.memory_space<vmem>>
        %dma_wait3A_363 = arith.constant 0 : i32
        %dma_wait3A_364 = arith.constant 0 : i32
        %dma_wait3A_365 = tpu.memref_slice %arg18[%dma_wait3A_363, %dma_wait3A_364] : memref<100096x32xbf16, #tpu.memory_space<vmem_shared>> -> memref<100096x32xbf16, #tpu.memory_space<vmem_shared>>
        tpu.wait_indirect_dma semaphore(%arg20 : memref<!tpu.dma_semaphore, #tpu.memory_space<semaphore_mem>>) src(%arg12 : memref<128x32xbf16, #tpu.memory_space<vmem>>) dst(%dma_wait3A_365 : memref<100096x32xbf16, #tpu.memory_space<vmem_shared>>)
        %dma_wait3A_366 = arith.constant 0 : i32
        %dma_wait3A_367 = tpu.memref_slice %arg9[%add3A_317, %dma_wait3A_366] : memref<40x128xi32, #tpu.memory_space<vmem>> -> memref<1x128xi32, #tpu.memory_space<vmem>>
        %dma_wait3A_368 = tpu.memref_squeeze %dma_wait3A_367 : memref<1x128xi32, #tpu.memory_space<vmem>> -> memref<128xi32, #tpu.memory_space<vmem>>
        %dma_wait3A_369 = arith.constant 0 : i32
        %dma_wait3A_370 = arith.constant 0 : i32
        %dma_wait3A_371 = tpu.memref_slice %arg18[%dma_wait3A_369, %dma_wait3A_370] : memref<100096x32xbf16, #tpu.memory_space<vmem_shared>> -> memref<100096x32xbf16, #tpu.memory_space<vmem_shared>>
        tpu.wait_indirect_dma semaphore(%arg20 : memref<!tpu.dma_semaphore, #tpu.memory_space<semaphore_mem>>) src(%arg13 : memref<128x32xbf16, #tpu.memory_space<vmem>>) dst(%dma_wait3A_371 : memref<100096x32xbf16, #tpu.memory_space<vmem_shared>>)
        %add3A_372 = arith.constant 4 : i32
        %add3A_373 = arith.addi %mul3A_199, %add3A_372 : i32
        %dma_start3A_374 = arith.constant 0 : i32
        %dma_start3A_375 = tpu.memref_slice %arg9[%add3A_373, %dma_start3A_374] : memref<40x128xi32, #tpu.memory_space<vmem>> -> memref<1x128xi32, #tpu.memory_space<vmem>>
        %dma_start3A_376 = tpu.memref_squeeze %dma_start3A_375 : memref<1x128xi32, #tpu.memory_space<vmem>> -> memref<128xi32, #tpu.memory_space<vmem>>
        %dma_start3A_377 = arith.constant 0 : i32
        %dma_start3A_378 = arith.constant 0 : i32
        %dma_start3A_379 = tpu.memref_slice %arg18[%dma_start3A_377, %dma_start3A_378] : memref<100096x32xbf16, #tpu.memory_space<vmem_shared>> -> memref<100096x32xbf16, #tpu.memory_space<vmem_shared>>
        tpu.enqueue_indirect_dma source(%arg14 : memref<128x32xbf16, #tpu.memory_space<vmem>>) target(%dma_start3A_379 : memref<100096x32xbf16, #tpu.memory_space<vmem_shared>>) offsets(%dma_start3A_376 : memref<128xi32, #tpu.memory_space<vmem>>) semaphore(%arg20 : memref<!tpu.dma_semaphore, #tpu.memory_space<semaphore_mem>>) {add = true}
        %add3A_380 = arith.constant 5 : i32
        %add3A_381 = arith.addi %mul3A_199, %add3A_380 : i32
        %dma_start3A_382 = arith.constant 0 : i32
        %dma_start3A_383 = tpu.memref_slice %arg9[%add3A_381, %dma_start3A_382] : memref<40x128xi32, #tpu.memory_space<vmem>> -> memref<1x128xi32, #tpu.memory_space<vmem>>
        %dma_start3A_384 = tpu.memref_squeeze %dma_start3A_383 : memref<1x128xi32, #tpu.memory_space<vmem>> -> memref<128xi32, #tpu.memory_space<vmem>>
        %dma_start3A_385 = arith.constant 0 : i32
        %dma_start3A_386 = arith.constant 0 : i32
        %dma_start3A_387 = tpu.memref_slice %arg18[%dma_start3A_385, %dma_start3A_386] : memref<100096x32xbf16, #tpu.memory_space<vmem_shared>> -> memref<100096x32xbf16, #tpu.memory_space<vmem_shared>>
        tpu.enqueue_indirect_dma source(%arg15 : memref<128x32xbf16, #tpu.memory_space<vmem>>) target(%dma_start3A_387 : memref<100096x32xbf16, #tpu.memory_space<vmem_shared>>) offsets(%dma_start3A_384 : memref<128xi32, #tpu.memory_space<vmem>>) semaphore(%arg20 : memref<!tpu.dma_semaphore, #tpu.memory_space<semaphore_mem>>) {add = true}
        %add3A_388 = arith.constant 6 : i32
        %add3A_389 = arith.addi %mul3A_199, %add3A_388 : i32
        %dma_start3A_390 = arith.constant 0 : i32
        %dma_start3A_391 = tpu.memref_slice %arg9[%add3A_389, %dma_start3A_390] : memref<40x128xi32, #tpu.memory_space<vmem>> -> memref<1x128xi32, #tpu.memory_space<vmem>>
        %dma_start3A_392 = tpu.memref_squeeze %dma_start3A_391 : memref<1x128xi32, #tpu.memory_space<vmem>> -> memref<128xi32, #tpu.memory_space<vmem>>
        %dma_start3A_393 = arith.constant 0 : i32
        %dma_start3A_394 = arith.constant 0 : i32
        %dma_start3A_395 = tpu.memref_slice %arg18[%dma_start3A_393, %dma_start3A_394] : memref<100096x32xbf16, #tpu.memory_space<vmem_shared>> -> memref<100096x32xbf16, #tpu.memory_space<vmem_shared>>
        tpu.enqueue_indirect_dma source(%arg16 : memref<128x32xbf16, #tpu.memory_space<vmem>>) target(%dma_start3A_395 : memref<100096x32xbf16, #tpu.memory_space<vmem_shared>>) offsets(%dma_start3A_392 : memref<128xi32, #tpu.memory_space<vmem>>) semaphore(%arg20 : memref<!tpu.dma_semaphore, #tpu.memory_space<semaphore_mem>>) {add = true}
        %add3A_396 = arith.constant 7 : i32
        %add3A_397 = arith.addi %mul3A_199, %add3A_396 : i32
        %dma_start3A_398 = arith.constant 0 : i32
        %dma_start3A_399 = tpu.memref_slice %arg9[%add3A_397, %dma_start3A_398] : memref<40x128xi32, #tpu.memory_space<vmem>> -> memref<1x128xi32, #tpu.memory_space<vmem>>
        %dma_start3A_400 = tpu.memref_squeeze %dma_start3A_399 : memref<1x128xi32, #tpu.memory_space<vmem>> -> memref<128xi32, #tpu.memory_space<vmem>>
        %dma_start3A_401 = arith.constant 0 : i32
        %dma_start3A_402 = arith.constant 0 : i32
        %dma_start3A_403 = tpu.memref_slice %arg18[%dma_start3A_401, %dma_start3A_402] : memref<100096x32xbf16, #tpu.memory_space<vmem_shared>> -> memref<100096x32xbf16, #tpu.memory_space<vmem_shared>>
        tpu.enqueue_indirect_dma source(%arg17 : memref<128x32xbf16, #tpu.memory_space<vmem>>) target(%dma_start3A_403 : memref<100096x32xbf16, #tpu.memory_space<vmem_shared>>) offsets(%dma_start3A_400 : memref<128xi32, #tpu.memory_space<vmem>>) semaphore(%arg20 : memref<!tpu.dma_semaphore, #tpu.memory_space<semaphore_mem>>) {add = true}
      }
      %scan3A_196 = arith.constant 5 : i32
    }
    %scan3A_27 = arith.constant 5 : i32
    %dma_wait3A = arith.constant 0 : i32
    %dma_wait3A_28 = arith.constant 0 : i32
    %dma_wait3A_29 = tpu.memref_slice %arg9[%dma_wait3A, %dma_wait3A_28] : memref<40x128xi32, #tpu.memory_space<vmem>> -> memref<1x128xi32, #tpu.memory_space<vmem>>
    %dma_wait3A_30 = tpu.memref_squeeze %dma_wait3A_29 : memref<1x128xi32, #tpu.memory_space<vmem>> -> memref<128xi32, #tpu.memory_space<vmem>>
    %dma_wait3A_31 = arith.constant 0 : i32
    %dma_wait3A_32 = arith.constant 0 : i32
    %dma_wait3A_33 = tpu.memref_slice %arg18[%dma_wait3A_31, %dma_wait3A_32] : memref<100096x32xbf16, #tpu.memory_space<vmem_shared>> -> memref<100096x32xbf16, #tpu.memory_space<vmem_shared>>
    tpu.wait_indirect_dma semaphore(%arg20 : memref<!tpu.dma_semaphore, #tpu.memory_space<semaphore_mem>>) src(%arg14 : memref<128x32xbf16, #tpu.memory_space<vmem>>) dst(%dma_wait3A_33 : memref<100096x32xbf16, #tpu.memory_space<vmem_shared>>)
    %dma_wait3A_34 = arith.constant 0 : i32
    %dma_wait3A_35 = arith.constant 0 : i32
    %dma_wait3A_36 = tpu.memref_slice %arg9[%dma_wait3A_34, %dma_wait3A_35] : memref<40x128xi32, #tpu.memory_space<vmem>> -> memref<1x128xi32, #tpu.memory_space<vmem>>
    %dma_wait3A_37 = tpu.memref_squeeze %dma_wait3A_36 : memref<1x128xi32, #tpu.memory_space<vmem>> -> memref<128xi32, #tpu.memory_space<vmem>>
    %dma_wait3A_38 = arith.constant 0 : i32
    %dma_wait3A_39 = arith.constant 0 : i32
    %dma_wait3A_40 = tpu.memref_slice %arg18[%dma_wait3A_38, %dma_wait3A_39] : memref<100096x32xbf16, #tpu.memory_space<vmem_shared>> -> memref<100096x32xbf16, #tpu.memory_space<vmem_shared>>
    tpu.wait_indirect_dma semaphore(%arg20 : memref<!tpu.dma_semaphore, #tpu.memory_space<semaphore_mem>>) src(%arg14 : memref<128x32xbf16, #tpu.memory_space<vmem>>) dst(%dma_wait3A_40 : memref<100096x32xbf16, #tpu.memory_space<vmem_shared>>)
    %dma_wait3A_41 = arith.constant 0 : i32
    %dma_wait3A_42 = arith.constant 0 : i32
    %dma_wait3A_43 = tpu.memref_slice %arg9[%dma_wait3A_41, %dma_wait3A_42] : memref<40x128xi32, #tpu.memory_space<vmem>> -> memref<1x128xi32, #tpu.memory_space<vmem>>
    %dma_wait3A_44 = tpu.memref_squeeze %dma_wait3A_43 : memref<1x128xi32, #tpu.memory_space<vmem>> -> memref<128xi32, #tpu.memory_space<vmem>>
    %dma_wait3A_45 = arith.constant 0 : i32
    %dma_wait3A_46 = arith.constant 0 : i32
    %dma_wait3A_47 = tpu.memref_slice %arg18[%dma_wait3A_45, %dma_wait3A_46] : memref<100096x32xbf16, #tpu.memory_space<vmem_shared>> -> memref<100096x32xbf16, #tpu.memory_space<vmem_shared>>
    tpu.wait_indirect_dma semaphore(%arg20 : memref<!tpu.dma_semaphore, #tpu.memory_space<semaphore_mem>>) src(%arg14 : memref<128x32xbf16, #tpu.memory_space<vmem>>) dst(%dma_wait3A_47 : memref<100096x32xbf16, #tpu.memory_space<vmem_shared>>)
    %dma_wait3A_48 = arith.constant 0 : i32
    %dma_wait3A_49 = arith.constant 0 : i32
    %dma_wait3A_50 = tpu.memref_slice %arg9[%dma_wait3A_48, %dma_wait3A_49] : memref<40x128xi32, #tpu.memory_space<vmem>> -> memref<1x128xi32, #tpu.memory_space<vmem>>
    %dma_wait3A_51 = tpu.memref_squeeze %dma_wait3A_50 : memref<1x128xi32, #tpu.memory_space<vmem>> -> memref<128xi32, #tpu.memory_space<vmem>>
    %dma_wait3A_52 = arith.constant 0 : i32
    %dma_wait3A_53 = arith.constant 0 : i32
    %dma_wait3A_54 = tpu.memref_slice %arg18[%dma_wait3A_52, %dma_wait3A_53] : memref<100096x32xbf16, #tpu.memory_space<vmem_shared>> -> memref<100096x32xbf16, #tpu.memory_space<vmem_shared>>
    tpu.wait_indirect_dma semaphore(%arg20 : memref<!tpu.dma_semaphore, #tpu.memory_space<semaphore_mem>>) src(%arg14 : memref<128x32xbf16, #tpu.memory_space<vmem>>) dst(%dma_wait3A_54 : memref<100096x32xbf16, #tpu.memory_space<vmem_shared>>)
    %barrier3A_55 = arith.constant 0 : index
    tpu.barrier barrier_id(%barrier3A_55)
    %run_scoped3A = arith.constant 0 : i32
    "tpu.region"() ({
      %run_scoped3A_189 = tpu.sem_alloc : memref<!tpu.dma_semaphore, #tpu.memory_space<semaphore_mem>>
      %dma_start3A = arith.constant 0 : i32
      %dma_start3A_190 = tpu.memref_slice %arg6[%arg0, %run_scoped3A, %mul3A_2, %dma_start3A] : memref<2x2x100096x32xbf16, #tpu.memory_space<hbm>> -> memref<1x1x6256x32xbf16, #tpu.memory_space<hbm>>
      %dma_start3A_191 = tpu.memref_squeeze %dma_start3A_190 : memref<1x1x6256x32xbf16, #tpu.memory_space<hbm>> -> memref<6256x32xbf16, #tpu.memory_space<hbm>>
      %dma_start3A_192 = arith.constant 0 : i32
      %dma_start3A_193 = tpu.memref_slice %arg18[%mul3A_2, %dma_start3A_192] : memref<100096x32xbf16, #tpu.memory_space<vmem_shared>> -> memref<6256x32xbf16, #tpu.memory_space<vmem_shared>>
      tpu.enqueue_dma source(%dma_start3A_193 : memref<6256x32xbf16, #tpu.memory_space<vmem_shared>>) target(%dma_start3A_191 : memref<6256x32xbf16, #tpu.memory_space<hbm>>) target_semaphore(%run_scoped3A_189 : memref<!tpu.dma_semaphore, #tpu.memory_space<semaphore_mem>>)
      %dma_wait3A_194 = arith.constant 0 : i32
      %dma_wait3A_195 = tpu.memref_slice %arg6[%arg0, %run_scoped3A, %mul3A_2, %dma_wait3A_194] : memref<2x2x100096x32xbf16, #tpu.memory_space<hbm>> -> memref<1x1x6256x32xbf16, #tpu.memory_space<hbm>>
      %dma_wait3A_196 = tpu.memref_squeeze %dma_wait3A_195 : memref<1x1x6256x32xbf16, #tpu.memory_space<hbm>> -> memref<6256x32xbf16, #tpu.memory_space<hbm>>
      %dma_wait3A_197 = arith.constant 0 : i32
      %dma_wait3A_198 = tpu.memref_slice %arg18[%mul3A_2, %dma_wait3A_197] : memref<100096x32xbf16, #tpu.memory_space<vmem_shared>> -> memref<6256x32xbf16, #tpu.memory_space<vmem_shared>>
      tpu.wait_dma2 semaphore(%run_scoped3A_189 : memref<!tpu.dma_semaphore, #tpu.memory_space<semaphore_mem>>) src(%dma_wait3A_198 : memref<6256x32xbf16, #tpu.memory_space<vmem_shared>>) dst(%dma_wait3A_196 : memref<6256x32xbf16, #tpu.memory_space<hbm>>)
      tpu.yield
    }) : () -> ()
    %scan3A_56 = arith.constant 0 : i32
    %scan3A_57 = arith.constant 0 : i32
    %scan3A_58 = arith.constant 128 : i32
    %scan3A_59 = arith.addi %scan3A_57, %scan3A_58 : i32
    %scan3A_60 = arith.constant 1 : i32
    scf.for %scan3A_189 = %scan3A_57 to %scan3A_59 step %scan3A_60  : i32 {
      %broadcast_in_dim3A = arith.constant 0.000000e+00 : bf16
      %broadcast_in_dim3A_190 = vector.broadcast %broadcast_in_dim3A : bf16 to vector<32xbf16>
      %swap3A = arith.index_cast %scan3A_189 : i32 to index
      %swap3A_191 = arith.constant 0 : index
      %swap3A_192 = tpu.vector_load %arg10[%swap3A, %swap3A_191] {strides = array<i32>} : memref<128x32xbf16, #tpu.memory_space<vmem>>, vector<1x32xbf16>,
      %swap3A_193 = vector.shape_cast %swap3A_192 : vector<1x32xbf16> to vector<32xbf16>
      %swap3A_194 = vector.shape_cast %broadcast_in_dim3A_190 : vector<32xbf16> to vector<1x32xbf16>
      tpu.vector_store %arg10[%swap3A, %swap3A_191], %swap3A_194 {strides = array<i32>} : memref<128x32xbf16, #tpu.memory_space<vmem>>, vector<1x32xbf16>,
    }
    %scan3A_61 = arith.constant 128 : i32
    %scan3A_62 = arith.constant 0 : i32
    %scan3A_63 = arith.constant 0 : i32
    %scan3A_64 = arith.constant 48 : i32
    %scan3A_65 = arith.addi %scan3A_63, %scan3A_64 : i32
    %scan3A_66 = arith.constant 1 : i32
    scf.for %scan3A_189 = %scan3A_63 to %scan3A_65 step %scan3A_66  : i32 {
      %mul3A_190 = arith.constant 128 : i32
      %mul3A_191 = arith.muli %scan3A_189, %mul3A_190 : i32
      %add3A_192 = arith.addi %mul3A_2, %mul3A_191 : i32
      %dma_start3A = arith.constant 0 : i32
      %dma_start3A_193 = tpu.memref_slice %arg18[%add3A_192, %dma_start3A] : memref<100096x32xbf16, #tpu.memory_space<vmem_shared>> -> memref<128x32xbf16, #tpu.memory_space<vmem_shared>>
      %dma_start3A_194 = arith.constant 0 : i32
      %dma_start3A_195 = tpu.memref_slice %arg18[%add3A_192, %dma_start3A_194] : memref<100096x32xbf16, #tpu.memory_space<vmem_shared>> -> memref<128x32xbf16, #tpu.memory_space<vmem_shared>>
      tpu.enqueue_dma source(%arg10 : memref<128x32xbf16, #tpu.memory_space<vmem>>) target(%dma_start3A_195 : memref<128x32xbf16, #tpu.memory_space<vmem_shared>>) target_semaphore(%arg20 : memref<!tpu.dma_semaphore, #tpu.memory_space<semaphore_mem>>)
    }
    %scan3A_67 = arith.constant 48 : i32
    %scan3A_68 = arith.constant 0 : i32
    %scan3A_69 = arith.constant 0 : i32
    %scan3A_70 = arith.constant 48 : i32
    %scan3A_71 = arith.addi %scan3A_69, %scan3A_70 : i32
    %scan3A_72 = arith.constant 1 : i32
    scf.for %scan3A_189 = %scan3A_69 to %scan3A_71 step %scan3A_72  : i32 {
      %mul3A_190 = arith.constant 128 : i32
      %mul3A_191 = arith.muli %scan3A_189, %mul3A_190 : i32
      %add3A_192 = arith.addi %mul3A_2, %mul3A_191 : i32
      %dma_wait3A_193 = arith.constant 0 : i32
      %dma_wait3A_194 = tpu.memref_slice %arg18[%add3A_192, %dma_wait3A_193] : memref<100096x32xbf16, #tpu.memory_space<vmem_shared>> -> memref<128x32xbf16, #tpu.memory_space<vmem_shared>>
      %dma_wait3A_195 = arith.constant 0 : i32
      %dma_wait3A_196 = tpu.memref_slice %arg18[%add3A_192, %dma_wait3A_195] : memref<100096x32xbf16, #tpu.memory_space<vmem_shared>> -> memref<128x32xbf16, #tpu.memory_space<vmem_shared>>
      tpu.wait_dma2 semaphore(%arg20 : memref<!tpu.dma_semaphore, #tpu.memory_space<semaphore_mem>>) src(%arg10 : memref<128x32xbf16, #tpu.memory_space<vmem>>) dst(%dma_wait3A_196 : memref<128x32xbf16, #tpu.memory_space<vmem_shared>>)
    }
    %scan3A_73 = arith.constant 48 : i32
    %add3A_74 = arith.constant 6144 : i32
    %add3A_75 = arith.addi %mul3A_2, %add3A_74 : i32
    "tpu.region"() ({
      %run_scoped3A_189 = tpu.sem_alloc : memref<!tpu.dma_semaphore, #tpu.memory_space<semaphore_mem>>
      %dma_start3A = arith.constant 0 : i32
      %dma_start3A_190 = arith.constant 0 : i32
      %dma_start3A_191 = tpu.memref_slice %arg10[%dma_start3A, %dma_start3A_190] : memref<128x32xbf16, #tpu.memory_space<vmem>> -> memref<112x32xbf16, #tpu.memory_space<vmem>>
      %dma_start3A_192 = arith.constant 0 : i32
      %dma_start3A_193 = tpu.memref_slice %arg18[%add3A_75, %dma_start3A_192] : memref<100096x32xbf16, #tpu.memory_space<vmem_shared>> -> memref<112x32xbf16, #tpu.memory_space<vmem_shared>>
      %dma_start3A_194 = arith.constant 0 : i32
      %dma_start3A_195 = tpu.memref_slice %arg18[%add3A_75, %dma_start3A_194] : memref<100096x32xbf16, #tpu.memory_space<vmem_shared>> -> memref<112x32xbf16, #tpu.memory_space<vmem_shared>>
      %dma_start3A_196 = arith.constant 0 : i32
      %dma_start3A_197 = arith.constant 0 : i32
      %dma_start3A_198 = tpu.memref_slice %arg10[%dma_start3A_196, %dma_start3A_197] : memref<128x32xbf16, #tpu.memory_space<vmem>> -> memref<112x32xbf16, #tpu.memory_space<vmem>>
      tpu.enqueue_dma source(%dma_start3A_198 : memref<112x32xbf16, #tpu.memory_space<vmem>>) target(%dma_start3A_195 : memref<112x32xbf16, #tpu.memory_space<vmem_shared>>) target_semaphore(%run_scoped3A_189 : memref<!tpu.dma_semaphore, #tpu.memory_space<semaphore_mem>>)
      %dma_wait3A_199 = arith.constant 0 : i32
      %dma_wait3A_200 = arith.constant 0 : i32
      %dma_wait3A_201 = tpu.memref_slice %arg10[%dma_wait3A_199, %dma_wait3A_200] : memref<128x32xbf16, #tpu.memory_space<vmem>> -> memref<112x32xbf16, #tpu.memory_space<vmem>>
      %dma_wait3A_202 = arith.constant 0 : i32
      %dma_wait3A_203 = tpu.memref_slice %arg18[%add3A_75, %dma_wait3A_202] : memref<100096x32xbf16, #tpu.memory_space<vmem_shared>> -> memref<112x32xbf16, #tpu.memory_space<vmem_shared>>
      %dma_wait3A_204 = arith.constant 0 : i32
      %dma_wait3A_205 = tpu.memref_slice %arg18[%add3A_75, %dma_wait3A_204] : memref<100096x32xbf16, #tpu.memory_space<vmem_shared>> -> memref<112x32xbf16, #tpu.memory_space<vmem_shared>>
      %dma_wait3A_206 = arith.constant 0 : i32
      %dma_wait3A_207 = arith.constant 0 : i32
      %dma_wait3A_208 = tpu.memref_slice %arg10[%dma_wait3A_206, %dma_wait3A_207] : memref<128x32xbf16, #tpu.memory_space<vmem>> -> memref<112x32xbf16, #tpu.memory_space<vmem>>
      tpu.wait_dma2 semaphore(%run_scoped3A_189 : memref<!tpu.dma_semaphore, #tpu.memory_space<semaphore_mem>>) src(%dma_wait3A_208 : memref<112x32xbf16, #tpu.memory_space<vmem>>) dst(%dma_wait3A_205 : memref<112x32xbf16, #tpu.memory_space<vmem_shared>>)
      tpu.yield
    }) : () -> ()
    %barrier3A_76 = arith.constant 0 : index
    tpu.barrier barrier_id(%barrier3A_76)
    %scan3A_77 = arith.constant 0 : i32
    %scan3A_78 = arith.constant 0 : i32
    %scan3A_79 = arith.constant 5 : i32
    %scan3A_80 = arith.addi %scan3A_78, %scan3A_79 : i32
    %scan3A_81 = arith.constant 1 : i32
    scf.for %scan3A_189 = %scan3A_78 to %scan3A_80 step %scan3A_81  : i32 {
      %gt3A = arith.constant 0 : i32
      %gt3A_190 = arith.cmpi sgt, %scan3A_189, %gt3A : i32
      %convert_element_type3A = arith.extui %gt3A_190 : i1 to i32
      %cond3A = arith.constant 0 : i32
      %cond3A_191 = arith.cmpi ne, %convert_element_type3A, %cond3A : i32
      scf.if %cond3A_191 {
        %dma_wait3A_197 = arith.constant 0 : i32
        %dma_wait3A_198 = arith.constant 0 : i32
        %dma_wait3A_199 = tpu.memref_slice %arg9[%dma_wait3A_197, %dma_wait3A_198] : memref<40x128xi32, #tpu.memory_space<vmem>> -> memref<1x128xi32, #tpu.memory_space<vmem>>
        %dma_wait3A_200 = tpu.memref_squeeze %dma_wait3A_199 : memref<1x128xi32, #tpu.memory_space<vmem>> -> memref<128xi32, #tpu.memory_space<vmem>>
        %dma_wait3A_201 = arith.constant 0 : i32
        %dma_wait3A_202 = arith.constant 0 : i32
        %dma_wait3A_203 = tpu.memref_slice %arg18[%dma_wait3A_201, %dma_wait3A_202] : memref<100096x32xbf16, #tpu.memory_space<vmem_shared>> -> memref<100096x32xbf16, #tpu.memory_space<vmem_shared>>
        tpu.wait_indirect_dma semaphore(%arg20 : memref<!tpu.dma_semaphore, #tpu.memory_space<semaphore_mem>>) src(%arg14 : memref<128x32xbf16, #tpu.memory_space<vmem>>) dst(%dma_wait3A_203 : memref<100096x32xbf16, #tpu.memory_space<vmem_shared>>)
        %dma_wait3A_204 = arith.constant 0 : i32
        %dma_wait3A_205 = arith.constant 0 : i32
        %dma_wait3A_206 = tpu.memref_slice %arg9[%dma_wait3A_204, %dma_wait3A_205] : memref<40x128xi32, #tpu.memory_space<vmem>> -> memref<1x128xi32, #tpu.memory_space<vmem>>
        %dma_wait3A_207 = tpu.memref_squeeze %dma_wait3A_206 : memref<1x128xi32, #tpu.memory_space<vmem>> -> memref<128xi32, #tpu.memory_space<vmem>>
        %dma_wait3A_208 = arith.constant 0 : i32
        %dma_wait3A_209 = arith.constant 0 : i32
        %dma_wait3A_210 = tpu.memref_slice %arg18[%dma_wait3A_208, %dma_wait3A_209] : memref<100096x32xbf16, #tpu.memory_space<vmem_shared>> -> memref<100096x32xbf16, #tpu.memory_space<vmem_shared>>
        tpu.wait_indirect_dma semaphore(%arg20 : memref<!tpu.dma_semaphore, #tpu.memory_space<semaphore_mem>>) src(%arg14 : memref<128x32xbf16, #tpu.memory_space<vmem>>) dst(%dma_wait3A_210 : memref<100096x32xbf16, #tpu.memory_space<vmem_shared>>)
        %dma_wait3A_211 = arith.constant 0 : i32
        %dma_wait3A_212 = arith.constant 0 : i32
        %dma_wait3A_213 = tpu.memref_slice %arg9[%dma_wait3A_211, %dma_wait3A_212] : memref<40x128xi32, #tpu.memory_space<vmem>> -> memref<1x128xi32, #tpu.memory_space<vmem>>
        %dma_wait3A_214 = tpu.memref_squeeze %dma_wait3A_213 : memref<1x128xi32, #tpu.memory_space<vmem>> -> memref<128xi32, #tpu.memory_space<vmem>>
        %dma_wait3A_215 = arith.constant 0 : i32
        %dma_wait3A_216 = arith.constant 0 : i32
        %dma_wait3A_217 = tpu.memref_slice %arg18[%dma_wait3A_215, %dma_wait3A_216] : memref<100096x32xbf16, #tpu.memory_space<vmem_shared>> -> memref<100096x32xbf16, #tpu.memory_space<vmem_shared>>
        tpu.wait_indirect_dma semaphore(%arg20 : memref<!tpu.dma_semaphore, #tpu.memory_space<semaphore_mem>>) src(%arg14 : memref<128x32xbf16, #tpu.memory_space<vmem>>) dst(%dma_wait3A_217 : memref<100096x32xbf16, #tpu.memory_space<vmem_shared>>)
        %dma_wait3A_218 = arith.constant 0 : i32
        %dma_wait3A_219 = arith.constant 0 : i32
        %dma_wait3A_220 = tpu.memref_slice %arg9[%dma_wait3A_218, %dma_wait3A_219] : memref<40x128xi32, #tpu.memory_space<vmem>> -> memref<1x128xi32, #tpu.memory_space<vmem>>
        %dma_wait3A_221 = tpu.memref_squeeze %dma_wait3A_220 : memref<1x128xi32, #tpu.memory_space<vmem>> -> memref<128xi32, #tpu.memory_space<vmem>>
        %dma_wait3A_222 = arith.constant 0 : i32
        %dma_wait3A_223 = arith.constant 0 : i32
        %dma_wait3A_224 = tpu.memref_slice %arg18[%dma_wait3A_222, %dma_wait3A_223] : memref<100096x32xbf16, #tpu.memory_space<vmem_shared>> -> memref<100096x32xbf16, #tpu.memory_space<vmem_shared>>
        tpu.wait_indirect_dma semaphore(%arg20 : memref<!tpu.dma_semaphore, #tpu.memory_space<semaphore_mem>>) src(%arg14 : memref<128x32xbf16, #tpu.memory_space<vmem>>) dst(%dma_wait3A_224 : memref<100096x32xbf16, #tpu.memory_space<vmem_shared>>)
      } else {
      }
      "tpu.region"() ({
        %run_scoped3A_197 = tpu.sem_alloc : memref<!tpu.dma_semaphore, #tpu.memory_space<semaphore_mem>>
        %dma_start3A = arith.constant 0 : i32
        %dma_start3A_198 = arith.constant 0 : i32
        %dma_start3A_199 = tpu.memref_slice %arg4[%add3A, %scan3A_189, %dma_start3A, %dma_start3A_198] : memref<32x5x40x128xi32, #tpu.memory_space<hbm>> -> memref<1x1x40x128xi32, #tpu.memory_space<hbm>>
        %dma_start3A_200 = tpu.memref_squeeze %dma_start3A_199 : memref<1x1x40x128xi32, #tpu.memory_space<hbm>> -> memref<40x128xi32, #tpu.memory_space<hbm>>
        %dma_start3A_201 = arith.constant 0 : i32
        %dma_start3A_202 = arith.constant 0 : i32
        %dma_start3A_203 = tpu.memref_slice %arg4[%add3A, %scan3A_189, %dma_start3A_201, %dma_start3A_202] : memref<32x5x40x128xi32, #tpu.memory_space<hbm>> -> memref<1x1x40x128xi32, #tpu.memory_space<hbm>>
        %dma_start3A_204 = tpu.memref_squeeze %dma_start3A_203 : memref<1x1x40x128xi32, #tpu.memory_space<hbm>> -> memref<40x128xi32, #tpu.memory_space<hbm>>
        tpu.enqueue_dma source(%dma_start3A_204 : memref<40x128xi32, #tpu.memory_space<hbm>>) target(%arg8 : memref<40x128xi32, #tpu.memory_space<vmem>>) target_semaphore(%run_scoped3A_197 : memref<!tpu.dma_semaphore, #tpu.memory_space<semaphore_mem>>)
        %dma_wait3A_205 = arith.constant 0 : i32
        %dma_wait3A_206 = arith.constant 0 : i32
        %dma_wait3A_207 = tpu.memref_slice %arg4[%add3A, %scan3A_189, %dma_wait3A_205, %dma_wait3A_206] : memref<32x5x40x128xi32, #tpu.memory_space<hbm>> -> memref<1x1x40x128xi32, #tpu.memory_space<hbm>>
        %dma_wait3A_208 = tpu.memref_squeeze %dma_wait3A_207 : memref<1x1x40x128xi32, #tpu.memory_space<hbm>> -> memref<40x128xi32, #tpu.memory_space<hbm>>
        %dma_wait3A_209 = arith.constant 0 : i32
        %dma_wait3A_210 = arith.constant 0 : i32
        %dma_wait3A_211 = tpu.memref_slice %arg4[%add3A, %scan3A_189, %dma_wait3A_209, %dma_wait3A_210] : memref<32x5x40x128xi32, #tpu.memory_space<hbm>> -> memref<1x1x40x128xi32, #tpu.memory_space<hbm>>
        %dma_wait3A_212 = tpu.memref_squeeze %dma_wait3A_211 : memref<1x1x40x128xi32, #tpu.memory_space<hbm>> -> memref<40x128xi32, #tpu.memory_space<hbm>>
        tpu.wait_dma2 semaphore(%run_scoped3A_197 : memref<!tpu.dma_semaphore, #tpu.memory_space<semaphore_mem>>) src(%dma_wait3A_212 : memref<40x128xi32, #tpu.memory_space<hbm>>) dst(%arg8 : memref<40x128xi32, #tpu.memory_space<vmem>>)
        tpu.yield
      }) : () -> ()
      "tpu.region"() ({
        %run_scoped3A_197 = tpu.sem_alloc : memref<!tpu.dma_semaphore, #tpu.memory_space<semaphore_mem>>
        %dma_start3A = arith.constant 0 : i32
        %dma_start3A_198 = arith.constant 0 : i32
        %dma_start3A_199 = tpu.memref_slice %arg5[%add3A, %scan3A_189, %dma_start3A, %dma_start3A_198] : memref<32x5x40x128xi32, #tpu.memory_space<hbm>> -> memref<1x1x40x128xi32, #tpu.memory_space<hbm>>
        %dma_start3A_200 = tpu.memref_squeeze %dma_start3A_199 : memref<1x1x40x128xi32, #tpu.memory_space<hbm>> -> memref<40x128xi32, #tpu.memory_space<hbm>>
        %dma_start3A_201 = arith.constant 0 : i32
        %dma_start3A_202 = arith.constant 0 : i32
        %dma_start3A_203 = tpu.memref_slice %arg5[%add3A, %scan3A_189, %dma_start3A_201, %dma_start3A_202] : memref<32x5x40x128xi32, #tpu.memory_space<hbm>> -> memref<1x1x40x128xi32, #tpu.memory_space<hbm>>
        %dma_start3A_204 = tpu.memref_squeeze %dma_start3A_203 : memref<1x1x40x128xi32, #tpu.memory_space<hbm>> -> memref<40x128xi32, #tpu.memory_space<hbm>>
        tpu.enqueue_dma source(%dma_start3A_204 : memref<40x128xi32, #tpu.memory_space<hbm>>) target(%arg9 : memref<40x128xi32, #tpu.memory_space<vmem>>) target_semaphore(%run_scoped3A_197 : memref<!tpu.dma_semaphore, #tpu.memory_space<semaphore_mem>>)
        %dma_wait3A_205 = arith.constant 0 : i32
        %dma_wait3A_206 = arith.constant 0 : i32
        %dma_wait3A_207 = tpu.memref_slice %arg5[%add3A, %scan3A_189, %dma_wait3A_205, %dma_wait3A_206] : memref<32x5x40x128xi32, #tpu.memory_space<hbm>> -> memref<1x1x40x128xi32, #tpu.memory_space<hbm>>
        %dma_wait3A_208 = tpu.memref_squeeze %dma_wait3A_207 : memref<1x1x40x128xi32, #tpu.memory_space<hbm>> -> memref<40x128xi32, #tpu.memory_space<hbm>>
        %dma_wait3A_209 = arith.constant 0 : i32
        %dma_wait3A_210 = arith.constant 0 : i32
        %dma_wait3A_211 = tpu.memref_slice %arg5[%add3A, %scan3A_189, %dma_wait3A_209, %dma_wait3A_210] : memref<32x5x40x128xi32, #tpu.memory_space<hbm>> -> memref<1x1x40x128xi32, #tpu.memory_space<hbm>>
        %dma_wait3A_212 = tpu.memref_squeeze %dma_wait3A_211 : memref<1x1x40x128xi32, #tpu.memory_space<hbm>> -> memref<40x128xi32, #tpu.memory_space<hbm>>
        tpu.wait_dma2 semaphore(%run_scoped3A_197 : memref<!tpu.dma_semaphore, #tpu.memory_space<semaphore_mem>>) src(%dma_wait3A_212 : memref<40x128xi32, #tpu.memory_space<hbm>>) dst(%arg9 : memref<40x128xi32, #tpu.memory_space<vmem>>)
        tpu.yield
      }) : () -> ()
      %scan3A_192 = arith.constant 0 : i32
      %scan3A_193 = arith.constant 5 : i32
      %scan3A_194 = arith.addi %scan3A_192, %scan3A_193 : i32
      %scan3A_195 = arith.constant 1 : i32
      scf.for %scan3A_197 = %scan3A_192 to %scan3A_194 step %scan3A_195  : i32 {
        %mul3A_198 = arith.constant 8 : i32
        %mul3A_199 = arith.muli %scan3A_197, %mul3A_198 : i32
        %add3A_200 = arith.constant 0 : i32
        %add3A_201 = arith.addi %mul3A_199, %add3A_200 : i32
        %dma_start3A = arith.constant 0 : i32
        %dma_start3A_202 = tpu.memref_slice %arg8[%add3A_201, %dma_start3A] : memref<40x128xi32, #tpu.memory_space<vmem>> -> memref<1x128xi32, #tpu.memory_space<vmem>>
        %dma_start3A_203 = tpu.memref_squeeze %dma_start3A_202 : memref<1x128xi32, #tpu.memory_space<vmem>> -> memref<128xi32, #tpu.memory_space<vmem>>
        %dma_start3A_204 = arith.constant 0 : i32
        %dma_start3A_205 = arith.constant 0 : i32
        %dma_start3A_206 = tpu.memref_slice %arg3[%dma_start3A_204, %dma_start3A_205] : memref<50000x32xbf16, #tpu.memory_space<hbm>> -> memref<50000x32xbf16, #tpu.memory_space<hbm>>
        tpu.enqueue_indirect_dma source(%dma_start3A_206 : memref<50000x32xbf16, #tpu.memory_space<hbm>>) target(%arg10 : memref<128x32xbf16, #tpu.memory_space<vmem>>) offsets(%dma_start3A_203 : memref<128xi32, #tpu.memory_space<vmem>>) semaphore(%arg19 : memref<!tpu.dma_semaphore, #tpu.memory_space<semaphore_mem>>)
        %add3A_207 = arith.constant 1 : i32
        %add3A_208 = arith.addi %mul3A_199, %add3A_207 : i32
        %dma_start3A_209 = arith.constant 0 : i32
        %dma_start3A_210 = tpu.memref_slice %arg8[%add3A_208, %dma_start3A_209] : memref<40x128xi32, #tpu.memory_space<vmem>> -> memref<1x128xi32, #tpu.memory_space<vmem>>
        %dma_start3A_211 = tpu.memref_squeeze %dma_start3A_210 : memref<1x128xi32, #tpu.memory_space<vmem>> -> memref<128xi32, #tpu.memory_space<vmem>>
        %dma_start3A_212 = arith.constant 0 : i32
        %dma_start3A_213 = arith.constant 0 : i32
        %dma_start3A_214 = tpu.memref_slice %arg3[%dma_start3A_212, %dma_start3A_213] : memref<50000x32xbf16, #tpu.memory_space<hbm>> -> memref<50000x32xbf16, #tpu.memory_space<hbm>>
        tpu.enqueue_indirect_dma source(%dma_start3A_214 : memref<50000x32xbf16, #tpu.memory_space<hbm>>) target(%arg11 : memref<128x32xbf16, #tpu.memory_space<vmem>>) offsets(%dma_start3A_211 : memref<128xi32, #tpu.memory_space<vmem>>) semaphore(%arg19 : memref<!tpu.dma_semaphore, #tpu.memory_space<semaphore_mem>>)
        %add3A_215 = arith.constant 2 : i32
        %add3A_216 = arith.addi %mul3A_199, %add3A_215 : i32
        %dma_start3A_217 = arith.constant 0 : i32
        %dma_start3A_218 = tpu.memref_slice %arg8[%add3A_216, %dma_start3A_217] : memref<40x128xi32, #tpu.memory_space<vmem>> -> memref<1x128xi32, #tpu.memory_space<vmem>>
        %dma_start3A_219 = tpu.memref_squeeze %dma_start3A_218 : memref<1x128xi32, #tpu.memory_space<vmem>> -> memref<128xi32, #tpu.memory_space<vmem>>
        %dma_start3A_220 = arith.constant 0 : i32
        %dma_start3A_221 = arith.constant 0 : i32
        %dma_start3A_222 = tpu.memref_slice %arg3[%dma_start3A_220, %dma_start3A_221] : memref<50000x32xbf16, #tpu.memory_space<hbm>> -> memref<50000x32xbf16, #tpu.memory_space<hbm>>
        tpu.enqueue_indirect_dma source(%dma_start3A_222 : memref<50000x32xbf16, #tpu.memory_space<hbm>>) target(%arg12 : memref<128x32xbf16, #tpu.memory_space<vmem>>) offsets(%dma_start3A_219 : memref<128xi32, #tpu.memory_space<vmem>>) semaphore(%arg19 : memref<!tpu.dma_semaphore, #tpu.memory_space<semaphore_mem>>)
        %add3A_223 = arith.constant 3 : i32
        %add3A_224 = arith.addi %mul3A_199, %add3A_223 : i32
        %dma_start3A_225 = arith.constant 0 : i32
        %dma_start3A_226 = tpu.memref_slice %arg8[%add3A_224, %dma_start3A_225] : memref<40x128xi32, #tpu.memory_space<vmem>> -> memref<1x128xi32, #tpu.memory_space<vmem>>
        %dma_start3A_227 = tpu.memref_squeeze %dma_start3A_226 : memref<1x128xi32, #tpu.memory_space<vmem>> -> memref<128xi32, #tpu.memory_space<vmem>>
        %dma_start3A_228 = arith.constant 0 : i32
        %dma_start3A_229 = arith.constant 0 : i32
        %dma_start3A_230 = tpu.memref_slice %arg3[%dma_start3A_228, %dma_start3A_229] : memref<50000x32xbf16, #tpu.memory_space<hbm>> -> memref<50000x32xbf16, #tpu.memory_space<hbm>>
        tpu.enqueue_indirect_dma source(%dma_start3A_230 : memref<50000x32xbf16, #tpu.memory_space<hbm>>) target(%arg13 : memref<128x32xbf16, #tpu.memory_space<vmem>>) offsets(%dma_start3A_227 : memref<128xi32, #tpu.memory_space<vmem>>) semaphore(%arg19 : memref<!tpu.dma_semaphore, #tpu.memory_space<semaphore_mem>>)
        %gt3A_231 = arith.constant 0 : i32
        %gt3A_232 = arith.cmpi sgt, %scan3A_197, %gt3A_231 : i32
        %convert_element_type3A_233 = arith.extui %gt3A_232 : i1 to i32
        %cond3A_234 = arith.constant 0 : i32
        %cond3A_235 = arith.cmpi ne, %convert_element_type3A_233, %cond3A_234 : i32
        scf.if %cond3A_235 {
          %dma_wait3A_404 = arith.constant 0 : i32
          %dma_wait3A_405 = arith.constant 0 : i32
          %dma_wait3A_406 = tpu.memref_slice %arg9[%dma_wait3A_404, %dma_wait3A_405] : memref<40x128xi32, #tpu.memory_space<vmem>> -> memref<1x128xi32, #tpu.memory_space<vmem>>
          %dma_wait3A_407 = tpu.memref_squeeze %dma_wait3A_406 : memref<1x128xi32, #tpu.memory_space<vmem>> -> memref<128xi32, #tpu.memory_space<vmem>>
          %dma_wait3A_408 = arith.constant 0 : i32
          %dma_wait3A_409 = arith.constant 0 : i32
          %dma_wait3A_410 = tpu.memref_slice %arg18[%dma_wait3A_408, %dma_wait3A_409] : memref<100096x32xbf16, #tpu.memory_space<vmem_shared>> -> memref<100096x32xbf16, #tpu.memory_space<vmem_shared>>
          tpu.wait_indirect_dma semaphore(%arg20 : memref<!tpu.dma_semaphore, #tpu.memory_space<semaphore_mem>>) src(%arg14 : memref<128x32xbf16, #tpu.memory_space<vmem>>) dst(%dma_wait3A_410 : memref<100096x32xbf16, #tpu.memory_space<vmem_shared>>)
          %dma_wait3A_411 = arith.constant 0 : i32
          %dma_wait3A_412 = arith.constant 0 : i32
          %dma_wait3A_413 = tpu.memref_slice %arg9[%dma_wait3A_411, %dma_wait3A_412] : memref<40x128xi32, #tpu.memory_space<vmem>> -> memref<1x128xi32, #tpu.memory_space<vmem>>
          %dma_wait3A_414 = tpu.memref_squeeze %dma_wait3A_413 : memref<1x128xi32, #tpu.memory_space<vmem>> -> memref<128xi32, #tpu.memory_space<vmem>>
          %dma_wait3A_415 = arith.constant 0 : i32
          %dma_wait3A_416 = arith.constant 0 : i32
          %dma_wait3A_417 = tpu.memref_slice %arg18[%dma_wait3A_415, %dma_wait3A_416] : memref<100096x32xbf16, #tpu.memory_space<vmem_shared>> -> memref<100096x32xbf16, #tpu.memory_space<vmem_shared>>
          tpu.wait_indirect_dma semaphore(%arg20 : memref<!tpu.dma_semaphore, #tpu.memory_space<semaphore_mem>>) src(%arg14 : memref<128x32xbf16, #tpu.memory_space<vmem>>) dst(%dma_wait3A_417 : memref<100096x32xbf16, #tpu.memory_space<vmem_shared>>)
          %dma_wait3A_418 = arith.constant 0 : i32
          %dma_wait3A_419 = arith.constant 0 : i32
          %dma_wait3A_420 = tpu.memref_slice %arg9[%dma_wait3A_418, %dma_wait3A_419] : memref<40x128xi32, #tpu.memory_space<vmem>> -> memref<1x128xi32, #tpu.memory_space<vmem>>
          %dma_wait3A_421 = tpu.memref_squeeze %dma_wait3A_420 : memref<1x128xi32, #tpu.memory_space<vmem>> -> memref<128xi32, #tpu.memory_space<vmem>>
          %dma_wait3A_422 = arith.constant 0 : i32
          %dma_wait3A_423 = arith.constant 0 : i32
          %dma_wait3A_424 = tpu.memref_slice %arg18[%dma_wait3A_422, %dma_wait3A_423] : memref<100096x32xbf16, #tpu.memory_space<vmem_shared>> -> memref<100096x32xbf16, #tpu.memory_space<vmem_shared>>
          tpu.wait_indirect_dma semaphore(%arg20 : memref<!tpu.dma_semaphore, #tpu.memory_space<semaphore_mem>>) src(%arg14 : memref<128x32xbf16, #tpu.memory_space<vmem>>) dst(%dma_wait3A_424 : memref<100096x32xbf16, #tpu.memory_space<vmem_shared>>)
          %dma_wait3A_425 = arith.constant 0 : i32
          %dma_wait3A_426 = arith.constant 0 : i32
          %dma_wait3A_427 = tpu.memref_slice %arg9[%dma_wait3A_425, %dma_wait3A_426] : memref<40x128xi32, #tpu.memory_space<vmem>> -> memref<1x128xi32, #tpu.memory_space<vmem>>
          %dma_wait3A_428 = tpu.memref_squeeze %dma_wait3A_427 : memref<1x128xi32, #tpu.memory_space<vmem>> -> memref<128xi32, #tpu.memory_space<vmem>>
          %dma_wait3A_429 = arith.constant 0 : i32
          %dma_wait3A_430 = arith.constant 0 : i32
          %dma_wait3A_431 = tpu.memref_slice %arg18[%dma_wait3A_429, %dma_wait3A_430] : memref<100096x32xbf16, #tpu.memory_space<vmem_shared>> -> memref<100096x32xbf16, #tpu.memory_space<vmem_shared>>
          tpu.wait_indirect_dma semaphore(%arg20 : memref<!tpu.dma_semaphore, #tpu.memory_space<semaphore_mem>>) src(%arg14 : memref<128x32xbf16, #tpu.memory_space<vmem>>) dst(%dma_wait3A_431 : memref<100096x32xbf16, #tpu.memory_space<vmem_shared>>)
        } else {
        }
        %add3A_236 = arith.constant 4 : i32
        %add3A_237 = arith.addi %mul3A_199, %add3A_236 : i32
        %dma_start3A_238 = arith.constant 0 : i32
        %dma_start3A_239 = tpu.memref_slice %arg8[%add3A_237, %dma_start3A_238] : memref<40x128xi32, #tpu.memory_space<vmem>> -> memref<1x128xi32, #tpu.memory_space<vmem>>
        %dma_start3A_240 = tpu.memref_squeeze %dma_start3A_239 : memref<1x128xi32, #tpu.memory_space<vmem>> -> memref<128xi32, #tpu.memory_space<vmem>>
        %dma_start3A_241 = arith.constant 0 : i32
        %dma_start3A_242 = arith.constant 0 : i32
        %dma_start3A_243 = tpu.memref_slice %arg3[%dma_start3A_241, %dma_start3A_242] : memref<50000x32xbf16, #tpu.memory_space<hbm>> -> memref<50000x32xbf16, #tpu.memory_space<hbm>>
        tpu.enqueue_indirect_dma source(%dma_start3A_243 : memref<50000x32xbf16, #tpu.memory_space<hbm>>) target(%arg14 : memref<128x32xbf16, #tpu.memory_space<vmem>>) offsets(%dma_start3A_240 : memref<128xi32, #tpu.memory_space<vmem>>) semaphore(%arg19 : memref<!tpu.dma_semaphore, #tpu.memory_space<semaphore_mem>>)
        %add3A_244 = arith.constant 5 : i32
        %add3A_245 = arith.addi %mul3A_199, %add3A_244 : i32
        %dma_start3A_246 = arith.constant 0 : i32
        %dma_start3A_247 = tpu.memref_slice %arg8[%add3A_245, %dma_start3A_246] : memref<40x128xi32, #tpu.memory_space<vmem>> -> memref<1x128xi32, #tpu.memory_space<vmem>>
        %dma_start3A_248 = tpu.memref_squeeze %dma_start3A_247 : memref<1x128xi32, #tpu.memory_space<vmem>> -> memref<128xi32, #tpu.memory_space<vmem>>
        %dma_start3A_249 = arith.constant 0 : i32
        %dma_start3A_250 = arith.constant 0 : i32
        %dma_start3A_251 = tpu.memref_slice %arg3[%dma_start3A_249, %dma_start3A_250] : memref<50000x32xbf16, #tpu.memory_space<hbm>> -> memref<50000x32xbf16, #tpu.memory_space<hbm>>
        tpu.enqueue_indirect_dma source(%dma_start3A_251 : memref<50000x32xbf16, #tpu.memory_space<hbm>>) target(%arg15 : memref<128x32xbf16, #tpu.memory_space<vmem>>) offsets(%dma_start3A_248 : memref<128xi32, #tpu.memory_space<vmem>>) semaphore(%arg19 : memref<!tpu.dma_semaphore, #tpu.memory_space<semaphore_mem>>)
        %add3A_252 = arith.constant 6 : i32
        %add3A_253 = arith.addi %mul3A_199, %add3A_252 : i32
        %dma_start3A_254 = arith.constant 0 : i32
        %dma_start3A_255 = tpu.memref_slice %arg8[%add3A_253, %dma_start3A_254] : memref<40x128xi32, #tpu.memory_space<vmem>> -> memref<1x128xi32, #tpu.memory_space<vmem>>
        %dma_start3A_256 = tpu.memref_squeeze %dma_start3A_255 : memref<1x128xi32, #tpu.memory_space<vmem>> -> memref<128xi32, #tpu.memory_space<vmem>>
        %dma_start3A_257 = arith.constant 0 : i32
        %dma_start3A_258 = arith.constant 0 : i32
        %dma_start3A_259 = tpu.memref_slice %arg3[%dma_start3A_257, %dma_start3A_258] : memref<50000x32xbf16, #tpu.memory_space<hbm>> -> memref<50000x32xbf16, #tpu.memory_space<hbm>>
        tpu.enqueue_indirect_dma source(%dma_start3A_259 : memref<50000x32xbf16, #tpu.memory_space<hbm>>) target(%arg16 : memref<128x32xbf16, #tpu.memory_space<vmem>>) offsets(%dma_start3A_256 : memref<128xi32, #tpu.memory_space<vmem>>) semaphore(%arg19 : memref<!tpu.dma_semaphore, #tpu.memory_space<semaphore_mem>>)
        %add3A_260 = arith.constant 7 : i32
        %add3A_261 = arith.addi %mul3A_199, %add3A_260 : i32
        %dma_start3A_262 = arith.constant 0 : i32
        %dma_start3A_263 = tpu.memref_slice %arg8[%add3A_261, %dma_start3A_262] : memref<40x128xi32, #tpu.memory_space<vmem>> -> memref<1x128xi32, #tpu.memory_space<vmem>>
        %dma_start3A_264 = tpu.memref_squeeze %dma_start3A_263 : memref<1x128xi32, #tpu.memory_space<vmem>> -> memref<128xi32, #tpu.memory_space<vmem>>
        %dma_start3A_265 = arith.constant 0 : i32
        %dma_start3A_266 = arith.constant 0 : i32
        %dma_start3A_267 = tpu.memref_slice %arg3[%dma_start3A_265, %dma_start3A_266] : memref<50000x32xbf16, #tpu.memory_space<hbm>> -> memref<50000x32xbf16, #tpu.memory_space<hbm>>
        tpu.enqueue_indirect_dma source(%dma_start3A_267 : memref<50000x32xbf16, #tpu.memory_space<hbm>>) target(%arg17 : memref<128x32xbf16, #tpu.memory_space<vmem>>) offsets(%dma_start3A_264 : memref<128xi32, #tpu.memory_space<vmem>>) semaphore(%arg19 : memref<!tpu.dma_semaphore, #tpu.memory_space<semaphore_mem>>)
        %dma_wait3A_268 = arith.constant 0 : i32
        %dma_wait3A_269 = tpu.memref_slice %arg8[%add3A_201, %dma_wait3A_268] : memref<40x128xi32, #tpu.memory_space<vmem>> -> memref<1x128xi32, #tpu.memory_space<vmem>>
        %dma_wait3A_270 = tpu.memref_squeeze %dma_wait3A_269 : memref<1x128xi32, #tpu.memory_space<vmem>> -> memref<128xi32, #tpu.memory_space<vmem>>
        %dma_wait3A_271 = arith.constant 0 : i32
        %dma_wait3A_272 = arith.constant 0 : i32
        %dma_wait3A_273 = tpu.memref_slice %arg3[%dma_wait3A_271, %dma_wait3A_272] : memref<50000x32xbf16, #tpu.memory_space<hbm>> -> memref<50000x32xbf16, #tpu.memory_space<hbm>>
        tpu.wait_indirect_dma semaphore(%arg19 : memref<!tpu.dma_semaphore, #tpu.memory_space<semaphore_mem>>) src(%dma_wait3A_273 : memref<50000x32xbf16, #tpu.memory_space<hbm>>) dst(%arg10 : memref<128x32xbf16, #tpu.memory_space<vmem>>)
        %dma_wait3A_274 = arith.constant 0 : i32
        %dma_wait3A_275 = tpu.memref_slice %arg8[%add3A_208, %dma_wait3A_274] : memref<40x128xi32, #tpu.memory_space<vmem>> -> memref<1x128xi32, #tpu.memory_space<vmem>>
        %dma_wait3A_276 = tpu.memref_squeeze %dma_wait3A_275 : memref<1x128xi32, #tpu.memory_space<vmem>> -> memref<128xi32, #tpu.memory_space<vmem>>
        %dma_wait3A_277 = arith.constant 0 : i32
        %dma_wait3A_278 = arith.constant 0 : i32
        %dma_wait3A_279 = tpu.memref_slice %arg3[%dma_wait3A_277, %dma_wait3A_278] : memref<50000x32xbf16, #tpu.memory_space<hbm>> -> memref<50000x32xbf16, #tpu.memory_space<hbm>>
        tpu.wait_indirect_dma semaphore(%arg19 : memref<!tpu.dma_semaphore, #tpu.memory_space<semaphore_mem>>) src(%dma_wait3A_279 : memref<50000x32xbf16, #tpu.memory_space<hbm>>) dst(%arg11 : memref<128x32xbf16, #tpu.memory_space<vmem>>)
        %dma_wait3A_280 = arith.constant 0 : i32
        %dma_wait3A_281 = tpu.memref_slice %arg8[%add3A_216, %dma_wait3A_280] : memref<40x128xi32, #tpu.memory_space<vmem>> -> memref<1x128xi32, #tpu.memory_space<vmem>>
        %dma_wait3A_282 = tpu.memref_squeeze %dma_wait3A_281 : memref<1x128xi32, #tpu.memory_space<vmem>> -> memref<128xi32, #tpu.memory_space<vmem>>
        %dma_wait3A_283 = arith.constant 0 : i32
        %dma_wait3A_284 = arith.constant 0 : i32
        %dma_wait3A_285 = tpu.memref_slice %arg3[%dma_wait3A_283, %dma_wait3A_284] : memref<50000x32xbf16, #tpu.memory_space<hbm>> -> memref<50000x32xbf16, #tpu.memory_space<hbm>>
        tpu.wait_indirect_dma semaphore(%arg19 : memref<!tpu.dma_semaphore, #tpu.memory_space<semaphore_mem>>) src(%dma_wait3A_285 : memref<50000x32xbf16, #tpu.memory_space<hbm>>) dst(%arg12 : memref<128x32xbf16, #tpu.memory_space<vmem>>)
        %dma_wait3A_286 = arith.constant 0 : i32
        %dma_wait3A_287 = tpu.memref_slice %arg8[%add3A_224, %dma_wait3A_286] : memref<40x128xi32, #tpu.memory_space<vmem>> -> memref<1x128xi32, #tpu.memory_space<vmem>>
        %dma_wait3A_288 = tpu.memref_squeeze %dma_wait3A_287 : memref<1x128xi32, #tpu.memory_space<vmem>> -> memref<128xi32, #tpu.memory_space<vmem>>
        %dma_wait3A_289 = arith.constant 0 : i32
        %dma_wait3A_290 = arith.constant 0 : i32
        %dma_wait3A_291 = tpu.memref_slice %arg3[%dma_wait3A_289, %dma_wait3A_290] : memref<50000x32xbf16, #tpu.memory_space<hbm>> -> memref<50000x32xbf16, #tpu.memory_space<hbm>>
        tpu.wait_indirect_dma semaphore(%arg19 : memref<!tpu.dma_semaphore, #tpu.memory_space<semaphore_mem>>) src(%dma_wait3A_291 : memref<50000x32xbf16, #tpu.memory_space<hbm>>) dst(%arg13 : memref<128x32xbf16, #tpu.memory_space<vmem>>)
        %add3A_292 = arith.constant 0 : i32
        %add3A_293 = arith.addi %mul3A_199, %add3A_292 : i32
        %dma_start3A_294 = arith.constant 0 : i32
        %dma_start3A_295 = tpu.memref_slice %arg9[%add3A_293, %dma_start3A_294] : memref<40x128xi32, #tpu.memory_space<vmem>> -> memref<1x128xi32, #tpu.memory_space<vmem>>
        %dma_start3A_296 = tpu.memref_squeeze %dma_start3A_295 : memref<1x128xi32, #tpu.memory_space<vmem>> -> memref<128xi32, #tpu.memory_space<vmem>>
        %dma_start3A_297 = arith.constant 0 : i32
        %dma_start3A_298 = arith.constant 0 : i32
        %dma_start3A_299 = tpu.memref_slice %arg18[%dma_start3A_297, %dma_start3A_298] : memref<100096x32xbf16, #tpu.memory_space<vmem_shared>> -> memref<100096x32xbf16, #tpu.memory_space<vmem_shared>>
        tpu.enqueue_indirect_dma source(%arg10 : memref<128x32xbf16, #tpu.memory_space<vmem>>) target(%dma_start3A_299 : memref<100096x32xbf16, #tpu.memory_space<vmem_shared>>) offsets(%dma_start3A_296 : memref<128xi32, #tpu.memory_space<vmem>>) semaphore(%arg20 : memref<!tpu.dma_semaphore, #tpu.memory_space<semaphore_mem>>) {add = true}
        %add3A_300 = arith.constant 1 : i32
        %add3A_301 = arith.addi %mul3A_199, %add3A_300 : i32
        %dma_start3A_302 = arith.constant 0 : i32
        %dma_start3A_303 = tpu.memref_slice %arg9[%add3A_301, %dma_start3A_302] : memref<40x128xi32, #tpu.memory_space<vmem>> -> memref<1x128xi32, #tpu.memory_space<vmem>>
        %dma_start3A_304 = tpu.memref_squeeze %dma_start3A_303 : memref<1x128xi32, #tpu.memory_space<vmem>> -> memref<128xi32, #tpu.memory_space<vmem>>
        %dma_start3A_305 = arith.constant 0 : i32
        %dma_start3A_306 = arith.constant 0 : i32
        %dma_start3A_307 = tpu.memref_slice %arg18[%dma_start3A_305, %dma_start3A_306] : memref<100096x32xbf16, #tpu.memory_space<vmem_shared>> -> memref<100096x32xbf16, #tpu.memory_space<vmem_shared>>
        tpu.enqueue_indirect_dma source(%arg11 : memref<128x32xbf16, #tpu.memory_space<vmem>>) target(%dma_start3A_307 : memref<100096x32xbf16, #tpu.memory_space<vmem_shared>>) offsets(%dma_start3A_304 : memref<128xi32, #tpu.memory_space<vmem>>) semaphore(%arg20 : memref<!tpu.dma_semaphore, #tpu.memory_space<semaphore_mem>>) {add = true}
        %add3A_308 = arith.constant 2 : i32
        %add3A_309 = arith.addi %mul3A_199, %add3A_308 : i32
        %dma_start3A_310 = arith.constant 0 : i32
        %dma_start3A_311 = tpu.memref_slice %arg9[%add3A_309, %dma_start3A_310] : memref<40x128xi32, #tpu.memory_space<vmem>> -> memref<1x128xi32, #tpu.memory_space<vmem>>
        %dma_start3A_312 = tpu.memref_squeeze %dma_start3A_311 : memref<1x128xi32, #tpu.memory_space<vmem>> -> memref<128xi32, #tpu.memory_space<vmem>>
        %dma_start3A_313 = arith.constant 0 : i32
        %dma_start3A_314 = arith.constant 0 : i32
        %dma_start3A_315 = tpu.memref_slice %arg18[%dma_start3A_313, %dma_start3A_314] : memref<100096x32xbf16, #tpu.memory_space<vmem_shared>> -> memref<100096x32xbf16, #tpu.memory_space<vmem_shared>>
        tpu.enqueue_indirect_dma source(%arg12 : memref<128x32xbf16, #tpu.memory_space<vmem>>) target(%dma_start3A_315 : memref<100096x32xbf16, #tpu.memory_space<vmem_shared>>) offsets(%dma_start3A_312 : memref<128xi32, #tpu.memory_space<vmem>>) semaphore(%arg20 : memref<!tpu.dma_semaphore, #tpu.memory_space<semaphore_mem>>) {add = true}
        %add3A_316 = arith.constant 3 : i32
        %add3A_317 = arith.addi %mul3A_199, %add3A_316 : i32
        %dma_start3A_318 = arith.constant 0 : i32
        %dma_start3A_319 = tpu.memref_slice %arg9[%add3A_317, %dma_start3A_318] : memref<40x128xi32, #tpu.memory_space<vmem>> -> memref<1x128xi32, #tpu.memory_space<vmem>>
        %dma_start3A_320 = tpu.memref_squeeze %dma_start3A_319 : memref<1x128xi32, #tpu.memory_space<vmem>> -> memref<128xi32, #tpu.memory_space<vmem>>
        %dma_start3A_321 = arith.constant 0 : i32
        %dma_start3A_322 = arith.constant 0 : i32
        %dma_start3A_323 = tpu.memref_slice %arg18[%dma_start3A_321, %dma_start3A_322] : memref<100096x32xbf16, #tpu.memory_space<vmem_shared>> -> memref<100096x32xbf16, #tpu.memory_space<vmem_shared>>
        tpu.enqueue_indirect_dma source(%arg13 : memref<128x32xbf16, #tpu.memory_space<vmem>>) target(%dma_start3A_323 : memref<100096x32xbf16, #tpu.memory_space<vmem_shared>>) offsets(%dma_start3A_320 : memref<128xi32, #tpu.memory_space<vmem>>) semaphore(%arg20 : memref<!tpu.dma_semaphore, #tpu.memory_space<semaphore_mem>>) {add = true}
        %dma_wait3A_324 = arith.constant 0 : i32
        %dma_wait3A_325 = tpu.memref_slice %arg8[%add3A_237, %dma_wait3A_324] : memref<40x128xi32, #tpu.memory_space<vmem>> -> memref<1x128xi32, #tpu.memory_space<vmem>>
        %dma_wait3A_326 = tpu.memref_squeeze %dma_wait3A_325 : memref<1x128xi32, #tpu.memory_space<vmem>> -> memref<128xi32, #tpu.memory_space<vmem>>
        %dma_wait3A_327 = arith.constant 0 : i32
        %dma_wait3A_328 = arith.constant 0 : i32
        %dma_wait3A_329 = tpu.memref_slice %arg3[%dma_wait3A_327, %dma_wait3A_328] : memref<50000x32xbf16, #tpu.memory_space<hbm>> -> memref<50000x32xbf16, #tpu.memory_space<hbm>>
        tpu.wait_indirect_dma semaphore(%arg19 : memref<!tpu.dma_semaphore, #tpu.memory_space<semaphore_mem>>) src(%dma_wait3A_329 : memref<50000x32xbf16, #tpu.memory_space<hbm>>) dst(%arg14 : memref<128x32xbf16, #tpu.memory_space<vmem>>)
        %dma_wait3A_330 = arith.constant 0 : i32
        %dma_wait3A_331 = tpu.memref_slice %arg8[%add3A_245, %dma_wait3A_330] : memref<40x128xi32, #tpu.memory_space<vmem>> -> memref<1x128xi32, #tpu.memory_space<vmem>>
        %dma_wait3A_332 = tpu.memref_squeeze %dma_wait3A_331 : memref<1x128xi32, #tpu.memory_space<vmem>> -> memref<128xi32, #tpu.memory_space<vmem>>
        %dma_wait3A_333 = arith.constant 0 : i32
        %dma_wait3A_334 = arith.constant 0 : i32
        %dma_wait3A_335 = tpu.memref_slice %arg3[%dma_wait3A_333, %dma_wait3A_334] : memref<50000x32xbf16, #tpu.memory_space<hbm>> -> memref<50000x32xbf16, #tpu.memory_space<hbm>>
        tpu.wait_indirect_dma semaphore(%arg19 : memref<!tpu.dma_semaphore, #tpu.memory_space<semaphore_mem>>) src(%dma_wait3A_335 : memref<50000x32xbf16, #tpu.memory_space<hbm>>) dst(%arg15 : memref<128x32xbf16, #tpu.memory_space<vmem>>)
        %dma_wait3A_336 = arith.constant 0 : i32
        %dma_wait3A_337 = tpu.memref_slice %arg8[%add3A_253, %dma_wait3A_336] : memref<40x128xi32, #tpu.memory_space<vmem>> -> memref<1x128xi32, #tpu.memory_space<vmem>>
        %dma_wait3A_338 = tpu.memref_squeeze %dma_wait3A_337 : memref<1x128xi32, #tpu.memory_space<vmem>> -> memref<128xi32, #tpu.memory_space<vmem>>
        %dma_wait3A_339 = arith.constant 0 : i32
        %dma_wait3A_340 = arith.constant 0 : i32
        %dma_wait3A_341 = tpu.memref_slice %arg3[%dma_wait3A_339, %dma_wait3A_340] : memref<50000x32xbf16, #tpu.memory_space<hbm>> -> memref<50000x32xbf16, #tpu.memory_space<hbm>>
        tpu.wait_indirect_dma semaphore(%arg19 : memref<!tpu.dma_semaphore, #tpu.memory_space<semaphore_mem>>) src(%dma_wait3A_341 : memref<50000x32xbf16, #tpu.memory_space<hbm>>) dst(%arg16 : memref<128x32xbf16, #tpu.memory_space<vmem>>)
        %dma_wait3A_342 = arith.constant 0 : i32
        %dma_wait3A_343 = tpu.memref_slice %arg8[%add3A_261, %dma_wait3A_342] : memref<40x128xi32, #tpu.memory_space<vmem>> -> memref<1x128xi32, #tpu.memory_space<vmem>>
        %dma_wait3A_344 = tpu.memref_squeeze %dma_wait3A_343 : memref<1x128xi32, #tpu.memory_space<vmem>> -> memref<128xi32, #tpu.memory_space<vmem>>
        %dma_wait3A_345 = arith.constant 0 : i32
        %dma_wait3A_346 = arith.constant 0 : i32
        %dma_wait3A_347 = tpu.memref_slice %arg3[%dma_wait3A_345, %dma_wait3A_346] : memref<50000x32xbf16, #tpu.memory_space<hbm>> -> memref<50000x32xbf16, #tpu.memory_space<hbm>>
        tpu.wait_indirect_dma semaphore(%arg19 : memref<!tpu.dma_semaphore, #tpu.memory_space<semaphore_mem>>) src(%dma_wait3A_347 : memref<50000x32xbf16, #tpu.memory_space<hbm>>) dst(%arg17 : memref<128x32xbf16, #tpu.memory_space<vmem>>)
        %dma_wait3A_348 = arith.constant 0 : i32
        %dma_wait3A_349 = tpu.memref_slice %arg9[%add3A_293, %dma_wait3A_348] : memref<40x128xi32, #tpu.memory_space<vmem>> -> memref<1x128xi32, #tpu.memory_space<vmem>>
        %dma_wait3A_350 = tpu.memref_squeeze %dma_wait3A_349 : memref<1x128xi32, #tpu.memory_space<vmem>> -> memref<128xi32, #tpu.memory_space<vmem>>
        %dma_wait3A_351 = arith.constant 0 : i32
        %dma_wait3A_352 = arith.constant 0 : i32
        %dma_wait3A_353 = tpu.memref_slice %arg18[%dma_wait3A_351, %dma_wait3A_352] : memref<100096x32xbf16, #tpu.memory_space<vmem_shared>> -> memref<100096x32xbf16, #tpu.memory_space<vmem_shared>>
        tpu.wait_indirect_dma semaphore(%arg20 : memref<!tpu.dma_semaphore, #tpu.memory_space<semaphore_mem>>) src(%arg10 : memref<128x32xbf16, #tpu.memory_space<vmem>>) dst(%dma_wait3A_353 : memref<100096x32xbf16, #tpu.memory_space<vmem_shared>>)
        %dma_wait3A_354 = arith.constant 0 : i32
        %dma_wait3A_355 = tpu.memref_slice %arg9[%add3A_301, %dma_wait3A_354] : memref<40x128xi32, #tpu.memory_space<vmem>> -> memref<1x128xi32, #tpu.memory_space<vmem>>
        %dma_wait3A_356 = tpu.memref_squeeze %dma_wait3A_355 : memref<1x128xi32, #tpu.memory_space<vmem>> -> memref<128xi32, #tpu.memory_space<vmem>>
        %dma_wait3A_357 = arith.constant 0 : i32
        %dma_wait3A_358 = arith.constant 0 : i32
        %dma_wait3A_359 = tpu.memref_slice %arg18[%dma_wait3A_357, %dma_wait3A_358] : memref<100096x32xbf16, #tpu.memory_space<vmem_shared>> -> memref<100096x32xbf16, #tpu.memory_space<vmem_shared>>
        tpu.wait_indirect_dma semaphore(%arg20 : memref<!tpu.dma_semaphore, #tpu.memory_space<semaphore_mem>>) src(%arg11 : memref<128x32xbf16, #tpu.memory_space<vmem>>) dst(%dma_wait3A_359 : memref<100096x32xbf16, #tpu.memory_space<vmem_shared>>)
        %dma_wait3A_360 = arith.constant 0 : i32
        %dma_wait3A_361 = tpu.memref_slice %arg9[%add3A_309, %dma_wait3A_360] : memref<40x128xi32, #tpu.memory_space<vmem>> -> memref<1x128xi32, #tpu.memory_space<vmem>>
        %dma_wait3A_362 = tpu.memref_squeeze %dma_wait3A_361 : memref<1x128xi32, #tpu.memory_space<vmem>> -> memref<128xi32, #tpu.memory_space<vmem>>
        %dma_wait3A_363 = arith.constant 0 : i32
        %dma_wait3A_364 = arith.constant 0 : i32
        %dma_wait3A_365 = tpu.memref_slice %arg18[%dma_wait3A_363, %dma_wait3A_364] : memref<100096x32xbf16, #tpu.memory_space<vmem_shared>> -> memref<100096x32xbf16, #tpu.memory_space<vmem_shared>>
        tpu.wait_indirect_dma semaphore(%arg20 : memref<!tpu.dma_semaphore, #tpu.memory_space<semaphore_mem>>) src(%arg12 : memref<128x32xbf16, #tpu.memory_space<vmem>>) dst(%dma_wait3A_365 : memref<100096x32xbf16, #tpu.memory_space<vmem_shared>>)
        %dma_wait3A_366 = arith.constant 0 : i32
        %dma_wait3A_367 = tpu.memref_slice %arg9[%add3A_317, %dma_wait3A_366] : memref<40x128xi32, #tpu.memory_space<vmem>> -> memref<1x128xi32, #tpu.memory_space<vmem>>
        %dma_wait3A_368 = tpu.memref_squeeze %dma_wait3A_367 : memref<1x128xi32, #tpu.memory_space<vmem>> -> memref<128xi32, #tpu.memory_space<vmem>>
        %dma_wait3A_369 = arith.constant 0 : i32
        %dma_wait3A_370 = arith.constant 0 : i32
        %dma_wait3A_371 = tpu.memref_slice %arg18[%dma_wait3A_369, %dma_wait3A_370] : memref<100096x32xbf16, #tpu.memory_space<vmem_shared>> -> memref<100096x32xbf16, #tpu.memory_space<vmem_shared>>
        tpu.wait_indirect_dma semaphore(%arg20 : memref<!tpu.dma_semaphore, #tpu.memory_space<semaphore_mem>>) src(%arg13 : memref<128x32xbf16, #tpu.memory_space<vmem>>) dst(%dma_wait3A_371 : memref<100096x32xbf16, #tpu.memory_space<vmem_shared>>)
        %add3A_372 = arith.constant 4 : i32
        %add3A_373 = arith.addi %mul3A_199, %add3A_372 : i32
        %dma_start3A_374 = arith.constant 0 : i32
        %dma_start3A_375 = tpu.memref_slice %arg9[%add3A_373, %dma_start3A_374] : memref<40x128xi32, #tpu.memory_space<vmem>> -> memref<1x128xi32, #tpu.memory_space<vmem>>
        %dma_start3A_376 = tpu.memref_squeeze %dma_start3A_375 : memref<1x128xi32, #tpu.memory_space<vmem>> -> memref<128xi32, #tpu.memory_space<vmem>>
        %dma_start3A_377 = arith.constant 0 : i32
        %dma_start3A_378 = arith.constant 0 : i32
        %dma_start3A_379 = tpu.memref_slice %arg18[%dma_start3A_377, %dma_start3A_378] : memref<100096x32xbf16, #tpu.memory_space<vmem_shared>> -> memref<100096x32xbf16, #tpu.memory_space<vmem_shared>>
        tpu.enqueue_indirect_dma source(%arg14 : memref<128x32xbf16, #tpu.memory_space<vmem>>) target(%dma_start3A_379 : memref<100096x32xbf16, #tpu.memory_space<vmem_shared>>) offsets(%dma_start3A_376 : memref<128xi32, #tpu.memory_space<vmem>>) semaphore(%arg20 : memref<!tpu.dma_semaphore, #tpu.memory_space<semaphore_mem>>) {add = true}
        %add3A_380 = arith.constant 5 : i32
        %add3A_381 = arith.addi %mul3A_199, %add3A_380 : i32
        %dma_start3A_382 = arith.constant 0 : i32
        %dma_start3A_383 = tpu.memref_slice %arg9[%add3A_381, %dma_start3A_382] : memref<40x128xi32, #tpu.memory_space<vmem>> -> memref<1x128xi32, #tpu.memory_space<vmem>>
        %dma_start3A_384 = tpu.memref_squeeze %dma_start3A_383 : memref<1x128xi32, #tpu.memory_space<vmem>> -> memref<128xi32, #tpu.memory_space<vmem>>
        %dma_start3A_385 = arith.constant 0 : i32
        %dma_start3A_386 = arith.constant 0 : i32
        %dma_start3A_387 = tpu.memref_slice %arg18[%dma_start3A_385, %dma_start3A_386] : memref<100096x32xbf16, #tpu.memory_space<vmem_shared>> -> memref<100096x32xbf16, #tpu.memory_space<vmem_shared>>
        tpu.enqueue_indirect_dma source(%arg15 : memref<128x32xbf16, #tpu.memory_space<vmem>>) target(%dma_start3A_387 : memref<100096x32xbf16, #tpu.memory_space<vmem_shared>>) offsets(%dma_start3A_384 : memref<128xi32, #tpu.memory_space<vmem>>) semaphore(%arg20 : memref<!tpu.dma_semaphore, #tpu.memory_space<semaphore_mem>>) {add = true}
        %add3A_388 = arith.constant 6 : i32
        %add3A_389 = arith.addi %mul3A_199, %add3A_388 : i32
        %dma_start3A_390 = arith.constant 0 : i32
        %dma_start3A_391 = tpu.memref_slice %arg9[%add3A_389, %dma_start3A_390] : memref<40x128xi32, #tpu.memory_space<vmem>> -> memref<1x128xi32, #tpu.memory_space<vmem>>
        %dma_start3A_392 = tpu.memref_squeeze %dma_start3A_391 : memref<1x128xi32, #tpu.memory_space<vmem>> -> memref<128xi32, #tpu.memory_space<vmem>>
        %dma_start3A_393 = arith.constant 0 : i32
        %dma_start3A_394 = arith.constant 0 : i32
        %dma_start3A_395 = tpu.memref_slice %arg18[%dma_start3A_393, %dma_start3A_394] : memref<100096x32xbf16, #tpu.memory_space<vmem_shared>> -> memref<100096x32xbf16, #tpu.memory_space<vmem_shared>>
        tpu.enqueue_indirect_dma source(%arg16 : memref<128x32xbf16, #tpu.memory_space<vmem>>) target(%dma_start3A_395 : memref<100096x32xbf16, #tpu.memory_space<vmem_shared>>) offsets(%dma_start3A_392 : memref<128xi32, #tpu.memory_space<vmem>>) semaphore(%arg20 : memref<!tpu.dma_semaphore, #tpu.memory_space<semaphore_mem>>) {add = true}
        %add3A_396 = arith.constant 7 : i32
        %add3A_397 = arith.addi %mul3A_199, %add3A_396 : i32
        %dma_start3A_398 = arith.constant 0 : i32
        %dma_start3A_399 = tpu.memref_slice %arg9[%add3A_397, %dma_start3A_398] : memref<40x128xi32, #tpu.memory_space<vmem>> -> memref<1x128xi32, #tpu.memory_space<vmem>>
        %dma_start3A_400 = tpu.memref_squeeze %dma_start3A_399 : memref<1x128xi32, #tpu.memory_space<vmem>> -> memref<128xi32, #tpu.memory_space<vmem>>
        %dma_start3A_401 = arith.constant 0 : i32
        %dma_start3A_402 = arith.constant 0 : i32
        %dma_start3A_403 = tpu.memref_slice %arg18[%dma_start3A_401, %dma_start3A_402] : memref<100096x32xbf16, #tpu.memory_space<vmem_shared>> -> memref<100096x32xbf16, #tpu.memory_space<vmem_shared>>
        tpu.enqueue_indirect_dma source(%arg17 : memref<128x32xbf16, #tpu.memory_space<vmem>>) target(%dma_start3A_403 : memref<100096x32xbf16, #tpu.memory_space<vmem_shared>>) offsets(%dma_start3A_400 : memref<128xi32, #tpu.memory_space<vmem>>) semaphore(%arg20 : memref<!tpu.dma_semaphore, #tpu.memory_space<semaphore_mem>>) {add = true}
      }
      %scan3A_196 = arith.constant 5 : i32
    }
    %scan3A_82 = arith.constant 5 : i32
    %dma_wait3A_83 = arith.constant 0 : i32
    %dma_wait3A_84 = arith.constant 0 : i32
    %dma_wait3A_85 = tpu.memref_slice %arg9[%dma_wait3A_83, %dma_wait3A_84] : memref<40x128xi32, #tpu.memory_space<vmem>> -> memref<1x128xi32, #tpu.memory_space<vmem>>
    %dma_wait3A_86 = tpu.memref_squeeze %dma_wait3A_85 : memref<1x128xi32, #tpu.memory_space<vmem>> -> memref<128xi32, #tpu.memory_space<vmem>>
    %dma_wait3A_87 = arith.constant 0 : i32
    %dma_wait3A_88 = arith.constant 0 : i32
    %dma_wait3A_89 = tpu.memref_slice %arg18[%dma_wait3A_87, %dma_wait3A_88] : memref<100096x32xbf16, #tpu.memory_space<vmem_shared>> -> memref<100096x32xbf16, #tpu.memory_space<vmem_shared>>
    tpu.wait_indirect_dma semaphore(%arg20 : memref<!tpu.dma_semaphore, #tpu.memory_space<semaphore_mem>>) src(%arg14 : memref<128x32xbf16, #tpu.memory_space<vmem>>) dst(%dma_wait3A_89 : memref<100096x32xbf16, #tpu.memory_space<vmem_shared>>)
    %dma_wait3A_90 = arith.constant 0 : i32
    %dma_wait3A_91 = arith.constant 0 : i32
    %dma_wait3A_92 = tpu.memref_slice %arg9[%dma_wait3A_90, %dma_wait3A_91] : memref<40x128xi32, #tpu.memory_space<vmem>> -> memref<1x128xi32, #tpu.memory_space<vmem>>
    %dma_wait3A_93 = tpu.memref_squeeze %dma_wait3A_92 : memref<1x128xi32, #tpu.memory_space<vmem>> -> memref<128xi32, #tpu.memory_space<vmem>>
    %dma_wait3A_94 = arith.constant 0 : i32
    %dma_wait3A_95 = arith.constant 0 : i32
    %dma_wait3A_96 = tpu.memref_slice %arg18[%dma_wait3A_94, %dma_wait3A_95] : memref<100096x32xbf16, #tpu.memory_space<vmem_shared>> -> memref<100096x32xbf16, #tpu.memory_space<vmem_shared>>
    tpu.wait_indirect_dma semaphore(%arg20 : memref<!tpu.dma_semaphore, #tpu.memory_space<semaphore_mem>>) src(%arg14 : memref<128x32xbf16, #tpu.memory_space<vmem>>) dst(%dma_wait3A_96 : memref<100096x32xbf16, #tpu.memory_space<vmem_shared>>)
    %dma_wait3A_97 = arith.constant 0 : i32
    %dma_wait3A_98 = arith.constant 0 : i32
    %dma_wait3A_99 = tpu.memref_slice %arg9[%dma_wait3A_97, %dma_wait3A_98] : memref<40x128xi32, #tpu.memory_space<vmem>> -> memref<1x128xi32, #tpu.memory_space<vmem>>
    %dma_wait3A_100 = tpu.memref_squeeze %dma_wait3A_99 : memref<1x128xi32, #tpu.memory_space<vmem>> -> memref<128xi32, #tpu.memory_space<vmem>>
    %dma_wait3A_101 = arith.constant 0 : i32
    %dma_wait3A_102 = arith.constant 0 : i32
    %dma_wait3A_103 = tpu.memref_slice %arg18[%dma_wait3A_101, %dma_wait3A_102] : memref<100096x32xbf16, #tpu.memory_space<vmem_shared>> -> memref<100096x32xbf16, #tpu.memory_space<vmem_shared>>
    tpu.wait_indirect_dma semaphore(%arg20 : memref<!tpu.dma_semaphore, #tpu.memory_space<semaphore_mem>>) src(%arg14 : memref<128x32xbf16, #tpu.memory_space<vmem>>) dst(%dma_wait3A_103 : memref<100096x32xbf16, #tpu.memory_space<vmem_shared>>)
    %dma_wait3A_104 = arith.constant 0 : i32
    %dma_wait3A_105 = arith.constant 0 : i32
    %dma_wait3A_106 = tpu.memref_slice %arg9[%dma_wait3A_104, %dma_wait3A_105] : memref<40x128xi32, #tpu.memory_space<vmem>> -> memref<1x128xi32, #tpu.memory_space<vmem>>
    %dma_wait3A_107 = tpu.memref_squeeze %dma_wait3A_106 : memref<1x128xi32, #tpu.memory_space<vmem>> -> memref<128xi32, #tpu.memory_space<vmem>>
    %dma_wait3A_108 = arith.constant 0 : i32
    %dma_wait3A_109 = arith.constant 0 : i32
    %dma_wait3A_110 = tpu.memref_slice %arg18[%dma_wait3A_108, %dma_wait3A_109] : memref<100096x32xbf16, #tpu.memory_space<vmem_shared>> -> memref<100096x32xbf16, #tpu.memory_space<vmem_shared>>
    tpu.wait_indirect_dma semaphore(%arg20 : memref<!tpu.dma_semaphore, #tpu.memory_space<semaphore_mem>>) src(%arg14 : memref<128x32xbf16, #tpu.memory_space<vmem>>) dst(%dma_wait3A_110 : memref<100096x32xbf16, #tpu.memory_space<vmem_shared>>)
    %barrier3A_111 = arith.constant 0 : index
    tpu.barrier barrier_id(%barrier3A_111)
    %run_scoped3A_112 = arith.constant 1 : i32
    "tpu.region"() ({
      %run_scoped3A_189 = tpu.sem_alloc : memref<!tpu.dma_semaphore, #tpu.memory_space<semaphore_mem>>
      %dma_start3A = arith.constant 0 : i32
      %dma_start3A_190 = tpu.memref_slice %arg6[%arg0, %run_scoped3A_112, %mul3A_2, %dma_start3A] : memref<2x2x100096x32xbf16, #tpu.memory_space<hbm>> -> memref<1x1x6256x32xbf16, #tpu.memory_space<hbm>>
      %dma_start3A_191 = tpu.memref_squeeze %dma_start3A_190 : memref<1x1x6256x32xbf16, #tpu.memory_space<hbm>> -> memref<6256x32xbf16, #tpu.memory_space<hbm>>
      %dma_start3A_192 = arith.constant 0 : i32
      %dma_start3A_193 = tpu.memref_slice %arg18[%mul3A_2, %dma_start3A_192] : memref<100096x32xbf16, #tpu.memory_space<vmem_shared>> -> memref<6256x32xbf16, #tpu.memory_space<vmem_shared>>
      tpu.enqueue_dma source(%dma_start3A_193 : memref<6256x32xbf16, #tpu.memory_space<vmem_shared>>) target(%dma_start3A_191 : memref<6256x32xbf16, #tpu.memory_space<hbm>>) target_semaphore(%run_scoped3A_189 : memref<!tpu.dma_semaphore, #tpu.memory_space<semaphore_mem>>)
      %dma_wait3A_194 = arith.constant 0 : i32
      %dma_wait3A_195 = tpu.memref_slice %arg6[%arg0, %run_scoped3A_112, %mul3A_2, %dma_wait3A_194] : memref<2x2x100096x32xbf16, #tpu.memory_space<hbm>> -> memref<1x1x6256x32xbf16, #tpu.memory_space<hbm>>
      %dma_wait3A_196 = tpu.memref_squeeze %dma_wait3A_195 : memref<1x1x6256x32xbf16, #tpu.memory_space<hbm>> -> memref<6256x32xbf16, #tpu.memory_space<hbm>>
      %dma_wait3A_197 = arith.constant 0 : i32
      %dma_wait3A_198 = tpu.memref_slice %arg18[%mul3A_2, %dma_wait3A_197] : memref<100096x32xbf16, #tpu.memory_space<vmem_shared>> -> memref<6256x32xbf16, #tpu.memory_space<vmem_shared>>
      tpu.wait_dma2 semaphore(%run_scoped3A_189 : memref<!tpu.dma_semaphore, #tpu.memory_space<semaphore_mem>>) src(%dma_wait3A_198 : memref<6256x32xbf16, #tpu.memory_space<vmem_shared>>) dst(%dma_wait3A_196 : memref<6256x32xbf16, #tpu.memory_space<hbm>>)
      tpu.yield
    }) : () -> ()
    %scan3A_113 = arith.constant 0 : i32
    %scan3A_114 = arith.constant 0 : i32
    %scan3A_115 = arith.constant 128 : i32
    %scan3A_116 = arith.addi %scan3A_114, %scan3A_115 : i32
    %scan3A_117 = arith.constant 1 : i32
    scf.for %scan3A_189 = %scan3A_114 to %scan3A_116 step %scan3A_117  : i32 {
      %broadcast_in_dim3A = arith.constant 0.000000e+00 : bf16
      %broadcast_in_dim3A_190 = vector.broadcast %broadcast_in_dim3A : bf16 to vector<32xbf16>
      %swap3A = arith.index_cast %scan3A_189 : i32 to index
      %swap3A_191 = arith.constant 0 : index
      %swap3A_192 = tpu.vector_load %arg10[%swap3A, %swap3A_191] {strides = array<i32>} : memref<128x32xbf16, #tpu.memory_space<vmem>>, vector<1x32xbf16>,
      %swap3A_193 = vector.shape_cast %swap3A_192 : vector<1x32xbf16> to vector<32xbf16>
      %swap3A_194 = vector.shape_cast %broadcast_in_dim3A_190 : vector<32xbf16> to vector<1x32xbf16>
      tpu.vector_store %arg10[%swap3A, %swap3A_191], %swap3A_194 {strides = array<i32>} : memref<128x32xbf16, #tpu.memory_space<vmem>>, vector<1x32xbf16>,
    }
    %scan3A_118 = arith.constant 128 : i32
    %scan3A_119 = arith.constant 0 : i32
    %scan3A_120 = arith.constant 0 : i32
    %scan3A_121 = arith.constant 48 : i32
    %scan3A_122 = arith.addi %scan3A_120, %scan3A_121 : i32
    %scan3A_123 = arith.constant 1 : i32
    scf.for %scan3A_189 = %scan3A_120 to %scan3A_122 step %scan3A_123  : i32 {
      %mul3A_190 = arith.constant 128 : i32
      %mul3A_191 = arith.muli %scan3A_189, %mul3A_190 : i32
      %add3A_192 = arith.addi %mul3A_2, %mul3A_191 : i32
      %dma_start3A = arith.constant 0 : i32
      %dma_start3A_193 = tpu.memref_slice %arg18[%add3A_192, %dma_start3A] : memref<100096x32xbf16, #tpu.memory_space<vmem_shared>> -> memref<128x32xbf16, #tpu.memory_space<vmem_shared>>
      %dma_start3A_194 = arith.constant 0 : i32
      %dma_start3A_195 = tpu.memref_slice %arg18[%add3A_192, %dma_start3A_194] : memref<100096x32xbf16, #tpu.memory_space<vmem_shared>> -> memref<128x32xbf16, #tpu.memory_space<vmem_shared>>
      tpu.enqueue_dma source(%arg10 : memref<128x32xbf16, #tpu.memory_space<vmem>>) target(%dma_start3A_195 : memref<128x32xbf16, #tpu.memory_space<vmem_shared>>) target_semaphore(%arg20 : memref<!tpu.dma_semaphore, #tpu.memory_space<semaphore_mem>>)
    }
    %scan3A_124 = arith.constant 48 : i32
    %scan3A_125 = arith.constant 0 : i32
    %scan3A_126 = arith.constant 0 : i32
    %scan3A_127 = arith.constant 48 : i32
    %scan3A_128 = arith.addi %scan3A_126, %scan3A_127 : i32
    %scan3A_129 = arith.constant 1 : i32
    scf.for %scan3A_189 = %scan3A_126 to %scan3A_128 step %scan3A_129  : i32 {
      %mul3A_190 = arith.constant 128 : i32
      %mul3A_191 = arith.muli %scan3A_189, %mul3A_190 : i32
      %add3A_192 = arith.addi %mul3A_2, %mul3A_191 : i32
      %dma_wait3A_193 = arith.constant 0 : i32
      %dma_wait3A_194 = tpu.memref_slice %arg18[%add3A_192, %dma_wait3A_193] : memref<100096x32xbf16, #tpu.memory_space<vmem_shared>> -> memref<128x32xbf16, #tpu.memory_space<vmem_shared>>
      %dma_wait3A_195 = arith.constant 0 : i32
      %dma_wait3A_196 = tpu.memref_slice %arg18[%add3A_192, %dma_wait3A_195] : memref<100096x32xbf16, #tpu.memory_space<vmem_shared>> -> memref<128x32xbf16, #tpu.memory_space<vmem_shared>>
      tpu.wait_dma2 semaphore(%arg20 : memref<!tpu.dma_semaphore, #tpu.memory_space<semaphore_mem>>) src(%arg10 : memref<128x32xbf16, #tpu.memory_space<vmem>>) dst(%dma_wait3A_196 : memref<128x32xbf16, #tpu.memory_space<vmem_shared>>)
    }
    %scan3A_130 = arith.constant 48 : i32
    %add3A_131 = arith.constant 6144 : i32
    %add3A_132 = arith.addi %mul3A_2, %add3A_131 : i32
    "tpu.region"() ({
      %run_scoped3A_189 = tpu.sem_alloc : memref<!tpu.dma_semaphore, #tpu.memory_space<semaphore_mem>>
      %dma_start3A = arith.constant 0 : i32
      %dma_start3A_190 = arith.constant 0 : i32
      %dma_start3A_191 = tpu.memref_slice %arg10[%dma_start3A, %dma_start3A_190] : memref<128x32xbf16, #tpu.memory_space<vmem>> -> memref<112x32xbf16, #tpu.memory_space<vmem>>
      %dma_start3A_192 = arith.constant 0 : i32
      %dma_start3A_193 = tpu.memref_slice %arg18[%add3A_132, %dma_start3A_192] : memref<100096x32xbf16, #tpu.memory_space<vmem_shared>> -> memref<112x32xbf16, #tpu.memory_space<vmem_shared>>
      %dma_start3A_194 = arith.constant 0 : i32
      %dma_start3A_195 = tpu.memref_slice %arg18[%add3A_132, %dma_start3A_194] : memref<100096x32xbf16, #tpu.memory_space<vmem_shared>> -> memref<112x32xbf16, #tpu.memory_space<vmem_shared>>
      %dma_start3A_196 = arith.constant 0 : i32
      %dma_start3A_197 = arith.constant 0 : i32
      %dma_start3A_198 = tpu.memref_slice %arg10[%dma_start3A_196, %dma_start3A_197] : memref<128x32xbf16, #tpu.memory_space<vmem>> -> memref<112x32xbf16, #tpu.memory_space<vmem>>
      tpu.enqueue_dma source(%dma_start3A_198 : memref<112x32xbf16, #tpu.memory_space<vmem>>) target(%dma_start3A_195 : memref<112x32xbf16, #tpu.memory_space<vmem_shared>>) target_semaphore(%run_scoped3A_189 : memref<!tpu.dma_semaphore, #tpu.memory_space<semaphore_mem>>)
      %dma_wait3A_199 = arith.constant 0 : i32
      %dma_wait3A_200 = arith.constant 0 : i32
      %dma_wait3A_201 = tpu.memref_slice %arg10[%dma_wait3A_199, %dma_wait3A_200] : memref<128x32xbf16, #tpu.memory_space<vmem>> -> memref<112x32xbf16, #tpu.memory_space<vmem>>
      %dma_wait3A_202 = arith.constant 0 : i32
      %dma_wait3A_203 = tpu.memref_slice %arg18[%add3A_132, %dma_wait3A_202] : memref<100096x32xbf16, #tpu.memory_space<vmem_shared>> -> memref<112x32xbf16, #tpu.memory_space<vmem_shared>>
      %dma_wait3A_204 = arith.constant 0 : i32
      %dma_wait3A_205 = tpu.memref_slice %arg18[%add3A_132, %dma_wait3A_204] : memref<100096x32xbf16, #tpu.memory_space<vmem_shared>> -> memref<112x32xbf16, #tpu.memory_space<vmem_shared>>
      %dma_wait3A_206 = arith.constant 0 : i32
      %dma_wait3A_207 = arith.constant 0 : i32
      %dma_wait3A_208 = tpu.memref_slice %arg10[%dma_wait3A_206, %dma_wait3A_207] : memref<128x32xbf16, #tpu.memory_space<vmem>> -> memref<112x32xbf16, #tpu.memory_space<vmem>>
      tpu.wait_dma2 semaphore(%run_scoped3A_189 : memref<!tpu.dma_semaphore, #tpu.memory_space<semaphore_mem>>) src(%dma_wait3A_208 : memref<112x32xbf16, #tpu.memory_space<vmem>>) dst(%dma_wait3A_205 : memref<112x32xbf16, #tpu.memory_space<vmem_shared>>)
      tpu.yield
    }) : () -> ()
    %barrier3A_133 = arith.constant 0 : index
    tpu.barrier barrier_id(%barrier3A_133)
    %scan3A_134 = arith.constant 0 : i32
    %scan3A_135 = arith.constant 0 : i32
    %scan3A_136 = arith.constant 128 : i32
    %scan3A_137 = arith.addi %scan3A_135, %scan3A_136 : i32
    %scan3A_138 = arith.constant 1 : i32
    scf.for %scan3A_189 = %scan3A_135 to %scan3A_137 step %scan3A_138  : i32 {
      %broadcast_in_dim3A = arith.constant 1.000000e+00 : bf16
      %broadcast_in_dim3A_190 = vector.broadcast %broadcast_in_dim3A : bf16 to vector<32xbf16>
      %swap3A = arith.index_cast %scan3A_189 : i32 to index
      %swap3A_191 = arith.constant 0 : index
      %swap3A_192 = tpu.vector_load %arg10[%swap3A, %swap3A_191] {strides = array<i32>} : memref<128x32xbf16, #tpu.memory_space<vmem>>, vector<1x32xbf16>,
      %swap3A_193 = vector.shape_cast %swap3A_192 : vector<1x32xbf16> to vector<32xbf16>
      %swap3A_194 = vector.shape_cast %broadcast_in_dim3A_190 : vector<32xbf16> to vector<1x32xbf16>
      tpu.vector_store %arg10[%swap3A, %swap3A_191], %swap3A_194 {strides = array<i32>} : memref<128x32xbf16, #tpu.memory_space<vmem>>, vector<1x32xbf16>,
    }
    %scan3A_139 = arith.constant 128 : i32
    %scan3A_140 = arith.constant 0 : i32
    %scan3A_141 = arith.constant 0 : i32
    %scan3A_142 = arith.constant 128 : i32
    %scan3A_143 = arith.addi %scan3A_141, %scan3A_142 : i32
    %scan3A_144 = arith.constant 1 : i32
    scf.for %scan3A_189 = %scan3A_141 to %scan3A_143 step %scan3A_144  : i32 {
      %broadcast_in_dim3A = arith.constant 1.000000e+00 : bf16
      %broadcast_in_dim3A_190 = vector.broadcast %broadcast_in_dim3A : bf16 to vector<32xbf16>
      %swap3A = arith.index_cast %scan3A_189 : i32 to index
      %swap3A_191 = arith.constant 0 : index
      %swap3A_192 = tpu.vector_load %arg11[%swap3A, %swap3A_191] {strides = array<i32>} : memref<128x32xbf16, #tpu.memory_space<vmem>>, vector<1x32xbf16>,
      %swap3A_193 = vector.shape_cast %swap3A_192 : vector<1x32xbf16> to vector<32xbf16>
      %swap3A_194 = vector.shape_cast %broadcast_in_dim3A_190 : vector<32xbf16> to vector<1x32xbf16>
      tpu.vector_store %arg11[%swap3A, %swap3A_191], %swap3A_194 {strides = array<i32>} : memref<128x32xbf16, #tpu.memory_space<vmem>>, vector<1x32xbf16>,
    }
    %scan3A_145 = arith.constant 128 : i32
    %scan3A_146 = arith.constant 0 : i32
    %scan3A_147 = arith.constant 0 : i32
    %scan3A_148 = arith.constant 128 : i32
    %scan3A_149 = arith.addi %scan3A_147, %scan3A_148 : i32
    %scan3A_150 = arith.constant 1 : i32
    scf.for %scan3A_189 = %scan3A_147 to %scan3A_149 step %scan3A_150  : i32 {
      %broadcast_in_dim3A = arith.constant 1.000000e+00 : bf16
      %broadcast_in_dim3A_190 = vector.broadcast %broadcast_in_dim3A : bf16 to vector<32xbf16>
      %swap3A = arith.index_cast %scan3A_189 : i32 to index
      %swap3A_191 = arith.constant 0 : index
      %swap3A_192 = tpu.vector_load %arg12[%swap3A, %swap3A_191] {strides = array<i32>} : memref<128x32xbf16, #tpu.memory_space<vmem>>, vector<1x32xbf16>,
      %swap3A_193 = vector.shape_cast %swap3A_192 : vector<1x32xbf16> to vector<32xbf16>
      %swap3A_194 = vector.shape_cast %broadcast_in_dim3A_190 : vector<32xbf16> to vector<1x32xbf16>
      tpu.vector_store %arg12[%swap3A, %swap3A_191], %swap3A_194 {strides = array<i32>} : memref<128x32xbf16, #tpu.memory_space<vmem>>, vector<1x32xbf16>,
    }
    %scan3A_151 = arith.constant 128 : i32
    %scan3A_152 = arith.constant 0 : i32
    %scan3A_153 = arith.constant 0 : i32
    %scan3A_154 = arith.constant 128 : i32
    %scan3A_155 = arith.addi %scan3A_153, %scan3A_154 : i32
    %scan3A_156 = arith.constant 1 : i32
    scf.for %scan3A_189 = %scan3A_153 to %scan3A_155 step %scan3A_156  : i32 {
      %broadcast_in_dim3A = arith.constant 1.000000e+00 : bf16
      %broadcast_in_dim3A_190 = vector.broadcast %broadcast_in_dim3A : bf16 to vector<32xbf16>
      %swap3A = arith.index_cast %scan3A_189 : i32 to index
      %swap3A_191 = arith.constant 0 : index
      %swap3A_192 = tpu.vector_load %arg13[%swap3A, %swap3A_191] {strides = array<i32>} : memref<128x32xbf16, #tpu.memory_space<vmem>>, vector<1x32xbf16>,
      %swap3A_193 = vector.shape_cast %swap3A_192 : vector<1x32xbf16> to vector<32xbf16>
      %swap3A_194 = vector.shape_cast %broadcast_in_dim3A_190 : vector<32xbf16> to vector<1x32xbf16>
      tpu.vector_store %arg13[%swap3A, %swap3A_191], %swap3A_194 {strides = array<i32>} : memref<128x32xbf16, #tpu.memory_space<vmem>>, vector<1x32xbf16>,
    }
    %scan3A_157 = arith.constant 128 : i32
    %scan3A_158 = arith.constant 0 : i32
    %scan3A_159 = arith.constant 0 : i32
    %scan3A_160 = arith.constant 128 : i32
    %scan3A_161 = arith.addi %scan3A_159, %scan3A_160 : i32
    %scan3A_162 = arith.constant 1 : i32
    scf.for %scan3A_189 = %scan3A_159 to %scan3A_161 step %scan3A_162  : i32 {
      %broadcast_in_dim3A = arith.constant 1.000000e+00 : bf16
      %broadcast_in_dim3A_190 = vector.broadcast %broadcast_in_dim3A : bf16 to vector<32xbf16>
      %swap3A = arith.index_cast %scan3A_189 : i32 to index
      %swap3A_191 = arith.constant 0 : index
      %swap3A_192 = tpu.vector_load %arg14[%swap3A, %swap3A_191] {strides = array<i32>} : memref<128x32xbf16, #tpu.memory_space<vmem>>, vector<1x32xbf16>,
      %swap3A_193 = vector.shape_cast %swap3A_192 : vector<1x32xbf16> to vector<32xbf16>
      %swap3A_194 = vector.shape_cast %broadcast_in_dim3A_190 : vector<32xbf16> to vector<1x32xbf16>
      tpu.vector_store %arg14[%swap3A, %swap3A_191], %swap3A_194 {strides = array<i32>} : memref<128x32xbf16, #tpu.memory_space<vmem>>, vector<1x32xbf16>,
    }
    %scan3A_163 = arith.constant 128 : i32
    %scan3A_164 = arith.constant 0 : i32
    %scan3A_165 = arith.constant 0 : i32
    %scan3A_166 = arith.constant 128 : i32
    %scan3A_167 = arith.addi %scan3A_165, %scan3A_166 : i32
    %scan3A_168 = arith.constant 1 : i32
    scf.for %scan3A_189 = %scan3A_165 to %scan3A_167 step %scan3A_168  : i32 {
      %broadcast_in_dim3A = arith.constant 1.000000e+00 : bf16
      %broadcast_in_dim3A_190 = vector.broadcast %broadcast_in_dim3A : bf16 to vector<32xbf16>
      %swap3A = arith.index_cast %scan3A_189 : i32 to index
      %swap3A_191 = arith.constant 0 : index
      %swap3A_192 = tpu.vector_load %arg15[%swap3A, %swap3A_191] {strides = array<i32>} : memref<128x32xbf16, #tpu.memory_space<vmem>>, vector<1x32xbf16>,
      %swap3A_193 = vector.shape_cast %swap3A_192 : vector<1x32xbf16> to vector<32xbf16>
      %swap3A_194 = vector.shape_cast %broadcast_in_dim3A_190 : vector<32xbf16> to vector<1x32xbf16>
      tpu.vector_store %arg15[%swap3A, %swap3A_191], %swap3A_194 {strides = array<i32>} : memref<128x32xbf16, #tpu.memory_space<vmem>>, vector<1x32xbf16>,
    }
    %scan3A_169 = arith.constant 128 : i32
    %scan3A_170 = arith.constant 0 : i32
    %scan3A_171 = arith.constant 0 : i32
    %scan3A_172 = arith.constant 128 : i32
    %scan3A_173 = arith.addi %scan3A_171, %scan3A_172 : i32
    %scan3A_174 = arith.constant 1 : i32
    scf.for %scan3A_189 = %scan3A_171 to %scan3A_173 step %scan3A_174  : i32 {
      %broadcast_in_dim3A = arith.constant 1.000000e+00 : bf16
      %broadcast_in_dim3A_190 = vector.broadcast %broadcast_in_dim3A : bf16 to vector<32xbf16>
      %swap3A = arith.index_cast %scan3A_189 : i32 to index
      %swap3A_191 = arith.constant 0 : index
      %swap3A_192 = tpu.vector_load %arg16[%swap3A, %swap3A_191] {strides = array<i32>} : memref<128x32xbf16, #tpu.memory_space<vmem>>, vector<1x32xbf16>,
      %swap3A_193 = vector.shape_cast %swap3A_192 : vector<1x32xbf16> to vector<32xbf16>
      %swap3A_194 = vector.shape_cast %broadcast_in_dim3A_190 : vector<32xbf16> to vector<1x32xbf16>
      tpu.vector_store %arg16[%swap3A, %swap3A_191], %swap3A_194 {strides = array<i32>} : memref<128x32xbf16, #tpu.memory_space<vmem>>, vector<1x32xbf16>,
    }
    %scan3A_175 = arith.constant 128 : i32
    %scan3A_176 = arith.constant 0 : i32
    %scan3A_177 = arith.constant 0 : i32
    %scan3A_178 = arith.constant 128 : i32
    %scan3A_179 = arith.addi %scan3A_177, %scan3A_178 : i32
    %scan3A_180 = arith.constant 1 : i32
    scf.for %scan3A_189 = %scan3A_177 to %scan3A_179 step %scan3A_180  : i32 {
      %broadcast_in_dim3A = arith.constant 1.000000e+00 : bf16
      %broadcast_in_dim3A_190 = vector.broadcast %broadcast_in_dim3A : bf16 to vector<32xbf16>
      %swap3A = arith.index_cast %scan3A_189 : i32 to index
      %swap3A_191 = arith.constant 0 : index
      %swap3A_192 = tpu.vector_load %arg17[%swap3A, %swap3A_191] {strides = array<i32>} : memref<128x32xbf16, #tpu.memory_space<vmem>>, vector<1x32xbf16>,
      %swap3A_193 = vector.shape_cast %swap3A_192 : vector<1x32xbf16> to vector<32xbf16>
      %swap3A_194 = vector.shape_cast %broadcast_in_dim3A_190 : vector<32xbf16> to vector<1x32xbf16>
      tpu.vector_store %arg17[%swap3A, %swap3A_191], %swap3A_194 {strides = array<i32>} : memref<128x32xbf16, #tpu.memory_space<vmem>>, vector<1x32xbf16>,
    }
    %scan3A_181 = arith.constant 128 : i32
    %scan3A_182 = arith.constant 0 : i32
    %scan3A_183 = arith.constant 0 : i32
    %scan3A_184 = arith.constant 5 : i32
    %scan3A_185 = arith.addi %scan3A_183, %scan3A_184 : i32
    %scan3A_186 = arith.constant 1 : i32
    scf.for %scan3A_189 = %scan3A_183 to %scan3A_185 step %scan3A_186  : i32 {
      "tpu.region"() ({
        %run_scoped3A_195 = tpu.sem_alloc : memref<!tpu.dma_semaphore, #tpu.memory_space<semaphore_mem>>
        %dma_start3A = arith.constant 0 : i32
        %dma_start3A_196 = arith.constant 0 : i32
        %dma_start3A_197 = tpu.memref_slice %arg5[%add3A, %scan3A_189, %dma_start3A, %dma_start3A_196] : memref<32x5x40x128xi32, #tpu.memory_space<hbm>> -> memref<1x1x40x128xi32, #tpu.memory_space<hbm>>
        %dma_start3A_198 = tpu.memref_squeeze %dma_start3A_197 : memref<1x1x40x128xi32, #tpu.memory_space<hbm>> -> memref<40x128xi32, #tpu.memory_space<hbm>>
        %dma_start3A_199 = arith.constant 0 : i32
        %dma_start3A_200 = arith.constant 0 : i32
        %dma_start3A_201 = tpu.memref_slice %arg5[%add3A, %scan3A_189, %dma_start3A_199, %dma_start3A_200] : memref<32x5x40x128xi32, #tpu.memory_space<hbm>> -> memref<1x1x40x128xi32, #tpu.memory_space<hbm>>
        %dma_start3A_202 = tpu.memref_squeeze %dma_start3A_201 : memref<1x1x40x128xi32, #tpu.memory_space<hbm>> -> memref<40x128xi32, #tpu.memory_space<hbm>>
        tpu.enqueue_dma source(%dma_start3A_202 : memref<40x128xi32, #tpu.memory_space<hbm>>) target(%arg9 : memref<40x128xi32, #tpu.memory_space<vmem>>) target_semaphore(%run_scoped3A_195 : memref<!tpu.dma_semaphore, #tpu.memory_space<semaphore_mem>>)
        %dma_wait3A_203 = arith.constant 0 : i32
        %dma_wait3A_204 = arith.constant 0 : i32
        %dma_wait3A_205 = tpu.memref_slice %arg5[%add3A, %scan3A_189, %dma_wait3A_203, %dma_wait3A_204] : memref<32x5x40x128xi32, #tpu.memory_space<hbm>> -> memref<1x1x40x128xi32, #tpu.memory_space<hbm>>
        %dma_wait3A_206 = tpu.memref_squeeze %dma_wait3A_205 : memref<1x1x40x128xi32, #tpu.memory_space<hbm>> -> memref<40x128xi32, #tpu.memory_space<hbm>>
        %dma_wait3A_207 = arith.constant 0 : i32
        %dma_wait3A_208 = arith.constant 0 : i32
        %dma_wait3A_209 = tpu.memref_slice %arg5[%add3A, %scan3A_189, %dma_wait3A_207, %dma_wait3A_208] : memref<32x5x40x128xi32, #tpu.memory_space<hbm>> -> memref<1x1x40x128xi32, #tpu.memory_space<hbm>>
        %dma_wait3A_210 = tpu.memref_squeeze %dma_wait3A_209 : memref<1x1x40x128xi32, #tpu.memory_space<hbm>> -> memref<40x128xi32, #tpu.memory_space<hbm>>
        tpu.wait_dma2 semaphore(%run_scoped3A_195 : memref<!tpu.dma_semaphore, #tpu.memory_space<semaphore_mem>>) src(%dma_wait3A_210 : memref<40x128xi32, #tpu.memory_space<hbm>>) dst(%arg9 : memref<40x128xi32, #tpu.memory_space<vmem>>)
        tpu.yield
      }) : () -> ()
      %scan3A_190 = arith.constant 0 : i32
      %scan3A_191 = arith.constant 5 : i32
      %scan3A_192 = arith.addi %scan3A_190, %scan3A_191 : i32
      %scan3A_193 = arith.constant 1 : i32
      scf.for %scan3A_195 = %scan3A_190 to %scan3A_192 step %scan3A_193  : i32 {
        %mul3A_196 = arith.constant 8 : i32
        %mul3A_197 = arith.muli %scan3A_195, %mul3A_196 : i32
        %add3A_198 = arith.constant 0 : i32
        %add3A_199 = arith.addi %mul3A_197, %add3A_198 : i32
        %dma_start3A = arith.constant 0 : i32
        %dma_start3A_200 = tpu.memref_slice %arg9[%add3A_199, %dma_start3A] : memref<40x128xi32, #tpu.memory_space<vmem>> -> memref<1x128xi32, #tpu.memory_space<vmem>>
        %dma_start3A_201 = tpu.memref_squeeze %dma_start3A_200 : memref<1x128xi32, #tpu.memory_space<vmem>> -> memref<128xi32, #tpu.memory_space<vmem>>
        %dma_start3A_202 = arith.constant 0 : i32
        %dma_start3A_203 = arith.constant 0 : i32
        %dma_start3A_204 = tpu.memref_slice %arg18[%dma_start3A_202, %dma_start3A_203] : memref<100096x32xbf16, #tpu.memory_space<vmem_shared>> -> memref<100096x32xbf16, #tpu.memory_space<vmem_shared>>
        tpu.enqueue_indirect_dma source(%arg10 : memref<128x32xbf16, #tpu.memory_space<vmem>>) target(%dma_start3A_204 : memref<100096x32xbf16, #tpu.memory_space<vmem_shared>>) offsets(%dma_start3A_201 : memref<128xi32, #tpu.memory_space<vmem>>) semaphore(%arg20 : memref<!tpu.dma_semaphore, #tpu.memory_space<semaphore_mem>>) {add = true}
        %add3A_205 = arith.constant 1 : i32
        %add3A_206 = arith.addi %mul3A_197, %add3A_205 : i32
        %dma_start3A_207 = arith.constant 0 : i32
        %dma_start3A_208 = tpu.memref_slice %arg9[%add3A_206, %dma_start3A_207] : memref<40x128xi32, #tpu.memory_space<vmem>> -> memref<1x128xi32, #tpu.memory_space<vmem>>
        %dma_start3A_209 = tpu.memref_squeeze %dma_start3A_208 : memref<1x128xi32, #tpu.memory_space<vmem>> -> memref<128xi32, #tpu.memory_space<vmem>>
        %dma_start3A_210 = arith.constant 0 : i32
        %dma_start3A_211 = arith.constant 0 : i32
        %dma_start3A_212 = tpu.memref_slice %arg18[%dma_start3A_210, %dma_start3A_211] : memref<100096x32xbf16, #tpu.memory_space<vmem_shared>> -> memref<100096x32xbf16, #tpu.memory_space<vmem_shared>>
        tpu.enqueue_indirect_dma source(%arg11 : memref<128x32xbf16, #tpu.memory_space<vmem>>) target(%dma_start3A_212 : memref<100096x32xbf16, #tpu.memory_space<vmem_shared>>) offsets(%dma_start3A_209 : memref<128xi32, #tpu.memory_space<vmem>>) semaphore(%arg20 : memref<!tpu.dma_semaphore, #tpu.memory_space<semaphore_mem>>) {add = true}
        %add3A_213 = arith.constant 2 : i32
        %add3A_214 = arith.addi %mul3A_197, %add3A_213 : i32
        %dma_start3A_215 = arith.constant 0 : i32
        %dma_start3A_216 = tpu.memref_slice %arg9[%add3A_214, %dma_start3A_215] : memref<40x128xi32, #tpu.memory_space<vmem>> -> memref<1x128xi32, #tpu.memory_space<vmem>>
        %dma_start3A_217 = tpu.memref_squeeze %dma_start3A_216 : memref<1x128xi32, #tpu.memory_space<vmem>> -> memref<128xi32, #tpu.memory_space<vmem>>
        %dma_start3A_218 = arith.constant 0 : i32
        %dma_start3A_219 = arith.constant 0 : i32
        %dma_start3A_220 = tpu.memref_slice %arg18[%dma_start3A_218, %dma_start3A_219] : memref<100096x32xbf16, #tpu.memory_space<vmem_shared>> -> memref<100096x32xbf16, #tpu.memory_space<vmem_shared>>
        tpu.enqueue_indirect_dma source(%arg12 : memref<128x32xbf16, #tpu.memory_space<vmem>>) target(%dma_start3A_220 : memref<100096x32xbf16, #tpu.memory_space<vmem_shared>>) offsets(%dma_start3A_217 : memref<128xi32, #tpu.memory_space<vmem>>) semaphore(%arg20 : memref<!tpu.dma_semaphore, #tpu.memory_space<semaphore_mem>>) {add = true}
        %add3A_221 = arith.constant 3 : i32
        %add3A_222 = arith.addi %mul3A_197, %add3A_221 : i32
        %dma_start3A_223 = arith.constant 0 : i32
        %dma_start3A_224 = tpu.memref_slice %arg9[%add3A_222, %dma_start3A_223] : memref<40x128xi32, #tpu.memory_space<vmem>> -> memref<1x128xi32, #tpu.memory_space<vmem>>
        %dma_start3A_225 = tpu.memref_squeeze %dma_start3A_224 : memref<1x128xi32, #tpu.memory_space<vmem>> -> memref<128xi32, #tpu.memory_space<vmem>>
        %dma_start3A_226 = arith.constant 0 : i32
        %dma_start3A_227 = arith.constant 0 : i32
        %dma_start3A_228 = tpu.memref_slice %arg18[%dma_start3A_226, %dma_start3A_227] : memref<100096x32xbf16, #tpu.memory_space<vmem_shared>> -> memref<100096x32xbf16, #tpu.memory_space<vmem_shared>>
        tpu.enqueue_indirect_dma source(%arg13 : memref<128x32xbf16, #tpu.memory_space<vmem>>) target(%dma_start3A_228 : memref<100096x32xbf16, #tpu.memory_space<vmem_shared>>) offsets(%dma_start3A_225 : memref<128xi32, #tpu.memory_space<vmem>>) semaphore(%arg20 : memref<!tpu.dma_semaphore, #tpu.memory_space<semaphore_mem>>) {add = true}
        %add3A_229 = arith.constant 4 : i32
        %add3A_230 = arith.addi %mul3A_197, %add3A_229 : i32
        %dma_start3A_231 = arith.constant 0 : i32
        %dma_start3A_232 = tpu.memref_slice %arg9[%add3A_230, %dma_start3A_231] : memref<40x128xi32, #tpu.memory_space<vmem>> -> memref<1x128xi32, #tpu.memory_space<vmem>>
        %dma_start3A_233 = tpu.memref_squeeze %dma_start3A_232 : memref<1x128xi32, #tpu.memory_space<vmem>> -> memref<128xi32, #tpu.memory_space<vmem>>
        %dma_start3A_234 = arith.constant 0 : i32
        %dma_start3A_235 = arith.constant 0 : i32
        %dma_start3A_236 = tpu.memref_slice %arg18[%dma_start3A_234, %dma_start3A_235] : memref<100096x32xbf16, #tpu.memory_space<vmem_shared>> -> memref<100096x32xbf16, #tpu.memory_space<vmem_shared>>
        tpu.enqueue_indirect_dma source(%arg14 : memref<128x32xbf16, #tpu.memory_space<vmem>>) target(%dma_start3A_236 : memref<100096x32xbf16, #tpu.memory_space<vmem_shared>>) offsets(%dma_start3A_233 : memref<128xi32, #tpu.memory_space<vmem>>) semaphore(%arg20 : memref<!tpu.dma_semaphore, #tpu.memory_space<semaphore_mem>>) {add = true}
        %add3A_237 = arith.constant 5 : i32
        %add3A_238 = arith.addi %mul3A_197, %add3A_237 : i32
        %dma_start3A_239 = arith.constant 0 : i32
        %dma_start3A_240 = tpu.memref_slice %arg9[%add3A_238, %dma_start3A_239] : memref<40x128xi32, #tpu.memory_space<vmem>> -> memref<1x128xi32, #tpu.memory_space<vmem>>
        %dma_start3A_241 = tpu.memref_squeeze %dma_start3A_240 : memref<1x128xi32, #tpu.memory_space<vmem>> -> memref<128xi32, #tpu.memory_space<vmem>>
        %dma_start3A_242 = arith.constant 0 : i32
        %dma_start3A_243 = arith.constant 0 : i32
        %dma_start3A_244 = tpu.memref_slice %arg18[%dma_start3A_242, %dma_start3A_243] : memref<100096x32xbf16, #tpu.memory_space<vmem_shared>> -> memref<100096x32xbf16, #tpu.memory_space<vmem_shared>>
        tpu.enqueue_indirect_dma source(%arg15 : memref<128x32xbf16, #tpu.memory_space<vmem>>) target(%dma_start3A_244 : memref<100096x32xbf16, #tpu.memory_space<vmem_shared>>) offsets(%dma_start3A_241 : memref<128xi32, #tpu.memory_space<vmem>>) semaphore(%arg20 : memref<!tpu.dma_semaphore, #tpu.memory_space<semaphore_mem>>) {add = true}
        %add3A_245 = arith.constant 6 : i32
        %add3A_246 = arith.addi %mul3A_197, %add3A_245 : i32
        %dma_start3A_247 = arith.constant 0 : i32
        %dma_start3A_248 = tpu.memref_slice %arg9[%add3A_246, %dma_start3A_247] : memref<40x128xi32, #tpu.memory_space<vmem>> -> memref<1x128xi32, #tpu.memory_space<vmem>>
        %dma_start3A_249 = tpu.memref_squeeze %dma_start3A_248 : memref<1x128xi32, #tpu.memory_space<vmem>> -> memref<128xi32, #tpu.memory_space<vmem>>
        %dma_start3A_250 = arith.constant 0 : i32
        %dma_start3A_251 = arith.constant 0 : i32
        %dma_start3A_252 = tpu.memref_slice %arg18[%dma_start3A_250, %dma_start3A_251] : memref<100096x32xbf16, #tpu.memory_space<vmem_shared>> -> memref<100096x32xbf16, #tpu.memory_space<vmem_shared>>
        tpu.enqueue_indirect_dma source(%arg16 : memref<128x32xbf16, #tpu.memory_space<vmem>>) target(%dma_start3A_252 : memref<100096x32xbf16, #tpu.memory_space<vmem_shared>>) offsets(%dma_start3A_249 : memref<128xi32, #tpu.memory_space<vmem>>) semaphore(%arg20 : memref<!tpu.dma_semaphore, #tpu.memory_space<semaphore_mem>>) {add = true}
        %add3A_253 = arith.constant 7 : i32
        %add3A_254 = arith.addi %mul3A_197, %add3A_253 : i32
        %dma_start3A_255 = arith.constant 0 : i32
        %dma_start3A_256 = tpu.memref_slice %arg9[%add3A_254, %dma_start3A_255] : memref<40x128xi32, #tpu.memory_space<vmem>> -> memref<1x128xi32, #tpu.memory_space<vmem>>
        %dma_start3A_257 = tpu.memref_squeeze %dma_start3A_256 : memref<1x128xi32, #tpu.memory_space<vmem>> -> memref<128xi32, #tpu.memory_space<vmem>>
        %dma_start3A_258 = arith.constant 0 : i32
        %dma_start3A_259 = arith.constant 0 : i32
        %dma_start3A_260 = tpu.memref_slice %arg18[%dma_start3A_258, %dma_start3A_259] : memref<100096x32xbf16, #tpu.memory_space<vmem_shared>> -> memref<100096x32xbf16, #tpu.memory_space<vmem_shared>>
        tpu.enqueue_indirect_dma source(%arg17 : memref<128x32xbf16, #tpu.memory_space<vmem>>) target(%dma_start3A_260 : memref<100096x32xbf16, #tpu.memory_space<vmem_shared>>) offsets(%dma_start3A_257 : memref<128xi32, #tpu.memory_space<vmem>>) semaphore(%arg20 : memref<!tpu.dma_semaphore, #tpu.memory_space<semaphore_mem>>) {add = true}
        %dma_wait3A_261 = arith.constant 0 : i32
        %dma_wait3A_262 = tpu.memref_slice %arg9[%add3A_199, %dma_wait3A_261] : memref<40x128xi32, #tpu.memory_space<vmem>> -> memref<1x128xi32, #tpu.memory_space<vmem>>
        %dma_wait3A_263 = tpu.memref_squeeze %dma_wait3A_262 : memref<1x128xi32, #tpu.memory_space<vmem>> -> memref<128xi32, #tpu.memory_space<vmem>>
        %dma_wait3A_264 = arith.constant 0 : i32
        %dma_wait3A_265 = arith.constant 0 : i32
        %dma_wait3A_266 = tpu.memref_slice %arg18[%dma_wait3A_264, %dma_wait3A_265] : memref<100096x32xbf16, #tpu.memory_space<vmem_shared>> -> memref<100096x32xbf16, #tpu.memory_space<vmem_shared>>
        tpu.wait_indirect_dma semaphore(%arg20 : memref<!tpu.dma_semaphore, #tpu.memory_space<semaphore_mem>>) src(%arg10 : memref<128x32xbf16, #tpu.memory_space<vmem>>) dst(%dma_wait3A_266 : memref<100096x32xbf16, #tpu.memory_space<vmem_shared>>)
        %dma_wait3A_267 = arith.constant 0 : i32
        %dma_wait3A_268 = tpu.memref_slice %arg9[%add3A_206, %dma_wait3A_267] : memref<40x128xi32, #tpu.memory_space<vmem>> -> memref<1x128xi32, #tpu.memory_space<vmem>>
        %dma_wait3A_269 = tpu.memref_squeeze %dma_wait3A_268 : memref<1x128xi32, #tpu.memory_space<vmem>> -> memref<128xi32, #tpu.memory_space<vmem>>
        %dma_wait3A_270 = arith.constant 0 : i32
        %dma_wait3A_271 = arith.constant 0 : i32
        %dma_wait3A_272 = tpu.memref_slice %arg18[%dma_wait3A_270, %dma_wait3A_271] : memref<100096x32xbf16, #tpu.memory_space<vmem_shared>> -> memref<100096x32xbf16, #tpu.memory_space<vmem_shared>>
        tpu.wait_indirect_dma semaphore(%arg20 : memref<!tpu.dma_semaphore, #tpu.memory_space<semaphore_mem>>) src(%arg11 : memref<128x32xbf16, #tpu.memory_space<vmem>>) dst(%dma_wait3A_272 : memref<100096x32xbf16, #tpu.memory_space<vmem_shared>>)
        %dma_wait3A_273 = arith.constant 0 : i32
        %dma_wait3A_274 = tpu.memref_slice %arg9[%add3A_214, %dma_wait3A_273] : memref<40x128xi32, #tpu.memory_space<vmem>> -> memref<1x128xi32, #tpu.memory_space<vmem>>
        %dma_wait3A_275 = tpu.memref_squeeze %dma_wait3A_274 : memref<1x128xi32, #tpu.memory_space<vmem>> -> memref<128xi32, #tpu.memory_space<vmem>>
        %dma_wait3A_276 = arith.constant 0 : i32
        %dma_wait3A_277 = arith.constant 0 : i32
        %dma_wait3A_278 = tpu.memref_slice %arg18[%dma_wait3A_276, %dma_wait3A_277] : memref<100096x32xbf16, #tpu.memory_space<vmem_shared>> -> memref<100096x32xbf16, #tpu.memory_space<vmem_shared>>
        tpu.wait_indirect_dma semaphore(%arg20 : memref<!tpu.dma_semaphore, #tpu.memory_space<semaphore_mem>>) src(%arg12 : memref<128x32xbf16, #tpu.memory_space<vmem>>) dst(%dma_wait3A_278 : memref<100096x32xbf16, #tpu.memory_space<vmem_shared>>)
        %dma_wait3A_279 = arith.constant 0 : i32
        %dma_wait3A_280 = tpu.memref_slice %arg9[%add3A_222, %dma_wait3A_279] : memref<40x128xi32, #tpu.memory_space<vmem>> -> memref<1x128xi32, #tpu.memory_space<vmem>>
        %dma_wait3A_281 = tpu.memref_squeeze %dma_wait3A_280 : memref<1x128xi32, #tpu.memory_space<vmem>> -> memref<128xi32, #tpu.memory_space<vmem>>
        %dma_wait3A_282 = arith.constant 0 : i32
        %dma_wait3A_283 = arith.constant 0 : i32
        %dma_wait3A_284 = tpu.memref_slice %arg18[%dma_wait3A_282, %dma_wait3A_283] : memref<100096x32xbf16, #tpu.memory_space<vmem_shared>> -> memref<100096x32xbf16, #tpu.memory_space<vmem_shared>>
        tpu.wait_indirect_dma semaphore(%arg20 : memref<!tpu.dma_semaphore, #tpu.memory_space<semaphore_mem>>) src(%arg13 : memref<128x32xbf16, #tpu.memory_space<vmem>>) dst(%dma_wait3A_284 : memref<100096x32xbf16, #tpu.memory_space<vmem_shared>>)
        %dma_wait3A_285 = arith.constant 0 : i32
        %dma_wait3A_286 = tpu.memref_slice %arg9[%add3A_230, %dma_wait3A_285] : memref<40x128xi32, #tpu.memory_space<vmem>> -> memref<1x128xi32, #tpu.memory_space<vmem>>
        %dma_wait3A_287 = tpu.memref_squeeze %dma_wait3A_286 : memref<1x128xi32, #tpu.memory_space<vmem>> -> memref<128xi32, #tpu.memory_space<vmem>>
        %dma_wait3A_288 = arith.constant 0 : i32
        %dma_wait3A_289 = arith.constant 0 : i32
        %dma_wait3A_290 = tpu.memref_slice %arg18[%dma_wait3A_288, %dma_wait3A_289] : memref<100096x32xbf16, #tpu.memory_space<vmem_shared>> -> memref<100096x32xbf16, #tpu.memory_space<vmem_shared>>
        tpu.wait_indirect_dma semaphore(%arg20 : memref<!tpu.dma_semaphore, #tpu.memory_space<semaphore_mem>>) src(%arg14 : memref<128x32xbf16, #tpu.memory_space<vmem>>) dst(%dma_wait3A_290 : memref<100096x32xbf16, #tpu.memory_space<vmem_shared>>)
        %dma_wait3A_291 = arith.constant 0 : i32
        %dma_wait3A_292 = tpu.memref_slice %arg9[%add3A_238, %dma_wait3A_291] : memref<40x128xi32, #tpu.memory_space<vmem>> -> memref<1x128xi32, #tpu.memory_space<vmem>>
        %dma_wait3A_293 = tpu.memref_squeeze %dma_wait3A_292 : memref<1x128xi32, #tpu.memory_space<vmem>> -> memref<128xi32, #tpu.memory_space<vmem>>
        %dma_wait3A_294 = arith.constant 0 : i32
        %dma_wait3A_295 = arith.constant 0 : i32
        %dma_wait3A_296 = tpu.memref_slice %arg18[%dma_wait3A_294, %dma_wait3A_295] : memref<100096x32xbf16, #tpu.memory_space<vmem_shared>> -> memref<100096x32xbf16, #tpu.memory_space<vmem_shared>>
        tpu.wait_indirect_dma semaphore(%arg20 : memref<!tpu.dma_semaphore, #tpu.memory_space<semaphore_mem>>) src(%arg15 : memref<128x32xbf16, #tpu.memory_space<vmem>>) dst(%dma_wait3A_296 : memref<100096x32xbf16, #tpu.memory_space<vmem_shared>>)
        %dma_wait3A_297 = arith.constant 0 : i32
        %dma_wait3A_298 = tpu.memref_slice %arg9[%add3A_246, %dma_wait3A_297] : memref<40x128xi32, #tpu.memory_space<vmem>> -> memref<1x128xi32, #tpu.memory_space<vmem>>
        %dma_wait3A_299 = tpu.memref_squeeze %dma_wait3A_298 : memref<1x128xi32, #tpu.memory_space<vmem>> -> memref<128xi32, #tpu.memory_space<vmem>>
        %dma_wait3A_300 = arith.constant 0 : i32
        %dma_wait3A_301 = arith.constant 0 : i32
        %dma_wait3A_302 = tpu.memref_slice %arg18[%dma_wait3A_300, %dma_wait3A_301] : memref<100096x32xbf16, #tpu.memory_space<vmem_shared>> -> memref<100096x32xbf16, #tpu.memory_space<vmem_shared>>
        tpu.wait_indirect_dma semaphore(%arg20 : memref<!tpu.dma_semaphore, #tpu.memory_space<semaphore_mem>>) src(%arg16 : memref<128x32xbf16, #tpu.memory_space<vmem>>) dst(%dma_wait3A_302 : memref<100096x32xbf16, #tpu.memory_space<vmem_shared>>)
        %dma_wait3A_303 = arith.constant 0 : i32
        %dma_wait3A_304 = tpu.memref_slice %arg9[%add3A_254, %dma_wait3A_303] : memref<40x128xi32, #tpu.memory_space<vmem>> -> memref<1x128xi32, #tpu.memory_space<vmem>>
        %dma_wait3A_305 = tpu.memref_squeeze %dma_wait3A_304 : memref<1x128xi32, #tpu.memory_space<vmem>> -> memref<128xi32, #tpu.memory_space<vmem>>
        %dma_wait3A_306 = arith.constant 0 : i32
        %dma_wait3A_307 = arith.constant 0 : i32
        %dma_wait3A_308 = tpu.memref_slice %arg18[%dma_wait3A_306, %dma_wait3A_307] : memref<100096x32xbf16, #tpu.memory_space<vmem_shared>> -> memref<100096x32xbf16, #tpu.memory_space<vmem_shared>>
        tpu.wait_indirect_dma semaphore(%arg20 : memref<!tpu.dma_semaphore, #tpu.memory_space<semaphore_mem>>) src(%arg17 : memref<128x32xbf16, #tpu.memory_space<vmem>>) dst(%dma_wait3A_308 : memref<100096x32xbf16, #tpu.memory_space<vmem_shared>>)
      }
      %scan3A_194 = arith.constant 5 : i32
    }
    %scan3A_187 = arith.constant 5 : i32
    %barrier3A_188 = arith.constant 0 : index
    tpu.barrier barrier_id(%barrier3A_188)
    "tpu.region"() ({
      %run_scoped3A_189 = tpu.sem_alloc : memref<!tpu.dma_semaphore, #tpu.memory_space<semaphore_mem>>
      %dma_start3A = arith.constant 0 : i32
      %dma_start3A_190 = tpu.memref_slice %arg7[%arg0, %mul3A_2, %dma_start3A] : memref<2x100096x32xbf16, #tpu.memory_space<hbm>> -> memref<1x6256x32xbf16, #tpu.memory_space<hbm>>
      %dma_start3A_191 = tpu.memref_squeeze %dma_start3A_190 : memref<1x6256x32xbf16, #tpu.memory_space<hbm>> -> memref<6256x32xbf16, #tpu.memory_space<hbm>>
      %dma_start3A_192 = arith.constant 0 : i32
      %dma_start3A_193 = tpu.memref_slice %arg18[%mul3A_2, %dma_start3A_192] : memref<100096x32xbf16, #tpu.memory_space<vmem_shared>> -> memref<6256x32xbf16, #tpu.memory_space<vmem_shared>>
      tpu.enqueue_dma source(%dma_start3A_193 : memref<6256x32xbf16, #tpu.memory_space<vmem_shared>>) target(%dma_start3A_191 : memref<6256x32xbf16, #tpu.memory_space<hbm>>) target_semaphore(%run_scoped3A_189 : memref<!tpu.dma_semaphore, #tpu.memory_space<semaphore_mem>>)
      %dma_wait3A_194 = arith.constant 0 : i32
      %dma_wait3A_195 = tpu.memref_slice %arg7[%arg0, %mul3A_2, %dma_wait3A_194] : memref<2x100096x32xbf16, #tpu.memory_space<hbm>> -> memref<1x6256x32xbf16, #tpu.memory_space<hbm>>
      %dma_wait3A_196 = tpu.memref_squeeze %dma_wait3A_195 : memref<1x6256x32xbf16, #tpu.memory_space<hbm>> -> memref<6256x32xbf16, #tpu.memory_space<hbm>>
      %dma_wait3A_197 = arith.constant 0 : i32
      %dma_wait3A_198 = tpu.memref_slice %arg18[%mul3A_2, %dma_wait3A_197] : memref<100096x32xbf16, #tpu.memory_space<vmem_shared>> -> memref<6256x32xbf16, #tpu.memory_space<vmem_shared>>
      tpu.wait_dma2 semaphore(%run_scoped3A_189 : memref<!tpu.dma_semaphore, #tpu.memory_space<semaphore_mem>>) src(%dma_wait3A_198 : memref<6256x32xbf16, #tpu.memory_space<vmem_shared>>) dst(%dma_wait3A_196 : memref<6256x32xbf16, #tpu.memory_space<hbm>>)
      tpu.yield
    }) : () -> ()
    return
  }
}

#map = affine_map<(d0, d1) -> (0, 0)>
#map1 = affine_map<(d0, d1) -> (0, 0, 0, 0)>
module attributes {stable_mosaic.version = 14 : i64} {
  func.func @kern(%arg0: i32, %arg1: i32, %arg2: memref<50000x32xbf16, #tpu.memory_space<hbm>>, %arg3: memref<50000x32xbf16, #tpu.memory_space<hbm>>, %arg4: memref<32x5x40x128xi32, #tpu.memory_space<hbm>>, %arg5: memref<32x5x40x128xi32, #tpu.memory_space<hbm>>, %arg6: memref<2x2x100096x32xbf16, #tpu.memory_space<hbm>>, %arg7: memref<40x128xi32, #tpu.memory_space<vmem>>, %arg8: memref<40x128xi32, #tpu.memory_space<vmem>>, %arg9: memref<128x32xbf16, #tpu.memory_space<vmem>>, %arg10: memref<128x32xbf16, #tpu.memory_space<vmem>>, %arg11: memref<128x32xbf16, #tpu.memory_space<vmem>>, %arg12: memref<128x32xbf16, #tpu.memory_space<vmem>>, %arg13: memref<128x32xbf16, #tpu.memory_space<vmem>>, %arg14: memref<128x32xbf16, #tpu.memory_space<vmem>>, %arg15: memref<128x32xbf16, #tpu.memory_space<vmem>>, %arg16: memref<128x32xbf16, #tpu.memory_space<vmem>>, %arg17: memref<100096x32xbf16, #tpu.memory_space<vmem_shared>>, %arg18: memref<!tpu.dma_semaphore, #tpu.memory_space<semaphore_mem>>, %arg19: memref<!tpu.dma_semaphore, #tpu.memory_space<semaphore_mem>>) attributes {dimension_semantics = [#tpu.dimension_semantics<core_parallel>, #tpu.dimension_semantics<subcore_parallel>], iteration_bounds = array<i64: 2, 16>, scalar_prefetch = 0 : i64, scratch_operands = 13 : i64, tpu.core_type = #tpu.core_type<sc_vector_subcore>, window_params = [{transform_indices = #map}, {transform_indices = #map}, {transform_indices = #map1}, {transform_indices = #map1}, {transform_indices = #map1}]} {
    %mul3A = arith.constant 16 : i32
    %mul3A_0 = arith.muli %arg0, %mul3A : i32
    %add3A = arith.addi %mul3A_0, %arg1 : i32
    %mul3A_1 = arith.constant 6256 : i32
    %mul3A_2 = arith.muli %arg1, %mul3A_1 : i32
    %scan3A = arith.constant 0 : i32
    %scan3A_3 = arith.constant 0 : i32
    %scan3A_4 = arith.constant 128 : i32
    %scan3A_5 = arith.addi %scan3A_3, %scan3A_4 : i32
    %scan3A_6 = arith.constant 1 : i32
    scf.for %scan3A_113 = %scan3A_3 to %scan3A_5 step %scan3A_6  : i32 {
      %broadcast_in_dim3A = arith.constant 0.000000e+00 : bf16
      %broadcast_in_dim3A_114 = vector.broadcast %broadcast_in_dim3A : bf16 to vector<32xbf16>
      %swap3A = arith.index_cast %scan3A_113 : i32 to index
      %swap3A_115 = arith.constant 0 : index
      %swap3A_116 = tpu.vector_load %arg9[%swap3A, %swap3A_115] {strides = array<i32>} : memref<128x32xbf16, #tpu.memory_space<vmem>>, vector<1x32xbf16>,
      %swap3A_117 = vector.shape_cast %swap3A_116 : vector<1x32xbf16> to vector<32xbf16>
      %swap3A_118 = vector.shape_cast %broadcast_in_dim3A_114 : vector<32xbf16> to vector<1x32xbf16>
      tpu.vector_store %arg9[%swap3A, %swap3A_115], %swap3A_118 {strides = array<i32>} : memref<128x32xbf16, #tpu.memory_space<vmem>>, vector<1x32xbf16>,
    }
    %scan3A_7 = arith.constant 128 : i32
    %scan3A_8 = arith.constant 0 : i32
    %scan3A_9 = arith.constant 0 : i32
    %scan3A_10 = arith.constant 48 : i32
    %scan3A_11 = arith.addi %scan3A_9, %scan3A_10 : i32
    %scan3A_12 = arith.constant 1 : i32
    scf.for %scan3A_113 = %scan3A_9 to %scan3A_11 step %scan3A_12  : i32 {
      %mul3A_114 = arith.constant 128 : i32
      %mul3A_115 = arith.muli %scan3A_113, %mul3A_114 : i32
      %add3A_116 = arith.addi %mul3A_2, %mul3A_115 : i32
      %dma_start3A = arith.constant 0 : i32
      %dma_start3A_117 = tpu.memref_slice %arg17[%add3A_116, %dma_start3A] : memref<100096x32xbf16, #tpu.memory_space<vmem_shared>> -> memref<128x32xbf16, #tpu.memory_space<vmem_shared>>
      %dma_start3A_118 = arith.constant 0 : i32
      %dma_start3A_119 = tpu.memref_slice %arg17[%add3A_116, %dma_start3A_118] : memref<100096x32xbf16, #tpu.memory_space<vmem_shared>> -> memref<128x32xbf16, #tpu.memory_space<vmem_shared>>
      tpu.enqueue_dma source(%arg9 : memref<128x32xbf16, #tpu.memory_space<vmem>>) target(%dma_start3A_119 : memref<128x32xbf16, #tpu.memory_space<vmem_shared>>) target_semaphore(%arg19 : memref<!tpu.dma_semaphore, #tpu.memory_space<semaphore_mem>>)
    }
    %scan3A_13 = arith.constant 48 : i32
    %scan3A_14 = arith.constant 0 : i32
    %scan3A_15 = arith.constant 0 : i32
    %scan3A_16 = arith.constant 48 : i32
    %scan3A_17 = arith.addi %scan3A_15, %scan3A_16 : i32
    %scan3A_18 = arith.constant 1 : i32
    scf.for %scan3A_113 = %scan3A_15 to %scan3A_17 step %scan3A_18  : i32 {
      %mul3A_114 = arith.constant 128 : i32
      %mul3A_115 = arith.muli %scan3A_113, %mul3A_114 : i32
      %add3A_116 = arith.addi %mul3A_2, %mul3A_115 : i32
      %dma_wait3A_117 = arith.constant 0 : i32
      %dma_wait3A_118 = tpu.memref_slice %arg17[%add3A_116, %dma_wait3A_117] : memref<100096x32xbf16, #tpu.memory_space<vmem_shared>> -> memref<128x32xbf16, #tpu.memory_space<vmem_shared>>
      %dma_wait3A_119 = arith.constant 0 : i32
      %dma_wait3A_120 = tpu.memref_slice %arg17[%add3A_116, %dma_wait3A_119] : memref<100096x32xbf16, #tpu.memory_space<vmem_shared>> -> memref<128x32xbf16, #tpu.memory_space<vmem_shared>>
      tpu.wait_dma2 semaphore(%arg19 : memref<!tpu.dma_semaphore, #tpu.memory_space<semaphore_mem>>) src(%arg9 : memref<128x32xbf16, #tpu.memory_space<vmem>>) dst(%dma_wait3A_120 : memref<128x32xbf16, #tpu.memory_space<vmem_shared>>)
    }
    %scan3A_19 = arith.constant 48 : i32
    %add3A_20 = arith.constant 6144 : i32
    %add3A_21 = arith.addi %mul3A_2, %add3A_20 : i32
    "tpu.region"() ({
      %run_scoped3A_113 = tpu.sem_alloc : memref<!tpu.dma_semaphore, #tpu.memory_space<semaphore_mem>>
      %dma_start3A = arith.constant 0 : i32
      %dma_start3A_114 = arith.constant 0 : i32
      %dma_start3A_115 = tpu.memref_slice %arg9[%dma_start3A, %dma_start3A_114] : memref<128x32xbf16, #tpu.memory_space<vmem>> -> memref<112x32xbf16, #tpu.memory_space<vmem>>
      %dma_start3A_116 = arith.constant 0 : i32
      %dma_start3A_117 = tpu.memref_slice %arg17[%add3A_21, %dma_start3A_116] : memref<100096x32xbf16, #tpu.memory_space<vmem_shared>> -> memref<112x32xbf16, #tpu.memory_space<vmem_shared>>
      %dma_start3A_118 = arith.constant 0 : i32
      %dma_start3A_119 = tpu.memref_slice %arg17[%add3A_21, %dma_start3A_118] : memref<100096x32xbf16, #tpu.memory_space<vmem_shared>> -> memref<112x32xbf16, #tpu.memory_space<vmem_shared>>
      %dma_start3A_120 = arith.constant 0 : i32
      %dma_start3A_121 = arith.constant 0 : i32
      %dma_start3A_122 = tpu.memref_slice %arg9[%dma_start3A_120, %dma_start3A_121] : memref<128x32xbf16, #tpu.memory_space<vmem>> -> memref<112x32xbf16, #tpu.memory_space<vmem>>
      tpu.enqueue_dma source(%dma_start3A_122 : memref<112x32xbf16, #tpu.memory_space<vmem>>) target(%dma_start3A_119 : memref<112x32xbf16, #tpu.memory_space<vmem_shared>>) target_semaphore(%run_scoped3A_113 : memref<!tpu.dma_semaphore, #tpu.memory_space<semaphore_mem>>)
      %dma_wait3A_123 = arith.constant 0 : i32
      %dma_wait3A_124 = arith.constant 0 : i32
      %dma_wait3A_125 = tpu.memref_slice %arg9[%dma_wait3A_123, %dma_wait3A_124] : memref<128x32xbf16, #tpu.memory_space<vmem>> -> memref<112x32xbf16, #tpu.memory_space<vmem>>
      %dma_wait3A_126 = arith.constant 0 : i32
      %dma_wait3A_127 = tpu.memref_slice %arg17[%add3A_21, %dma_wait3A_126] : memref<100096x32xbf16, #tpu.memory_space<vmem_shared>> -> memref<112x32xbf16, #tpu.memory_space<vmem_shared>>
      %dma_wait3A_128 = arith.constant 0 : i32
      %dma_wait3A_129 = tpu.memref_slice %arg17[%add3A_21, %dma_wait3A_128] : memref<100096x32xbf16, #tpu.memory_space<vmem_shared>> -> memref<112x32xbf16, #tpu.memory_space<vmem_shared>>
      %dma_wait3A_130 = arith.constant 0 : i32
      %dma_wait3A_131 = arith.constant 0 : i32
      %dma_wait3A_132 = tpu.memref_slice %arg9[%dma_wait3A_130, %dma_wait3A_131] : memref<128x32xbf16, #tpu.memory_space<vmem>> -> memref<112x32xbf16, #tpu.memory_space<vmem>>
      tpu.wait_dma2 semaphore(%run_scoped3A_113 : memref<!tpu.dma_semaphore, #tpu.memory_space<semaphore_mem>>) src(%dma_wait3A_132 : memref<112x32xbf16, #tpu.memory_space<vmem>>) dst(%dma_wait3A_129 : memref<112x32xbf16, #tpu.memory_space<vmem_shared>>)
      tpu.yield
    }) : () -> ()
    %barrier3A = arith.constant 0 : index
    tpu.barrier barrier_id(%barrier3A)
    %scan3A_22 = arith.constant 0 : i32
    %scan3A_23 = arith.constant 0 : i32
    %scan3A_24 = arith.constant 5 : i32
    %scan3A_25 = arith.addi %scan3A_23, %scan3A_24 : i32
    %scan3A_26 = arith.constant 1 : i32
    scf.for %scan3A_113 = %scan3A_23 to %scan3A_25 step %scan3A_26  : i32 {
      %gt3A = arith.constant 0 : i32
      %gt3A_114 = arith.cmpi sgt, %scan3A_113, %gt3A : i32
      %convert_element_type3A = arith.extui %gt3A_114 : i1 to i32
      %cond3A = arith.constant 0 : i32
      %cond3A_115 = arith.cmpi ne, %convert_element_type3A, %cond3A : i32
      scf.if %cond3A_115 {
        %dma_wait3A_121 = arith.constant 0 : i32
        %dma_wait3A_122 = arith.constant 0 : i32
        %dma_wait3A_123 = tpu.memref_slice %arg8[%dma_wait3A_121, %dma_wait3A_122] : memref<40x128xi32, #tpu.memory_space<vmem>> -> memref<1x128xi32, #tpu.memory_space<vmem>>
        %dma_wait3A_124 = tpu.memref_squeeze %dma_wait3A_123 : memref<1x128xi32, #tpu.memory_space<vmem>> -> memref<128xi32, #tpu.memory_space<vmem>>
        %dma_wait3A_125 = arith.constant 0 : i32
        %dma_wait3A_126 = arith.constant 0 : i32
        %dma_wait3A_127 = tpu.memref_slice %arg17[%dma_wait3A_125, %dma_wait3A_126] : memref<100096x32xbf16, #tpu.memory_space<vmem_shared>> -> memref<100096x32xbf16, #tpu.memory_space<vmem_shared>>
        tpu.wait_indirect_dma semaphore(%arg19 : memref<!tpu.dma_semaphore, #tpu.memory_space<semaphore_mem>>) src(%arg13 : memref<128x32xbf16, #tpu.memory_space<vmem>>) dst(%dma_wait3A_127 : memref<100096x32xbf16, #tpu.memory_space<vmem_shared>>)
        %dma_wait3A_128 = arith.constant 0 : i32
        %dma_wait3A_129 = arith.constant 0 : i32
        %dma_wait3A_130 = tpu.memref_slice %arg8[%dma_wait3A_128, %dma_wait3A_129] : memref<40x128xi32, #tpu.memory_space<vmem>> -> memref<1x128xi32, #tpu.memory_space<vmem>>
        %dma_wait3A_131 = tpu.memref_squeeze %dma_wait3A_130 : memref<1x128xi32, #tpu.memory_space<vmem>> -> memref<128xi32, #tpu.memory_space<vmem>>
        %dma_wait3A_132 = arith.constant 0 : i32
        %dma_wait3A_133 = arith.constant 0 : i32
        %dma_wait3A_134 = tpu.memref_slice %arg17[%dma_wait3A_132, %dma_wait3A_133] : memref<100096x32xbf16, #tpu.memory_space<vmem_shared>> -> memref<100096x32xbf16, #tpu.memory_space<vmem_shared>>
        tpu.wait_indirect_dma semaphore(%arg19 : memref<!tpu.dma_semaphore, #tpu.memory_space<semaphore_mem>>) src(%arg13 : memref<128x32xbf16, #tpu.memory_space<vmem>>) dst(%dma_wait3A_134 : memref<100096x32xbf16, #tpu.memory_space<vmem_shared>>)
        %dma_wait3A_135 = arith.constant 0 : i32
        %dma_wait3A_136 = arith.constant 0 : i32
        %dma_wait3A_137 = tpu.memref_slice %arg8[%dma_wait3A_135, %dma_wait3A_136] : memref<40x128xi32, #tpu.memory_space<vmem>> -> memref<1x128xi32, #tpu.memory_space<vmem>>
        %dma_wait3A_138 = tpu.memref_squeeze %dma_wait3A_137 : memref<1x128xi32, #tpu.memory_space<vmem>> -> memref<128xi32, #tpu.memory_space<vmem>>
        %dma_wait3A_139 = arith.constant 0 : i32
        %dma_wait3A_140 = arith.constant 0 : i32
        %dma_wait3A_141 = tpu.memref_slice %arg17[%dma_wait3A_139, %dma_wait3A_140] : memref<100096x32xbf16, #tpu.memory_space<vmem_shared>> -> memref<100096x32xbf16, #tpu.memory_space<vmem_shared>>
        tpu.wait_indirect_dma semaphore(%arg19 : memref<!tpu.dma_semaphore, #tpu.memory_space<semaphore_mem>>) src(%arg13 : memref<128x32xbf16, #tpu.memory_space<vmem>>) dst(%dma_wait3A_141 : memref<100096x32xbf16, #tpu.memory_space<vmem_shared>>)
        %dma_wait3A_142 = arith.constant 0 : i32
        %dma_wait3A_143 = arith.constant 0 : i32
        %dma_wait3A_144 = tpu.memref_slice %arg8[%dma_wait3A_142, %dma_wait3A_143] : memref<40x128xi32, #tpu.memory_space<vmem>> -> memref<1x128xi32, #tpu.memory_space<vmem>>
        %dma_wait3A_145 = tpu.memref_squeeze %dma_wait3A_144 : memref<1x128xi32, #tpu.memory_space<vmem>> -> memref<128xi32, #tpu.memory_space<vmem>>
        %dma_wait3A_146 = arith.constant 0 : i32
        %dma_wait3A_147 = arith.constant 0 : i32
        %dma_wait3A_148 = tpu.memref_slice %arg17[%dma_wait3A_146, %dma_wait3A_147] : memref<100096x32xbf16, #tpu.memory_space<vmem_shared>> -> memref<100096x32xbf16, #tpu.memory_space<vmem_shared>>
        tpu.wait_indirect_dma semaphore(%arg19 : memref<!tpu.dma_semaphore, #tpu.memory_space<semaphore_mem>>) src(%arg13 : memref<128x32xbf16, #tpu.memory_space<vmem>>) dst(%dma_wait3A_148 : memref<100096x32xbf16, #tpu.memory_space<vmem_shared>>)
      } else {
      }
      "tpu.region"() ({
        %run_scoped3A_121 = tpu.sem_alloc : memref<!tpu.dma_semaphore, #tpu.memory_space<semaphore_mem>>
        %dma_start3A = arith.constant 0 : i32
        %dma_start3A_122 = arith.constant 0 : i32
        %dma_start3A_123 = tpu.memref_slice %arg4[%add3A, %scan3A_113, %dma_start3A, %dma_start3A_122] : memref<32x5x40x128xi32, #tpu.memory_space<hbm>> -> memref<1x1x40x128xi32, #tpu.memory_space<hbm>>
        %dma_start3A_124 = tpu.memref_squeeze %dma_start3A_123 : memref<1x1x40x128xi32, #tpu.memory_space<hbm>> -> memref<40x128xi32, #tpu.memory_space<hbm>>
        %dma_start3A_125 = arith.constant 0 : i32
        %dma_start3A_126 = arith.constant 0 : i32
        %dma_start3A_127 = tpu.memref_slice %arg4[%add3A, %scan3A_113, %dma_start3A_125, %dma_start3A_126] : memref<32x5x40x128xi32, #tpu.memory_space<hbm>> -> memref<1x1x40x128xi32, #tpu.memory_space<hbm>>
        %dma_start3A_128 = tpu.memref_squeeze %dma_start3A_127 : memref<1x1x40x128xi32, #tpu.memory_space<hbm>> -> memref<40x128xi32, #tpu.memory_space<hbm>>
        tpu.enqueue_dma source(%dma_start3A_128 : memref<40x128xi32, #tpu.memory_space<hbm>>) target(%arg7 : memref<40x128xi32, #tpu.memory_space<vmem>>) target_semaphore(%run_scoped3A_121 : memref<!tpu.dma_semaphore, #tpu.memory_space<semaphore_mem>>)
        %dma_wait3A_129 = arith.constant 0 : i32
        %dma_wait3A_130 = arith.constant 0 : i32
        %dma_wait3A_131 = tpu.memref_slice %arg4[%add3A, %scan3A_113, %dma_wait3A_129, %dma_wait3A_130] : memref<32x5x40x128xi32, #tpu.memory_space<hbm>> -> memref<1x1x40x128xi32, #tpu.memory_space<hbm>>
        %dma_wait3A_132 = tpu.memref_squeeze %dma_wait3A_131 : memref<1x1x40x128xi32, #tpu.memory_space<hbm>> -> memref<40x128xi32, #tpu.memory_space<hbm>>
        %dma_wait3A_133 = arith.constant 0 : i32
        %dma_wait3A_134 = arith.constant 0 : i32
        %dma_wait3A_135 = tpu.memref_slice %arg4[%add3A, %scan3A_113, %dma_wait3A_133, %dma_wait3A_134] : memref<32x5x40x128xi32, #tpu.memory_space<hbm>> -> memref<1x1x40x128xi32, #tpu.memory_space<hbm>>
        %dma_wait3A_136 = tpu.memref_squeeze %dma_wait3A_135 : memref<1x1x40x128xi32, #tpu.memory_space<hbm>> -> memref<40x128xi32, #tpu.memory_space<hbm>>
        tpu.wait_dma2 semaphore(%run_scoped3A_121 : memref<!tpu.dma_semaphore, #tpu.memory_space<semaphore_mem>>) src(%dma_wait3A_136 : memref<40x128xi32, #tpu.memory_space<hbm>>) dst(%arg7 : memref<40x128xi32, #tpu.memory_space<vmem>>)
        tpu.yield
      }) : () -> ()
      "tpu.region"() ({
        %run_scoped3A_121 = tpu.sem_alloc : memref<!tpu.dma_semaphore, #tpu.memory_space<semaphore_mem>>
        %dma_start3A = arith.constant 0 : i32
        %dma_start3A_122 = arith.constant 0 : i32
        %dma_start3A_123 = tpu.memref_slice %arg5[%add3A, %scan3A_113, %dma_start3A, %dma_start3A_122] : memref<32x5x40x128xi32, #tpu.memory_space<hbm>> -> memref<1x1x40x128xi32, #tpu.memory_space<hbm>>
        %dma_start3A_124 = tpu.memref_squeeze %dma_start3A_123 : memref<1x1x40x128xi32, #tpu.memory_space<hbm>> -> memref<40x128xi32, #tpu.memory_space<hbm>>
        %dma_start3A_125 = arith.constant 0 : i32
        %dma_start3A_126 = arith.constant 0 : i32
        %dma_start3A_127 = tpu.memref_slice %arg5[%add3A, %scan3A_113, %dma_start3A_125, %dma_start3A_126] : memref<32x5x40x128xi32, #tpu.memory_space<hbm>> -> memref<1x1x40x128xi32, #tpu.memory_space<hbm>>
        %dma_start3A_128 = tpu.memref_squeeze %dma_start3A_127 : memref<1x1x40x128xi32, #tpu.memory_space<hbm>> -> memref<40x128xi32, #tpu.memory_space<hbm>>
        tpu.enqueue_dma source(%dma_start3A_128 : memref<40x128xi32, #tpu.memory_space<hbm>>) target(%arg8 : memref<40x128xi32, #tpu.memory_space<vmem>>) target_semaphore(%run_scoped3A_121 : memref<!tpu.dma_semaphore, #tpu.memory_space<semaphore_mem>>)
        %dma_wait3A_129 = arith.constant 0 : i32
        %dma_wait3A_130 = arith.constant 0 : i32
        %dma_wait3A_131 = tpu.memref_slice %arg5[%add3A, %scan3A_113, %dma_wait3A_129, %dma_wait3A_130] : memref<32x5x40x128xi32, #tpu.memory_space<hbm>> -> memref<1x1x40x128xi32, #tpu.memory_space<hbm>>
        %dma_wait3A_132 = tpu.memref_squeeze %dma_wait3A_131 : memref<1x1x40x128xi32, #tpu.memory_space<hbm>> -> memref<40x128xi32, #tpu.memory_space<hbm>>
        %dma_wait3A_133 = arith.constant 0 : i32
        %dma_wait3A_134 = arith.constant 0 : i32
        %dma_wait3A_135 = tpu.memref_slice %arg5[%add3A, %scan3A_113, %dma_wait3A_133, %dma_wait3A_134] : memref<32x5x40x128xi32, #tpu.memory_space<hbm>> -> memref<1x1x40x128xi32, #tpu.memory_space<hbm>>
        %dma_wait3A_136 = tpu.memref_squeeze %dma_wait3A_135 : memref<1x1x40x128xi32, #tpu.memory_space<hbm>> -> memref<40x128xi32, #tpu.memory_space<hbm>>
        tpu.wait_dma2 semaphore(%run_scoped3A_121 : memref<!tpu.dma_semaphore, #tpu.memory_space<semaphore_mem>>) src(%dma_wait3A_136 : memref<40x128xi32, #tpu.memory_space<hbm>>) dst(%arg8 : memref<40x128xi32, #tpu.memory_space<vmem>>)
        tpu.yield
      }) : () -> ()
      %scan3A_116 = arith.constant 0 : i32
      %scan3A_117 = arith.constant 5 : i32
      %scan3A_118 = arith.addi %scan3A_116, %scan3A_117 : i32
      %scan3A_119 = arith.constant 1 : i32
      scf.for %scan3A_121 = %scan3A_116 to %scan3A_118 step %scan3A_119  : i32 {
        %mul3A_122 = arith.constant 8 : i32
        %mul3A_123 = arith.muli %scan3A_121, %mul3A_122 : i32
        %add3A_124 = arith.constant 0 : i32
        %add3A_125 = arith.addi %mul3A_123, %add3A_124 : i32
        %dma_start3A = arith.constant 0 : i32
        %dma_start3A_126 = tpu.memref_slice %arg7[%add3A_125, %dma_start3A] : memref<40x128xi32, #tpu.memory_space<vmem>> -> memref<1x128xi32, #tpu.memory_space<vmem>>
        %dma_start3A_127 = tpu.memref_squeeze %dma_start3A_126 : memref<1x128xi32, #tpu.memory_space<vmem>> -> memref<128xi32, #tpu.memory_space<vmem>>
        %dma_start3A_128 = arith.constant 0 : i32
        %dma_start3A_129 = arith.constant 0 : i32
        %dma_start3A_130 = tpu.memref_slice %arg2[%dma_start3A_128, %dma_start3A_129] : memref<50000x32xbf16, #tpu.memory_space<hbm>> -> memref<50000x32xbf16, #tpu.memory_space<hbm>>
        tpu.enqueue_indirect_dma source(%dma_start3A_130 : memref<50000x32xbf16, #tpu.memory_space<hbm>>) target(%arg9 : memref<128x32xbf16, #tpu.memory_space<vmem>>) offsets(%dma_start3A_127 : memref<128xi32, #tpu.memory_space<vmem>>) semaphore(%arg18 : memref<!tpu.dma_semaphore, #tpu.memory_space<semaphore_mem>>)
        %add3A_131 = arith.constant 1 : i32
        %add3A_132 = arith.addi %mul3A_123, %add3A_131 : i32
        %dma_start3A_133 = arith.constant 0 : i32
        %dma_start3A_134 = tpu.memref_slice %arg7[%add3A_132, %dma_start3A_133] : memref<40x128xi32, #tpu.memory_space<vmem>> -> memref<1x128xi32, #tpu.memory_space<vmem>>
        %dma_start3A_135 = tpu.memref_squeeze %dma_start3A_134 : memref<1x128xi32, #tpu.memory_space<vmem>> -> memref<128xi32, #tpu.memory_space<vmem>>
        %dma_start3A_136 = arith.constant 0 : i32
        %dma_start3A_137 = arith.constant 0 : i32
        %dma_start3A_138 = tpu.memref_slice %arg2[%dma_start3A_136, %dma_start3A_137] : memref<50000x32xbf16, #tpu.memory_space<hbm>> -> memref<50000x32xbf16, #tpu.memory_space<hbm>>
        tpu.enqueue_indirect_dma source(%dma_start3A_138 : memref<50000x32xbf16, #tpu.memory_space<hbm>>) target(%arg10 : memref<128x32xbf16, #tpu.memory_space<vmem>>) offsets(%dma_start3A_135 : memref<128xi32, #tpu.memory_space<vmem>>) semaphore(%arg18 : memref<!tpu.dma_semaphore, #tpu.memory_space<semaphore_mem>>)
        %add3A_139 = arith.constant 2 : i32
        %add3A_140 = arith.addi %mul3A_123, %add3A_139 : i32
        %dma_start3A_141 = arith.constant 0 : i32
        %dma_start3A_142 = tpu.memref_slice %arg7[%add3A_140, %dma_start3A_141] : memref<40x128xi32, #tpu.memory_space<vmem>> -> memref<1x128xi32, #tpu.memory_space<vmem>>
        %dma_start3A_143 = tpu.memref_squeeze %dma_start3A_142 : memref<1x128xi32, #tpu.memory_space<vmem>> -> memref<128xi32, #tpu.memory_space<vmem>>
        %dma_start3A_144 = arith.constant 0 : i32
        %dma_start3A_145 = arith.constant 0 : i32
        %dma_start3A_146 = tpu.memref_slice %arg2[%dma_start3A_144, %dma_start3A_145] : memref<50000x32xbf16, #tpu.memory_space<hbm>> -> memref<50000x32xbf16, #tpu.memory_space<hbm>>
        tpu.enqueue_indirect_dma source(%dma_start3A_146 : memref<50000x32xbf16, #tpu.memory_space<hbm>>) target(%arg11 : memref<128x32xbf16, #tpu.memory_space<vmem>>) offsets(%dma_start3A_143 : memref<128xi32, #tpu.memory_space<vmem>>) semaphore(%arg18 : memref<!tpu.dma_semaphore, #tpu.memory_space<semaphore_mem>>)
        %add3A_147 = arith.constant 3 : i32
        %add3A_148 = arith.addi %mul3A_123, %add3A_147 : i32
        %dma_start3A_149 = arith.constant 0 : i32
        %dma_start3A_150 = tpu.memref_slice %arg7[%add3A_148, %dma_start3A_149] : memref<40x128xi32, #tpu.memory_space<vmem>> -> memref<1x128xi32, #tpu.memory_space<vmem>>
        %dma_start3A_151 = tpu.memref_squeeze %dma_start3A_150 : memref<1x128xi32, #tpu.memory_space<vmem>> -> memref<128xi32, #tpu.memory_space<vmem>>
        %dma_start3A_152 = arith.constant 0 : i32
        %dma_start3A_153 = arith.constant 0 : i32
        %dma_start3A_154 = tpu.memref_slice %arg2[%dma_start3A_152, %dma_start3A_153] : memref<50000x32xbf16, #tpu.memory_space<hbm>> -> memref<50000x32xbf16, #tpu.memory_space<hbm>>
        tpu.enqueue_indirect_dma source(%dma_start3A_154 : memref<50000x32xbf16, #tpu.memory_space<hbm>>) target(%arg12 : memref<128x32xbf16, #tpu.memory_space<vmem>>) offsets(%dma_start3A_151 : memref<128xi32, #tpu.memory_space<vmem>>) semaphore(%arg18 : memref<!tpu.dma_semaphore, #tpu.memory_space<semaphore_mem>>)
        %gt3A_155 = arith.constant 0 : i32
        %gt3A_156 = arith.cmpi sgt, %scan3A_121, %gt3A_155 : i32
        %convert_element_type3A_157 = arith.extui %gt3A_156 : i1 to i32
        %cond3A_158 = arith.constant 0 : i32
        %cond3A_159 = arith.cmpi ne, %convert_element_type3A_157, %cond3A_158 : i32
        scf.if %cond3A_159 {
          %dma_wait3A_328 = arith.constant 0 : i32
          %dma_wait3A_329 = arith.constant 0 : i32
          %dma_wait3A_330 = tpu.memref_slice %arg8[%dma_wait3A_328, %dma_wait3A_329] : memref<40x128xi32, #tpu.memory_space<vmem>> -> memref<1x128xi32, #tpu.memory_space<vmem>>
          %dma_wait3A_331 = tpu.memref_squeeze %dma_wait3A_330 : memref<1x128xi32, #tpu.memory_space<vmem>> -> memref<128xi32, #tpu.memory_space<vmem>>
          %dma_wait3A_332 = arith.constant 0 : i32
          %dma_wait3A_333 = arith.constant 0 : i32
          %dma_wait3A_334 = tpu.memref_slice %arg17[%dma_wait3A_332, %dma_wait3A_333] : memref<100096x32xbf16, #tpu.memory_space<vmem_shared>> -> memref<100096x32xbf16, #tpu.memory_space<vmem_shared>>
          tpu.wait_indirect_dma semaphore(%arg19 : memref<!tpu.dma_semaphore, #tpu.memory_space<semaphore_mem>>) src(%arg13 : memref<128x32xbf16, #tpu.memory_space<vmem>>) dst(%dma_wait3A_334 : memref<100096x32xbf16, #tpu.memory_space<vmem_shared>>)
          %dma_wait3A_335 = arith.constant 0 : i32
          %dma_wait3A_336 = arith.constant 0 : i32
          %dma_wait3A_337 = tpu.memref_slice %arg8[%dma_wait3A_335, %dma_wait3A_336] : memref<40x128xi32, #tpu.memory_space<vmem>> -> memref<1x128xi32, #tpu.memory_space<vmem>>
          %dma_wait3A_338 = tpu.memref_squeeze %dma_wait3A_337 : memref<1x128xi32, #tpu.memory_space<vmem>> -> memref<128xi32, #tpu.memory_space<vmem>>
          %dma_wait3A_339 = arith.constant 0 : i32
          %dma_wait3A_340 = arith.constant 0 : i32
          %dma_wait3A_341 = tpu.memref_slice %arg17[%dma_wait3A_339, %dma_wait3A_340] : memref<100096x32xbf16, #tpu.memory_space<vmem_shared>> -> memref<100096x32xbf16, #tpu.memory_space<vmem_shared>>
          tpu.wait_indirect_dma semaphore(%arg19 : memref<!tpu.dma_semaphore, #tpu.memory_space<semaphore_mem>>) src(%arg13 : memref<128x32xbf16, #tpu.memory_space<vmem>>) dst(%dma_wait3A_341 : memref<100096x32xbf16, #tpu.memory_space<vmem_shared>>)
          %dma_wait3A_342 = arith.constant 0 : i32
          %dma_wait3A_343 = arith.constant 0 : i32
          %dma_wait3A_344 = tpu.memref_slice %arg8[%dma_wait3A_342, %dma_wait3A_343] : memref<40x128xi32, #tpu.memory_space<vmem>> -> memref<1x128xi32, #tpu.memory_space<vmem>>
          %dma_wait3A_345 = tpu.memref_squeeze %dma_wait3A_344 : memref<1x128xi32, #tpu.memory_space<vmem>> -> memref<128xi32, #tpu.memory_space<vmem>>
          %dma_wait3A_346 = arith.constant 0 : i32
          %dma_wait3A_347 = arith.constant 0 : i32
          %dma_wait3A_348 = tpu.memref_slice %arg17[%dma_wait3A_346, %dma_wait3A_347] : memref<100096x32xbf16, #tpu.memory_space<vmem_shared>> -> memref<100096x32xbf16, #tpu.memory_space<vmem_shared>>
          tpu.wait_indirect_dma semaphore(%arg19 : memref<!tpu.dma_semaphore, #tpu.memory_space<semaphore_mem>>) src(%arg13 : memref<128x32xbf16, #tpu.memory_space<vmem>>) dst(%dma_wait3A_348 : memref<100096x32xbf16, #tpu.memory_space<vmem_shared>>)
          %dma_wait3A_349 = arith.constant 0 : i32
          %dma_wait3A_350 = arith.constant 0 : i32
          %dma_wait3A_351 = tpu.memref_slice %arg8[%dma_wait3A_349, %dma_wait3A_350] : memref<40x128xi32, #tpu.memory_space<vmem>> -> memref<1x128xi32, #tpu.memory_space<vmem>>
          %dma_wait3A_352 = tpu.memref_squeeze %dma_wait3A_351 : memref<1x128xi32, #tpu.memory_space<vmem>> -> memref<128xi32, #tpu.memory_space<vmem>>
          %dma_wait3A_353 = arith.constant 0 : i32
          %dma_wait3A_354 = arith.constant 0 : i32
          %dma_wait3A_355 = tpu.memref_slice %arg17[%dma_wait3A_353, %dma_wait3A_354] : memref<100096x32xbf16, #tpu.memory_space<vmem_shared>> -> memref<100096x32xbf16, #tpu.memory_space<vmem_shared>>
          tpu.wait_indirect_dma semaphore(%arg19 : memref<!tpu.dma_semaphore, #tpu.memory_space<semaphore_mem>>) src(%arg13 : memref<128x32xbf16, #tpu.memory_space<vmem>>) dst(%dma_wait3A_355 : memref<100096x32xbf16, #tpu.memory_space<vmem_shared>>)
        } else {
        }
        %add3A_160 = arith.constant 4 : i32
        %add3A_161 = arith.addi %mul3A_123, %add3A_160 : i32
        %dma_start3A_162 = arith.constant 0 : i32
        %dma_start3A_163 = tpu.memref_slice %arg7[%add3A_161, %dma_start3A_162] : memref<40x128xi32, #tpu.memory_space<vmem>> -> memref<1x128xi32, #tpu.memory_space<vmem>>
        %dma_start3A_164 = tpu.memref_squeeze %dma_start3A_163 : memref<1x128xi32, #tpu.memory_space<vmem>> -> memref<128xi32, #tpu.memory_space<vmem>>
        %dma_start3A_165 = arith.constant 0 : i32
        %dma_start3A_166 = arith.constant 0 : i32
        %dma_start3A_167 = tpu.memref_slice %arg2[%dma_start3A_165, %dma_start3A_166] : memref<50000x32xbf16, #tpu.memory_space<hbm>> -> memref<50000x32xbf16, #tpu.memory_space<hbm>>
        tpu.enqueue_indirect_dma source(%dma_start3A_167 : memref<50000x32xbf16, #tpu.memory_space<hbm>>) target(%arg13 : memref<128x32xbf16, #tpu.memory_space<vmem>>) offsets(%dma_start3A_164 : memref<128xi32, #tpu.memory_space<vmem>>) semaphore(%arg18 : memref<!tpu.dma_semaphore, #tpu.memory_space<semaphore_mem>>)
        %add3A_168 = arith.constant 5 : i32
        %add3A_169 = arith.addi %mul3A_123, %add3A_168 : i32
        %dma_start3A_170 = arith.constant 0 : i32
        %dma_start3A_171 = tpu.memref_slice %arg7[%add3A_169, %dma_start3A_170] : memref<40x128xi32, #tpu.memory_space<vmem>> -> memref<1x128xi32, #tpu.memory_space<vmem>>
        %dma_start3A_172 = tpu.memref_squeeze %dma_start3A_171 : memref<1x128xi32, #tpu.memory_space<vmem>> -> memref<128xi32, #tpu.memory_space<vmem>>
        %dma_start3A_173 = arith.constant 0 : i32
        %dma_start3A_174 = arith.constant 0 : i32
        %dma_start3A_175 = tpu.memref_slice %arg2[%dma_start3A_173, %dma_start3A_174] : memref<50000x32xbf16, #tpu.memory_space<hbm>> -> memref<50000x32xbf16, #tpu.memory_space<hbm>>
        tpu.enqueue_indirect_dma source(%dma_start3A_175 : memref<50000x32xbf16, #tpu.memory_space<hbm>>) target(%arg14 : memref<128x32xbf16, #tpu.memory_space<vmem>>) offsets(%dma_start3A_172 : memref<128xi32, #tpu.memory_space<vmem>>) semaphore(%arg18 : memref<!tpu.dma_semaphore, #tpu.memory_space<semaphore_mem>>)
        %add3A_176 = arith.constant 6 : i32
        %add3A_177 = arith.addi %mul3A_123, %add3A_176 : i32
        %dma_start3A_178 = arith.constant 0 : i32
        %dma_start3A_179 = tpu.memref_slice %arg7[%add3A_177, %dma_start3A_178] : memref<40x128xi32, #tpu.memory_space<vmem>> -> memref<1x128xi32, #tpu.memory_space<vmem>>
        %dma_start3A_180 = tpu.memref_squeeze %dma_start3A_179 : memref<1x128xi32, #tpu.memory_space<vmem>> -> memref<128xi32, #tpu.memory_space<vmem>>
        %dma_start3A_181 = arith.constant 0 : i32
        %dma_start3A_182 = arith.constant 0 : i32
        %dma_start3A_183 = tpu.memref_slice %arg2[%dma_start3A_181, %dma_start3A_182] : memref<50000x32xbf16, #tpu.memory_space<hbm>> -> memref<50000x32xbf16, #tpu.memory_space<hbm>>
        tpu.enqueue_indirect_dma source(%dma_start3A_183 : memref<50000x32xbf16, #tpu.memory_space<hbm>>) target(%arg15 : memref<128x32xbf16, #tpu.memory_space<vmem>>) offsets(%dma_start3A_180 : memref<128xi32, #tpu.memory_space<vmem>>) semaphore(%arg18 : memref<!tpu.dma_semaphore, #tpu.memory_space<semaphore_mem>>)
        %add3A_184 = arith.constant 7 : i32
        %add3A_185 = arith.addi %mul3A_123, %add3A_184 : i32
        %dma_start3A_186 = arith.constant 0 : i32
        %dma_start3A_187 = tpu.memref_slice %arg7[%add3A_185, %dma_start3A_186] : memref<40x128xi32, #tpu.memory_space<vmem>> -> memref<1x128xi32, #tpu.memory_space<vmem>>
        %dma_start3A_188 = tpu.memref_squeeze %dma_start3A_187 : memref<1x128xi32, #tpu.memory_space<vmem>> -> memref<128xi32, #tpu.memory_space<vmem>>
        %dma_start3A_189 = arith.constant 0 : i32
        %dma_start3A_190 = arith.constant 0 : i32
        %dma_start3A_191 = tpu.memref_slice %arg2[%dma_start3A_189, %dma_start3A_190] : memref<50000x32xbf16, #tpu.memory_space<hbm>> -> memref<50000x32xbf16, #tpu.memory_space<hbm>>
        tpu.enqueue_indirect_dma source(%dma_start3A_191 : memref<50000x32xbf16, #tpu.memory_space<hbm>>) target(%arg16 : memref<128x32xbf16, #tpu.memory_space<vmem>>) offsets(%dma_start3A_188 : memref<128xi32, #tpu.memory_space<vmem>>) semaphore(%arg18 : memref<!tpu.dma_semaphore, #tpu.memory_space<semaphore_mem>>)
        %dma_wait3A_192 = arith.constant 0 : i32
        %dma_wait3A_193 = tpu.memref_slice %arg7[%add3A_125, %dma_wait3A_192] : memref<40x128xi32, #tpu.memory_space<vmem>> -> memref<1x128xi32, #tpu.memory_space<vmem>>
        %dma_wait3A_194 = tpu.memref_squeeze %dma_wait3A_193 : memref<1x128xi32, #tpu.memory_space<vmem>> -> memref<128xi32, #tpu.memory_space<vmem>>
        %dma_wait3A_195 = arith.constant 0 : i32
        %dma_wait3A_196 = arith.constant 0 : i32
        %dma_wait3A_197 = tpu.memref_slice %arg2[%dma_wait3A_195, %dma_wait3A_196] : memref<50000x32xbf16, #tpu.memory_space<hbm>> -> memref<50000x32xbf16, #tpu.memory_space<hbm>>
        tpu.wait_indirect_dma semaphore(%arg18 : memref<!tpu.dma_semaphore, #tpu.memory_space<semaphore_mem>>) src(%dma_wait3A_197 : memref<50000x32xbf16, #tpu.memory_space<hbm>>) dst(%arg9 : memref<128x32xbf16, #tpu.memory_space<vmem>>)
        %dma_wait3A_198 = arith.constant 0 : i32
        %dma_wait3A_199 = tpu.memref_slice %arg7[%add3A_132, %dma_wait3A_198] : memref<40x128xi32, #tpu.memory_space<vmem>> -> memref<1x128xi32, #tpu.memory_space<vmem>>
        %dma_wait3A_200 = tpu.memref_squeeze %dma_wait3A_199 : memref<1x128xi32, #tpu.memory_space<vmem>> -> memref<128xi32, #tpu.memory_space<vmem>>
        %dma_wait3A_201 = arith.constant 0 : i32
        %dma_wait3A_202 = arith.constant 0 : i32
        %dma_wait3A_203 = tpu.memref_slice %arg2[%dma_wait3A_201, %dma_wait3A_202] : memref<50000x32xbf16, #tpu.memory_space<hbm>> -> memref<50000x32xbf16, #tpu.memory_space<hbm>>
        tpu.wait_indirect_dma semaphore(%arg18 : memref<!tpu.dma_semaphore, #tpu.memory_space<semaphore_mem>>) src(%dma_wait3A_203 : memref<50000x32xbf16, #tpu.memory_space<hbm>>) dst(%arg10 : memref<128x32xbf16, #tpu.memory_space<vmem>>)
        %dma_wait3A_204 = arith.constant 0 : i32
        %dma_wait3A_205 = tpu.memref_slice %arg7[%add3A_140, %dma_wait3A_204] : memref<40x128xi32, #tpu.memory_space<vmem>> -> memref<1x128xi32, #tpu.memory_space<vmem>>
        %dma_wait3A_206 = tpu.memref_squeeze %dma_wait3A_205 : memref<1x128xi32, #tpu.memory_space<vmem>> -> memref<128xi32, #tpu.memory_space<vmem>>
        %dma_wait3A_207 = arith.constant 0 : i32
        %dma_wait3A_208 = arith.constant 0 : i32
        %dma_wait3A_209 = tpu.memref_slice %arg2[%dma_wait3A_207, %dma_wait3A_208] : memref<50000x32xbf16, #tpu.memory_space<hbm>> -> memref<50000x32xbf16, #tpu.memory_space<hbm>>
        tpu.wait_indirect_dma semaphore(%arg18 : memref<!tpu.dma_semaphore, #tpu.memory_space<semaphore_mem>>) src(%dma_wait3A_209 : memref<50000x32xbf16, #tpu.memory_space<hbm>>) dst(%arg11 : memref<128x32xbf16, #tpu.memory_space<vmem>>)
        %dma_wait3A_210 = arith.constant 0 : i32
        %dma_wait3A_211 = tpu.memref_slice %arg7[%add3A_148, %dma_wait3A_210] : memref<40x128xi32, #tpu.memory_space<vmem>> -> memref<1x128xi32, #tpu.memory_space<vmem>>
        %dma_wait3A_212 = tpu.memref_squeeze %dma_wait3A_211 : memref<1x128xi32, #tpu.memory_space<vmem>> -> memref<128xi32, #tpu.memory_space<vmem>>
        %dma_wait3A_213 = arith.constant 0 : i32
        %dma_wait3A_214 = arith.constant 0 : i32
        %dma_wait3A_215 = tpu.memref_slice %arg2[%dma_wait3A_213, %dma_wait3A_214] : memref<50000x32xbf16, #tpu.memory_space<hbm>> -> memref<50000x32xbf16, #tpu.memory_space<hbm>>
        tpu.wait_indirect_dma semaphore(%arg18 : memref<!tpu.dma_semaphore, #tpu.memory_space<semaphore_mem>>) src(%dma_wait3A_215 : memref<50000x32xbf16, #tpu.memory_space<hbm>>) dst(%arg12 : memref<128x32xbf16, #tpu.memory_space<vmem>>)
        %add3A_216 = arith.constant 0 : i32
        %add3A_217 = arith.addi %mul3A_123, %add3A_216 : i32
        %dma_start3A_218 = arith.constant 0 : i32
        %dma_start3A_219 = tpu.memref_slice %arg8[%add3A_217, %dma_start3A_218] : memref<40x128xi32, #tpu.memory_space<vmem>> -> memref<1x128xi32, #tpu.memory_space<vmem>>
        %dma_start3A_220 = tpu.memref_squeeze %dma_start3A_219 : memref<1x128xi32, #tpu.memory_space<vmem>> -> memref<128xi32, #tpu.memory_space<vmem>>
        %dma_start3A_221 = arith.constant 0 : i32
        %dma_start3A_222 = arith.constant 0 : i32
        %dma_start3A_223 = tpu.memref_slice %arg17[%dma_start3A_221, %dma_start3A_222] : memref<100096x32xbf16, #tpu.memory_space<vmem_shared>> -> memref<100096x32xbf16, #tpu.memory_space<vmem_shared>>
        tpu.enqueue_indirect_dma source(%arg9 : memref<128x32xbf16, #tpu.memory_space<vmem>>) target(%dma_start3A_223 : memref<100096x32xbf16, #tpu.memory_space<vmem_shared>>) offsets(%dma_start3A_220 : memref<128xi32, #tpu.memory_space<vmem>>) semaphore(%arg19 : memref<!tpu.dma_semaphore, #tpu.memory_space<semaphore_mem>>) {add = true}
        %add3A_224 = arith.constant 1 : i32
        %add3A_225 = arith.addi %mul3A_123, %add3A_224 : i32
        %dma_start3A_226 = arith.constant 0 : i32
        %dma_start3A_227 = tpu.memref_slice %arg8[%add3A_225, %dma_start3A_226] : memref<40x128xi32, #tpu.memory_space<vmem>> -> memref<1x128xi32, #tpu.memory_space<vmem>>
        %dma_start3A_228 = tpu.memref_squeeze %dma_start3A_227 : memref<1x128xi32, #tpu.memory_space<vmem>> -> memref<128xi32, #tpu.memory_space<vmem>>
        %dma_start3A_229 = arith.constant 0 : i32
        %dma_start3A_230 = arith.constant 0 : i32
        %dma_start3A_231 = tpu.memref_slice %arg17[%dma_start3A_229, %dma_start3A_230] : memref<100096x32xbf16, #tpu.memory_space<vmem_shared>> -> memref<100096x32xbf16, #tpu.memory_space<vmem_shared>>
        tpu.enqueue_indirect_dma source(%arg10 : memref<128x32xbf16, #tpu.memory_space<vmem>>) target(%dma_start3A_231 : memref<100096x32xbf16, #tpu.memory_space<vmem_shared>>) offsets(%dma_start3A_228 : memref<128xi32, #tpu.memory_space<vmem>>) semaphore(%arg19 : memref<!tpu.dma_semaphore, #tpu.memory_space<semaphore_mem>>) {add = true}
        %add3A_232 = arith.constant 2 : i32
        %add3A_233 = arith.addi %mul3A_123, %add3A_232 : i32
        %dma_start3A_234 = arith.constant 0 : i32
        %dma_start3A_235 = tpu.memref_slice %arg8[%add3A_233, %dma_start3A_234] : memref<40x128xi32, #tpu.memory_space<vmem>> -> memref<1x128xi32, #tpu.memory_space<vmem>>
        %dma_start3A_236 = tpu.memref_squeeze %dma_start3A_235 : memref<1x128xi32, #tpu.memory_space<vmem>> -> memref<128xi32, #tpu.memory_space<vmem>>
        %dma_start3A_237 = arith.constant 0 : i32
        %dma_start3A_238 = arith.constant 0 : i32
        %dma_start3A_239 = tpu.memref_slice %arg17[%dma_start3A_237, %dma_start3A_238] : memref<100096x32xbf16, #tpu.memory_space<vmem_shared>> -> memref<100096x32xbf16, #tpu.memory_space<vmem_shared>>
        tpu.enqueue_indirect_dma source(%arg11 : memref<128x32xbf16, #tpu.memory_space<vmem>>) target(%dma_start3A_239 : memref<100096x32xbf16, #tpu.memory_space<vmem_shared>>) offsets(%dma_start3A_236 : memref<128xi32, #tpu.memory_space<vmem>>) semaphore(%arg19 : memref<!tpu.dma_semaphore, #tpu.memory_space<semaphore_mem>>) {add = true}
        %add3A_240 = arith.constant 3 : i32
        %add3A_241 = arith.addi %mul3A_123, %add3A_240 : i32
        %dma_start3A_242 = arith.constant 0 : i32
        %dma_start3A_243 = tpu.memref_slice %arg8[%add3A_241, %dma_start3A_242] : memref<40x128xi32, #tpu.memory_space<vmem>> -> memref<1x128xi32, #tpu.memory_space<vmem>>
        %dma_start3A_244 = tpu.memref_squeeze %dma_start3A_243 : memref<1x128xi32, #tpu.memory_space<vmem>> -> memref<128xi32, #tpu.memory_space<vmem>>
        %dma_start3A_245 = arith.constant 0 : i32
        %dma_start3A_246 = arith.constant 0 : i32
        %dma_start3A_247 = tpu.memref_slice %arg17[%dma_start3A_245, %dma_start3A_246] : memref<100096x32xbf16, #tpu.memory_space<vmem_shared>> -> memref<100096x32xbf16, #tpu.memory_space<vmem_shared>>
        tpu.enqueue_indirect_dma source(%arg12 : memref<128x32xbf16, #tpu.memory_space<vmem>>) target(%dma_start3A_247 : memref<100096x32xbf16, #tpu.memory_space<vmem_shared>>) offsets(%dma_start3A_244 : memref<128xi32, #tpu.memory_space<vmem>>) semaphore(%arg19 : memref<!tpu.dma_semaphore, #tpu.memory_space<semaphore_mem>>) {add = true}
        %dma_wait3A_248 = arith.constant 0 : i32
        %dma_wait3A_249 = tpu.memref_slice %arg7[%add3A_161, %dma_wait3A_248] : memref<40x128xi32, #tpu.memory_space<vmem>> -> memref<1x128xi32, #tpu.memory_space<vmem>>
        %dma_wait3A_250 = tpu.memref_squeeze %dma_wait3A_249 : memref<1x128xi32, #tpu.memory_space<vmem>> -> memref<128xi32, #tpu.memory_space<vmem>>
        %dma_wait3A_251 = arith.constant 0 : i32
        %dma_wait3A_252 = arith.constant 0 : i32
        %dma_wait3A_253 = tpu.memref_slice %arg2[%dma_wait3A_251, %dma_wait3A_252] : memref<50000x32xbf16, #tpu.memory_space<hbm>> -> memref<50000x32xbf16, #tpu.memory_space<hbm>>
        tpu.wait_indirect_dma semaphore(%arg18 : memref<!tpu.dma_semaphore, #tpu.memory_space<semaphore_mem>>) src(%dma_wait3A_253 : memref<50000x32xbf16, #tpu.memory_space<hbm>>) dst(%arg13 : memref<128x32xbf16, #tpu.memory_space<vmem>>)
        %dma_wait3A_254 = arith.constant 0 : i32
        %dma_wait3A_255 = tpu.memref_slice %arg7[%add3A_169, %dma_wait3A_254] : memref<40x128xi32, #tpu.memory_space<vmem>> -> memref<1x128xi32, #tpu.memory_space<vmem>>
        %dma_wait3A_256 = tpu.memref_squeeze %dma_wait3A_255 : memref<1x128xi32, #tpu.memory_space<vmem>> -> memref<128xi32, #tpu.memory_space<vmem>>
        %dma_wait3A_257 = arith.constant 0 : i32
        %dma_wait3A_258 = arith.constant 0 : i32
        %dma_wait3A_259 = tpu.memref_slice %arg2[%dma_wait3A_257, %dma_wait3A_258] : memref<50000x32xbf16, #tpu.memory_space<hbm>> -> memref<50000x32xbf16, #tpu.memory_space<hbm>>
        tpu.wait_indirect_dma semaphore(%arg18 : memref<!tpu.dma_semaphore, #tpu.memory_space<semaphore_mem>>) src(%dma_wait3A_259 : memref<50000x32xbf16, #tpu.memory_space<hbm>>) dst(%arg14 : memref<128x32xbf16, #tpu.memory_space<vmem>>)
        %dma_wait3A_260 = arith.constant 0 : i32
        %dma_wait3A_261 = tpu.memref_slice %arg7[%add3A_177, %dma_wait3A_260] : memref<40x128xi32, #tpu.memory_space<vmem>> -> memref<1x128xi32, #tpu.memory_space<vmem>>
        %dma_wait3A_262 = tpu.memref_squeeze %dma_wait3A_261 : memref<1x128xi32, #tpu.memory_space<vmem>> -> memref<128xi32, #tpu.memory_space<vmem>>
        %dma_wait3A_263 = arith.constant 0 : i32
        %dma_wait3A_264 = arith.constant 0 : i32
        %dma_wait3A_265 = tpu.memref_slice %arg2[%dma_wait3A_263, %dma_wait3A_264] : memref<50000x32xbf16, #tpu.memory_space<hbm>> -> memref<50000x32xbf16, #tpu.memory_space<hbm>>
        tpu.wait_indirect_dma semaphore(%arg18 : memref<!tpu.dma_semaphore, #tpu.memory_space<semaphore_mem>>) src(%dma_wait3A_265 : memref<50000x32xbf16, #tpu.memory_space<hbm>>) dst(%arg15 : memref<128x32xbf16, #tpu.memory_space<vmem>>)
        %dma_wait3A_266 = arith.constant 0 : i32
        %dma_wait3A_267 = tpu.memref_slice %arg7[%add3A_185, %dma_wait3A_266] : memref<40x128xi32, #tpu.memory_space<vmem>> -> memref<1x128xi32, #tpu.memory_space<vmem>>
        %dma_wait3A_268 = tpu.memref_squeeze %dma_wait3A_267 : memref<1x128xi32, #tpu.memory_space<vmem>> -> memref<128xi32, #tpu.memory_space<vmem>>
        %dma_wait3A_269 = arith.constant 0 : i32
        %dma_wait3A_270 = arith.constant 0 : i32
        %dma_wait3A_271 = tpu.memref_slice %arg2[%dma_wait3A_269, %dma_wait3A_270] : memref<50000x32xbf16, #tpu.memory_space<hbm>> -> memref<50000x32xbf16, #tpu.memory_space<hbm>>
        tpu.wait_indirect_dma semaphore(%arg18 : memref<!tpu.dma_semaphore, #tpu.memory_space<semaphore_mem>>) src(%dma_wait3A_271 : memref<50000x32xbf16, #tpu.memory_space<hbm>>) dst(%arg16 : memref<128x32xbf16, #tpu.memory_space<vmem>>)
        %dma_wait3A_272 = arith.constant 0 : i32
        %dma_wait3A_273 = tpu.memref_slice %arg8[%add3A_217, %dma_wait3A_272] : memref<40x128xi32, #tpu.memory_space<vmem>> -> memref<1x128xi32, #tpu.memory_space<vmem>>
        %dma_wait3A_274 = tpu.memref_squeeze %dma_wait3A_273 : memref<1x128xi32, #tpu.memory_space<vmem>> -> memref<128xi32, #tpu.memory_space<vmem>>
        %dma_wait3A_275 = arith.constant 0 : i32
        %dma_wait3A_276 = arith.constant 0 : i32
        %dma_wait3A_277 = tpu.memref_slice %arg17[%dma_wait3A_275, %dma_wait3A_276] : memref<100096x32xbf16, #tpu.memory_space<vmem_shared>> -> memref<100096x32xbf16, #tpu.memory_space<vmem_shared>>
        tpu.wait_indirect_dma semaphore(%arg19 : memref<!tpu.dma_semaphore, #tpu.memory_space<semaphore_mem>>) src(%arg9 : memref<128x32xbf16, #tpu.memory_space<vmem>>) dst(%dma_wait3A_277 : memref<100096x32xbf16, #tpu.memory_space<vmem_shared>>)
        %dma_wait3A_278 = arith.constant 0 : i32
        %dma_wait3A_279 = tpu.memref_slice %arg8[%add3A_225, %dma_wait3A_278] : memref<40x128xi32, #tpu.memory_space<vmem>> -> memref<1x128xi32, #tpu.memory_space<vmem>>
        %dma_wait3A_280 = tpu.memref_squeeze %dma_wait3A_279 : memref<1x128xi32, #tpu.memory_space<vmem>> -> memref<128xi32, #tpu.memory_space<vmem>>
        %dma_wait3A_281 = arith.constant 0 : i32
        %dma_wait3A_282 = arith.constant 0 : i32
        %dma_wait3A_283 = tpu.memref_slice %arg17[%dma_wait3A_281, %dma_wait3A_282] : memref<100096x32xbf16, #tpu.memory_space<vmem_shared>> -> memref<100096x32xbf16, #tpu.memory_space<vmem_shared>>
        tpu.wait_indirect_dma semaphore(%arg19 : memref<!tpu.dma_semaphore, #tpu.memory_space<semaphore_mem>>) src(%arg10 : memref<128x32xbf16, #tpu.memory_space<vmem>>) dst(%dma_wait3A_283 : memref<100096x32xbf16, #tpu.memory_space<vmem_shared>>)
        %dma_wait3A_284 = arith.constant 0 : i32
        %dma_wait3A_285 = tpu.memref_slice %arg8[%add3A_233, %dma_wait3A_284] : memref<40x128xi32, #tpu.memory_space<vmem>> -> memref<1x128xi32, #tpu.memory_space<vmem>>
        %dma_wait3A_286 = tpu.memref_squeeze %dma_wait3A_285 : memref<1x128xi32, #tpu.memory_space<vmem>> -> memref<128xi32, #tpu.memory_space<vmem>>
        %dma_wait3A_287 = arith.constant 0 : i32
        %dma_wait3A_288 = arith.constant 0 : i32
        %dma_wait3A_289 = tpu.memref_slice %arg17[%dma_wait3A_287, %dma_wait3A_288] : memref<100096x32xbf16, #tpu.memory_space<vmem_shared>> -> memref<100096x32xbf16, #tpu.memory_space<vmem_shared>>
        tpu.wait_indirect_dma semaphore(%arg19 : memref<!tpu.dma_semaphore, #tpu.memory_space<semaphore_mem>>) src(%arg11 : memref<128x32xbf16, #tpu.memory_space<vmem>>) dst(%dma_wait3A_289 : memref<100096x32xbf16, #tpu.memory_space<vmem_shared>>)
        %dma_wait3A_290 = arith.constant 0 : i32
        %dma_wait3A_291 = tpu.memref_slice %arg8[%add3A_241, %dma_wait3A_290] : memref<40x128xi32, #tpu.memory_space<vmem>> -> memref<1x128xi32, #tpu.memory_space<vmem>>
        %dma_wait3A_292 = tpu.memref_squeeze %dma_wait3A_291 : memref<1x128xi32, #tpu.memory_space<vmem>> -> memref<128xi32, #tpu.memory_space<vmem>>
        %dma_wait3A_293 = arith.constant 0 : i32
        %dma_wait3A_294 = arith.constant 0 : i32
        %dma_wait3A_295 = tpu.memref_slice %arg17[%dma_wait3A_293, %dma_wait3A_294] : memref<100096x32xbf16, #tpu.memory_space<vmem_shared>> -> memref<100096x32xbf16, #tpu.memory_space<vmem_shared>>
        tpu.wait_indirect_dma semaphore(%arg19 : memref<!tpu.dma_semaphore, #tpu.memory_space<semaphore_mem>>) src(%arg12 : memref<128x32xbf16, #tpu.memory_space<vmem>>) dst(%dma_wait3A_295 : memref<100096x32xbf16, #tpu.memory_space<vmem_shared>>)
        %add3A_296 = arith.constant 4 : i32
        %add3A_297 = arith.addi %mul3A_123, %add3A_296 : i32
        %dma_start3A_298 = arith.constant 0 : i32
        %dma_start3A_299 = tpu.memref_slice %arg8[%add3A_297, %dma_start3A_298] : memref<40x128xi32, #tpu.memory_space<vmem>> -> memref<1x128xi32, #tpu.memory_space<vmem>>
        %dma_start3A_300 = tpu.memref_squeeze %dma_start3A_299 : memref<1x128xi32, #tpu.memory_space<vmem>> -> memref<128xi32, #tpu.memory_space<vmem>>
        %dma_start3A_301 = arith.constant 0 : i32
        %dma_start3A_302 = arith.constant 0 : i32
        %dma_start3A_303 = tpu.memref_slice %arg17[%dma_start3A_301, %dma_start3A_302] : memref<100096x32xbf16, #tpu.memory_space<vmem_shared>> -> memref<100096x32xbf16, #tpu.memory_space<vmem_shared>>
        tpu.enqueue_indirect_dma source(%arg13 : memref<128x32xbf16, #tpu.memory_space<vmem>>) target(%dma_start3A_303 : memref<100096x32xbf16, #tpu.memory_space<vmem_shared>>) offsets(%dma_start3A_300 : memref<128xi32, #tpu.memory_space<vmem>>) semaphore(%arg19 : memref<!tpu.dma_semaphore, #tpu.memory_space<semaphore_mem>>) {add = true}
        %add3A_304 = arith.constant 5 : i32
        %add3A_305 = arith.addi %mul3A_123, %add3A_304 : i32
        %dma_start3A_306 = arith.constant 0 : i32
        %dma_start3A_307 = tpu.memref_slice %arg8[%add3A_305, %dma_start3A_306] : memref<40x128xi32, #tpu.memory_space<vmem>> -> memref<1x128xi32, #tpu.memory_space<vmem>>
        %dma_start3A_308 = tpu.memref_squeeze %dma_start3A_307 : memref<1x128xi32, #tpu.memory_space<vmem>> -> memref<128xi32, #tpu.memory_space<vmem>>
        %dma_start3A_309 = arith.constant 0 : i32
        %dma_start3A_310 = arith.constant 0 : i32
        %dma_start3A_311 = tpu.memref_slice %arg17[%dma_start3A_309, %dma_start3A_310] : memref<100096x32xbf16, #tpu.memory_space<vmem_shared>> -> memref<100096x32xbf16, #tpu.memory_space<vmem_shared>>
        tpu.enqueue_indirect_dma source(%arg14 : memref<128x32xbf16, #tpu.memory_space<vmem>>) target(%dma_start3A_311 : memref<100096x32xbf16, #tpu.memory_space<vmem_shared>>) offsets(%dma_start3A_308 : memref<128xi32, #tpu.memory_space<vmem>>) semaphore(%arg19 : memref<!tpu.dma_semaphore, #tpu.memory_space<semaphore_mem>>) {add = true}
        %add3A_312 = arith.constant 6 : i32
        %add3A_313 = arith.addi %mul3A_123, %add3A_312 : i32
        %dma_start3A_314 = arith.constant 0 : i32
        %dma_start3A_315 = tpu.memref_slice %arg8[%add3A_313, %dma_start3A_314] : memref<40x128xi32, #tpu.memory_space<vmem>> -> memref<1x128xi32, #tpu.memory_space<vmem>>
        %dma_start3A_316 = tpu.memref_squeeze %dma_start3A_315 : memref<1x128xi32, #tpu.memory_space<vmem>> -> memref<128xi32, #tpu.memory_space<vmem>>
        %dma_start3A_317 = arith.constant 0 : i32
        %dma_start3A_318 = arith.constant 0 : i32
        %dma_start3A_319 = tpu.memref_slice %arg17[%dma_start3A_317, %dma_start3A_318] : memref<100096x32xbf16, #tpu.memory_space<vmem_shared>> -> memref<100096x32xbf16, #tpu.memory_space<vmem_shared>>
        tpu.enqueue_indirect_dma source(%arg15 : memref<128x32xbf16, #tpu.memory_space<vmem>>) target(%dma_start3A_319 : memref<100096x32xbf16, #tpu.memory_space<vmem_shared>>) offsets(%dma_start3A_316 : memref<128xi32, #tpu.memory_space<vmem>>) semaphore(%arg19 : memref<!tpu.dma_semaphore, #tpu.memory_space<semaphore_mem>>) {add = true}
        %add3A_320 = arith.constant 7 : i32
        %add3A_321 = arith.addi %mul3A_123, %add3A_320 : i32
        %dma_start3A_322 = arith.constant 0 : i32
        %dma_start3A_323 = tpu.memref_slice %arg8[%add3A_321, %dma_start3A_322] : memref<40x128xi32, #tpu.memory_space<vmem>> -> memref<1x128xi32, #tpu.memory_space<vmem>>
        %dma_start3A_324 = tpu.memref_squeeze %dma_start3A_323 : memref<1x128xi32, #tpu.memory_space<vmem>> -> memref<128xi32, #tpu.memory_space<vmem>>
        %dma_start3A_325 = arith.constant 0 : i32
        %dma_start3A_326 = arith.constant 0 : i32
        %dma_start3A_327 = tpu.memref_slice %arg17[%dma_start3A_325, %dma_start3A_326] : memref<100096x32xbf16, #tpu.memory_space<vmem_shared>> -> memref<100096x32xbf16, #tpu.memory_space<vmem_shared>>
        tpu.enqueue_indirect_dma source(%arg16 : memref<128x32xbf16, #tpu.memory_space<vmem>>) target(%dma_start3A_327 : memref<100096x32xbf16, #tpu.memory_space<vmem_shared>>) offsets(%dma_start3A_324 : memref<128xi32, #tpu.memory_space<vmem>>) semaphore(%arg19 : memref<!tpu.dma_semaphore, #tpu.memory_space<semaphore_mem>>) {add = true}
      }
      %scan3A_120 = arith.constant 5 : i32
    }
    %scan3A_27 = arith.constant 5 : i32
    %dma_wait3A = arith.constant 0 : i32
    %dma_wait3A_28 = arith.constant 0 : i32
    %dma_wait3A_29 = tpu.memref_slice %arg8[%dma_wait3A, %dma_wait3A_28] : memref<40x128xi32, #tpu.memory_space<vmem>> -> memref<1x128xi32, #tpu.memory_space<vmem>>
    %dma_wait3A_30 = tpu.memref_squeeze %dma_wait3A_29 : memref<1x128xi32, #tpu.memory_space<vmem>> -> memref<128xi32, #tpu.memory_space<vmem>>
    %dma_wait3A_31 = arith.constant 0 : i32
    %dma_wait3A_32 = arith.constant 0 : i32
    %dma_wait3A_33 = tpu.memref_slice %arg17[%dma_wait3A_31, %dma_wait3A_32] : memref<100096x32xbf16, #tpu.memory_space<vmem_shared>> -> memref<100096x32xbf16, #tpu.memory_space<vmem_shared>>
    tpu.wait_indirect_dma semaphore(%arg19 : memref<!tpu.dma_semaphore, #tpu.memory_space<semaphore_mem>>) src(%arg13 : memref<128x32xbf16, #tpu.memory_space<vmem>>) dst(%dma_wait3A_33 : memref<100096x32xbf16, #tpu.memory_space<vmem_shared>>)
    %dma_wait3A_34 = arith.constant 0 : i32
    %dma_wait3A_35 = arith.constant 0 : i32
    %dma_wait3A_36 = tpu.memref_slice %arg8[%dma_wait3A_34, %dma_wait3A_35] : memref<40x128xi32, #tpu.memory_space<vmem>> -> memref<1x128xi32, #tpu.memory_space<vmem>>
    %dma_wait3A_37 = tpu.memref_squeeze %dma_wait3A_36 : memref<1x128xi32, #tpu.memory_space<vmem>> -> memref<128xi32, #tpu.memory_space<vmem>>
    %dma_wait3A_38 = arith.constant 0 : i32
    %dma_wait3A_39 = arith.constant 0 : i32
    %dma_wait3A_40 = tpu.memref_slice %arg17[%dma_wait3A_38, %dma_wait3A_39] : memref<100096x32xbf16, #tpu.memory_space<vmem_shared>> -> memref<100096x32xbf16, #tpu.memory_space<vmem_shared>>
    tpu.wait_indirect_dma semaphore(%arg19 : memref<!tpu.dma_semaphore, #tpu.memory_space<semaphore_mem>>) src(%arg13 : memref<128x32xbf16, #tpu.memory_space<vmem>>) dst(%dma_wait3A_40 : memref<100096x32xbf16, #tpu.memory_space<vmem_shared>>)
    %dma_wait3A_41 = arith.constant 0 : i32
    %dma_wait3A_42 = arith.constant 0 : i32
    %dma_wait3A_43 = tpu.memref_slice %arg8[%dma_wait3A_41, %dma_wait3A_42] : memref<40x128xi32, #tpu.memory_space<vmem>> -> memref<1x128xi32, #tpu.memory_space<vmem>>
    %dma_wait3A_44 = tpu.memref_squeeze %dma_wait3A_43 : memref<1x128xi32, #tpu.memory_space<vmem>> -> memref<128xi32, #tpu.memory_space<vmem>>
    %dma_wait3A_45 = arith.constant 0 : i32
    %dma_wait3A_46 = arith.constant 0 : i32
    %dma_wait3A_47 = tpu.memref_slice %arg17[%dma_wait3A_45, %dma_wait3A_46] : memref<100096x32xbf16, #tpu.memory_space<vmem_shared>> -> memref<100096x32xbf16, #tpu.memory_space<vmem_shared>>
    tpu.wait_indirect_dma semaphore(%arg19 : memref<!tpu.dma_semaphore, #tpu.memory_space<semaphore_mem>>) src(%arg13 : memref<128x32xbf16, #tpu.memory_space<vmem>>) dst(%dma_wait3A_47 : memref<100096x32xbf16, #tpu.memory_space<vmem_shared>>)
    %dma_wait3A_48 = arith.constant 0 : i32
    %dma_wait3A_49 = arith.constant 0 : i32
    %dma_wait3A_50 = tpu.memref_slice %arg8[%dma_wait3A_48, %dma_wait3A_49] : memref<40x128xi32, #tpu.memory_space<vmem>> -> memref<1x128xi32, #tpu.memory_space<vmem>>
    %dma_wait3A_51 = tpu.memref_squeeze %dma_wait3A_50 : memref<1x128xi32, #tpu.memory_space<vmem>> -> memref<128xi32, #tpu.memory_space<vmem>>
    %dma_wait3A_52 = arith.constant 0 : i32
    %dma_wait3A_53 = arith.constant 0 : i32
    %dma_wait3A_54 = tpu.memref_slice %arg17[%dma_wait3A_52, %dma_wait3A_53] : memref<100096x32xbf16, #tpu.memory_space<vmem_shared>> -> memref<100096x32xbf16, #tpu.memory_space<vmem_shared>>
    tpu.wait_indirect_dma semaphore(%arg19 : memref<!tpu.dma_semaphore, #tpu.memory_space<semaphore_mem>>) src(%arg13 : memref<128x32xbf16, #tpu.memory_space<vmem>>) dst(%dma_wait3A_54 : memref<100096x32xbf16, #tpu.memory_space<vmem_shared>>)
    %barrier3A_55 = arith.constant 0 : index
    tpu.barrier barrier_id(%barrier3A_55)
    %run_scoped3A = arith.constant 0 : i32
    "tpu.region"() ({
      %run_scoped3A_113 = tpu.sem_alloc : memref<!tpu.dma_semaphore, #tpu.memory_space<semaphore_mem>>
      %dma_start3A = arith.constant 0 : i32
      %dma_start3A_114 = tpu.memref_slice %arg6[%arg0, %run_scoped3A, %mul3A_2, %dma_start3A] : memref<2x2x100096x32xbf16, #tpu.memory_space<hbm>> -> memref<1x1x6256x32xbf16, #tpu.memory_space<hbm>>
      %dma_start3A_115 = tpu.memref_squeeze %dma_start3A_114 : memref<1x1x6256x32xbf16, #tpu.memory_space<hbm>> -> memref<6256x32xbf16, #tpu.memory_space<hbm>>
      %dma_start3A_116 = arith.constant 0 : i32
      %dma_start3A_117 = tpu.memref_slice %arg17[%mul3A_2, %dma_start3A_116] : memref<100096x32xbf16, #tpu.memory_space<vmem_shared>> -> memref<6256x32xbf16, #tpu.memory_space<vmem_shared>>
      tpu.enqueue_dma source(%dma_start3A_117 : memref<6256x32xbf16, #tpu.memory_space<vmem_shared>>) target(%dma_start3A_115 : memref<6256x32xbf16, #tpu.memory_space<hbm>>) target_semaphore(%run_scoped3A_113 : memref<!tpu.dma_semaphore, #tpu.memory_space<semaphore_mem>>)
      %dma_wait3A_118 = arith.constant 0 : i32
      %dma_wait3A_119 = tpu.memref_slice %arg6[%arg0, %run_scoped3A, %mul3A_2, %dma_wait3A_118] : memref<2x2x100096x32xbf16, #tpu.memory_space<hbm>> -> memref<1x1x6256x32xbf16, #tpu.memory_space<hbm>>
      %dma_wait3A_120 = tpu.memref_squeeze %dma_wait3A_119 : memref<1x1x6256x32xbf16, #tpu.memory_space<hbm>> -> memref<6256x32xbf16, #tpu.memory_space<hbm>>
      %dma_wait3A_121 = arith.constant 0 : i32
      %dma_wait3A_122 = tpu.memref_slice %arg17[%mul3A_2, %dma_wait3A_121] : memref<100096x32xbf16, #tpu.memory_space<vmem_shared>> -> memref<6256x32xbf16, #tpu.memory_space<vmem_shared>>
      tpu.wait_dma2 semaphore(%run_scoped3A_113 : memref<!tpu.dma_semaphore, #tpu.memory_space<semaphore_mem>>) src(%dma_wait3A_122 : memref<6256x32xbf16, #tpu.memory_space<vmem_shared>>) dst(%dma_wait3A_120 : memref<6256x32xbf16, #tpu.memory_space<hbm>>)
      tpu.yield
    }) : () -> ()
    %scan3A_56 = arith.constant 0 : i32
    %scan3A_57 = arith.constant 0 : i32
    %scan3A_58 = arith.constant 128 : i32
    %scan3A_59 = arith.addi %scan3A_57, %scan3A_58 : i32
    %scan3A_60 = arith.constant 1 : i32
    scf.for %scan3A_113 = %scan3A_57 to %scan3A_59 step %scan3A_60  : i32 {
      %broadcast_in_dim3A = arith.constant 0.000000e+00 : bf16
      %broadcast_in_dim3A_114 = vector.broadcast %broadcast_in_dim3A : bf16 to vector<32xbf16>
      %swap3A = arith.index_cast %scan3A_113 : i32 to index
      %swap3A_115 = arith.constant 0 : index
      %swap3A_116 = tpu.vector_load %arg9[%swap3A, %swap3A_115] {strides = array<i32>} : memref<128x32xbf16, #tpu.memory_space<vmem>>, vector<1x32xbf16>,
      %swap3A_117 = vector.shape_cast %swap3A_116 : vector<1x32xbf16> to vector<32xbf16>
      %swap3A_118 = vector.shape_cast %broadcast_in_dim3A_114 : vector<32xbf16> to vector<1x32xbf16>
      tpu.vector_store %arg9[%swap3A, %swap3A_115], %swap3A_118 {strides = array<i32>} : memref<128x32xbf16, #tpu.memory_space<vmem>>, vector<1x32xbf16>,
    }
    %scan3A_61 = arith.constant 128 : i32
    %scan3A_62 = arith.constant 0 : i32
    %scan3A_63 = arith.constant 0 : i32
    %scan3A_64 = arith.constant 48 : i32
    %scan3A_65 = arith.addi %scan3A_63, %scan3A_64 : i32
    %scan3A_66 = arith.constant 1 : i32
    scf.for %scan3A_113 = %scan3A_63 to %scan3A_65 step %scan3A_66  : i32 {
      %mul3A_114 = arith.constant 128 : i32
      %mul3A_115 = arith.muli %scan3A_113, %mul3A_114 : i32
      %add3A_116 = arith.addi %mul3A_2, %mul3A_115 : i32
      %dma_start3A = arith.constant 0 : i32
      %dma_start3A_117 = tpu.memref_slice %arg17[%add3A_116, %dma_start3A] : memref<100096x32xbf16, #tpu.memory_space<vmem_shared>> -> memref<128x32xbf16, #tpu.memory_space<vmem_shared>>
      %dma_start3A_118 = arith.constant 0 : i32
      %dma_start3A_119 = tpu.memref_slice %arg17[%add3A_116, %dma_start3A_118] : memref<100096x32xbf16, #tpu.memory_space<vmem_shared>> -> memref<128x32xbf16, #tpu.memory_space<vmem_shared>>
      tpu.enqueue_dma source(%arg9 : memref<128x32xbf16, #tpu.memory_space<vmem>>) target(%dma_start3A_119 : memref<128x32xbf16, #tpu.memory_space<vmem_shared>>) target_semaphore(%arg19 : memref<!tpu.dma_semaphore, #tpu.memory_space<semaphore_mem>>)
    }
    %scan3A_67 = arith.constant 48 : i32
    %scan3A_68 = arith.constant 0 : i32
    %scan3A_69 = arith.constant 0 : i32
    %scan3A_70 = arith.constant 48 : i32
    %scan3A_71 = arith.addi %scan3A_69, %scan3A_70 : i32
    %scan3A_72 = arith.constant 1 : i32
    scf.for %scan3A_113 = %scan3A_69 to %scan3A_71 step %scan3A_72  : i32 {
      %mul3A_114 = arith.constant 128 : i32
      %mul3A_115 = arith.muli %scan3A_113, %mul3A_114 : i32
      %add3A_116 = arith.addi %mul3A_2, %mul3A_115 : i32
      %dma_wait3A_117 = arith.constant 0 : i32
      %dma_wait3A_118 = tpu.memref_slice %arg17[%add3A_116, %dma_wait3A_117] : memref<100096x32xbf16, #tpu.memory_space<vmem_shared>> -> memref<128x32xbf16, #tpu.memory_space<vmem_shared>>
      %dma_wait3A_119 = arith.constant 0 : i32
      %dma_wait3A_120 = tpu.memref_slice %arg17[%add3A_116, %dma_wait3A_119] : memref<100096x32xbf16, #tpu.memory_space<vmem_shared>> -> memref<128x32xbf16, #tpu.memory_space<vmem_shared>>
      tpu.wait_dma2 semaphore(%arg19 : memref<!tpu.dma_semaphore, #tpu.memory_space<semaphore_mem>>) src(%arg9 : memref<128x32xbf16, #tpu.memory_space<vmem>>) dst(%dma_wait3A_120 : memref<128x32xbf16, #tpu.memory_space<vmem_shared>>)
    }
    %scan3A_73 = arith.constant 48 : i32
    %add3A_74 = arith.constant 6144 : i32
    %add3A_75 = arith.addi %mul3A_2, %add3A_74 : i32
    "tpu.region"() ({
      %run_scoped3A_113 = tpu.sem_alloc : memref<!tpu.dma_semaphore, #tpu.memory_space<semaphore_mem>>
      %dma_start3A = arith.constant 0 : i32
      %dma_start3A_114 = arith.constant 0 : i32
      %dma_start3A_115 = tpu.memref_slice %arg9[%dma_start3A, %dma_start3A_114] : memref<128x32xbf16, #tpu.memory_space<vmem>> -> memref<112x32xbf16, #tpu.memory_space<vmem>>
      %dma_start3A_116 = arith.constant 0 : i32
      %dma_start3A_117 = tpu.memref_slice %arg17[%add3A_75, %dma_start3A_116] : memref<100096x32xbf16, #tpu.memory_space<vmem_shared>> -> memref<112x32xbf16, #tpu.memory_space<vmem_shared>>
      %dma_start3A_118 = arith.constant 0 : i32
      %dma_start3A_119 = tpu.memref_slice %arg17[%add3A_75, %dma_start3A_118] : memref<100096x32xbf16, #tpu.memory_space<vmem_shared>> -> memref<112x32xbf16, #tpu.memory_space<vmem_shared>>
      %dma_start3A_120 = arith.constant 0 : i32
      %dma_start3A_121 = arith.constant 0 : i32
      %dma_start3A_122 = tpu.memref_slice %arg9[%dma_start3A_120, %dma_start3A_121] : memref<128x32xbf16, #tpu.memory_space<vmem>> -> memref<112x32xbf16, #tpu.memory_space<vmem>>
      tpu.enqueue_dma source(%dma_start3A_122 : memref<112x32xbf16, #tpu.memory_space<vmem>>) target(%dma_start3A_119 : memref<112x32xbf16, #tpu.memory_space<vmem_shared>>) target_semaphore(%run_scoped3A_113 : memref<!tpu.dma_semaphore, #tpu.memory_space<semaphore_mem>>)
      %dma_wait3A_123 = arith.constant 0 : i32
      %dma_wait3A_124 = arith.constant 0 : i32
      %dma_wait3A_125 = tpu.memref_slice %arg9[%dma_wait3A_123, %dma_wait3A_124] : memref<128x32xbf16, #tpu.memory_space<vmem>> -> memref<112x32xbf16, #tpu.memory_space<vmem>>
      %dma_wait3A_126 = arith.constant 0 : i32
      %dma_wait3A_127 = tpu.memref_slice %arg17[%add3A_75, %dma_wait3A_126] : memref<100096x32xbf16, #tpu.memory_space<vmem_shared>> -> memref<112x32xbf16, #tpu.memory_space<vmem_shared>>
      %dma_wait3A_128 = arith.constant 0 : i32
      %dma_wait3A_129 = tpu.memref_slice %arg17[%add3A_75, %dma_wait3A_128] : memref<100096x32xbf16, #tpu.memory_space<vmem_shared>> -> memref<112x32xbf16, #tpu.memory_space<vmem_shared>>
      %dma_wait3A_130 = arith.constant 0 : i32
      %dma_wait3A_131 = arith.constant 0 : i32
      %dma_wait3A_132 = tpu.memref_slice %arg9[%dma_wait3A_130, %dma_wait3A_131] : memref<128x32xbf16, #tpu.memory_space<vmem>> -> memref<112x32xbf16, #tpu.memory_space<vmem>>
      tpu.wait_dma2 semaphore(%run_scoped3A_113 : memref<!tpu.dma_semaphore, #tpu.memory_space<semaphore_mem>>) src(%dma_wait3A_132 : memref<112x32xbf16, #tpu.memory_space<vmem>>) dst(%dma_wait3A_129 : memref<112x32xbf16, #tpu.memory_space<vmem_shared>>)
      tpu.yield
    }) : () -> ()
    %barrier3A_76 = arith.constant 0 : index
    tpu.barrier barrier_id(%barrier3A_76)
    %scan3A_77 = arith.constant 0 : i32
    %scan3A_78 = arith.constant 0 : i32
    %scan3A_79 = arith.constant 5 : i32
    %scan3A_80 = arith.addi %scan3A_78, %scan3A_79 : i32
    %scan3A_81 = arith.constant 1 : i32
    scf.for %scan3A_113 = %scan3A_78 to %scan3A_80 step %scan3A_81  : i32 {
      %gt3A = arith.constant 0 : i32
      %gt3A_114 = arith.cmpi sgt, %scan3A_113, %gt3A : i32
      %convert_element_type3A = arith.extui %gt3A_114 : i1 to i32
      %cond3A = arith.constant 0 : i32
      %cond3A_115 = arith.cmpi ne, %convert_element_type3A, %cond3A : i32
      scf.if %cond3A_115 {
        %dma_wait3A_121 = arith.constant 0 : i32
        %dma_wait3A_122 = arith.constant 0 : i32
        %dma_wait3A_123 = tpu.memref_slice %arg8[%dma_wait3A_121, %dma_wait3A_122] : memref<40x128xi32, #tpu.memory_space<vmem>> -> memref<1x128xi32, #tpu.memory_space<vmem>>
        %dma_wait3A_124 = tpu.memref_squeeze %dma_wait3A_123 : memref<1x128xi32, #tpu.memory_space<vmem>> -> memref<128xi32, #tpu.memory_space<vmem>>
        %dma_wait3A_125 = arith.constant 0 : i32
        %dma_wait3A_126 = arith.constant 0 : i32
        %dma_wait3A_127 = tpu.memref_slice %arg17[%dma_wait3A_125, %dma_wait3A_126] : memref<100096x32xbf16, #tpu.memory_space<vmem_shared>> -> memref<100096x32xbf16, #tpu.memory_space<vmem_shared>>
        tpu.wait_indirect_dma semaphore(%arg19 : memref<!tpu.dma_semaphore, #tpu.memory_space<semaphore_mem>>) src(%arg13 : memref<128x32xbf16, #tpu.memory_space<vmem>>) dst(%dma_wait3A_127 : memref<100096x32xbf16, #tpu.memory_space<vmem_shared>>)
        %dma_wait3A_128 = arith.constant 0 : i32
        %dma_wait3A_129 = arith.constant 0 : i32
        %dma_wait3A_130 = tpu.memref_slice %arg8[%dma_wait3A_128, %dma_wait3A_129] : memref<40x128xi32, #tpu.memory_space<vmem>> -> memref<1x128xi32, #tpu.memory_space<vmem>>
        %dma_wait3A_131 = tpu.memref_squeeze %dma_wait3A_130 : memref<1x128xi32, #tpu.memory_space<vmem>> -> memref<128xi32, #tpu.memory_space<vmem>>
        %dma_wait3A_132 = arith.constant 0 : i32
        %dma_wait3A_133 = arith.constant 0 : i32
        %dma_wait3A_134 = tpu.memref_slice %arg17[%dma_wait3A_132, %dma_wait3A_133] : memref<100096x32xbf16, #tpu.memory_space<vmem_shared>> -> memref<100096x32xbf16, #tpu.memory_space<vmem_shared>>
        tpu.wait_indirect_dma semaphore(%arg19 : memref<!tpu.dma_semaphore, #tpu.memory_space<semaphore_mem>>) src(%arg13 : memref<128x32xbf16, #tpu.memory_space<vmem>>) dst(%dma_wait3A_134 : memref<100096x32xbf16, #tpu.memory_space<vmem_shared>>)
        %dma_wait3A_135 = arith.constant 0 : i32
        %dma_wait3A_136 = arith.constant 0 : i32
        %dma_wait3A_137 = tpu.memref_slice %arg8[%dma_wait3A_135, %dma_wait3A_136] : memref<40x128xi32, #tpu.memory_space<vmem>> -> memref<1x128xi32, #tpu.memory_space<vmem>>
        %dma_wait3A_138 = tpu.memref_squeeze %dma_wait3A_137 : memref<1x128xi32, #tpu.memory_space<vmem>> -> memref<128xi32, #tpu.memory_space<vmem>>
        %dma_wait3A_139 = arith.constant 0 : i32
        %dma_wait3A_140 = arith.constant 0 : i32
        %dma_wait3A_141 = tpu.memref_slice %arg17[%dma_wait3A_139, %dma_wait3A_140] : memref<100096x32xbf16, #tpu.memory_space<vmem_shared>> -> memref<100096x32xbf16, #tpu.memory_space<vmem_shared>>
        tpu.wait_indirect_dma semaphore(%arg19 : memref<!tpu.dma_semaphore, #tpu.memory_space<semaphore_mem>>) src(%arg13 : memref<128x32xbf16, #tpu.memory_space<vmem>>) dst(%dma_wait3A_141 : memref<100096x32xbf16, #tpu.memory_space<vmem_shared>>)
        %dma_wait3A_142 = arith.constant 0 : i32
        %dma_wait3A_143 = arith.constant 0 : i32
        %dma_wait3A_144 = tpu.memref_slice %arg8[%dma_wait3A_142, %dma_wait3A_143] : memref<40x128xi32, #tpu.memory_space<vmem>> -> memref<1x128xi32, #tpu.memory_space<vmem>>
        %dma_wait3A_145 = tpu.memref_squeeze %dma_wait3A_144 : memref<1x128xi32, #tpu.memory_space<vmem>> -> memref<128xi32, #tpu.memory_space<vmem>>
        %dma_wait3A_146 = arith.constant 0 : i32
        %dma_wait3A_147 = arith.constant 0 : i32
        %dma_wait3A_148 = tpu.memref_slice %arg17[%dma_wait3A_146, %dma_wait3A_147] : memref<100096x32xbf16, #tpu.memory_space<vmem_shared>> -> memref<100096x32xbf16, #tpu.memory_space<vmem_shared>>
        tpu.wait_indirect_dma semaphore(%arg19 : memref<!tpu.dma_semaphore, #tpu.memory_space<semaphore_mem>>) src(%arg13 : memref<128x32xbf16, #tpu.memory_space<vmem>>) dst(%dma_wait3A_148 : memref<100096x32xbf16, #tpu.memory_space<vmem_shared>>)
      } else {
      }
      "tpu.region"() ({
        %run_scoped3A_121 = tpu.sem_alloc : memref<!tpu.dma_semaphore, #tpu.memory_space<semaphore_mem>>
        %dma_start3A = arith.constant 0 : i32
        %dma_start3A_122 = arith.constant 0 : i32
        %dma_start3A_123 = tpu.memref_slice %arg4[%add3A, %scan3A_113, %dma_start3A, %dma_start3A_122] : memref<32x5x40x128xi32, #tpu.memory_space<hbm>> -> memref<1x1x40x128xi32, #tpu.memory_space<hbm>>
        %dma_start3A_124 = tpu.memref_squeeze %dma_start3A_123 : memref<1x1x40x128xi32, #tpu.memory_space<hbm>> -> memref<40x128xi32, #tpu.memory_space<hbm>>
        %dma_start3A_125 = arith.constant 0 : i32
        %dma_start3A_126 = arith.constant 0 : i32
        %dma_start3A_127 = tpu.memref_slice %arg4[%add3A, %scan3A_113, %dma_start3A_125, %dma_start3A_126] : memref<32x5x40x128xi32, #tpu.memory_space<hbm>> -> memref<1x1x40x128xi32, #tpu.memory_space<hbm>>
        %dma_start3A_128 = tpu.memref_squeeze %dma_start3A_127 : memref<1x1x40x128xi32, #tpu.memory_space<hbm>> -> memref<40x128xi32, #tpu.memory_space<hbm>>
        tpu.enqueue_dma source(%dma_start3A_128 : memref<40x128xi32, #tpu.memory_space<hbm>>) target(%arg7 : memref<40x128xi32, #tpu.memory_space<vmem>>) target_semaphore(%run_scoped3A_121 : memref<!tpu.dma_semaphore, #tpu.memory_space<semaphore_mem>>)
        %dma_wait3A_129 = arith.constant 0 : i32
        %dma_wait3A_130 = arith.constant 0 : i32
        %dma_wait3A_131 = tpu.memref_slice %arg4[%add3A, %scan3A_113, %dma_wait3A_129, %dma_wait3A_130] : memref<32x5x40x128xi32, #tpu.memory_space<hbm>> -> memref<1x1x40x128xi32, #tpu.memory_space<hbm>>
        %dma_wait3A_132 = tpu.memref_squeeze %dma_wait3A_131 : memref<1x1x40x128xi32, #tpu.memory_space<hbm>> -> memref<40x128xi32, #tpu.memory_space<hbm>>
        %dma_wait3A_133 = arith.constant 0 : i32
        %dma_wait3A_134 = arith.constant 0 : i32
        %dma_wait3A_135 = tpu.memref_slice %arg4[%add3A, %scan3A_113, %dma_wait3A_133, %dma_wait3A_134] : memref<32x5x40x128xi32, #tpu.memory_space<hbm>> -> memref<1x1x40x128xi32, #tpu.memory_space<hbm>>
        %dma_wait3A_136 = tpu.memref_squeeze %dma_wait3A_135 : memref<1x1x40x128xi32, #tpu.memory_space<hbm>> -> memref<40x128xi32, #tpu.memory_space<hbm>>
        tpu.wait_dma2 semaphore(%run_scoped3A_121 : memref<!tpu.dma_semaphore, #tpu.memory_space<semaphore_mem>>) src(%dma_wait3A_136 : memref<40x128xi32, #tpu.memory_space<hbm>>) dst(%arg7 : memref<40x128xi32, #tpu.memory_space<vmem>>)
        tpu.yield
      }) : () -> ()
      "tpu.region"() ({
        %run_scoped3A_121 = tpu.sem_alloc : memref<!tpu.dma_semaphore, #tpu.memory_space<semaphore_mem>>
        %dma_start3A = arith.constant 0 : i32
        %dma_start3A_122 = arith.constant 0 : i32
        %dma_start3A_123 = tpu.memref_slice %arg5[%add3A, %scan3A_113, %dma_start3A, %dma_start3A_122] : memref<32x5x40x128xi32, #tpu.memory_space<hbm>> -> memref<1x1x40x128xi32, #tpu.memory_space<hbm>>
        %dma_start3A_124 = tpu.memref_squeeze %dma_start3A_123 : memref<1x1x40x128xi32, #tpu.memory_space<hbm>> -> memref<40x128xi32, #tpu.memory_space<hbm>>
        %dma_start3A_125 = arith.constant 0 : i32
        %dma_start3A_126 = arith.constant 0 : i32
        %dma_start3A_127 = tpu.memref_slice %arg5[%add3A, %scan3A_113, %dma_start3A_125, %dma_start3A_126] : memref<32x5x40x128xi32, #tpu.memory_space<hbm>> -> memref<1x1x40x128xi32, #tpu.memory_space<hbm>>
        %dma_start3A_128 = tpu.memref_squeeze %dma_start3A_127 : memref<1x1x40x128xi32, #tpu.memory_space<hbm>> -> memref<40x128xi32, #tpu.memory_space<hbm>>
        tpu.enqueue_dma source(%dma_start3A_128 : memref<40x128xi32, #tpu.memory_space<hbm>>) target(%arg8 : memref<40x128xi32, #tpu.memory_space<vmem>>) target_semaphore(%run_scoped3A_121 : memref<!tpu.dma_semaphore, #tpu.memory_space<semaphore_mem>>)
        %dma_wait3A_129 = arith.constant 0 : i32
        %dma_wait3A_130 = arith.constant 0 : i32
        %dma_wait3A_131 = tpu.memref_slice %arg5[%add3A, %scan3A_113, %dma_wait3A_129, %dma_wait3A_130] : memref<32x5x40x128xi32, #tpu.memory_space<hbm>> -> memref<1x1x40x128xi32, #tpu.memory_space<hbm>>
        %dma_wait3A_132 = tpu.memref_squeeze %dma_wait3A_131 : memref<1x1x40x128xi32, #tpu.memory_space<hbm>> -> memref<40x128xi32, #tpu.memory_space<hbm>>
        %dma_wait3A_133 = arith.constant 0 : i32
        %dma_wait3A_134 = arith.constant 0 : i32
        %dma_wait3A_135 = tpu.memref_slice %arg5[%add3A, %scan3A_113, %dma_wait3A_133, %dma_wait3A_134] : memref<32x5x40x128xi32, #tpu.memory_space<hbm>> -> memref<1x1x40x128xi32, #tpu.memory_space<hbm>>
        %dma_wait3A_136 = tpu.memref_squeeze %dma_wait3A_135 : memref<1x1x40x128xi32, #tpu.memory_space<hbm>> -> memref<40x128xi32, #tpu.memory_space<hbm>>
        tpu.wait_dma2 semaphore(%run_scoped3A_121 : memref<!tpu.dma_semaphore, #tpu.memory_space<semaphore_mem>>) src(%dma_wait3A_136 : memref<40x128xi32, #tpu.memory_space<hbm>>) dst(%arg8 : memref<40x128xi32, #tpu.memory_space<vmem>>)
        tpu.yield
      }) : () -> ()
      %scan3A_116 = arith.constant 0 : i32
      %scan3A_117 = arith.constant 5 : i32
      %scan3A_118 = arith.addi %scan3A_116, %scan3A_117 : i32
      %scan3A_119 = arith.constant 1 : i32
      scf.for %scan3A_121 = %scan3A_116 to %scan3A_118 step %scan3A_119  : i32 {
        %mul3A_122 = arith.constant 8 : i32
        %mul3A_123 = arith.muli %scan3A_121, %mul3A_122 : i32
        %add3A_124 = arith.constant 0 : i32
        %add3A_125 = arith.addi %mul3A_123, %add3A_124 : i32
        %dma_start3A = arith.constant 0 : i32
        %dma_start3A_126 = tpu.memref_slice %arg7[%add3A_125, %dma_start3A] : memref<40x128xi32, #tpu.memory_space<vmem>> -> memref<1x128xi32, #tpu.memory_space<vmem>>
        %dma_start3A_127 = tpu.memref_squeeze %dma_start3A_126 : memref<1x128xi32, #tpu.memory_space<vmem>> -> memref<128xi32, #tpu.memory_space<vmem>>
        %dma_start3A_128 = arith.constant 0 : i32
        %dma_start3A_129 = arith.constant 0 : i32
        %dma_start3A_130 = tpu.memref_slice %arg3[%dma_start3A_128, %dma_start3A_129] : memref<50000x32xbf16, #tpu.memory_space<hbm>> -> memref<50000x32xbf16, #tpu.memory_space<hbm>>
        tpu.enqueue_indirect_dma source(%dma_start3A_130 : memref<50000x32xbf16, #tpu.memory_space<hbm>>) target(%arg9 : memref<128x32xbf16, #tpu.memory_space<vmem>>) offsets(%dma_start3A_127 : memref<128xi32, #tpu.memory_space<vmem>>) semaphore(%arg18 : memref<!tpu.dma_semaphore, #tpu.memory_space<semaphore_mem>>)
        %add3A_131 = arith.constant 1 : i32
        %add3A_132 = arith.addi %mul3A_123, %add3A_131 : i32
        %dma_start3A_133 = arith.constant 0 : i32
        %dma_start3A_134 = tpu.memref_slice %arg7[%add3A_132, %dma_start3A_133] : memref<40x128xi32, #tpu.memory_space<vmem>> -> memref<1x128xi32, #tpu.memory_space<vmem>>
        %dma_start3A_135 = tpu.memref_squeeze %dma_start3A_134 : memref<1x128xi32, #tpu.memory_space<vmem>> -> memref<128xi32, #tpu.memory_space<vmem>>
        %dma_start3A_136 = arith.constant 0 : i32
        %dma_start3A_137 = arith.constant 0 : i32
        %dma_start3A_138 = tpu.memref_slice %arg3[%dma_start3A_136, %dma_start3A_137] : memref<50000x32xbf16, #tpu.memory_space<hbm>> -> memref<50000x32xbf16, #tpu.memory_space<hbm>>
        tpu.enqueue_indirect_dma source(%dma_start3A_138 : memref<50000x32xbf16, #tpu.memory_space<hbm>>) target(%arg10 : memref<128x32xbf16, #tpu.memory_space<vmem>>) offsets(%dma_start3A_135 : memref<128xi32, #tpu.memory_space<vmem>>) semaphore(%arg18 : memref<!tpu.dma_semaphore, #tpu.memory_space<semaphore_mem>>)
        %add3A_139 = arith.constant 2 : i32
        %add3A_140 = arith.addi %mul3A_123, %add3A_139 : i32
        %dma_start3A_141 = arith.constant 0 : i32
        %dma_start3A_142 = tpu.memref_slice %arg7[%add3A_140, %dma_start3A_141] : memref<40x128xi32, #tpu.memory_space<vmem>> -> memref<1x128xi32, #tpu.memory_space<vmem>>
        %dma_start3A_143 = tpu.memref_squeeze %dma_start3A_142 : memref<1x128xi32, #tpu.memory_space<vmem>> -> memref<128xi32, #tpu.memory_space<vmem>>
        %dma_start3A_144 = arith.constant 0 : i32
        %dma_start3A_145 = arith.constant 0 : i32
        %dma_start3A_146 = tpu.memref_slice %arg3[%dma_start3A_144, %dma_start3A_145] : memref<50000x32xbf16, #tpu.memory_space<hbm>> -> memref<50000x32xbf16, #tpu.memory_space<hbm>>
        tpu.enqueue_indirect_dma source(%dma_start3A_146 : memref<50000x32xbf16, #tpu.memory_space<hbm>>) target(%arg11 : memref<128x32xbf16, #tpu.memory_space<vmem>>) offsets(%dma_start3A_143 : memref<128xi32, #tpu.memory_space<vmem>>) semaphore(%arg18 : memref<!tpu.dma_semaphore, #tpu.memory_space<semaphore_mem>>)
        %add3A_147 = arith.constant 3 : i32
        %add3A_148 = arith.addi %mul3A_123, %add3A_147 : i32
        %dma_start3A_149 = arith.constant 0 : i32
        %dma_start3A_150 = tpu.memref_slice %arg7[%add3A_148, %dma_start3A_149] : memref<40x128xi32, #tpu.memory_space<vmem>> -> memref<1x128xi32, #tpu.memory_space<vmem>>
        %dma_start3A_151 = tpu.memref_squeeze %dma_start3A_150 : memref<1x128xi32, #tpu.memory_space<vmem>> -> memref<128xi32, #tpu.memory_space<vmem>>
        %dma_start3A_152 = arith.constant 0 : i32
        %dma_start3A_153 = arith.constant 0 : i32
        %dma_start3A_154 = tpu.memref_slice %arg3[%dma_start3A_152, %dma_start3A_153] : memref<50000x32xbf16, #tpu.memory_space<hbm>> -> memref<50000x32xbf16, #tpu.memory_space<hbm>>
        tpu.enqueue_indirect_dma source(%dma_start3A_154 : memref<50000x32xbf16, #tpu.memory_space<hbm>>) target(%arg12 : memref<128x32xbf16, #tpu.memory_space<vmem>>) offsets(%dma_start3A_151 : memref<128xi32, #tpu.memory_space<vmem>>) semaphore(%arg18 : memref<!tpu.dma_semaphore, #tpu.memory_space<semaphore_mem>>)
        %gt3A_155 = arith.constant 0 : i32
        %gt3A_156 = arith.cmpi sgt, %scan3A_121, %gt3A_155 : i32
        %convert_element_type3A_157 = arith.extui %gt3A_156 : i1 to i32
        %cond3A_158 = arith.constant 0 : i32
        %cond3A_159 = arith.cmpi ne, %convert_element_type3A_157, %cond3A_158 : i32
        scf.if %cond3A_159 {
          %dma_wait3A_328 = arith.constant 0 : i32
          %dma_wait3A_329 = arith.constant 0 : i32
          %dma_wait3A_330 = tpu.memref_slice %arg8[%dma_wait3A_328, %dma_wait3A_329] : memref<40x128xi32, #tpu.memory_space<vmem>> -> memref<1x128xi32, #tpu.memory_space<vmem>>
          %dma_wait3A_331 = tpu.memref_squeeze %dma_wait3A_330 : memref<1x128xi32, #tpu.memory_space<vmem>> -> memref<128xi32, #tpu.memory_space<vmem>>
          %dma_wait3A_332 = arith.constant 0 : i32
          %dma_wait3A_333 = arith.constant 0 : i32
          %dma_wait3A_334 = tpu.memref_slice %arg17[%dma_wait3A_332, %dma_wait3A_333] : memref<100096x32xbf16, #tpu.memory_space<vmem_shared>> -> memref<100096x32xbf16, #tpu.memory_space<vmem_shared>>
          tpu.wait_indirect_dma semaphore(%arg19 : memref<!tpu.dma_semaphore, #tpu.memory_space<semaphore_mem>>) src(%arg13 : memref<128x32xbf16, #tpu.memory_space<vmem>>) dst(%dma_wait3A_334 : memref<100096x32xbf16, #tpu.memory_space<vmem_shared>>)
          %dma_wait3A_335 = arith.constant 0 : i32
          %dma_wait3A_336 = arith.constant 0 : i32
          %dma_wait3A_337 = tpu.memref_slice %arg8[%dma_wait3A_335, %dma_wait3A_336] : memref<40x128xi32, #tpu.memory_space<vmem>> -> memref<1x128xi32, #tpu.memory_space<vmem>>
          %dma_wait3A_338 = tpu.memref_squeeze %dma_wait3A_337 : memref<1x128xi32, #tpu.memory_space<vmem>> -> memref<128xi32, #tpu.memory_space<vmem>>
          %dma_wait3A_339 = arith.constant 0 : i32
          %dma_wait3A_340 = arith.constant 0 : i32
          %dma_wait3A_341 = tpu.memref_slice %arg17[%dma_wait3A_339, %dma_wait3A_340] : memref<100096x32xbf16, #tpu.memory_space<vmem_shared>> -> memref<100096x32xbf16, #tpu.memory_space<vmem_shared>>
          tpu.wait_indirect_dma semaphore(%arg19 : memref<!tpu.dma_semaphore, #tpu.memory_space<semaphore_mem>>) src(%arg13 : memref<128x32xbf16, #tpu.memory_space<vmem>>) dst(%dma_wait3A_341 : memref<100096x32xbf16, #tpu.memory_space<vmem_shared>>)
          %dma_wait3A_342 = arith.constant 0 : i32
          %dma_wait3A_343 = arith.constant 0 : i32
          %dma_wait3A_344 = tpu.memref_slice %arg8[%dma_wait3A_342, %dma_wait3A_343] : memref<40x128xi32, #tpu.memory_space<vmem>> -> memref<1x128xi32, #tpu.memory_space<vmem>>
          %dma_wait3A_345 = tpu.memref_squeeze %dma_wait3A_344 : memref<1x128xi32, #tpu.memory_space<vmem>> -> memref<128xi32, #tpu.memory_space<vmem>>
          %dma_wait3A_346 = arith.constant 0 : i32
          %dma_wait3A_347 = arith.constant 0 : i32
          %dma_wait3A_348 = tpu.memref_slice %arg17[%dma_wait3A_346, %dma_wait3A_347] : memref<100096x32xbf16, #tpu.memory_space<vmem_shared>> -> memref<100096x32xbf16, #tpu.memory_space<vmem_shared>>
          tpu.wait_indirect_dma semaphore(%arg19 : memref<!tpu.dma_semaphore, #tpu.memory_space<semaphore_mem>>) src(%arg13 : memref<128x32xbf16, #tpu.memory_space<vmem>>) dst(%dma_wait3A_348 : memref<100096x32xbf16, #tpu.memory_space<vmem_shared>>)
          %dma_wait3A_349 = arith.constant 0 : i32
          %dma_wait3A_350 = arith.constant 0 : i32
          %dma_wait3A_351 = tpu.memref_slice %arg8[%dma_wait3A_349, %dma_wait3A_350] : memref<40x128xi32, #tpu.memory_space<vmem>> -> memref<1x128xi32, #tpu.memory_space<vmem>>
          %dma_wait3A_352 = tpu.memref_squeeze %dma_wait3A_351 : memref<1x128xi32, #tpu.memory_space<vmem>> -> memref<128xi32, #tpu.memory_space<vmem>>
          %dma_wait3A_353 = arith.constant 0 : i32
          %dma_wait3A_354 = arith.constant 0 : i32
          %dma_wait3A_355 = tpu.memref_slice %arg17[%dma_wait3A_353, %dma_wait3A_354] : memref<100096x32xbf16, #tpu.memory_space<vmem_shared>> -> memref<100096x32xbf16, #tpu.memory_space<vmem_shared>>
          tpu.wait_indirect_dma semaphore(%arg19 : memref<!tpu.dma_semaphore, #tpu.memory_space<semaphore_mem>>) src(%arg13 : memref<128x32xbf16, #tpu.memory_space<vmem>>) dst(%dma_wait3A_355 : memref<100096x32xbf16, #tpu.memory_space<vmem_shared>>)
        } else {
        }
        %add3A_160 = arith.constant 4 : i32
        %add3A_161 = arith.addi %mul3A_123, %add3A_160 : i32
        %dma_start3A_162 = arith.constant 0 : i32
        %dma_start3A_163 = tpu.memref_slice %arg7[%add3A_161, %dma_start3A_162] : memref<40x128xi32, #tpu.memory_space<vmem>> -> memref<1x128xi32, #tpu.memory_space<vmem>>
        %dma_start3A_164 = tpu.memref_squeeze %dma_start3A_163 : memref<1x128xi32, #tpu.memory_space<vmem>> -> memref<128xi32, #tpu.memory_space<vmem>>
        %dma_start3A_165 = arith.constant 0 : i32
        %dma_start3A_166 = arith.constant 0 : i32
        %dma_start3A_167 = tpu.memref_slice %arg3[%dma_start3A_165, %dma_start3A_166] : memref<50000x32xbf16, #tpu.memory_space<hbm>> -> memref<50000x32xbf16, #tpu.memory_space<hbm>>
        tpu.enqueue_indirect_dma source(%dma_start3A_167 : memref<50000x32xbf16, #tpu.memory_space<hbm>>) target(%arg13 : memref<128x32xbf16, #tpu.memory_space<vmem>>) offsets(%dma_start3A_164 : memref<128xi32, #tpu.memory_space<vmem>>) semaphore(%arg18 : memref<!tpu.dma_semaphore, #tpu.memory_space<semaphore_mem>>)
        %add3A_168 = arith.constant 5 : i32
        %add3A_169 = arith.addi %mul3A_123, %add3A_168 : i32
        %dma_start3A_170 = arith.constant 0 : i32
        %dma_start3A_171 = tpu.memref_slice %arg7[%add3A_169, %dma_start3A_170] : memref<40x128xi32, #tpu.memory_space<vmem>> -> memref<1x128xi32, #tpu.memory_space<vmem>>
        %dma_start3A_172 = tpu.memref_squeeze %dma_start3A_171 : memref<1x128xi32, #tpu.memory_space<vmem>> -> memref<128xi32, #tpu.memory_space<vmem>>
        %dma_start3A_173 = arith.constant 0 : i32
        %dma_start3A_174 = arith.constant 0 : i32
        %dma_start3A_175 = tpu.memref_slice %arg3[%dma_start3A_173, %dma_start3A_174] : memref<50000x32xbf16, #tpu.memory_space<hbm>> -> memref<50000x32xbf16, #tpu.memory_space<hbm>>
        tpu.enqueue_indirect_dma source(%dma_start3A_175 : memref<50000x32xbf16, #tpu.memory_space<hbm>>) target(%arg14 : memref<128x32xbf16, #tpu.memory_space<vmem>>) offsets(%dma_start3A_172 : memref<128xi32, #tpu.memory_space<vmem>>) semaphore(%arg18 : memref<!tpu.dma_semaphore, #tpu.memory_space<semaphore_mem>>)
        %add3A_176 = arith.constant 6 : i32
        %add3A_177 = arith.addi %mul3A_123, %add3A_176 : i32
        %dma_start3A_178 = arith.constant 0 : i32
        %dma_start3A_179 = tpu.memref_slice %arg7[%add3A_177, %dma_start3A_178] : memref<40x128xi32, #tpu.memory_space<vmem>> -> memref<1x128xi32, #tpu.memory_space<vmem>>
        %dma_start3A_180 = tpu.memref_squeeze %dma_start3A_179 : memref<1x128xi32, #tpu.memory_space<vmem>> -> memref<128xi32, #tpu.memory_space<vmem>>
        %dma_start3A_181 = arith.constant 0 : i32
        %dma_start3A_182 = arith.constant 0 : i32
        %dma_start3A_183 = tpu.memref_slice %arg3[%dma_start3A_181, %dma_start3A_182] : memref<50000x32xbf16, #tpu.memory_space<hbm>> -> memref<50000x32xbf16, #tpu.memory_space<hbm>>
        tpu.enqueue_indirect_dma source(%dma_start3A_183 : memref<50000x32xbf16, #tpu.memory_space<hbm>>) target(%arg15 : memref<128x32xbf16, #tpu.memory_space<vmem>>) offsets(%dma_start3A_180 : memref<128xi32, #tpu.memory_space<vmem>>) semaphore(%arg18 : memref<!tpu.dma_semaphore, #tpu.memory_space<semaphore_mem>>)
        %add3A_184 = arith.constant 7 : i32
        %add3A_185 = arith.addi %mul3A_123, %add3A_184 : i32
        %dma_start3A_186 = arith.constant 0 : i32
        %dma_start3A_187 = tpu.memref_slice %arg7[%add3A_185, %dma_start3A_186] : memref<40x128xi32, #tpu.memory_space<vmem>> -> memref<1x128xi32, #tpu.memory_space<vmem>>
        %dma_start3A_188 = tpu.memref_squeeze %dma_start3A_187 : memref<1x128xi32, #tpu.memory_space<vmem>> -> memref<128xi32, #tpu.memory_space<vmem>>
        %dma_start3A_189 = arith.constant 0 : i32
        %dma_start3A_190 = arith.constant 0 : i32
        %dma_start3A_191 = tpu.memref_slice %arg3[%dma_start3A_189, %dma_start3A_190] : memref<50000x32xbf16, #tpu.memory_space<hbm>> -> memref<50000x32xbf16, #tpu.memory_space<hbm>>
        tpu.enqueue_indirect_dma source(%dma_start3A_191 : memref<50000x32xbf16, #tpu.memory_space<hbm>>) target(%arg16 : memref<128x32xbf16, #tpu.memory_space<vmem>>) offsets(%dma_start3A_188 : memref<128xi32, #tpu.memory_space<vmem>>) semaphore(%arg18 : memref<!tpu.dma_semaphore, #tpu.memory_space<semaphore_mem>>)
        %dma_wait3A_192 = arith.constant 0 : i32
        %dma_wait3A_193 = tpu.memref_slice %arg7[%add3A_125, %dma_wait3A_192] : memref<40x128xi32, #tpu.memory_space<vmem>> -> memref<1x128xi32, #tpu.memory_space<vmem>>
        %dma_wait3A_194 = tpu.memref_squeeze %dma_wait3A_193 : memref<1x128xi32, #tpu.memory_space<vmem>> -> memref<128xi32, #tpu.memory_space<vmem>>
        %dma_wait3A_195 = arith.constant 0 : i32
        %dma_wait3A_196 = arith.constant 0 : i32
        %dma_wait3A_197 = tpu.memref_slice %arg3[%dma_wait3A_195, %dma_wait3A_196] : memref<50000x32xbf16, #tpu.memory_space<hbm>> -> memref<50000x32xbf16, #tpu.memory_space<hbm>>
        tpu.wait_indirect_dma semaphore(%arg18 : memref<!tpu.dma_semaphore, #tpu.memory_space<semaphore_mem>>) src(%dma_wait3A_197 : memref<50000x32xbf16, #tpu.memory_space<hbm>>) dst(%arg9 : memref<128x32xbf16, #tpu.memory_space<vmem>>)
        %dma_wait3A_198 = arith.constant 0 : i32
        %dma_wait3A_199 = tpu.memref_slice %arg7[%add3A_132, %dma_wait3A_198] : memref<40x128xi32, #tpu.memory_space<vmem>> -> memref<1x128xi32, #tpu.memory_space<vmem>>
        %dma_wait3A_200 = tpu.memref_squeeze %dma_wait3A_199 : memref<1x128xi32, #tpu.memory_space<vmem>> -> memref<128xi32, #tpu.memory_space<vmem>>
        %dma_wait3A_201 = arith.constant 0 : i32
        %dma_wait3A_202 = arith.constant 0 : i32
        %dma_wait3A_203 = tpu.memref_slice %arg3[%dma_wait3A_201, %dma_wait3A_202] : memref<50000x32xbf16, #tpu.memory_space<hbm>> -> memref<50000x32xbf16, #tpu.memory_space<hbm>>
        tpu.wait_indirect_dma semaphore(%arg18 : memref<!tpu.dma_semaphore, #tpu.memory_space<semaphore_mem>>) src(%dma_wait3A_203 : memref<50000x32xbf16, #tpu.memory_space<hbm>>) dst(%arg10 : memref<128x32xbf16, #tpu.memory_space<vmem>>)
        %dma_wait3A_204 = arith.constant 0 : i32
        %dma_wait3A_205 = tpu.memref_slice %arg7[%add3A_140, %dma_wait3A_204] : memref<40x128xi32, #tpu.memory_space<vmem>> -> memref<1x128xi32, #tpu.memory_space<vmem>>
        %dma_wait3A_206 = tpu.memref_squeeze %dma_wait3A_205 : memref<1x128xi32, #tpu.memory_space<vmem>> -> memref<128xi32, #tpu.memory_space<vmem>>
        %dma_wait3A_207 = arith.constant 0 : i32
        %dma_wait3A_208 = arith.constant 0 : i32
        %dma_wait3A_209 = tpu.memref_slice %arg3[%dma_wait3A_207, %dma_wait3A_208] : memref<50000x32xbf16, #tpu.memory_space<hbm>> -> memref<50000x32xbf16, #tpu.memory_space<hbm>>
        tpu.wait_indirect_dma semaphore(%arg18 : memref<!tpu.dma_semaphore, #tpu.memory_space<semaphore_mem>>) src(%dma_wait3A_209 : memref<50000x32xbf16, #tpu.memory_space<hbm>>) dst(%arg11 : memref<128x32xbf16, #tpu.memory_space<vmem>>)
        %dma_wait3A_210 = arith.constant 0 : i32
        %dma_wait3A_211 = tpu.memref_slice %arg7[%add3A_148, %dma_wait3A_210] : memref<40x128xi32, #tpu.memory_space<vmem>> -> memref<1x128xi32, #tpu.memory_space<vmem>>
        %dma_wait3A_212 = tpu.memref_squeeze %dma_wait3A_211 : memref<1x128xi32, #tpu.memory_space<vmem>> -> memref<128xi32, #tpu.memory_space<vmem>>
        %dma_wait3A_213 = arith.constant 0 : i32
        %dma_wait3A_214 = arith.constant 0 : i32
        %dma_wait3A_215 = tpu.memref_slice %arg3[%dma_wait3A_213, %dma_wait3A_214] : memref<50000x32xbf16, #tpu.memory_space<hbm>> -> memref<50000x32xbf16, #tpu.memory_space<hbm>>
        tpu.wait_indirect_dma semaphore(%arg18 : memref<!tpu.dma_semaphore, #tpu.memory_space<semaphore_mem>>) src(%dma_wait3A_215 : memref<50000x32xbf16, #tpu.memory_space<hbm>>) dst(%arg12 : memref<128x32xbf16, #tpu.memory_space<vmem>>)
        %add3A_216 = arith.constant 0 : i32
        %add3A_217 = arith.addi %mul3A_123, %add3A_216 : i32
        %dma_start3A_218 = arith.constant 0 : i32
        %dma_start3A_219 = tpu.memref_slice %arg8[%add3A_217, %dma_start3A_218] : memref<40x128xi32, #tpu.memory_space<vmem>> -> memref<1x128xi32, #tpu.memory_space<vmem>>
        %dma_start3A_220 = tpu.memref_squeeze %dma_start3A_219 : memref<1x128xi32, #tpu.memory_space<vmem>> -> memref<128xi32, #tpu.memory_space<vmem>>
        %dma_start3A_221 = arith.constant 0 : i32
        %dma_start3A_222 = arith.constant 0 : i32
        %dma_start3A_223 = tpu.memref_slice %arg17[%dma_start3A_221, %dma_start3A_222] : memref<100096x32xbf16, #tpu.memory_space<vmem_shared>> -> memref<100096x32xbf16, #tpu.memory_space<vmem_shared>>
        tpu.enqueue_indirect_dma source(%arg9 : memref<128x32xbf16, #tpu.memory_space<vmem>>) target(%dma_start3A_223 : memref<100096x32xbf16, #tpu.memory_space<vmem_shared>>) offsets(%dma_start3A_220 : memref<128xi32, #tpu.memory_space<vmem>>) semaphore(%arg19 : memref<!tpu.dma_semaphore, #tpu.memory_space<semaphore_mem>>) {add = true}
        %add3A_224 = arith.constant 1 : i32
        %add3A_225 = arith.addi %mul3A_123, %add3A_224 : i32
        %dma_start3A_226 = arith.constant 0 : i32
        %dma_start3A_227 = tpu.memref_slice %arg8[%add3A_225, %dma_start3A_226] : memref<40x128xi32, #tpu.memory_space<vmem>> -> memref<1x128xi32, #tpu.memory_space<vmem>>
        %dma_start3A_228 = tpu.memref_squeeze %dma_start3A_227 : memref<1x128xi32, #tpu.memory_space<vmem>> -> memref<128xi32, #tpu.memory_space<vmem>>
        %dma_start3A_229 = arith.constant 0 : i32
        %dma_start3A_230 = arith.constant 0 : i32
        %dma_start3A_231 = tpu.memref_slice %arg17[%dma_start3A_229, %dma_start3A_230] : memref<100096x32xbf16, #tpu.memory_space<vmem_shared>> -> memref<100096x32xbf16, #tpu.memory_space<vmem_shared>>
        tpu.enqueue_indirect_dma source(%arg10 : memref<128x32xbf16, #tpu.memory_space<vmem>>) target(%dma_start3A_231 : memref<100096x32xbf16, #tpu.memory_space<vmem_shared>>) offsets(%dma_start3A_228 : memref<128xi32, #tpu.memory_space<vmem>>) semaphore(%arg19 : memref<!tpu.dma_semaphore, #tpu.memory_space<semaphore_mem>>) {add = true}
        %add3A_232 = arith.constant 2 : i32
        %add3A_233 = arith.addi %mul3A_123, %add3A_232 : i32
        %dma_start3A_234 = arith.constant 0 : i32
        %dma_start3A_235 = tpu.memref_slice %arg8[%add3A_233, %dma_start3A_234] : memref<40x128xi32, #tpu.memory_space<vmem>> -> memref<1x128xi32, #tpu.memory_space<vmem>>
        %dma_start3A_236 = tpu.memref_squeeze %dma_start3A_235 : memref<1x128xi32, #tpu.memory_space<vmem>> -> memref<128xi32, #tpu.memory_space<vmem>>
        %dma_start3A_237 = arith.constant 0 : i32
        %dma_start3A_238 = arith.constant 0 : i32
        %dma_start3A_239 = tpu.memref_slice %arg17[%dma_start3A_237, %dma_start3A_238] : memref<100096x32xbf16, #tpu.memory_space<vmem_shared>> -> memref<100096x32xbf16, #tpu.memory_space<vmem_shared>>
        tpu.enqueue_indirect_dma source(%arg11 : memref<128x32xbf16, #tpu.memory_space<vmem>>) target(%dma_start3A_239 : memref<100096x32xbf16, #tpu.memory_space<vmem_shared>>) offsets(%dma_start3A_236 : memref<128xi32, #tpu.memory_space<vmem>>) semaphore(%arg19 : memref<!tpu.dma_semaphore, #tpu.memory_space<semaphore_mem>>) {add = true}
        %add3A_240 = arith.constant 3 : i32
        %add3A_241 = arith.addi %mul3A_123, %add3A_240 : i32
        %dma_start3A_242 = arith.constant 0 : i32
        %dma_start3A_243 = tpu.memref_slice %arg8[%add3A_241, %dma_start3A_242] : memref<40x128xi32, #tpu.memory_space<vmem>> -> memref<1x128xi32, #tpu.memory_space<vmem>>
        %dma_start3A_244 = tpu.memref_squeeze %dma_start3A_243 : memref<1x128xi32, #tpu.memory_space<vmem>> -> memref<128xi32, #tpu.memory_space<vmem>>
        %dma_start3A_245 = arith.constant 0 : i32
        %dma_start3A_246 = arith.constant 0 : i32
        %dma_start3A_247 = tpu.memref_slice %arg17[%dma_start3A_245, %dma_start3A_246] : memref<100096x32xbf16, #tpu.memory_space<vmem_shared>> -> memref<100096x32xbf16, #tpu.memory_space<vmem_shared>>
        tpu.enqueue_indirect_dma source(%arg12 : memref<128x32xbf16, #tpu.memory_space<vmem>>) target(%dma_start3A_247 : memref<100096x32xbf16, #tpu.memory_space<vmem_shared>>) offsets(%dma_start3A_244 : memref<128xi32, #tpu.memory_space<vmem>>) semaphore(%arg19 : memref<!tpu.dma_semaphore, #tpu.memory_space<semaphore_mem>>) {add = true}
        %dma_wait3A_248 = arith.constant 0 : i32
        %dma_wait3A_249 = tpu.memref_slice %arg7[%add3A_161, %dma_wait3A_248] : memref<40x128xi32, #tpu.memory_space<vmem>> -> memref<1x128xi32, #tpu.memory_space<vmem>>
        %dma_wait3A_250 = tpu.memref_squeeze %dma_wait3A_249 : memref<1x128xi32, #tpu.memory_space<vmem>> -> memref<128xi32, #tpu.memory_space<vmem>>
        %dma_wait3A_251 = arith.constant 0 : i32
        %dma_wait3A_252 = arith.constant 0 : i32
        %dma_wait3A_253 = tpu.memref_slice %arg3[%dma_wait3A_251, %dma_wait3A_252] : memref<50000x32xbf16, #tpu.memory_space<hbm>> -> memref<50000x32xbf16, #tpu.memory_space<hbm>>
        tpu.wait_indirect_dma semaphore(%arg18 : memref<!tpu.dma_semaphore, #tpu.memory_space<semaphore_mem>>) src(%dma_wait3A_253 : memref<50000x32xbf16, #tpu.memory_space<hbm>>) dst(%arg13 : memref<128x32xbf16, #tpu.memory_space<vmem>>)
        %dma_wait3A_254 = arith.constant 0 : i32
        %dma_wait3A_255 = tpu.memref_slice %arg7[%add3A_169, %dma_wait3A_254] : memref<40x128xi32, #tpu.memory_space<vmem>> -> memref<1x128xi32, #tpu.memory_space<vmem>>
        %dma_wait3A_256 = tpu.memref_squeeze %dma_wait3A_255 : memref<1x128xi32, #tpu.memory_space<vmem>> -> memref<128xi32, #tpu.memory_space<vmem>>
        %dma_wait3A_257 = arith.constant 0 : i32
        %dma_wait3A_258 = arith.constant 0 : i32
        %dma_wait3A_259 = tpu.memref_slice %arg3[%dma_wait3A_257, %dma_wait3A_258] : memref<50000x32xbf16, #tpu.memory_space<hbm>> -> memref<50000x32xbf16, #tpu.memory_space<hbm>>
        tpu.wait_indirect_dma semaphore(%arg18 : memref<!tpu.dma_semaphore, #tpu.memory_space<semaphore_mem>>) src(%dma_wait3A_259 : memref<50000x32xbf16, #tpu.memory_space<hbm>>) dst(%arg14 : memref<128x32xbf16, #tpu.memory_space<vmem>>)
        %dma_wait3A_260 = arith.constant 0 : i32
        %dma_wait3A_261 = tpu.memref_slice %arg7[%add3A_177, %dma_wait3A_260] : memref<40x128xi32, #tpu.memory_space<vmem>> -> memref<1x128xi32, #tpu.memory_space<vmem>>
        %dma_wait3A_262 = tpu.memref_squeeze %dma_wait3A_261 : memref<1x128xi32, #tpu.memory_space<vmem>> -> memref<128xi32, #tpu.memory_space<vmem>>
        %dma_wait3A_263 = arith.constant 0 : i32
        %dma_wait3A_264 = arith.constant 0 : i32
        %dma_wait3A_265 = tpu.memref_slice %arg3[%dma_wait3A_263, %dma_wait3A_264] : memref<50000x32xbf16, #tpu.memory_space<hbm>> -> memref<50000x32xbf16, #tpu.memory_space<hbm>>
        tpu.wait_indirect_dma semaphore(%arg18 : memref<!tpu.dma_semaphore, #tpu.memory_space<semaphore_mem>>) src(%dma_wait3A_265 : memref<50000x32xbf16, #tpu.memory_space<hbm>>) dst(%arg15 : memref<128x32xbf16, #tpu.memory_space<vmem>>)
        %dma_wait3A_266 = arith.constant 0 : i32
        %dma_wait3A_267 = tpu.memref_slice %arg7[%add3A_185, %dma_wait3A_266] : memref<40x128xi32, #tpu.memory_space<vmem>> -> memref<1x128xi32, #tpu.memory_space<vmem>>
        %dma_wait3A_268 = tpu.memref_squeeze %dma_wait3A_267 : memref<1x128xi32, #tpu.memory_space<vmem>> -> memref<128xi32, #tpu.memory_space<vmem>>
        %dma_wait3A_269 = arith.constant 0 : i32
        %dma_wait3A_270 = arith.constant 0 : i32
        %dma_wait3A_271 = tpu.memref_slice %arg3[%dma_wait3A_269, %dma_wait3A_270] : memref<50000x32xbf16, #tpu.memory_space<hbm>> -> memref<50000x32xbf16, #tpu.memory_space<hbm>>
        tpu.wait_indirect_dma semaphore(%arg18 : memref<!tpu.dma_semaphore, #tpu.memory_space<semaphore_mem>>) src(%dma_wait3A_271 : memref<50000x32xbf16, #tpu.memory_space<hbm>>) dst(%arg16 : memref<128x32xbf16, #tpu.memory_space<vmem>>)
        %dma_wait3A_272 = arith.constant 0 : i32
        %dma_wait3A_273 = tpu.memref_slice %arg8[%add3A_217, %dma_wait3A_272] : memref<40x128xi32, #tpu.memory_space<vmem>> -> memref<1x128xi32, #tpu.memory_space<vmem>>
        %dma_wait3A_274 = tpu.memref_squeeze %dma_wait3A_273 : memref<1x128xi32, #tpu.memory_space<vmem>> -> memref<128xi32, #tpu.memory_space<vmem>>
        %dma_wait3A_275 = arith.constant 0 : i32
        %dma_wait3A_276 = arith.constant 0 : i32
        %dma_wait3A_277 = tpu.memref_slice %arg17[%dma_wait3A_275, %dma_wait3A_276] : memref<100096x32xbf16, #tpu.memory_space<vmem_shared>> -> memref<100096x32xbf16, #tpu.memory_space<vmem_shared>>
        tpu.wait_indirect_dma semaphore(%arg19 : memref<!tpu.dma_semaphore, #tpu.memory_space<semaphore_mem>>) src(%arg9 : memref<128x32xbf16, #tpu.memory_space<vmem>>) dst(%dma_wait3A_277 : memref<100096x32xbf16, #tpu.memory_space<vmem_shared>>)
        %dma_wait3A_278 = arith.constant 0 : i32
        %dma_wait3A_279 = tpu.memref_slice %arg8[%add3A_225, %dma_wait3A_278] : memref<40x128xi32, #tpu.memory_space<vmem>> -> memref<1x128xi32, #tpu.memory_space<vmem>>
        %dma_wait3A_280 = tpu.memref_squeeze %dma_wait3A_279 : memref<1x128xi32, #tpu.memory_space<vmem>> -> memref<128xi32, #tpu.memory_space<vmem>>
        %dma_wait3A_281 = arith.constant 0 : i32
        %dma_wait3A_282 = arith.constant 0 : i32
        %dma_wait3A_283 = tpu.memref_slice %arg17[%dma_wait3A_281, %dma_wait3A_282] : memref<100096x32xbf16, #tpu.memory_space<vmem_shared>> -> memref<100096x32xbf16, #tpu.memory_space<vmem_shared>>
        tpu.wait_indirect_dma semaphore(%arg19 : memref<!tpu.dma_semaphore, #tpu.memory_space<semaphore_mem>>) src(%arg10 : memref<128x32xbf16, #tpu.memory_space<vmem>>) dst(%dma_wait3A_283 : memref<100096x32xbf16, #tpu.memory_space<vmem_shared>>)
        %dma_wait3A_284 = arith.constant 0 : i32
        %dma_wait3A_285 = tpu.memref_slice %arg8[%add3A_233, %dma_wait3A_284] : memref<40x128xi32, #tpu.memory_space<vmem>> -> memref<1x128xi32, #tpu.memory_space<vmem>>
        %dma_wait3A_286 = tpu.memref_squeeze %dma_wait3A_285 : memref<1x128xi32, #tpu.memory_space<vmem>> -> memref<128xi32, #tpu.memory_space<vmem>>
        %dma_wait3A_287 = arith.constant 0 : i32
        %dma_wait3A_288 = arith.constant 0 : i32
        %dma_wait3A_289 = tpu.memref_slice %arg17[%dma_wait3A_287, %dma_wait3A_288] : memref<100096x32xbf16, #tpu.memory_space<vmem_shared>> -> memref<100096x32xbf16, #tpu.memory_space<vmem_shared>>
        tpu.wait_indirect_dma semaphore(%arg19 : memref<!tpu.dma_semaphore, #tpu.memory_space<semaphore_mem>>) src(%arg11 : memref<128x32xbf16, #tpu.memory_space<vmem>>) dst(%dma_wait3A_289 : memref<100096x32xbf16, #tpu.memory_space<vmem_shared>>)
        %dma_wait3A_290 = arith.constant 0 : i32
        %dma_wait3A_291 = tpu.memref_slice %arg8[%add3A_241, %dma_wait3A_290] : memref<40x128xi32, #tpu.memory_space<vmem>> -> memref<1x128xi32, #tpu.memory_space<vmem>>
        %dma_wait3A_292 = tpu.memref_squeeze %dma_wait3A_291 : memref<1x128xi32, #tpu.memory_space<vmem>> -> memref<128xi32, #tpu.memory_space<vmem>>
        %dma_wait3A_293 = arith.constant 0 : i32
        %dma_wait3A_294 = arith.constant 0 : i32
        %dma_wait3A_295 = tpu.memref_slice %arg17[%dma_wait3A_293, %dma_wait3A_294] : memref<100096x32xbf16, #tpu.memory_space<vmem_shared>> -> memref<100096x32xbf16, #tpu.memory_space<vmem_shared>>
        tpu.wait_indirect_dma semaphore(%arg19 : memref<!tpu.dma_semaphore, #tpu.memory_space<semaphore_mem>>) src(%arg12 : memref<128x32xbf16, #tpu.memory_space<vmem>>) dst(%dma_wait3A_295 : memref<100096x32xbf16, #tpu.memory_space<vmem_shared>>)
        %add3A_296 = arith.constant 4 : i32
        %add3A_297 = arith.addi %mul3A_123, %add3A_296 : i32
        %dma_start3A_298 = arith.constant 0 : i32
        %dma_start3A_299 = tpu.memref_slice %arg8[%add3A_297, %dma_start3A_298] : memref<40x128xi32, #tpu.memory_space<vmem>> -> memref<1x128xi32, #tpu.memory_space<vmem>>
        %dma_start3A_300 = tpu.memref_squeeze %dma_start3A_299 : memref<1x128xi32, #tpu.memory_space<vmem>> -> memref<128xi32, #tpu.memory_space<vmem>>
        %dma_start3A_301 = arith.constant 0 : i32
        %dma_start3A_302 = arith.constant 0 : i32
        %dma_start3A_303 = tpu.memref_slice %arg17[%dma_start3A_301, %dma_start3A_302] : memref<100096x32xbf16, #tpu.memory_space<vmem_shared>> -> memref<100096x32xbf16, #tpu.memory_space<vmem_shared>>
        tpu.enqueue_indirect_dma source(%arg13 : memref<128x32xbf16, #tpu.memory_space<vmem>>) target(%dma_start3A_303 : memref<100096x32xbf16, #tpu.memory_space<vmem_shared>>) offsets(%dma_start3A_300 : memref<128xi32, #tpu.memory_space<vmem>>) semaphore(%arg19 : memref<!tpu.dma_semaphore, #tpu.memory_space<semaphore_mem>>) {add = true}
        %add3A_304 = arith.constant 5 : i32
        %add3A_305 = arith.addi %mul3A_123, %add3A_304 : i32
        %dma_start3A_306 = arith.constant 0 : i32
        %dma_start3A_307 = tpu.memref_slice %arg8[%add3A_305, %dma_start3A_306] : memref<40x128xi32, #tpu.memory_space<vmem>> -> memref<1x128xi32, #tpu.memory_space<vmem>>
        %dma_start3A_308 = tpu.memref_squeeze %dma_start3A_307 : memref<1x128xi32, #tpu.memory_space<vmem>> -> memref<128xi32, #tpu.memory_space<vmem>>
        %dma_start3A_309 = arith.constant 0 : i32
        %dma_start3A_310 = arith.constant 0 : i32
        %dma_start3A_311 = tpu.memref_slice %arg17[%dma_start3A_309, %dma_start3A_310] : memref<100096x32xbf16, #tpu.memory_space<vmem_shared>> -> memref<100096x32xbf16, #tpu.memory_space<vmem_shared>>
        tpu.enqueue_indirect_dma source(%arg14 : memref<128x32xbf16, #tpu.memory_space<vmem>>) target(%dma_start3A_311 : memref<100096x32xbf16, #tpu.memory_space<vmem_shared>>) offsets(%dma_start3A_308 : memref<128xi32, #tpu.memory_space<vmem>>) semaphore(%arg19 : memref<!tpu.dma_semaphore, #tpu.memory_space<semaphore_mem>>) {add = true}
        %add3A_312 = arith.constant 6 : i32
        %add3A_313 = arith.addi %mul3A_123, %add3A_312 : i32
        %dma_start3A_314 = arith.constant 0 : i32
        %dma_start3A_315 = tpu.memref_slice %arg8[%add3A_313, %dma_start3A_314] : memref<40x128xi32, #tpu.memory_space<vmem>> -> memref<1x128xi32, #tpu.memory_space<vmem>>
        %dma_start3A_316 = tpu.memref_squeeze %dma_start3A_315 : memref<1x128xi32, #tpu.memory_space<vmem>> -> memref<128xi32, #tpu.memory_space<vmem>>
        %dma_start3A_317 = arith.constant 0 : i32
        %dma_start3A_318 = arith.constant 0 : i32
        %dma_start3A_319 = tpu.memref_slice %arg17[%dma_start3A_317, %dma_start3A_318] : memref<100096x32xbf16, #tpu.memory_space<vmem_shared>> -> memref<100096x32xbf16, #tpu.memory_space<vmem_shared>>
        tpu.enqueue_indirect_dma source(%arg15 : memref<128x32xbf16, #tpu.memory_space<vmem>>) target(%dma_start3A_319 : memref<100096x32xbf16, #tpu.memory_space<vmem_shared>>) offsets(%dma_start3A_316 : memref<128xi32, #tpu.memory_space<vmem>>) semaphore(%arg19 : memref<!tpu.dma_semaphore, #tpu.memory_space<semaphore_mem>>) {add = true}
        %add3A_320 = arith.constant 7 : i32
        %add3A_321 = arith.addi %mul3A_123, %add3A_320 : i32
        %dma_start3A_322 = arith.constant 0 : i32
        %dma_start3A_323 = tpu.memref_slice %arg8[%add3A_321, %dma_start3A_322] : memref<40x128xi32, #tpu.memory_space<vmem>> -> memref<1x128xi32, #tpu.memory_space<vmem>>
        %dma_start3A_324 = tpu.memref_squeeze %dma_start3A_323 : memref<1x128xi32, #tpu.memory_space<vmem>> -> memref<128xi32, #tpu.memory_space<vmem>>
        %dma_start3A_325 = arith.constant 0 : i32
        %dma_start3A_326 = arith.constant 0 : i32
        %dma_start3A_327 = tpu.memref_slice %arg17[%dma_start3A_325, %dma_start3A_326] : memref<100096x32xbf16, #tpu.memory_space<vmem_shared>> -> memref<100096x32xbf16, #tpu.memory_space<vmem_shared>>
        tpu.enqueue_indirect_dma source(%arg16 : memref<128x32xbf16, #tpu.memory_space<vmem>>) target(%dma_start3A_327 : memref<100096x32xbf16, #tpu.memory_space<vmem_shared>>) offsets(%dma_start3A_324 : memref<128xi32, #tpu.memory_space<vmem>>) semaphore(%arg19 : memref<!tpu.dma_semaphore, #tpu.memory_space<semaphore_mem>>) {add = true}
      }
      %scan3A_120 = arith.constant 5 : i32
    }
    %scan3A_82 = arith.constant 5 : i32
    %dma_wait3A_83 = arith.constant 0 : i32
    %dma_wait3A_84 = arith.constant 0 : i32
    %dma_wait3A_85 = tpu.memref_slice %arg8[%dma_wait3A_83, %dma_wait3A_84] : memref<40x128xi32, #tpu.memory_space<vmem>> -> memref<1x128xi32, #tpu.memory_space<vmem>>
    %dma_wait3A_86 = tpu.memref_squeeze %dma_wait3A_85 : memref<1x128xi32, #tpu.memory_space<vmem>> -> memref<128xi32, #tpu.memory_space<vmem>>
    %dma_wait3A_87 = arith.constant 0 : i32
    %dma_wait3A_88 = arith.constant 0 : i32
    %dma_wait3A_89 = tpu.memref_slice %arg17[%dma_wait3A_87, %dma_wait3A_88] : memref<100096x32xbf16, #tpu.memory_space<vmem_shared>> -> memref<100096x32xbf16, #tpu.memory_space<vmem_shared>>
    tpu.wait_indirect_dma semaphore(%arg19 : memref<!tpu.dma_semaphore, #tpu.memory_space<semaphore_mem>>) src(%arg13 : memref<128x32xbf16, #tpu.memory_space<vmem>>) dst(%dma_wait3A_89 : memref<100096x32xbf16, #tpu.memory_space<vmem_shared>>)
    %dma_wait3A_90 = arith.constant 0 : i32
    %dma_wait3A_91 = arith.constant 0 : i32
    %dma_wait3A_92 = tpu.memref_slice %arg8[%dma_wait3A_90, %dma_wait3A_91] : memref<40x128xi32, #tpu.memory_space<vmem>> -> memref<1x128xi32, #tpu.memory_space<vmem>>
    %dma_wait3A_93 = tpu.memref_squeeze %dma_wait3A_92 : memref<1x128xi32, #tpu.memory_space<vmem>> -> memref<128xi32, #tpu.memory_space<vmem>>
    %dma_wait3A_94 = arith.constant 0 : i32
    %dma_wait3A_95 = arith.constant 0 : i32
    %dma_wait3A_96 = tpu.memref_slice %arg17[%dma_wait3A_94, %dma_wait3A_95] : memref<100096x32xbf16, #tpu.memory_space<vmem_shared>> -> memref<100096x32xbf16, #tpu.memory_space<vmem_shared>>
    tpu.wait_indirect_dma semaphore(%arg19 : memref<!tpu.dma_semaphore, #tpu.memory_space<semaphore_mem>>) src(%arg13 : memref<128x32xbf16, #tpu.memory_space<vmem>>) dst(%dma_wait3A_96 : memref<100096x32xbf16, #tpu.memory_space<vmem_shared>>)
    %dma_wait3A_97 = arith.constant 0 : i32
    %dma_wait3A_98 = arith.constant 0 : i32
    %dma_wait3A_99 = tpu.memref_slice %arg8[%dma_wait3A_97, %dma_wait3A_98] : memref<40x128xi32, #tpu.memory_space<vmem>> -> memref<1x128xi32, #tpu.memory_space<vmem>>
    %dma_wait3A_100 = tpu.memref_squeeze %dma_wait3A_99 : memref<1x128xi32, #tpu.memory_space<vmem>> -> memref<128xi32, #tpu.memory_space<vmem>>
    %dma_wait3A_101 = arith.constant 0 : i32
    %dma_wait3A_102 = arith.constant 0 : i32
    %dma_wait3A_103 = tpu.memref_slice %arg17[%dma_wait3A_101, %dma_wait3A_102] : memref<100096x32xbf16, #tpu.memory_space<vmem_shared>> -> memref<100096x32xbf16, #tpu.memory_space<vmem_shared>>
    tpu.wait_indirect_dma semaphore(%arg19 : memref<!tpu.dma_semaphore, #tpu.memory_space<semaphore_mem>>) src(%arg13 : memref<128x32xbf16, #tpu.memory_space<vmem>>) dst(%dma_wait3A_103 : memref<100096x32xbf16, #tpu.memory_space<vmem_shared>>)
    %dma_wait3A_104 = arith.constant 0 : i32
    %dma_wait3A_105 = arith.constant 0 : i32
    %dma_wait3A_106 = tpu.memref_slice %arg8[%dma_wait3A_104, %dma_wait3A_105] : memref<40x128xi32, #tpu.memory_space<vmem>> -> memref<1x128xi32, #tpu.memory_space<vmem>>
    %dma_wait3A_107 = tpu.memref_squeeze %dma_wait3A_106 : memref<1x128xi32, #tpu.memory_space<vmem>> -> memref<128xi32, #tpu.memory_space<vmem>>
    %dma_wait3A_108 = arith.constant 0 : i32
    %dma_wait3A_109 = arith.constant 0 : i32
    %dma_wait3A_110 = tpu.memref_slice %arg17[%dma_wait3A_108, %dma_wait3A_109] : memref<100096x32xbf16, #tpu.memory_space<vmem_shared>> -> memref<100096x32xbf16, #tpu.memory_space<vmem_shared>>
    tpu.wait_indirect_dma semaphore(%arg19 : memref<!tpu.dma_semaphore, #tpu.memory_space<semaphore_mem>>) src(%arg13 : memref<128x32xbf16, #tpu.memory_space<vmem>>) dst(%dma_wait3A_110 : memref<100096x32xbf16, #tpu.memory_space<vmem_shared>>)
    %barrier3A_111 = arith.constant 0 : index
    tpu.barrier barrier_id(%barrier3A_111)
    %run_scoped3A_112 = arith.constant 1 : i32
    "tpu.region"() ({
      %run_scoped3A_113 = tpu.sem_alloc : memref<!tpu.dma_semaphore, #tpu.memory_space<semaphore_mem>>
      %dma_start3A = arith.constant 0 : i32
      %dma_start3A_114 = tpu.memref_slice %arg6[%arg0, %run_scoped3A_112, %mul3A_2, %dma_start3A] : memref<2x2x100096x32xbf16, #tpu.memory_space<hbm>> -> memref<1x1x6256x32xbf16, #tpu.memory_space<hbm>>
      %dma_start3A_115 = tpu.memref_squeeze %dma_start3A_114 : memref<1x1x6256x32xbf16, #tpu.memory_space<hbm>> -> memref<6256x32xbf16, #tpu.memory_space<hbm>>
      %dma_start3A_116 = arith.constant 0 : i32
      %dma_start3A_117 = tpu.memref_slice %arg17[%mul3A_2, %dma_start3A_116] : memref<100096x32xbf16, #tpu.memory_space<vmem_shared>> -> memref<6256x32xbf16, #tpu.memory_space<vmem_shared>>
      tpu.enqueue_dma source(%dma_start3A_117 : memref<6256x32xbf16, #tpu.memory_space<vmem_shared>>) target(%dma_start3A_115 : memref<6256x32xbf16, #tpu.memory_space<hbm>>) target_semaphore(%run_scoped3A_113 : memref<!tpu.dma_semaphore, #tpu.memory_space<semaphore_mem>>)
      %dma_wait3A_118 = arith.constant 0 : i32
      %dma_wait3A_119 = tpu.memref_slice %arg6[%arg0, %run_scoped3A_112, %mul3A_2, %dma_wait3A_118] : memref<2x2x100096x32xbf16, #tpu.memory_space<hbm>> -> memref<1x1x6256x32xbf16, #tpu.memory_space<hbm>>
      %dma_wait3A_120 = tpu.memref_squeeze %dma_wait3A_119 : memref<1x1x6256x32xbf16, #tpu.memory_space<hbm>> -> memref<6256x32xbf16, #tpu.memory_space<hbm>>
      %dma_wait3A_121 = arith.constant 0 : i32
      %dma_wait3A_122 = tpu.memref_slice %arg17[%mul3A_2, %dma_wait3A_121] : memref<100096x32xbf16, #tpu.memory_space<vmem_shared>> -> memref<6256x32xbf16, #tpu.memory_space<vmem_shared>>
      tpu.wait_dma2 semaphore(%run_scoped3A_113 : memref<!tpu.dma_semaphore, #tpu.memory_space<semaphore_mem>>) src(%dma_wait3A_122 : memref<6256x32xbf16, #tpu.memory_space<vmem_shared>>) dst(%dma_wait3A_120 : memref<6256x32xbf16, #tpu.memory_space<hbm>>)
      tpu.yield
    }) : () -> ()
    return
  }
}

module attributes {stable_mosaic.version = 14 : i64} {
  func.func @_layer1_body(%arg0: i32, %arg1: memref<2000x64xf32, #tpu.memory_space<vmem>>, %arg2: memref<2x2x2000x32xbf16, #tpu.memory_space<vmem>>, %arg3: memref<2x2x2000x32xbf16, #tpu.memory_space<vmem>>, %arg4: memref<2x2000x32xbf16, #tpu.memory_space<vmem>>, %arg5: memref<2x2000x32xbf16, #tpu.memory_space<vmem>>, %arg6: memref<128x32xf32, #tpu.memory_space<vmem>>, %arg7: memref<1x32xf32, #tpu.memory_space<vmem>>, %arg8: memref<128x32xf32, #tpu.memory_space<vmem>>, %arg9: memref<1x32xf32, #tpu.memory_space<vmem>>, %arg10: memref<2000x64xf32, #tpu.memory_space<vmem>>, %arg11: memref<2000x32xbf16, #tpu.memory_space<vmem>>, %arg12: memref<2000x32xbf16, #tpu.memory_space<vmem>>) attributes {dimension_semantics = [#tpu.dimension_semantics<arbitrary>], iteration_bounds = array<i64: 25>, scalar_prefetch = 0 : i64, scratch_operands = 0 : i64, tpu.core_type = #tpu.core_type<tc>, window_params = [{transform_indices = @transform_0, window_bounds = array<i64: 2000, 64>}, {transform_indices = @transform_1, window_bounds = array<i64: 2, 2, 2000, 32>}, {transform_indices = @transform_2, window_bounds = array<i64: 2, 2, 2000, 32>}, {transform_indices = @transform_3, window_bounds = array<i64: 2, 2000, 32>}, {transform_indices = @transform_4, window_bounds = array<i64: 2, 2000, 32>}, {pipeline_mode = #tpu.pipeline_mode<synchronous>, transform_indices = @transform_5, window_bounds = array<i64: 128, 32>}, {pipeline_mode = #tpu.pipeline_mode<synchronous>, transform_indices = @transform_6, window_bounds = array<i64: 1, 32>}, {pipeline_mode = #tpu.pipeline_mode<synchronous>, transform_indices = @transform_7, window_bounds = array<i64: 128, 32>}, {pipeline_mode = #tpu.pipeline_mode<synchronous>, transform_indices = @transform_8, window_bounds = array<i64: 1, 32>}, {transform_indices = @transform_9, window_bounds = array<i64: 2000, 64>}, {transform_indices = @transform_10, window_bounds = array<i64: 2000, 32>}, {transform_indices = @transform_11, window_bounds = array<i64: 2000, 32>}]} {
    %get3A = arith.constant 0 : index
    %get3A_0 = arith.constant 0 : index
    %get3A_1 = vector.load %arg1[%get3A, %get3A_0] : memref<2000x64xf32, #tpu.memory_space<vmem>>, vector<2000x64xf32>
    %get3A_2 = arith.constant 0 : index
    %get3A_3 = arith.constant 0 : index
    %get3A_4 = arith.constant 0 : index
    %get3A_5 = arith.constant 0 : index
    %get3A_6 = vector.load %arg2[%get3A_2, %get3A_3, %get3A_4, %get3A_5] : memref<2x2x2000x32xbf16, #tpu.memory_space<vmem>>, vector<2x2x2000x32xbf16>
    %get3A_7 = arith.constant 0 : index
    %get3A_8 = arith.constant 0 : index
    %get3A_9 = arith.constant 0 : index
    %get3A_10 = vector.load %arg4[%get3A_7, %get3A_8, %get3A_9] : memref<2x2000x32xbf16, #tpu.memory_space<vmem>>, vector<2x2000x32xbf16>
    %slice3A = vector.extract_strided_slice %get3A_10 {offsets = [0, 0, 0], sizes = [1, 2000, 32], strides = [1, 1, 1]} : vector<2x2000x32xbf16> to vector<1x2000x32xbf16>
    %squeeze3A = vector.shape_cast %slice3A : vector<1x2000x32xbf16> to vector<2000x32xbf16>
    %convert_element_type3A = arith.extf %squeeze3A : vector<2000x32xbf16> to vector<2000x32xf32>
    %slice3A_11 = vector.extract_strided_slice %get3A_10 {offsets = [1, 0, 0], sizes = [1, 2000, 32], strides = [1, 1, 1]} : vector<2x2000x32xbf16> to vector<1x2000x32xbf16>
    %squeeze3A_12 = vector.shape_cast %slice3A_11 : vector<1x2000x32xbf16> to vector<2000x32xbf16>
    %convert_element_type3A_13 = arith.extf %squeeze3A_12 : vector<2000x32xbf16> to vector<2000x32xf32>
    %add3A = arith.addf %convert_element_type3A, %convert_element_type3A_13 : vector<2000x32xf32>
    %slice3A_14 = vector.extract_strided_slice %add3A {offsets = [0, 0], sizes = [2000, 1], strides = [1, 1]} : vector<2000x32xf32> to vector<2000x1xf32>
    %slice3A_15 = vector.extract_strided_slice %get3A_6 {offsets = [0, 0, 0, 0], sizes = [1, 2, 2000, 32], strides = [1, 1, 1, 1]} : vector<2x2x2000x32xbf16> to vector<1x2x2000x32xbf16>
    %squeeze3A_16 = vector.shape_cast %slice3A_15 : vector<1x2x2000x32xbf16> to vector<2x2000x32xbf16>
    %convert_element_type3A_17 = arith.extf %squeeze3A_16 : vector<2x2000x32xbf16> to vector<2x2000x32xf32>
    %slice3A_18 = vector.extract_strided_slice %get3A_6 {offsets = [1, 0, 0, 0], sizes = [1, 2, 2000, 32], strides = [1, 1, 1, 1]} : vector<2x2x2000x32xbf16> to vector<1x2x2000x32xbf16>
    %squeeze3A_19 = vector.shape_cast %slice3A_18 : vector<1x2x2000x32xbf16> to vector<2x2000x32xbf16>
    %convert_element_type3A_20 = arith.extf %squeeze3A_19 : vector<2x2000x32xbf16> to vector<2x2000x32xf32>
    %add3A_21 = arith.addf %convert_element_type3A_17, %convert_element_type3A_20 : vector<2x2000x32xf32>
    %slice3A_22 = vector.extract_strided_slice %add3A_21 {offsets = [0, 0, 0], sizes = [1, 2000, 32], strides = [1, 1, 1]} : vector<2x2000x32xf32> to vector<1x2000x32xf32>
    %squeeze3A_23 = vector.shape_cast %slice3A_22 : vector<1x2000x32xf32> to vector<2000x32xf32>
    %slice3A_24 = vector.extract_strided_slice %add3A_21 {offsets = [1, 0, 0], sizes = [1, 2000, 32], strides = [1, 1, 1]} : vector<2x2000x32xf32> to vector<1x2000x32xf32>
    %squeeze3A_25 = vector.shape_cast %slice3A_24 : vector<1x2000x32xf32> to vector<2000x32xf32>
    %concatenate3A = tpu.concatenate %squeeze3A_23, %squeeze3A_25 in 1 : vector<2000x32xf32>, vector<2000x32xf32> -> vector<2000x64xf32>
    %max3A = arith.constant 1.000000e+00 : f32
    %max3A_26 = vector.broadcast %max3A : f32 to vector<2000x1xf32>
    %max3A_27 = arith.maximumf %slice3A_14, %max3A_26 : vector<2000x1xf32>
    %div3A = vector.broadcast %max3A_27 : vector<2000x1xf32> to vector<2000x64xf32>
    %div3A_28 = arith.divf %concatenate3A, %div3A : vector<2000x64xf32>
    %get3A_29 = arith.constant 0 : index
    %get3A_30 = arith.constant 0 : index
    %get3A_31 = arith.constant 0 : index
    %get3A_32 = arith.constant 0 : index
    %get3A_33 = vector.load %arg3[%get3A_29, %get3A_30, %get3A_31, %get3A_32] : memref<2x2x2000x32xbf16, #tpu.memory_space<vmem>>, vector<2x2x2000x32xbf16>
    %get3A_34 = arith.constant 0 : index
    %get3A_35 = arith.constant 0 : index
    %get3A_36 = arith.constant 0 : index
    %get3A_37 = vector.load %arg5[%get3A_34, %get3A_35, %get3A_36] : memref<2x2000x32xbf16, #tpu.memory_space<vmem>>, vector<2x2000x32xbf16>
    %slice3A_38 = vector.extract_strided_slice %get3A_37 {offsets = [0, 0, 0], sizes = [1, 2000, 32], strides = [1, 1, 1]} : vector<2x2000x32xbf16> to vector<1x2000x32xbf16>
    %squeeze3A_39 = vector.shape_cast %slice3A_38 : vector<1x2000x32xbf16> to vector<2000x32xbf16>
    %convert_element_type3A_40 = arith.extf %squeeze3A_39 : vector<2000x32xbf16> to vector<2000x32xf32>
    %slice3A_41 = vector.extract_strided_slice %get3A_37 {offsets = [1, 0, 0], sizes = [1, 2000, 32], strides = [1, 1, 1]} : vector<2x2000x32xbf16> to vector<1x2000x32xbf16>
    %squeeze3A_42 = vector.shape_cast %slice3A_41 : vector<1x2000x32xbf16> to vector<2000x32xbf16>
    %convert_element_type3A_43 = arith.extf %squeeze3A_42 : vector<2000x32xbf16> to vector<2000x32xf32>
    %add3A_44 = arith.addf %convert_element_type3A_40, %convert_element_type3A_43 : vector<2000x32xf32>
    %slice3A_45 = vector.extract_strided_slice %add3A_44 {offsets = [0, 0], sizes = [2000, 1], strides = [1, 1]} : vector<2000x32xf32> to vector<2000x1xf32>
    %slice3A_46 = vector.extract_strided_slice %get3A_33 {offsets = [0, 0, 0, 0], sizes = [1, 2, 2000, 32], strides = [1, 1, 1, 1]} : vector<2x2x2000x32xbf16> to vector<1x2x2000x32xbf16>
    %squeeze3A_47 = vector.shape_cast %slice3A_46 : vector<1x2x2000x32xbf16> to vector<2x2000x32xbf16>
    %convert_element_type3A_48 = arith.extf %squeeze3A_47 : vector<2x2000x32xbf16> to vector<2x2000x32xf32>
    %slice3A_49 = vector.extract_strided_slice %get3A_33 {offsets = [1, 0, 0, 0], sizes = [1, 2, 2000, 32], strides = [1, 1, 1, 1]} : vector<2x2x2000x32xbf16> to vector<1x2x2000x32xbf16>
    %squeeze3A_50 = vector.shape_cast %slice3A_49 : vector<1x2x2000x32xbf16> to vector<2x2000x32xbf16>
    %convert_element_type3A_51 = arith.extf %squeeze3A_50 : vector<2x2000x32xbf16> to vector<2x2000x32xf32>
    %add3A_52 = arith.addf %convert_element_type3A_48, %convert_element_type3A_51 : vector<2x2000x32xf32>
    %slice3A_53 = vector.extract_strided_slice %add3A_52 {offsets = [0, 0, 0], sizes = [1, 2000, 32], strides = [1, 1, 1]} : vector<2x2000x32xf32> to vector<1x2000x32xf32>
    %squeeze3A_54 = vector.shape_cast %slice3A_53 : vector<1x2000x32xf32> to vector<2000x32xf32>
    %slice3A_55 = vector.extract_strided_slice %add3A_52 {offsets = [1, 0, 0], sizes = [1, 2000, 32], strides = [1, 1, 1]} : vector<2x2000x32xf32> to vector<1x2000x32xf32>
    %squeeze3A_56 = vector.shape_cast %slice3A_55 : vector<1x2000x32xf32> to vector<2000x32xf32>
    %concatenate3A_57 = tpu.concatenate %squeeze3A_54, %squeeze3A_56 in 1 : vector<2000x32xf32>, vector<2000x32xf32> -> vector<2000x64xf32>
    %max3A_58 = arith.constant 1.000000e+00 : f32
    %max3A_59 = vector.broadcast %max3A_58 : f32 to vector<2000x1xf32>
    %max3A_60 = arith.maximumf %slice3A_45, %max3A_59 : vector<2000x1xf32>
    %div3A_61 = vector.broadcast %max3A_60 : vector<2000x1xf32> to vector<2000x64xf32>
    %div3A_62 = arith.divf %concatenate3A_57, %div3A_61 : vector<2000x64xf32>
    %get3A_63 = arith.constant 0 : index
    %get3A_64 = arith.constant 0 : index
    %get3A_65 = vector.load %arg6[%get3A_63, %get3A_64] : memref<128x32xf32, #tpu.memory_space<vmem>>, vector<64x32xf32>
    %dot_general3A = arith.constant dense<0.000000e+00> : vector<2000x32xf32>
    %dot_general3A_66 = tpu.matmul %div3A_28, %get3A_65, %dot_general3A {dimension_numbers = #tpu.dot_dimension_numbers<[1], [0], [0], [1], [0, 0, 1, 1], [], []>, transpose_lhs_hint = false} : vector<2000x64xf32>, vector<64x32xf32>, vector<2000x32xf32> -> vector<2000x32xf32>
    %get3A_67 = arith.constant 64 : index
    %get3A_68 = arith.constant 0 : index
    %get3A_69 = vector.load %arg6[%get3A_67, %get3A_68] : memref<128x32xf32, #tpu.memory_space<vmem>>, vector<64x32xf32>
    %dot_general3A_70 = arith.constant dense<0.000000e+00> : vector<2000x32xf32>
    %dot_general3A_71 = tpu.matmul %get3A_1, %get3A_69, %dot_general3A_70 {dimension_numbers = #tpu.dot_dimension_numbers<[1], [0], [0], [1], [0, 0, 1, 1], [], []>, transpose_lhs_hint = false} : vector<2000x64xf32>, vector<64x32xf32>, vector<2000x32xf32> -> vector<2000x32xf32>
    %add3A_72 = arith.addf %dot_general3A_66, %dot_general3A_71 : vector<2000x32xf32>
    %get3A_73 = arith.constant 0 : index
    %get3A_74 = arith.constant 0 : index
    %get3A_75 = vector.load %arg7[%get3A_73, %get3A_74] : memref<1x32xf32, #tpu.memory_space<vmem>>, vector<1x32xf32>
    %add3A_76 = vector.broadcast %get3A_75 : vector<1x32xf32> to vector<2000x32xf32>
    %add3A_77 = arith.addf %add3A_72, %add3A_76 : vector<2000x32xf32>
    %get3A_78 = arith.constant 0 : index
    %get3A_79 = arith.constant 0 : index
    %get3A_80 = vector.load %arg8[%get3A_78, %get3A_79] : memref<128x32xf32, #tpu.memory_space<vmem>>, vector<64x32xf32>
    %dot_general3A_81 = arith.constant dense<0.000000e+00> : vector<2000x32xf32>
    %dot_general3A_82 = tpu.matmul %div3A_62, %get3A_80, %dot_general3A_81 {dimension_numbers = #tpu.dot_dimension_numbers<[1], [0], [0], [1], [0, 0, 1, 1], [], []>, transpose_lhs_hint = false} : vector<2000x64xf32>, vector<64x32xf32>, vector<2000x32xf32> -> vector<2000x32xf32>
    %get3A_83 = arith.constant 64 : index
    %get3A_84 = arith.constant 0 : index
    %get3A_85 = vector.load %arg8[%get3A_83, %get3A_84] : memref<128x32xf32, #tpu.memory_space<vmem>>, vector<64x32xf32>
    %dot_general3A_86 = arith.constant dense<0.000000e+00> : vector<2000x32xf32>
    %dot_general3A_87 = tpu.matmul %get3A_1, %get3A_85, %dot_general3A_86 {dimension_numbers = #tpu.dot_dimension_numbers<[1], [0], [0], [1], [0, 0, 1, 1], [], []>, transpose_lhs_hint = false} : vector<2000x64xf32>, vector<64x32xf32>, vector<2000x32xf32> -> vector<2000x32xf32>
    %add3A_88 = arith.addf %dot_general3A_82, %dot_general3A_87 : vector<2000x32xf32>
    %get3A_89 = arith.constant 0 : index
    %get3A_90 = arith.constant 0 : index
    %get3A_91 = vector.load %arg9[%get3A_89, %get3A_90] : memref<1x32xf32, #tpu.memory_space<vmem>>, vector<1x32xf32>
    %add3A_92 = vector.broadcast %get3A_91 : vector<1x32xf32> to vector<2000x32xf32>
    %add3A_93 = arith.addf %add3A_88, %add3A_92 : vector<2000x32xf32>
    %concatenate3A_94 = tpu.concatenate %add3A_77, %add3A_93 in 1 : vector<2000x32xf32>, vector<2000x32xf32> -> vector<2000x64xf32>
    %tanh3A = math.tanh %concatenate3A_94 : vector<2000x64xf32>
    %swap3A = arith.constant 0 : index
    %swap3A_95 = arith.constant 0 : index
    %swap3A_96 = vector.load %arg10[%swap3A, %swap3A_95] : memref<2000x64xf32, #tpu.memory_space<vmem>>, vector<2000x64xf32>
    tpu.vector_store %arg10[%swap3A, %swap3A_95], %tanh3A {strides = array<i32>} : memref<2000x64xf32, #tpu.memory_space<vmem>>, vector<2000x64xf32>,
    %slice3A_97 = vector.extract_strided_slice %tanh3A {offsets = [0, 0], sizes = [2000, 32], strides = [1, 1]} : vector<2000x64xf32> to vector<2000x32xf32>
    %convert_element_type3A_98 = arith.truncf %slice3A_97 : vector<2000x32xf32> to vector<2000x32xbf16>
    %swap3A_99 = arith.constant 0 : index
    %swap3A_100 = arith.constant 0 : index
    %swap3A_101 = vector.load %arg11[%swap3A_99, %swap3A_100] : memref<2000x32xbf16, #tpu.memory_space<vmem>>, vector<2000x32xbf16>
    tpu.vector_store %arg11[%swap3A_99, %swap3A_100], %convert_element_type3A_98 {strides = array<i32>} : memref<2000x32xbf16, #tpu.memory_space<vmem>>, vector<2000x32xbf16>,
    %slice3A_102 = vector.extract_strided_slice %tanh3A {offsets = [0, 32], sizes = [2000, 32], strides = [1, 1]} : vector<2000x64xf32> to vector<2000x32xf32>
    %convert_element_type3A_103 = arith.truncf %slice3A_102 : vector<2000x32xf32> to vector<2000x32xbf16>
    %swap3A_104 = arith.constant 0 : index
    %swap3A_105 = arith.constant 0 : index
    %swap3A_106 = vector.load %arg12[%swap3A_104, %swap3A_105] : memref<2000x32xbf16, #tpu.memory_space<vmem>>, vector<2000x32xbf16>
    tpu.vector_store %arg12[%swap3A_104, %swap3A_105], %convert_element_type3A_103 {strides = array<i32>} : memref<2000x32xbf16, #tpu.memory_space<vmem>>, vector<2000x32xbf16>,
    return
  }
  func.func @transform_0(%arg0: i32) -> (i32, i32) {
    %c0_i32 = arith.constant 0 : i32
    %c0_i32_0 = arith.constant 0 : i32
    return %arg0, %c0_i32 : i32, i32
  }
  func.func @transform_1(%arg0: i32) -> (i32, i32, i32, i32) {
    %c0_i32 = arith.constant 0 : i32
    %c0_i32_0 = arith.constant 0 : i32
    %c0_i32_1 = arith.constant 0 : i32
    %c0_i32_2 = arith.constant 0 : i32
    return %c0_i32, %c0_i32_0, %arg0, %c0_i32_1 : i32, i32, i32, i32
  }
  func.func @transform_2(%arg0: i32) -> (i32, i32, i32, i32) {
    %add3A = arith.constant 25 : i32
    %add3A_0 = arith.addi %arg0, %add3A : i32
    %c0_i32 = arith.constant 0 : i32
    %c0_i32_1 = arith.constant 0 : i32
    %c0_i32_2 = arith.constant 0 : i32
    %c0_i32_3 = arith.constant 0 : i32
    return %c0_i32, %c0_i32_1, %add3A_0, %c0_i32_2 : i32, i32, i32, i32
  }
  func.func @transform_3(%arg0: i32) -> (i32, i32, i32) {
    %c0_i32 = arith.constant 0 : i32
    %c0_i32_0 = arith.constant 0 : i32
    %c0_i32_1 = arith.constant 0 : i32
    return %c0_i32, %arg0, %c0_i32_0 : i32, i32, i32
  }
  func.func @transform_4(%arg0: i32) -> (i32, i32, i32) {
    %add3A = arith.constant 25 : i32
    %add3A_0 = arith.addi %arg0, %add3A : i32
    %c0_i32 = arith.constant 0 : i32
    %c0_i32_1 = arith.constant 0 : i32
    %c0_i32_2 = arith.constant 0 : i32
    return %c0_i32, %add3A_0, %c0_i32_1 : i32, i32, i32
  }
  func.func @transform_5(%arg0: i32) -> (i32, i32) {
    %c0_i32 = arith.constant 0 : i32
    %c0_i32_0 = arith.constant 0 : i32
    %c0_i32_1 = arith.constant 0 : i32
    return %c0_i32, %c0_i32_0 : i32, i32
  }
  func.func @transform_6(%arg0: i32) -> (i32, i32) {
    %c0_i32 = arith.constant 0 : i32
    %c0_i32_0 = arith.constant 0 : i32
    %c0_i32_1 = arith.constant 0 : i32
    return %c0_i32, %c0_i32_0 : i32, i32
  }
  func.func @transform_7(%arg0: i32) -> (i32, i32) {
    %c0_i32 = arith.constant 0 : i32
    %c0_i32_0 = arith.constant 0 : i32
    %c0_i32_1 = arith.constant 0 : i32
    return %c0_i32, %c0_i32_0 : i32, i32
  }
  func.func @transform_8(%arg0: i32) -> (i32, i32) {
    %c0_i32 = arith.constant 0 : i32
    %c0_i32_0 = arith.constant 0 : i32
    %c0_i32_1 = arith.constant 0 : i32
    return %c0_i32, %c0_i32_0 : i32, i32
  }
  func.func @transform_9(%arg0: i32) -> (i32, i32) {
    %c0_i32 = arith.constant 0 : i32
    %c0_i32_0 = arith.constant 0 : i32
    return %arg0, %c0_i32 : i32, i32
  }
  func.func @transform_10(%arg0: i32) -> (i32, i32) {
    %c0_i32 = arith.constant 0 : i32
    %c0_i32_0 = arith.constant 0 : i32
    return %arg0, %c0_i32 : i32, i32
  }
  func.func @transform_11(%arg0: i32) -> (i32, i32) {
    %c0_i32 = arith.constant 0 : i32
    %c0_i32_0 = arith.constant 0 : i32
    return %arg0, %c0_i32 : i32, i32
  }
}

module attributes {stable_mosaic.version = 14 : i64} {
  func.func @_layer2_body(%arg0: i32, %arg1: memref<2000x64xf32, #tpu.memory_space<vmem>>, %arg2: memref<2x2x2000x32xbf16, #tpu.memory_space<vmem>>, %arg3: memref<2x2x2000x32xbf16, #tpu.memory_space<vmem>>, %arg4: memref<2x2000x32xbf16, #tpu.memory_space<vmem>>, %arg5: memref<2x2000x32xbf16, #tpu.memory_space<vmem>>, %arg6: memref<96x32xf32, #tpu.memory_space<vmem>>, %arg7: memref<1x32xf32, #tpu.memory_space<vmem>>, %arg8: memref<96x32xf32, #tpu.memory_space<vmem>>, %arg9: memref<1x32xf32, #tpu.memory_space<vmem>>, %arg10: memref<64x64xf32, #tpu.memory_space<vmem>>, %arg11: memref<1x64xf32, #tpu.memory_space<vmem>>, %arg12: memref<64x64xf32, #tpu.memory_space<vmem>>, %arg13: memref<1x64xf32, #tpu.memory_space<vmem>>, %arg14: memref<2000x64xf32, #tpu.memory_space<vmem>>, %arg15: memref<2000x64xf32, #tpu.memory_space<vmem>>, %arg16: memref<2x64xf32, #tpu.memory_space<vmem>>) attributes {dimension_semantics = [#tpu.dimension_semantics<arbitrary>], iteration_bounds = array<i64: 25>, scalar_prefetch = 0 : i64, scratch_operands = 0 : i64, tpu.core_type = #tpu.core_type<tc>, window_params = [{transform_indices = @transform_0, window_bounds = array<i64: 2000, 64>}, {transform_indices = @transform_1, window_bounds = array<i64: 2, 2, 2000, 32>}, {transform_indices = @transform_2, window_bounds = array<i64: 2, 2, 2000, 32>}, {transform_indices = @transform_3, window_bounds = array<i64: 2, 2000, 32>}, {transform_indices = @transform_4, window_bounds = array<i64: 2, 2000, 32>}, {pipeline_mode = #tpu.pipeline_mode<synchronous>, transform_indices = @transform_5, window_bounds = array<i64: 96, 32>}, {pipeline_mode = #tpu.pipeline_mode<synchronous>, transform_indices = @transform_6, window_bounds = array<i64: 1, 32>}, {pipeline_mode = #tpu.pipeline_mode<synchronous>, transform_indices = @transform_7, window_bounds = array<i64: 96, 32>}, {pipeline_mode = #tpu.pipeline_mode<synchronous>, transform_indices = @transform_8, window_bounds = array<i64: 1, 32>}, {pipeline_mode = #tpu.pipeline_mode<synchronous>, transform_indices = @transform_9, window_bounds = array<i64: 64, 64>}, {pipeline_mode = #tpu.pipeline_mode<synchronous>, transform_indices = @transform_10, window_bounds = array<i64: 1, 64>}, {pipeline_mode = #tpu.pipeline_mode<synchronous>, transform_indices = @transform_11, window_bounds = array<i64: 64, 64>}, {pipeline_mode = #tpu.pipeline_mode<synchronous>, transform_indices = @transform_12, window_bounds = array<i64: 1, 64>}, {transform_indices = @transform_13, window_bounds = array<i64: 2000, 64>}, {transform_indices = @transform_14, window_bounds = array<i64: 2000, 64>}, {pipeline_mode = #tpu.pipeline_mode<synchronous>, transform_indices = @transform_15, window_bounds = array<i64: 2, 64>}]} {
    %get3A = arith.constant 0 : index
    %get3A_0 = arith.constant 0 : index
    %get3A_1 = vector.load %arg1[%get3A, %get3A_0] : memref<2000x64xf32, #tpu.memory_space<vmem>>, vector<2000x64xf32>
    %get3A_2 = arith.constant 0 : index
    %get3A_3 = arith.constant 0 : index
    %get3A_4 = arith.constant 0 : index
    %get3A_5 = arith.constant 0 : index
    %get3A_6 = vector.load %arg2[%get3A_2, %get3A_3, %get3A_4, %get3A_5] : memref<2x2x2000x32xbf16, #tpu.memory_space<vmem>>, vector<2x2x2000x32xbf16>
    %get3A_7 = arith.constant 0 : index
    %get3A_8 = arith.constant 0 : index
    %get3A_9 = arith.constant 0 : index
    %get3A_10 = vector.load %arg4[%get3A_7, %get3A_8, %get3A_9] : memref<2x2000x32xbf16, #tpu.memory_space<vmem>>, vector<2x2000x32xbf16>
    %slice3A = vector.extract_strided_slice %get3A_10 {offsets = [0, 0, 0], sizes = [1, 2000, 32], strides = [1, 1, 1]} : vector<2x2000x32xbf16> to vector<1x2000x32xbf16>
    %squeeze3A = vector.shape_cast %slice3A : vector<1x2000x32xbf16> to vector<2000x32xbf16>
    %convert_element_type3A = arith.extf %squeeze3A : vector<2000x32xbf16> to vector<2000x32xf32>
    %slice3A_11 = vector.extract_strided_slice %get3A_10 {offsets = [1, 0, 0], sizes = [1, 2000, 32], strides = [1, 1, 1]} : vector<2x2000x32xbf16> to vector<1x2000x32xbf16>
    %squeeze3A_12 = vector.shape_cast %slice3A_11 : vector<1x2000x32xbf16> to vector<2000x32xbf16>
    %convert_element_type3A_13 = arith.extf %squeeze3A_12 : vector<2000x32xbf16> to vector<2000x32xf32>
    %add3A = arith.addf %convert_element_type3A, %convert_element_type3A_13 : vector<2000x32xf32>
    %slice3A_14 = vector.extract_strided_slice %add3A {offsets = [0, 0], sizes = [2000, 1], strides = [1, 1]} : vector<2000x32xf32> to vector<2000x1xf32>
    %slice3A_15 = vector.extract_strided_slice %get3A_6 {offsets = [0, 0, 0, 0], sizes = [1, 2, 2000, 32], strides = [1, 1, 1, 1]} : vector<2x2x2000x32xbf16> to vector<1x2x2000x32xbf16>
    %squeeze3A_16 = vector.shape_cast %slice3A_15 : vector<1x2x2000x32xbf16> to vector<2x2000x32xbf16>
    %convert_element_type3A_17 = arith.extf %squeeze3A_16 : vector<2x2000x32xbf16> to vector<2x2000x32xf32>
    %slice3A_18 = vector.extract_strided_slice %get3A_6 {offsets = [1, 0, 0, 0], sizes = [1, 2, 2000, 32], strides = [1, 1, 1, 1]} : vector<2x2x2000x32xbf16> to vector<1x2x2000x32xbf16>
    %squeeze3A_19 = vector.shape_cast %slice3A_18 : vector<1x2x2000x32xbf16> to vector<2x2000x32xbf16>
    %convert_element_type3A_20 = arith.extf %squeeze3A_19 : vector<2x2000x32xbf16> to vector<2x2000x32xf32>
    %add3A_21 = arith.addf %convert_element_type3A_17, %convert_element_type3A_20 : vector<2x2000x32xf32>
    %slice3A_22 = vector.extract_strided_slice %add3A_21 {offsets = [0, 0, 0], sizes = [1, 2000, 32], strides = [1, 1, 1]} : vector<2x2000x32xf32> to vector<1x2000x32xf32>
    %squeeze3A_23 = vector.shape_cast %slice3A_22 : vector<1x2000x32xf32> to vector<2000x32xf32>
    %slice3A_24 = vector.extract_strided_slice %add3A_21 {offsets = [1, 0, 0], sizes = [1, 2000, 32], strides = [1, 1, 1]} : vector<2x2000x32xf32> to vector<1x2000x32xf32>
    %squeeze3A_25 = vector.shape_cast %slice3A_24 : vector<1x2000x32xf32> to vector<2000x32xf32>
    %concatenate3A = tpu.concatenate %squeeze3A_23, %squeeze3A_25 in 1 : vector<2000x32xf32>, vector<2000x32xf32> -> vector<2000x64xf32>
    %max3A = arith.constant 1.000000e+00 : f32
    %max3A_26 = vector.broadcast %max3A : f32 to vector<2000x1xf32>
    %max3A_27 = arith.maximumf %slice3A_14, %max3A_26 : vector<2000x1xf32>
    %div3A = vector.broadcast %max3A_27 : vector<2000x1xf32> to vector<2000x64xf32>
    %div3A_28 = arith.divf %concatenate3A, %div3A : vector<2000x64xf32>
    %get3A_29 = arith.constant 0 : index
    %get3A_30 = arith.constant 0 : index
    %get3A_31 = arith.constant 0 : index
    %get3A_32 = arith.constant 0 : index
    %get3A_33 = vector.load %arg3[%get3A_29, %get3A_30, %get3A_31, %get3A_32] : memref<2x2x2000x32xbf16, #tpu.memory_space<vmem>>, vector<2x2x2000x32xbf16>
    %get3A_34 = arith.constant 0 : index
    %get3A_35 = arith.constant 0 : index
    %get3A_36 = arith.constant 0 : index
    %get3A_37 = vector.load %arg5[%get3A_34, %get3A_35, %get3A_36] : memref<2x2000x32xbf16, #tpu.memory_space<vmem>>, vector<2x2000x32xbf16>
    %slice3A_38 = vector.extract_strided_slice %get3A_37 {offsets = [0, 0, 0], sizes = [1, 2000, 32], strides = [1, 1, 1]} : vector<2x2000x32xbf16> to vector<1x2000x32xbf16>
    %squeeze3A_39 = vector.shape_cast %slice3A_38 : vector<1x2000x32xbf16> to vector<2000x32xbf16>
    %convert_element_type3A_40 = arith.extf %squeeze3A_39 : vector<2000x32xbf16> to vector<2000x32xf32>
    %slice3A_41 = vector.extract_strided_slice %get3A_37 {offsets = [1, 0, 0], sizes = [1, 2000, 32], strides = [1, 1, 1]} : vector<2x2000x32xbf16> to vector<1x2000x32xbf16>
    %squeeze3A_42 = vector.shape_cast %slice3A_41 : vector<1x2000x32xbf16> to vector<2000x32xbf16>
    %convert_element_type3A_43 = arith.extf %squeeze3A_42 : vector<2000x32xbf16> to vector<2000x32xf32>
    %add3A_44 = arith.addf %convert_element_type3A_40, %convert_element_type3A_43 : vector<2000x32xf32>
    %slice3A_45 = vector.extract_strided_slice %add3A_44 {offsets = [0, 0], sizes = [2000, 1], strides = [1, 1]} : vector<2000x32xf32> to vector<2000x1xf32>
    %slice3A_46 = vector.extract_strided_slice %get3A_33 {offsets = [0, 0, 0, 0], sizes = [1, 2, 2000, 32], strides = [1, 1, 1, 1]} : vector<2x2x2000x32xbf16> to vector<1x2x2000x32xbf16>
    %squeeze3A_47 = vector.shape_cast %slice3A_46 : vector<1x2x2000x32xbf16> to vector<2x2000x32xbf16>
    %convert_element_type3A_48 = arith.extf %squeeze3A_47 : vector<2x2000x32xbf16> to vector<2x2000x32xf32>
    %slice3A_49 = vector.extract_strided_slice %get3A_33 {offsets = [1, 0, 0, 0], sizes = [1, 2, 2000, 32], strides = [1, 1, 1, 1]} : vector<2x2x2000x32xbf16> to vector<1x2x2000x32xbf16>
    %squeeze3A_50 = vector.shape_cast %slice3A_49 : vector<1x2x2000x32xbf16> to vector<2x2000x32xbf16>
    %convert_element_type3A_51 = arith.extf %squeeze3A_50 : vector<2x2000x32xbf16> to vector<2x2000x32xf32>
    %add3A_52 = arith.addf %convert_element_type3A_48, %convert_element_type3A_51 : vector<2x2000x32xf32>
    %slice3A_53 = vector.extract_strided_slice %add3A_52 {offsets = [0, 0, 0], sizes = [1, 2000, 32], strides = [1, 1, 1]} : vector<2x2000x32xf32> to vector<1x2000x32xf32>
    %squeeze3A_54 = vector.shape_cast %slice3A_53 : vector<1x2000x32xf32> to vector<2000x32xf32>
    %slice3A_55 = vector.extract_strided_slice %add3A_52 {offsets = [1, 0, 0], sizes = [1, 2000, 32], strides = [1, 1, 1]} : vector<2x2000x32xf32> to vector<1x2000x32xf32>
    %squeeze3A_56 = vector.shape_cast %slice3A_55 : vector<1x2000x32xf32> to vector<2000x32xf32>
    %concatenate3A_57 = tpu.concatenate %squeeze3A_54, %squeeze3A_56 in 1 : vector<2000x32xf32>, vector<2000x32xf32> -> vector<2000x64xf32>
    %max3A_58 = arith.constant 1.000000e+00 : f32
    %max3A_59 = vector.broadcast %max3A_58 : f32 to vector<2000x1xf32>
    %max3A_60 = arith.maximumf %slice3A_45, %max3A_59 : vector<2000x1xf32>
    %div3A_61 = vector.broadcast %max3A_60 : vector<2000x1xf32> to vector<2000x64xf32>
    %div3A_62 = arith.divf %concatenate3A_57, %div3A_61 : vector<2000x64xf32>
    %slice3A_63 = vector.extract_strided_slice %div3A_28 {offsets = [0, 0], sizes = [2000, 32], strides = [1, 1]} : vector<2000x64xf32> to vector<2000x32xf32>
    %get3A_64 = arith.constant 0 : index
    %get3A_65 = arith.constant 0 : index
    %get3A_66 = vector.load %arg6[%get3A_64, %get3A_65] : memref<96x32xf32, #tpu.memory_space<vmem>>, vector<32x32xf32>
    %dot_general3A = arith.constant dense<0.000000e+00> : vector<2000x32xf32>
    %dot_general3A_67 = tpu.matmul %slice3A_63, %get3A_66, %dot_general3A {dimension_numbers = #tpu.dot_dimension_numbers<[1], [0], [0], [1], [0, 0, 1, 1], [], []>, transpose_lhs_hint = false} : vector<2000x32xf32>, vector<32x32xf32>, vector<2000x32xf32> -> vector<2000x32xf32>
    %slice3A_68 = vector.extract_strided_slice %div3A_62 {offsets = [0, 32], sizes = [2000, 32], strides = [1, 1]} : vector<2000x64xf32> to vector<2000x32xf32>
    %get3A_69 = arith.constant 32 : index
    %get3A_70 = arith.constant 0 : index
    %get3A_71 = vector.load %arg6[%get3A_69, %get3A_70] : memref<96x32xf32, #tpu.memory_space<vmem>>, vector<32x32xf32>
    %dot_general3A_72 = arith.constant dense<0.000000e+00> : vector<2000x32xf32>
    %dot_general3A_73 = tpu.matmul %slice3A_68, %get3A_71, %dot_general3A_72 {dimension_numbers = #tpu.dot_dimension_numbers<[1], [0], [0], [1], [0, 0, 1, 1], [], []>, transpose_lhs_hint = false} : vector<2000x32xf32>, vector<32x32xf32>, vector<2000x32xf32> -> vector<2000x32xf32>
    %add3A_74 = arith.addf %dot_general3A_67, %dot_general3A_73 : vector<2000x32xf32>
    %slice3A_75 = vector.extract_strided_slice %get3A_1 {offsets = [0, 0], sizes = [2000, 32], strides = [1, 1]} : vector<2000x64xf32> to vector<2000x32xf32>
    %get3A_76 = arith.constant 64 : index
    %get3A_77 = arith.constant 0 : index
    %get3A_78 = vector.load %arg6[%get3A_76, %get3A_77] : memref<96x32xf32, #tpu.memory_space<vmem>>, vector<32x32xf32>
    %dot_general3A_79 = arith.constant dense<0.000000e+00> : vector<2000x32xf32>
    %dot_general3A_80 = tpu.matmul %slice3A_75, %get3A_78, %dot_general3A_79 {dimension_numbers = #tpu.dot_dimension_numbers<[1], [0], [0], [1], [0, 0, 1, 1], [], []>, transpose_lhs_hint = false} : vector<2000x32xf32>, vector<32x32xf32>, vector<2000x32xf32> -> vector<2000x32xf32>
    %add3A_81 = arith.addf %add3A_74, %dot_general3A_80 : vector<2000x32xf32>
    %get3A_82 = arith.constant 0 : index
    %get3A_83 = arith.constant 0 : index
    %get3A_84 = vector.load %arg7[%get3A_82, %get3A_83] : memref<1x32xf32, #tpu.memory_space<vmem>>, vector<1x32xf32>
    %add3A_85 = vector.broadcast %get3A_84 : vector<1x32xf32> to vector<2000x32xf32>
    %add3A_86 = arith.addf %add3A_81, %add3A_85 : vector<2000x32xf32>
    %slice3A_87 = vector.extract_strided_slice %div3A_28 {offsets = [0, 32], sizes = [2000, 32], strides = [1, 1]} : vector<2000x64xf32> to vector<2000x32xf32>
    %get3A_88 = arith.constant 0 : index
    %get3A_89 = arith.constant 0 : index
    %get3A_90 = vector.load %arg8[%get3A_88, %get3A_89] : memref<96x32xf32, #tpu.memory_space<vmem>>, vector<32x32xf32>
    %dot_general3A_91 = arith.constant dense<0.000000e+00> : vector<2000x32xf32>
    %dot_general3A_92 = tpu.matmul %slice3A_87, %get3A_90, %dot_general3A_91 {dimension_numbers = #tpu.dot_dimension_numbers<[1], [0], [0], [1], [0, 0, 1, 1], [], []>, transpose_lhs_hint = false} : vector<2000x32xf32>, vector<32x32xf32>, vector<2000x32xf32> -> vector<2000x32xf32>
    %slice3A_93 = vector.extract_strided_slice %div3A_62 {offsets = [0, 0], sizes = [2000, 32], strides = [1, 1]} : vector<2000x64xf32> to vector<2000x32xf32>
    %get3A_94 = arith.constant 32 : index
    %get3A_95 = arith.constant 0 : index
    %get3A_96 = vector.load %arg8[%get3A_94, %get3A_95] : memref<96x32xf32, #tpu.memory_space<vmem>>, vector<32x32xf32>
    %dot_general3A_97 = arith.constant dense<0.000000e+00> : vector<2000x32xf32>
    %dot_general3A_98 = tpu.matmul %slice3A_93, %get3A_96, %dot_general3A_97 {dimension_numbers = #tpu.dot_dimension_numbers<[1], [0], [0], [1], [0, 0, 1, 1], [], []>, transpose_lhs_hint = false} : vector<2000x32xf32>, vector<32x32xf32>, vector<2000x32xf32> -> vector<2000x32xf32>
    %add3A_99 = arith.addf %dot_general3A_92, %dot_general3A_98 : vector<2000x32xf32>
    %slice3A_100 = vector.extract_strided_slice %get3A_1 {offsets = [0, 32], sizes = [2000, 32], strides = [1, 1]} : vector<2000x64xf32> to vector<2000x32xf32>
    %get3A_101 = arith.constant 64 : index
    %get3A_102 = arith.constant 0 : index
    %get3A_103 = vector.load %arg8[%get3A_101, %get3A_102] : memref<96x32xf32, #tpu.memory_space<vmem>>, vector<32x32xf32>
    %dot_general3A_104 = arith.constant dense<0.000000e+00> : vector<2000x32xf32>
    %dot_general3A_105 = tpu.matmul %slice3A_100, %get3A_103, %dot_general3A_104 {dimension_numbers = #tpu.dot_dimension_numbers<[1], [0], [0], [1], [0, 0, 1, 1], [], []>, transpose_lhs_hint = false} : vector<2000x32xf32>, vector<32x32xf32>, vector<2000x32xf32> -> vector<2000x32xf32>
    %add3A_106 = arith.addf %add3A_99, %dot_general3A_105 : vector<2000x32xf32>
    %get3A_107 = arith.constant 0 : index
    %get3A_108 = arith.constant 0 : index
    %get3A_109 = vector.load %arg9[%get3A_107, %get3A_108] : memref<1x32xf32, #tpu.memory_space<vmem>>, vector<1x32xf32>
    %add3A_110 = vector.broadcast %get3A_109 : vector<1x32xf32> to vector<2000x32xf32>
    %add3A_111 = arith.addf %add3A_106, %add3A_110 : vector<2000x32xf32>
    %concatenate3A_112 = tpu.concatenate %add3A_86, %add3A_111 in 1 : vector<2000x32xf32>, vector<2000x32xf32> -> vector<2000x64xf32>
    %tanh3A = math.tanh %concatenate3A_112 : vector<2000x64xf32>
    %get3A_113 = arith.constant 0 : index
    %get3A_114 = arith.constant 0 : index
    %get3A_115 = vector.load %arg10[%get3A_113, %get3A_114] : memref<64x64xf32, #tpu.memory_space<vmem>>, vector<64x64xf32>
    %dot_general3A_116 = arith.constant dense<0.000000e+00> : vector<2000x64xf32>
    %dot_general3A_117 = tpu.matmul %tanh3A, %get3A_115, %dot_general3A_116 {dimension_numbers = #tpu.dot_dimension_numbers<[1], [0], [0], [1], [0, 0, 1, 1], [], []>, transpose_lhs_hint = false} : vector<2000x64xf32>, vector<64x64xf32>, vector<2000x64xf32> -> vector<2000x64xf32>
    %get3A_118 = arith.constant 0 : index
    %get3A_119 = arith.constant 0 : index
    %get3A_120 = vector.load %arg11[%get3A_118, %get3A_119] : memref<1x64xf32, #tpu.memory_space<vmem>>, vector<1x64xf32>
    %add3A_121 = vector.broadcast %get3A_120 : vector<1x64xf32> to vector<2000x64xf32>
    %add3A_122 = arith.addf %dot_general3A_117, %add3A_121 : vector<2000x64xf32>
    %tanh3A_123 = math.tanh %add3A_122 : vector<2000x64xf32>
    %swap3A = arith.constant 0 : index
    %swap3A_124 = arith.constant 0 : index
    %swap3A_125 = vector.load %arg14[%swap3A, %swap3A_124] : memref<2000x64xf32, #tpu.memory_space<vmem>>, vector<2000x64xf32>
    tpu.vector_store %arg14[%swap3A, %swap3A_124], %tanh3A_123 {strides = array<i32>} : memref<2000x64xf32, #tpu.memory_space<vmem>>, vector<2000x64xf32>,
    %get3A_126 = arith.constant 0 : index
    %get3A_127 = arith.constant 0 : index
    %get3A_128 = vector.load %arg12[%get3A_126, %get3A_127] : memref<64x64xf32, #tpu.memory_space<vmem>>, vector<64x64xf32>
    %dot_general3A_129 = arith.constant dense<0.000000e+00> : vector<2000x64xf32>
    %dot_general3A_130 = tpu.matmul %tanh3A_123, %get3A_128, %dot_general3A_129 {dimension_numbers = #tpu.dot_dimension_numbers<[1], [0], [0], [1], [0, 0, 1, 1], [], []>, transpose_lhs_hint = false} : vector<2000x64xf32>, vector<64x64xf32>, vector<2000x64xf32> -> vector<2000x64xf32>
    %get3A_131 = arith.constant 0 : index
    %get3A_132 = arith.constant 0 : index
    %get3A_133 = vector.load %arg13[%get3A_131, %get3A_132] : memref<1x64xf32, #tpu.memory_space<vmem>>, vector<1x64xf32>
    %add3A_134 = vector.broadcast %get3A_133 : vector<1x64xf32> to vector<2000x64xf32>
    %add3A_135 = arith.addf %dot_general3A_130, %add3A_134 : vector<2000x64xf32>
    %swap3A_136 = arith.constant 0 : index
    %swap3A_137 = arith.constant 0 : index
    %swap3A_138 = vector.load %arg15[%swap3A_136, %swap3A_137] : memref<2000x64xf32, #tpu.memory_space<vmem>>, vector<2000x64xf32>
    tpu.vector_store %arg15[%swap3A_136, %swap3A_137], %add3A_135 {strides = array<i32>} : memref<2000x64xf32, #tpu.memory_space<vmem>>, vector<2000x64xf32>,
    %eq3A = arith.constant 0 : i32
    %eq3A_139 = arith.cmpi eq, %arg0, %eq3A : i32
    %convert_element_type3A_140 = arith.extui %eq3A_139 : i1 to i32
    %cond3A = arith.constant 0 : i32
    %cond3A_141 = arith.cmpi ne, %convert_element_type3A_140, %cond3A : i32
    scf.if %cond3A_141 {
      %broadcast_in_dim3A_160 = arith.constant 0.000000e+00 : f32
      %broadcast_in_dim3A_161 = vector.broadcast %broadcast_in_dim3A_160 : f32 to vector<2x64xf32>
      %swap3A_162 = arith.constant 0 : index
      %swap3A_163 = arith.constant 0 : index
      %swap3A_164 = vector.load %arg16[%swap3A_162, %swap3A_163] : memref<2x64xf32, #tpu.memory_space<vmem>>, vector<2x64xf32>
      tpu.vector_store %arg16[%swap3A_162, %swap3A_163], %broadcast_in_dim3A_161 {strides = array<i32>} : memref<2x64xf32, #tpu.memory_space<vmem>>, vector<2x64xf32>,
    } else {
    }
    %get3A_142 = arith.constant 0 : index
    %get3A_143 = arith.constant 0 : index
    %get3A_144 = vector.load %arg16[%get3A_142, %get3A_143] : memref<2x64xf32, #tpu.memory_space<vmem>>, vector<1x64xf32>
    %reduce_sum3A = arith.constant dense<0.000000e+00> : vector<64xf32>
    %reduce_sum3A_145 = vector.multi_reduction <add>, %add3A_135, %reduce_sum3A [0] : vector<2000x64xf32> to vector<64xf32>
    %broadcast_in_dim3A = vector.shape_cast %reduce_sum3A_145 : vector<64xf32> to vector<1x64xf32>
    %add3A_146 = arith.addf %get3A_144, %broadcast_in_dim3A : vector<1x64xf32>
    %swap3A_147 = arith.constant 0 : index
    %swap3A_148 = arith.constant 0 : index
    %swap3A_149 = vector.load %arg16[%swap3A_147, %swap3A_148] : memref<2x64xf32, #tpu.memory_space<vmem>>, vector<1x64xf32>
    tpu.vector_store %arg16[%swap3A_147, %swap3A_148], %add3A_146 {strides = array<i32>} : memref<2x64xf32, #tpu.memory_space<vmem>>, vector<1x64xf32>,
    %get3A_150 = arith.constant 1 : index
    %get3A_151 = arith.constant 0 : index
    %get3A_152 = vector.load %arg16[%get3A_150, %get3A_151] : memref<2x64xf32, #tpu.memory_space<vmem>>, vector<1x64xf32>
    %mul3A = arith.mulf %add3A_135, %add3A_135 : vector<2000x64xf32>
    %reduce_sum3A_153 = arith.constant dense<0.000000e+00> : vector<64xf32>
    %reduce_sum3A_154 = vector.multi_reduction <add>, %mul3A, %reduce_sum3A_153 [0] : vector<2000x64xf32> to vector<64xf32>
    %broadcast_in_dim3A_155 = vector.shape_cast %reduce_sum3A_154 : vector<64xf32> to vector<1x64xf32>
    %add3A_156 = arith.addf %get3A_152, %broadcast_in_dim3A_155 : vector<1x64xf32>
    %swap3A_157 = arith.constant 1 : index
    %swap3A_158 = arith.constant 0 : index
    %swap3A_159 = vector.load %arg16[%swap3A_157, %swap3A_158] : memref<2x64xf32, #tpu.memory_space<vmem>>, vector<1x64xf32>
    tpu.vector_store %arg16[%swap3A_157, %swap3A_158], %add3A_156 {strides = array<i32>} : memref<2x64xf32, #tpu.memory_space<vmem>>, vector<1x64xf32>,
    return
  }
  func.func @transform_0(%arg0: i32) -> (i32, i32) {
    %c0_i32 = arith.constant 0 : i32
    %c0_i32_0 = arith.constant 0 : i32
    return %arg0, %c0_i32 : i32, i32
  }
  func.func @transform_1(%arg0: i32) -> (i32, i32, i32, i32) {
    %c0_i32 = arith.constant 0 : i32
    %c0_i32_0 = arith.constant 0 : i32
    %c0_i32_1 = arith.constant 0 : i32
    %c0_i32_2 = arith.constant 0 : i32
    return %c0_i32, %c0_i32_0, %arg0, %c0_i32_1 : i32, i32, i32, i32
  }
  func.func @transform_2(%arg0: i32) -> (i32, i32, i32, i32) {
    %add3A = arith.constant 25 : i32
    %add3A_0 = arith.addi %arg0, %add3A : i32
    %c0_i32 = arith.constant 0 : i32
    %c0_i32_1 = arith.constant 0 : i32
    %c0_i32_2 = arith.constant 0 : i32
    %c0_i32_3 = arith.constant 0 : i32
    return %c0_i32, %c0_i32_1, %add3A_0, %c0_i32_2 : i32, i32, i32, i32
  }
  func.func @transform_3(%arg0: i32) -> (i32, i32, i32) {
    %c0_i32 = arith.constant 0 : i32
    %c0_i32_0 = arith.constant 0 : i32
    %c0_i32_1 = arith.constant 0 : i32
    return %c0_i32, %arg0, %c0_i32_0 : i32, i32, i32
  }
  func.func @transform_4(%arg0: i32) -> (i32, i32, i32) {
    %add3A = arith.constant 25 : i32
    %add3A_0 = arith.addi %arg0, %add3A : i32
    %c0_i32 = arith.constant 0 : i32
    %c0_i32_1 = arith.constant 0 : i32
    %c0_i32_2 = arith.constant 0 : i32
    return %c0_i32, %add3A_0, %c0_i32_1 : i32, i32, i32
  }
  func.func @transform_5(%arg0: i32) -> (i32, i32) {
    %c0_i32 = arith.constant 0 : i32
    %c0_i32_0 = arith.constant 0 : i32
    %c0_i32_1 = arith.constant 0 : i32
    return %c0_i32, %c0_i32_0 : i32, i32
  }
  func.func @transform_6(%arg0: i32) -> (i32, i32) {
    %c0_i32 = arith.constant 0 : i32
    %c0_i32_0 = arith.constant 0 : i32
    %c0_i32_1 = arith.constant 0 : i32
    return %c0_i32, %c0_i32_0 : i32, i32
  }
  func.func @transform_7(%arg0: i32) -> (i32, i32) {
    %c0_i32 = arith.constant 0 : i32
    %c0_i32_0 = arith.constant 0 : i32
    %c0_i32_1 = arith.constant 0 : i32
    return %c0_i32, %c0_i32_0 : i32, i32
  }
  func.func @transform_8(%arg0: i32) -> (i32, i32) {
    %c0_i32 = arith.constant 0 : i32
    %c0_i32_0 = arith.constant 0 : i32
    %c0_i32_1 = arith.constant 0 : i32
    return %c0_i32, %c0_i32_0 : i32, i32
  }
  func.func @transform_9(%arg0: i32) -> (i32, i32) {
    %c0_i32 = arith.constant 0 : i32
    %c0_i32_0 = arith.constant 0 : i32
    %c0_i32_1 = arith.constant 0 : i32
    return %c0_i32, %c0_i32_0 : i32, i32
  }
  func.func @transform_10(%arg0: i32) -> (i32, i32) {
    %c0_i32 = arith.constant 0 : i32
    %c0_i32_0 = arith.constant 0 : i32
    %c0_i32_1 = arith.constant 0 : i32
    return %c0_i32, %c0_i32_0 : i32, i32
  }
  func.func @transform_11(%arg0: i32) -> (i32, i32) {
    %c0_i32 = arith.constant 0 : i32
    %c0_i32_0 = arith.constant 0 : i32
    %c0_i32_1 = arith.constant 0 : i32
    return %c0_i32, %c0_i32_0 : i32, i32
  }
  func.func @transform_12(%arg0: i32) -> (i32, i32) {
    %c0_i32 = arith.constant 0 : i32
    %c0_i32_0 = arith.constant 0 : i32
    %c0_i32_1 = arith.constant 0 : i32
    return %c0_i32, %c0_i32_0 : i32, i32
  }
  func.func @transform_13(%arg0: i32) -> (i32, i32) {
    %c0_i32 = arith.constant 0 : i32
    %c0_i32_0 = arith.constant 0 : i32
    return %arg0, %c0_i32 : i32, i32
  }
  func.func @transform_14(%arg0: i32) -> (i32, i32) {
    %c0_i32 = arith.constant 0 : i32
    %c0_i32_0 = arith.constant 0 : i32
    return %arg0, %c0_i32 : i32, i32
  }
  func.func @transform_15(%arg0: i32) -> (i32, i32) {
    %c0_i32 = arith.constant 0 : i32
    %c0_i32_0 = arith.constant 0 : i32
    %c0_i32_1 = arith.constant 0 : i32
    return %c0_i32, %c0_i32_0 : i32, i32
  }
}

module attributes {stable_mosaic.version = 14 : i64} {
  func.func @_mlp_mid_body(%arg0: i32, %arg1: memref<2000x64xf32, #tpu.memory_space<vmem>>, %arg2: memref<2x64xf32, #tpu.memory_space<vmem>>, %arg3: memref<1x64xf32, #tpu.memory_space<vmem>>, %arg4: memref<1x64xf32, #tpu.memory_space<vmem>>, %arg5: memref<64x64xf32, #tpu.memory_space<vmem>>, %arg6: memref<1x64xf32, #tpu.memory_space<vmem>>, %arg7: memref<2000x64xf32, #tpu.memory_space<vmem>>, %arg8: memref<2x64xf32, #tpu.memory_space<vmem>>) attributes {dimension_semantics = [#tpu.dimension_semantics<arbitrary>], iteration_bounds = array<i64: 25>, scalar_prefetch = 0 : i64, scratch_operands = 0 : i64, tpu.core_type = #tpu.core_type<tc>, window_params = [{transform_indices = @transform_0, window_bounds = array<i64: 2000, 64>}, {pipeline_mode = #tpu.pipeline_mode<synchronous>, transform_indices = @transform_1, window_bounds = array<i64: 2, 64>}, {pipeline_mode = #tpu.pipeline_mode<synchronous>, transform_indices = @transform_2, window_bounds = array<i64: 1, 64>}, {pipeline_mode = #tpu.pipeline_mode<synchronous>, transform_indices = @transform_3, window_bounds = array<i64: 1, 64>}, {pipeline_mode = #tpu.pipeline_mode<synchronous>, transform_indices = @transform_4, window_bounds = array<i64: 64, 64>}, {pipeline_mode = #tpu.pipeline_mode<synchronous>, transform_indices = @transform_5, window_bounds = array<i64: 1, 64>}, {transform_indices = @transform_6, window_bounds = array<i64: 2000, 64>}, {pipeline_mode = #tpu.pipeline_mode<synchronous>, transform_indices = @transform_7, window_bounds = array<i64: 2, 64>}]} {
    %get3A = arith.constant 0 : index
    %get3A_0 = arith.constant 0 : index
    %get3A_1 = vector.load %arg1[%get3A, %get3A_0] : memref<2000x64xf32, #tpu.memory_space<vmem>>, vector<2000x64xf32>
    %get3A_2 = arith.constant 0 : index
    %get3A_3 = arith.constant 0 : index
    %get3A_4 = vector.load %arg2[%get3A_2, %get3A_3] : memref<2x64xf32, #tpu.memory_space<vmem>>, vector<2x64xf32>
    %get3A_5 = arith.constant 0 : index
    %get3A_6 = arith.constant 0 : index
    %get3A_7 = vector.load %arg3[%get3A_5, %get3A_6] : memref<1x64xf32, #tpu.memory_space<vmem>>, vector<1x64xf32>
    %get3A_8 = arith.constant 0 : index
    %get3A_9 = arith.constant 0 : index
    %get3A_10 = vector.load %arg4[%get3A_8, %get3A_9] : memref<1x64xf32, #tpu.memory_space<vmem>>, vector<1x64xf32>
    %slice3A = vector.extract_strided_slice %get3A_4 {offsets = [0, 0], sizes = [1, 64], strides = [1, 1]} : vector<2x64xf32> to vector<1x64xf32>
    %div3A = arith.constant 5.000000e+04 : f32
    %div3A_11 = vector.broadcast %div3A : f32 to vector<1x64xf32>
    %div3A_12 = arith.divf %slice3A, %div3A_11 : vector<1x64xf32>
    %slice3A_13 = vector.extract_strided_slice %get3A_4 {offsets = [1, 0], sizes = [1, 64], strides = [1, 1]} : vector<2x64xf32> to vector<1x64xf32>
    %div3A_14 = arith.constant 5.000000e+04 : f32
    %div3A_15 = vector.broadcast %div3A_14 : f32 to vector<1x64xf32>
    %div3A_16 = arith.divf %slice3A_13, %div3A_15 : vector<1x64xf32>
    %mul3A = arith.mulf %div3A_12, %div3A_12 : vector<1x64xf32>
    %sub3A = arith.subf %div3A_16, %mul3A : vector<1x64xf32>
    %sub3A_17 = vector.broadcast %div3A_12 : vector<1x64xf32> to vector<2000x64xf32>
    %sub3A_18 = arith.subf %get3A_1, %sub3A_17 : vector<2000x64xf32>
    %add3A = arith.constant 9.99999974E-6 : f32
    %add3A_19 = vector.broadcast %add3A : f32 to vector<1x64xf32>
    %add3A_20 = arith.addf %sub3A, %add3A_19 : vector<1x64xf32>
    %rsqrt3A = math.rsqrt %add3A_20 : vector<1x64xf32>
    %mul3A_21 = vector.broadcast %rsqrt3A : vector<1x64xf32> to vector<2000x64xf32>
    %mul3A_22 = arith.mulf %sub3A_18, %mul3A_21 : vector<2000x64xf32>
    %mul3A_23 = vector.broadcast %get3A_7 : vector<1x64xf32> to vector<2000x64xf32>
    %mul3A_24 = arith.mulf %mul3A_22, %mul3A_23 : vector<2000x64xf32>
    %add3A_25 = vector.broadcast %get3A_10 : vector<1x64xf32> to vector<2000x64xf32>
    %add3A_26 = arith.addf %mul3A_24, %add3A_25 : vector<2000x64xf32>
    %max3A = arith.constant 0.000000e+00 : f32
    %max3A_27 = vector.broadcast %max3A : f32 to vector<2000x64xf32>
    %max3A_28 = arith.maximumf %add3A_26, %max3A_27 : vector<2000x64xf32>
    %get3A_29 = arith.constant 0 : index
    %get3A_30 = arith.constant 0 : index
    %get3A_31 = vector.load %arg5[%get3A_29, %get3A_30] : memref<64x64xf32, #tpu.memory_space<vmem>>, vector<64x64xf32>
    %dot_general3A = arith.constant dense<0.000000e+00> : vector<2000x64xf32>
    %dot_general3A_32 = tpu.matmul %max3A_28, %get3A_31, %dot_general3A {dimension_numbers = #tpu.dot_dimension_numbers<[1], [0], [0], [1], [0, 0, 1, 1], [], []>, transpose_lhs_hint = false} : vector<2000x64xf32>, vector<64x64xf32>, vector<2000x64xf32> -> vector<2000x64xf32>
    %get3A_33 = arith.constant 0 : index
    %get3A_34 = arith.constant 0 : index
    %get3A_35 = vector.load %arg6[%get3A_33, %get3A_34] : memref<1x64xf32, #tpu.memory_space<vmem>>, vector<1x64xf32>
    %add3A_36 = vector.broadcast %get3A_35 : vector<1x64xf32> to vector<2000x64xf32>
    %add3A_37 = arith.addf %dot_general3A_32, %add3A_36 : vector<2000x64xf32>
    %swap3A = arith.constant 0 : index
    %swap3A_38 = arith.constant 0 : index
    %swap3A_39 = vector.load %arg7[%swap3A, %swap3A_38] : memref<2000x64xf32, #tpu.memory_space<vmem>>, vector<2000x64xf32>
    tpu.vector_store %arg7[%swap3A, %swap3A_38], %add3A_37 {strides = array<i32>} : memref<2000x64xf32, #tpu.memory_space<vmem>>, vector<2000x64xf32>,
    %eq3A = arith.constant 0 : i32
    %eq3A_40 = arith.cmpi eq, %arg0, %eq3A : i32
    %convert_element_type3A = arith.extui %eq3A_40 : i1 to i32
    %cond3A = arith.constant 0 : i32
    %cond3A_41 = arith.cmpi ne, %convert_element_type3A, %cond3A : i32
    scf.if %cond3A_41 {
      %broadcast_in_dim3A_61 = arith.constant 0.000000e+00 : f32
      %broadcast_in_dim3A_62 = vector.broadcast %broadcast_in_dim3A_61 : f32 to vector<2x64xf32>
      %swap3A_63 = arith.constant 0 : index
      %swap3A_64 = arith.constant 0 : index
      %swap3A_65 = vector.load %arg8[%swap3A_63, %swap3A_64] : memref<2x64xf32, #tpu.memory_space<vmem>>, vector<2x64xf32>
      tpu.vector_store %arg8[%swap3A_63, %swap3A_64], %broadcast_in_dim3A_62 {strides = array<i32>} : memref<2x64xf32, #tpu.memory_space<vmem>>, vector<2x64xf32>,
    } else {
    }
    %get3A_42 = arith.constant 0 : index
    %get3A_43 = arith.constant 0 : index
    %get3A_44 = vector.load %arg8[%get3A_42, %get3A_43] : memref<2x64xf32, #tpu.memory_space<vmem>>, vector<1x64xf32>
    %reduce_sum3A = arith.constant dense<0.000000e+00> : vector<64xf32>
    %reduce_sum3A_45 = vector.multi_reduction <add>, %add3A_37, %reduce_sum3A [0] : vector<2000x64xf32> to vector<64xf32>
    %broadcast_in_dim3A = vector.shape_cast %reduce_sum3A_45 : vector<64xf32> to vector<1x64xf32>
    %add3A_46 = arith.addf %get3A_44, %broadcast_in_dim3A : vector<1x64xf32>
    %swap3A_47 = arith.constant 0 : index
    %swap3A_48 = arith.constant 0 : index
    %swap3A_49 = vector.load %arg8[%swap3A_47, %swap3A_48] : memref<2x64xf32, #tpu.memory_space<vmem>>, vector<1x64xf32>
    tpu.vector_store %arg8[%swap3A_47, %swap3A_48], %add3A_46 {strides = array<i32>} : memref<2x64xf32, #tpu.memory_space<vmem>>, vector<1x64xf32>,
    %get3A_50 = arith.constant 1 : index
    %get3A_51 = arith.constant 0 : index
    %get3A_52 = vector.load %arg8[%get3A_50, %get3A_51] : memref<2x64xf32, #tpu.memory_space<vmem>>, vector<1x64xf32>
    %mul3A_53 = arith.mulf %add3A_37, %add3A_37 : vector<2000x64xf32>
    %reduce_sum3A_54 = arith.constant dense<0.000000e+00> : vector<64xf32>
    %reduce_sum3A_55 = vector.multi_reduction <add>, %mul3A_53, %reduce_sum3A_54 [0] : vector<2000x64xf32> to vector<64xf32>
    %broadcast_in_dim3A_56 = vector.shape_cast %reduce_sum3A_55 : vector<64xf32> to vector<1x64xf32>
    %add3A_57 = arith.addf %get3A_52, %broadcast_in_dim3A_56 : vector<1x64xf32>
    %swap3A_58 = arith.constant 1 : index
    %swap3A_59 = arith.constant 0 : index
    %swap3A_60 = vector.load %arg8[%swap3A_58, %swap3A_59] : memref<2x64xf32, #tpu.memory_space<vmem>>, vector<1x64xf32>
    tpu.vector_store %arg8[%swap3A_58, %swap3A_59], %add3A_57 {strides = array<i32>} : memref<2x64xf32, #tpu.memory_space<vmem>>, vector<1x64xf32>,
    return
  }
  func.func @transform_0(%arg0: i32) -> (i32, i32) {
    %c0_i32 = arith.constant 0 : i32
    %c0_i32_0 = arith.constant 0 : i32
    return %arg0, %c0_i32 : i32, i32
  }
  func.func @transform_1(%arg0: i32) -> (i32, i32) {
    %c0_i32 = arith.constant 0 : i32
    %c0_i32_0 = arith.constant 0 : i32
    %c0_i32_1 = arith.constant 0 : i32
    return %c0_i32, %c0_i32_0 : i32, i32
  }
  func.func @transform_2(%arg0: i32) -> (i32, i32) {
    %c0_i32 = arith.constant 0 : i32
    %c0_i32_0 = arith.constant 0 : i32
    %c0_i32_1 = arith.constant 0 : i32
    return %c0_i32, %c0_i32_0 : i32, i32
  }
  func.func @transform_3(%arg0: i32) -> (i32, i32) {
    %c0_i32 = arith.constant 0 : i32
    %c0_i32_0 = arith.constant 0 : i32
    %c0_i32_1 = arith.constant 0 : i32
    return %c0_i32, %c0_i32_0 : i32, i32
  }
  func.func @transform_4(%arg0: i32) -> (i32, i32) {
    %c0_i32 = arith.constant 0 : i32
    %c0_i32_0 = arith.constant 0 : i32
    %c0_i32_1 = arith.constant 0 : i32
    return %c0_i32, %c0_i32_0 : i32, i32
  }
  func.func @transform_5(%arg0: i32) -> (i32, i32) {
    %c0_i32 = arith.constant 0 : i32
    %c0_i32_0 = arith.constant 0 : i32
    %c0_i32_1 = arith.constant 0 : i32
    return %c0_i32, %c0_i32_0 : i32, i32
  }
  func.func @transform_6(%arg0: i32) -> (i32, i32) {
    %c0_i32 = arith.constant 0 : i32
    %c0_i32_0 = arith.constant 0 : i32
    return %arg0, %c0_i32 : i32, i32
  }
  func.func @transform_7(%arg0: i32) -> (i32, i32) {
    %c0_i32 = arith.constant 0 : i32
    %c0_i32_0 = arith.constant 0 : i32
    %c0_i32_1 = arith.constant 0 : i32
    return %c0_i32, %c0_i32_0 : i32, i32
  }
}

module attributes {stable_mosaic.version = 14 : i64} {
  func.func @_mlp_out_body(%arg0: i32, %arg1: memref<2000x64xf32, #tpu.memory_space<vmem>>, %arg2: memref<2x64xf32, #tpu.memory_space<vmem>>, %arg3: memref<1x64xf32, #tpu.memory_space<vmem>>, %arg4: memref<1x64xf32, #tpu.memory_space<vmem>>, %arg5: memref<1x64xf32, #tpu.memory_space<vmem>>, %arg6: memref<1x1xf32, #tpu.memory_space<vmem>>, %arg7: memref<2000x1xf32, #tpu.memory_space<vmem>>) attributes {dimension_semantics = [#tpu.dimension_semantics<arbitrary>], iteration_bounds = array<i64: 25>, scalar_prefetch = 0 : i64, scratch_operands = 0 : i64, tpu.core_type = #tpu.core_type<tc>, window_params = [{transform_indices = @transform_0, window_bounds = array<i64: 2000, 64>}, {pipeline_mode = #tpu.pipeline_mode<synchronous>, transform_indices = @transform_1, window_bounds = array<i64: 2, 64>}, {pipeline_mode = #tpu.pipeline_mode<synchronous>, transform_indices = @transform_2, window_bounds = array<i64: 1, 64>}, {pipeline_mode = #tpu.pipeline_mode<synchronous>, transform_indices = @transform_3, window_bounds = array<i64: 1, 64>}, {pipeline_mode = #tpu.pipeline_mode<synchronous>, transform_indices = @transform_4, window_bounds = array<i64: 1, 64>}, {pipeline_mode = #tpu.pipeline_mode<synchronous>, transform_indices = @transform_5, window_bounds = array<i64: 1, 1>}, {transform_indices = @transform_6, window_bounds = array<i64: 2000, 1>}]} {
    %get3A = arith.constant 0 : index
    %get3A_0 = arith.constant 0 : index
    %get3A_1 = vector.load %arg1[%get3A, %get3A_0] : memref<2000x64xf32, #tpu.memory_space<vmem>>, vector<2000x64xf32>
    %get3A_2 = arith.constant 0 : index
    %get3A_3 = arith.constant 0 : index
    %get3A_4 = vector.load %arg2[%get3A_2, %get3A_3] : memref<2x64xf32, #tpu.memory_space<vmem>>, vector<2x64xf32>
    %get3A_5 = arith.constant 0 : index
    %get3A_6 = arith.constant 0 : index
    %get3A_7 = vector.load %arg3[%get3A_5, %get3A_6] : memref<1x64xf32, #tpu.memory_space<vmem>>, vector<1x64xf32>
    %get3A_8 = arith.constant 0 : index
    %get3A_9 = arith.constant 0 : index
    %get3A_10 = vector.load %arg4[%get3A_8, %get3A_9] : memref<1x64xf32, #tpu.memory_space<vmem>>, vector<1x64xf32>
    %slice3A = vector.extract_strided_slice %get3A_4 {offsets = [0, 0], sizes = [1, 64], strides = [1, 1]} : vector<2x64xf32> to vector<1x64xf32>
    %div3A = arith.constant 5.000000e+04 : f32
    %div3A_11 = vector.broadcast %div3A : f32 to vector<1x64xf32>
    %div3A_12 = arith.divf %slice3A, %div3A_11 : vector<1x64xf32>
    %slice3A_13 = vector.extract_strided_slice %get3A_4 {offsets = [1, 0], sizes = [1, 64], strides = [1, 1]} : vector<2x64xf32> to vector<1x64xf32>
    %div3A_14 = arith.constant 5.000000e+04 : f32
    %div3A_15 = vector.broadcast %div3A_14 : f32 to vector<1x64xf32>
    %div3A_16 = arith.divf %slice3A_13, %div3A_15 : vector<1x64xf32>
    %mul3A = arith.mulf %div3A_12, %div3A_12 : vector<1x64xf32>
    %sub3A = arith.subf %div3A_16, %mul3A : vector<1x64xf32>
    %sub3A_17 = vector.broadcast %div3A_12 : vector<1x64xf32> to vector<2000x64xf32>
    %sub3A_18 = arith.subf %get3A_1, %sub3A_17 : vector<2000x64xf32>
    %add3A = arith.constant 9.99999974E-6 : f32
    %add3A_19 = vector.broadcast %add3A : f32 to vector<1x64xf32>
    %add3A_20 = arith.addf %sub3A, %add3A_19 : vector<1x64xf32>
    %rsqrt3A = math.rsqrt %add3A_20 : vector<1x64xf32>
    %mul3A_21 = vector.broadcast %rsqrt3A : vector<1x64xf32> to vector<2000x64xf32>
    %mul3A_22 = arith.mulf %sub3A_18, %mul3A_21 : vector<2000x64xf32>
    %mul3A_23 = vector.broadcast %get3A_7 : vector<1x64xf32> to vector<2000x64xf32>
    %mul3A_24 = arith.mulf %mul3A_22, %mul3A_23 : vector<2000x64xf32>
    %add3A_25 = vector.broadcast %get3A_10 : vector<1x64xf32> to vector<2000x64xf32>
    %add3A_26 = arith.addf %mul3A_24, %add3A_25 : vector<2000x64xf32>
    %max3A = arith.constant 0.000000e+00 : f32
    %max3A_27 = vector.broadcast %max3A : f32 to vector<2000x64xf32>
    %max3A_28 = arith.maximumf %add3A_26, %max3A_27 : vector<2000x64xf32>
    %get3A_29 = arith.constant 0 : index
    %get3A_30 = arith.constant 0 : index
    %get3A_31 = vector.load %arg5[%get3A_29, %get3A_30] : memref<1x64xf32, #tpu.memory_space<vmem>>, vector<1x64xf32>
    %mul3A_32 = vector.broadcast %get3A_31 : vector<1x64xf32> to vector<2000x64xf32>
    %mul3A_33 = arith.mulf %max3A_28, %mul3A_32 : vector<2000x64xf32>
    %reduce_sum3A = arith.constant dense<0.000000e+00> : vector<2000xf32>
    %reduce_sum3A_34 = vector.multi_reduction <add>, %mul3A_33, %reduce_sum3A [1] : vector<2000x64xf32> to vector<2000xf32>
    %broadcast_in_dim3A = vector.shape_cast %reduce_sum3A_34 : vector<2000xf32> to vector<2000x1xf32>
    %get3A_35 = arith.constant 0 : index
    %get3A_36 = arith.constant 0 : index
    %get3A_37 = vector.load %arg6[%get3A_35, %get3A_36] : memref<1x1xf32, #tpu.memory_space<vmem>>, vector<1x1xf32>
    %add3A_38 = vector.broadcast %get3A_37 : vector<1x1xf32> to vector<2000x1xf32>
    %add3A_39 = arith.addf %broadcast_in_dim3A, %add3A_38 : vector<2000x1xf32>
    %logistic3A = arith.negf %add3A_39 : vector<2000x1xf32>
    %logistic3A_40 = math.exp %logistic3A : vector<2000x1xf32>
    %logistic3A_41 = arith.constant 1.000000e+00 : f32
    %logistic3A_42 = vector.broadcast %logistic3A_41 : f32 to vector<2000x1xf32>
    %logistic3A_43 = arith.addf %logistic3A_42, %logistic3A_40 : vector<2000x1xf32>
    %logistic3A_44 = arith.divf %logistic3A_42, %logistic3A_43 : vector<2000x1xf32>
    %swap3A = arith.constant 0 : index
    %swap3A_45 = arith.constant 0 : index
    %swap3A_46 = vector.load %arg7[%swap3A, %swap3A_45] : memref<2000x1xf32, #tpu.memory_space<vmem>>, vector<2000x1xf32>
    tpu.vector_store %arg7[%swap3A, %swap3A_45], %logistic3A_44 {strides = array<i32>} : memref<2000x1xf32, #tpu.memory_space<vmem>>, vector<2000x1xf32>,
    return
  }
  func.func @transform_0(%arg0: i32) -> (i32, i32) {
    %c0_i32 = arith.constant 0 : i32
    %c0_i32_0 = arith.constant 0 : i32
    return %arg0, %c0_i32 : i32, i32
  }
  func.func @transform_1(%arg0: i32) -> (i32, i32) {
    %c0_i32 = arith.constant 0 : i32
    %c0_i32_0 = arith.constant 0 : i32
    %c0_i32_1 = arith.constant 0 : i32
    return %c0_i32, %c0_i32_0 : i32, i32
  }
  func.func @transform_2(%arg0: i32) -> (i32, i32) {
    %c0_i32 = arith.constant 0 : i32
    %c0_i32_0 = arith.constant 0 : i32
    %c0_i32_1 = arith.constant 0 : i32
    return %c0_i32, %c0_i32_0 : i32, i32
  }
  func.func @transform_3(%arg0: i32) -> (i32, i32) {
    %c0_i32 = arith.constant 0 : i32
    %c0_i32_0 = arith.constant 0 : i32
    %c0_i32_1 = arith.constant 0 : i32
    return %c0_i32, %c0_i32_0 : i32, i32
  }
  func.func @transform_4(%arg0: i32) -> (i32, i32) {
    %c0_i32 = arith.constant 0 : i32
    %c0_i32_0 = arith.constant 0 : i32
    %c0_i32_1 = arith.constant 0 : i32
    return %c0_i32, %c0_i32_0 : i32, i32
  }
  func.func @transform_5(%arg0: i32) -> (i32, i32) {
    %c0_i32 = arith.constant 0 : i32
    %c0_i32_0 = arith.constant 0 : i32
    %c0_i32_1 = arith.constant 0 : i32
    return %c0_i32, %c0_i32_0 : i32, i32
  }
  func.func @transform_6(%arg0: i32) -> (i32, i32) {
    %c0_i32 = arith.constant 0 : i32
    %c0_i32_0 = arith.constant 0 : i32
    return %arg0, %c0_i32 : i32, i32
  }
}

</mosaic_0001>

<sc_bundles>
// kernel: kernel.11.cloned.1.call-start
scs
__scs_entry_jumppad:
0x0: {  	(pc) =	sbr.rel $0x88, $3  }
0x1: {  	(tag) =	ssettag $0x0;
	lr =	simm.s32 $0x1  }
0x2: {  	[smem:$0x3F8B] =	sst lr;
	_ =	strace $0xD0000000  }
0x3: {  	_ = 	snop  }
0x4: {  	_ = 	snop  }
0x5: {  	_ = 	snop  }
0x6: {  	_ = 	snop  }
0x7: {  	_ = 	snop  }
__scs_overlays_trampoline_lowered:
0x8: {  	[smem:$0x3F9A] =	sst s0  }
0x9: {  	[smem:$0x3F9B] =	sst s1  }
0xa: {  	[smem:$0x3F9C] =	sst s2  }
0xb: {  	[smem:$0x3F9D] =	sst s3  }
0xc: {  	[smem:$0x3F9E] =	sst s4  }
0xd: {  	[smem:$0x3F9F] =	sst s5  }
0xe: {  	[smem:$0x3FA0] =	sst s6  }
0xf: {  	[smem:$0x3FA1] =	sst s7  }
0x10: {  	[smem:$0x3FA2] =	sst s8  }
0x11: {  	[smem:$0x3FA3] =	sst s9;
	s0 =	simm.s32 @!p0 $0x0  }
0x12: {  	s1 =	sld [smem:$0x3F89];
	s0 =	simm.s32 @p0 $0x1  }
0x13: {  	[smem:$0x3FA4] =	sst s0;
	s0 =	simm.s32 @!p1 $0x0  }
0x14: {  	s2 =	sld [smem:$0x3F88];
	s0 =	simm.s32 @p1 $0x1  }
0x15: {  	[smem:$0x3FA5] =	sst s0;
	s0 =	simm.s32 @!p2 $0x0  }
0x16: {  	s3 =	sld [smem:$0x3FDB];
	s0 =	simm.s32 @p2 $0x1  }
0x17: {  	s4 =	simm.s32 $0x1BF5;
	[smem:$0x3FA7] =	sst s0  }
0x18: {  	s0 =	sld [smem:$0x3F8A];
	_ =	swait.ge [sflag:s4], $0x0  }
0x19: {  	s7 =	sld [smem:$0x3F8B]  }
0x1a: {  	s8 =	sadd.s32 $0xFFFFE003, lr  }
0x1b: {  	s9 =	sadd.s32 $0xFFFFFEF7, lr;
	s5 =	simm.s32 $0xFFFFFFFF;
	p2 =	slt.u32 s8, $0xFFFFF086  }
0x1c: {  	p1 =	slt.u32 s9, $0xF7A;
	s5 =	simm.s32 @!p2 $0x0  }
0x1d: {  	s5 =	simm.s32 @p1 $0x1;
	p0 =	seq.s32 s7, s2  }
0x1e: {  	s7 =	smul.u32 @!p0 $0xF7A, s2;
	p2 =	seq.s32 @!p0 s5, $0x0  }
0x1f: {  	s9 =	smul.u32 $0xF7A, s1;
	s8 =	simm.s32 @!p0 $0x1BF5;
	p2 =	por !p2, p0  }
0x20: {  	[sflag:s8] =	ssyncset.s32 @!p0 $0xFFFFF086;
	s6 =	sadd.s32 @!p0 s3, s7;
	s7 =	simm.s32 @!p0 $0x108  }
0x21: {  	s3 =	sadd.s32 s3, s9;
	s6 =	sadd.s32 @!p0 $0x88, s6;
	s7 =	simm.s32 @p2 $0x1082  }
0x22: {  	[simem:s7], [sflag:s8] =	dma.local @!p0 [hbm:s6], $0xF7A  }
0x23: {  	s9 =	sor.u32 $0xD0000000, s2;
	s6 =	simm.s32 $0x108;
	_ =	swait.ge @!p0 [sflag:s8], $0x0  }
0x24: {  	s3 =	sadd.s32 $0x88, s3;
	s6 =	simm.s32 @!p1 $0x1082;
	[sflag:s4] =	ssyncset.s32 $0xFFFFF086  }
0x25: {  	[simem:s6], [sflag:s4] =	dma.local [hbm:s3], $0xF7A  }
0x26: {  	[smem:$0x3F8B] =	sst s1;
	(tag) =	ssettag s2;
	_ =	strace s9  }
0x27: {  	s1 =	sld [smem:$0x3F9B]  }
0x28: {  	s2 =	sld [smem:$0x3F9C]  }
0x29: {  	s4 =	sld [smem:$0x3F9E]  }
0x2a: {  	p0 =	seq.s32 s5, $0x0;
	s5 =	sld [smem:$0x3F9F]  }
0x2b: {  	s6 =	sld [smem:$0x3FA0]  }
0x2c: {  	s7 =	sld [smem:$0x3FA1]  }
0x2d: {  	s3 =	simm.s32 $0x108;
	s8 =	sld [smem:$0x3FA2]  }
0x2e: {  	s3 =	simm.s32 @!p0 $0x1082;
	s9 =	sld [smem:$0x3FA3]  }
0x2f: {  	lr =	sadd.s32 s0, s3;
	s0 =	sld [smem:$0x3F9A]  }
0x30: {  	s3 =	sld [smem:$0x3F9D]  }
0x31: {  	[smem:$0x3FA6] =	sst s10  }
0x32: {  	s10 =	sld [smem:$0x3FA4];
	_ =	sdelay $0x3  }
0x33: {  	p0 =	seq.s32 s10, $0x1;
	s10 =	sld [smem:$0x3FA6];
	_ =	sdelay $0x3  }
0x34: {  	[smem:$0x3FA6] =	sst s10  }
0x35: {  	s10 =	sld [smem:$0x3FA5];
	_ =	sdelay $0x3  }
0x36: {  	p1 =	seq.s32 s10, $0x1;
	s10 =	sld [smem:$0x3FA6];
	_ =	sdelay $0x3  }
0x37: {  	[smem:$0x3FA6] =	sst s10  }
0x38: {  	s10 =	sld [smem:$0x3FA7]  }
0x39: {  	_ = 	snop;
	(pc) =	sbr.ind lr, $3  }
0x3a: {  	_ = 	snop  }
0x3b: {  	_ = 	snop  }
0x3c: {  	p2 =	seq.s32 s10, $0x1;
	s10 =	sld [smem:$0x3FA6]  }
0x3d: {  	_ =	shalt  }
0x3e: {  	_ =	shalt  }
0x3f: {  	_ =	shalt  }
0x40: {  	_ =	shalt  }
0x41: {  	_ =	shalt  }
0x42: {  	_ =	shalt  }
0x43: {  	_ =	shalt  }
0x44: {  	_ =	shalt  }
0x45: {  	_ =	shalt  }
0x46: {  	_ =	shalt  }
0x47: {  	_ =	shalt  }
0x48: {  	_ =	shalt  }
0x49: {  	_ =	shalt  }
0x4a: {  	_ =	shalt  }
0x4b: {  	_ =	shalt  }
0x4c: {  	_ =	shalt  }
0x4d: {  	_ =	shalt  }
0x4e: {  	_ =	shalt  }
0x4f: {  	_ =	shalt  }
0x50: {  	_ =	shalt  }
0x51: {  	_ =	shalt  }
0x52: {  	_ =	shalt  }
0x53: {  	_ =	shalt  }
0x54: {  	_ =	shalt  }
0x55: {  	_ =	shalt  }
0x56: {  	_ =	shalt  }
0x57: {  	_ =	shalt  }
0x58: {  	_ =	shalt  }
0x59: {  	_ =	shalt  }
0x5a: {  	_ =	shalt  }
0x5b: {  	_ =	shalt  }
0x5c: {  	_ =	shalt  }
0x5d: {  	_ =	shalt  }
0x5e: {  	_ =	shalt  }
0x5f: {  	_ =	shalt  }
0x60: {  	_ =	shalt  }
0x61: {  	_ =	shalt  }
0x62: {  	_ =	shalt  }
0x63: {  	_ =	shalt  }
0x64: {  	_ =	shalt  }
0x65: {  	_ =	shalt  }
0x66: {  	_ =	shalt  }
0x67: {  	_ =	shalt  }
0x68: {  	_ =	shalt  }
0x69: {  	_ =	shalt  }
0x6a: {  	_ =	shalt  }
0x6b: {  	_ =	shalt  }
0x6c: {  	_ =	shalt  }
0x6d: {  	_ =	shalt  }
0x6e: {  	_ =	shalt  }
0x6f: {  	_ =	shalt  }
0x70: {  	_ =	shalt  }
0x71: {  	_ =	shalt  }
0x72: {  	_ =	shalt  }
0x73: {  	_ =	shalt  }
0x74: {  	_ =	shalt  }
0x75: {  	_ =	shalt  }
0x76: {  	_ =	shalt  }
0x77: {  	_ =	shalt  }
0x78: {  	_ =	shalt  }
0x79: {  	_ =	shalt  }
0x7a: {  	_ =	shalt  }
0x7b: {  	_ =	shalt  }
0x7c: {  	_ =	shalt  }
0x7d: {  	_ =	shalt  }
0x7e: {  	_ =	shalt  }
0x7f: {  	_ =	shalt  }
0x80: {  	_ =	shalt  }
0x81: {  	_ =	shalt  }
0x82: {  	_ =	shalt  }
0x83: {  	_ =	shalt  }
0x84: {  	_ =	shalt  }
0x85: {  	_ =	shalt  }
0x86: {  	_ =	shalt  }
0x87: {  	_ =	shalt  }
.Lfunc_end0:
.L_simem_size_0:
called_computation.1_lowered:
.L_overlay_start_0:
0x88: {  	s2 =	sld [smem:$0x3FD9]  }
0x89: {  	s3 =	sld [smem:$0x3FFE];
	_ =	sdelay $0x1  }
0x8a: {  	s1 =	srdreg.scid  }
0x8b: {  	s0 =	sand.u32 $0x1, s1  }
0x8c: {  	s14 =	sshll.u32 s0, $0xA;
	s2 =	sadd.s32 s3, s2  }
0x8d: {  	s2 =	sadd.s32 s2, s14  }
0x8e: {  	[smem:$0x3FB2] =	sst s2  }
0x8f: {  	_ = 	snop  }
0x90: {  	s2 =	sld [smem:$0x3FD0];
	_ =	sdelay $0x2  }
0x91: {  	s15 =	simm.s32 $0xA;
	s4 =	simm.s32 $0x10  }
0x92: {  	[smem:s4], [sflag:s15] =	dma.local [hbm:s2], $0x1  }
0x93: {  	_ =	swait.eq [sflag:s15], $0x1  }
0x94: {  	[sflag:s15] =	ssyncset.done $0x0  }
0x95: {  	[sflag:s15] =	ssyncadd.s32 $0xFFFFFFFF  }
0x96: {  	s16 =	sld [smem:$0x10];
	(tm) =	ssettm $0x1  }
0x97: {  	s17 =	sld [smem:$0x3FFB];
	_ =	sdelay $0x3  }
0x98: {  	_ =	strace s17  }
0x99: {  	s3 =	sld [smem:$0x3FFC];
	_ =	sdelay $0x3  }
0x9a: {  	_ =	strace s3  }
0x9b: {  	s3 =	sld [smem:$0x3FFD];
	_ =	sdelay $0x3  }
0x9c: {  	_ =	strace s3  }
0x9d: {  	_ =	strace $0x8FFFFFFF  }
0x9e: {  	s18 =	sld [smem:$0x3FDB];
	_ =	sdelay $0x1  }
0x9f: {  	s19 =	simm.s32 $_scs_section_size  }
0xa0: {  	s5 =	simm.s32 $_size__tile_overlayer_lowered;
	s6 =	simm.s32 $_tile_overlayer_lowered  }
0xa1: {  	s22 =	simm.s32 $0x1BFF;
	s21 =	sshll.u32 s6, $0x1;
	s3 =	sadd.s32 s19, s18  }
0xa2: {  	s7 =	simm.s32 $0x0;
	s20 =	sshll.u32 s5, $0x1;
	s5 =	sadd.s32 s21, s3  }
0xa3: {  	[timem:s7], [sflag:s22] =	dma.local [hbm:s5], s20  }
0xa4: {  	_ =	swait.ge [sflag:s22], s20  }
0xa5: {  	s4 =	ssub.s32 $0x0, s20;
	[sflag:s22] =	ssyncset.done $0x0  }
0xa6: {  	[sflag:s22] =	ssyncadd.s32 s4;
	_ =	sdelay $0x1  }
0xa7: {  	s23 =	simm.s32 $0x1B8B  }
0xa8: {  	_ =	swait.ge [sflag:s23], $0x1  }
0xa9: {  	[sflag:s23] =	ssyncset.done $0x0  }
0xaa: {  	s25 =	simm.s32 $0x1B8E;
	s24 =	sld [smem:$0x3FFE];
	[sflag:s23] =	ssyncadd.s32 $0xFFFFFFFF  }
0xab: {  	s26 =	simm.s32 $execute0_lowered;
	[smem:$0x3FD2] =	sst s25  }
0xac: {  	s5 =	sshll.u32 s26, $0x1;
	_ =	strace $0x80000049;
	[dreg:$0x1] =	wrdreg $0xFFFFFFFF  }
0xad: {  	s28 =	simm.s32 $_size_execute0_lowered;
	s3 =	sadd.s32 s3, s5;
	[dreg:$0x0] =	wrdreg $0x0  }
0xae: {  	s5 =	sshll.u32 s28, $0x1;
	[dreg:$0x2] =	wrdreg s3  }
0xaf: {  	[dreg:$0x3] =	wrdreg s5  }
0xb0: {  	[dreg:$0x4] =	wrdreg $0xC0  }
0xb1: {  	_ =	task [dreg:s7], $0x5FFFF  }
0xb2: {  	[dreg:$0x1] =	wrdreg $0xFFFFFFFF  }
0xb3: {  	[dreg:$0x0] =	wrdreg $0x60  }
0xb4: {  	[dreg:$0x2] =	wrdreg s24  }
0xb5: {  	[dreg:$0x3] =	wrdreg s16  }
0xb6: {  	[dreg:$0x4] =	wrdreg $0x68000  }
0xb7: {  	[dreg:$0x5] =	wrdreg $0x9  }
0xb8: {  	_ =	task.clear_ibuf [dreg:s7], $0x6FFFF;
	_ =	strace $0x90000049  }
0xb9: {  	s29 =	simm.s32 $0x9;
	_ =	strace $0x8000004B  }
0xba: {  	_ =	swait.ge [sflag:s29], $0x1  }
0xbb: {  	[sflag:s29] =	ssyncadd.s32 $0xFFFFFFFF  }
0xbc: {  	_ =	strace $0x9000004B  }
0xbd: {  	_ =	sfence  }
0xbe: {  	s30 =	sld [smem:$0x0];
	_ =	sdelay $0x2  }
0xbf: {  	s31 =	sshll.u32 s1, $0xD;
	s1 =	sshrl.u32 s1, $0x2  }
0xc0: {  	s3 =	sand.u32 $0x4000, s31;
	s1 =	sadd.s32 s1, s30  }
0xc1: {  	s0 =	sor.u32 s3, s0;
	s1 =	sshll.u32 s1, $0x11  }
0xc2: {  	s0 =	sor.u32 s1, s0  }
0xc3: {  	s0 =	sadd.s32 $0x8F2B, s0  }
0xc4: {  	[sflag:s0] =	ssyncadd.remote.s32 $0x1  }
0xc5: {  	_ =	sfence.sel $0xFFFF  }
0xc6: {  	[dreg:$0x0] =	wrdreg $0xFFFFFFFF;
	(pc) =	sbr.abs _section_cstart, $3  }
0xc7: {  	[dreg:$0x1] =	wrdreg $0xFFFFFFFF  }
0xc8: {  	_ =	task.clear_ibuf [dreg:s7], $0x2FFFF;
	_ =	strace $0x9FFFFFFF  }
0xc9: {  	(tm) =	ssettm $0x7FFFFFFF  }
tec
execute0_lowered:
.L_overlay_start_1:
0x0: {  	(tag) =	ssettag $0x1  }
0x1: {  	s0 =	rddreg [dreg:$0x0]  }
0x2: {  	s1 =	rddreg [dreg:$0x1]  }
0x3: {  	s2 =	rddreg [dreg:$0x2];
	s12 =	stileid.u32  }
0x4: {  	s3 =	srdreg.scid;
	s4 =	simm.s32 $0x0;
	s9 =	smul.u32 $0x30E00, s12  }
0x5: {  	s3 =	sand.u32 $0x1, s3;
	[smem:$0x7FF] =	sst s4;
	s10 =	smul.u32 $0x61C00, s12  }
0x6: {  	s5 =	sadd.s32 $0x7200, s0;
	s7 =	sadd.s32 $0x114800, s0;
	s6 =	smul.u32 $0x61C000, s3  }
0x7: {  	_ =	strace $0x8000004A;
	s11 =	ssub.s32 $0x2, s3;
	s3 =	sshll.u32 s3, $0x4  }
0x8: {  	s13 =	sshrl.u32 s10, $0x2;
	s14 =	sshrl.u32 s11, $0x1;
	s3 =	sor.u32 s12, s3  }
0x9: {  	s16 =	sshrl.u32 s9, $0x1;
	s8 =	sadd.s32 s9, s6;
	s6 =	sadd.s32 $0xFB800, s0  }
0xa: {  	s11 =	ssub.s32 s11, s14;
	s10 =	smul.u32 $0x6400, s3;
	s3 =	sadd.s32 s16, s2  }
0xb: {  	s8 =	sshrl.u32 s8, $0x4;
	[dreg:$0x5] =	wrdreg s3;
	s17 =	smax.u32 s11, $0x1  }
0xc: {  	s0 =	sadd.s32 s8, s0;
	s8 =	sadd.s32 s13, s2;
	[dreg:$0x7] =	wrdreg s17  }
0xd: {  	s15 =	sadd.s32 $0x1FA00, s0;
	[dreg:$0x8] =	wrdreg s8  }
0xe: {  	s0 =	sadd.s32 $0x50800, s0;
	[dreg:$0x4] =	wrdreg s15  }
0xf: {  	s18 =	sadd.s32 $0x1800, s8;
	[dreg:$0x6] =	wrdreg s0  }
0x10: {  	s19 =	sadd.s32 $0x2000, s8;
	[dreg:$0x9] =	wrdreg s18  }
0x11: {  	s20 =	sadd.s32 $0x2800, s8;
	[dreg:$0xa] =	wrdreg s19  }
0x12: {  	s21 =	sadd.s32 $0x3000, s8;
	[dreg:$0xb] =	wrdreg s20  }
0x13: {  	s22 =	sadd.s32 $0x3800, s8;
	[dreg:$0xc] =	wrdreg s21  }
0x14: {  	s23 =	sadd.s32 $0x4000, s8;
	[dreg:$0xd] =	wrdreg s22  }
0x15: {  	s24 =	sadd.s32 $0x4800, s8;
	[dreg:$0xe] =	wrdreg s23  }
0x16: {  	s25 =	sadd.s32 $0x5000, s8;
	[dreg:$0xf] =	wrdreg s24  }
0x17: {  	s26 =	sadd.s32 $0x5800, s8;
	[dreg:$0x10] =	wrdreg s25  }
0x18: {  	s30 =	sadd.s32 $0x6000, s8;
	[dreg:$0x11] =	wrdreg s26  }
0x19: {  	s31 =	sadd.s32 $0x6800, s8;
	[dreg:$0x12] =	wrdreg s30  }
0x1a: {  	s3 =	sadd.s32 $0x7000, s8;
	[dreg:$0x13] =	wrdreg s31  }
0x1b: {  	s11 =	sadd.s32 $0x7800, s8;
	[dreg:$0x14] =	wrdreg s3  }
0x1c: {  	s12 =	sadd.s32 $0x8000, s8;
	[dreg:$0x15] =	wrdreg s11  }
0x1d: {  	s16 =	sadd.s32 $0x9000, s8;
	[dreg:$0x16] =	wrdreg s12  }
0x1e: {  	s17 =	sadd.s32 $0x9800, s8;
	[dreg:$0x18] =	wrdreg s16  }
0x1f: {  	s15 =	sadd.s32 $0x8800, s8;
	[dreg:$0x19] =	wrdreg s17  }
0x20: {  	s18 =	sadd.s32 $0xA000, s8;
	[dreg:$0x17] =	wrdreg s15  }
0x21: {  	s19 =	sadd.s32 $0xA800, s8;
	[dreg:$0x1a] =	wrdreg s18  }
0x22: {  	s20 =	sadd.s32 $0xB000, s8;
	[dreg:$0x1b] =	wrdreg s19  }
0x23: {  	s21 =	sadd.s32 $0xB800, s8;
	[dreg:$0x1c] =	wrdreg s20  }
0x24: {  	s22 =	sadd.s32 $0xC000, s8;
	[dreg:$0x1d] =	wrdreg s21  }
0x25: {  	s23 =	sadd.s32 $0xC800, s8;
	[dreg:$0x1e] =	wrdreg s22  }
0x26: {  	s24 =	sadd.s32 $0xD000, s8;
	[dreg:$0x1f] =	wrdreg s23  }
0x27: {  	s25 =	sadd.s32 $0xD800, s8;
	[smem:$0x7E8] =	sst s24  }
0x28: {  	s26 =	sadd.s32 $0xE000, s8;
	[smem:$0x7E9] =	sst s25  }
0x29: {  	s30 =	sadd.s32 $0xE800, s8;
	[smem:$0x7EA] =	sst s26  }
0x2a: {  	s31 =	sadd.s32 $0xF000, s8;
	[smem:$0x7EB] =	sst s30  }
0x2b: {  	s3 =	sadd.s32 $0xF800, s8;
	[smem:$0x7EC] =	sst s31  }
0x2c: {  	s11 =	sadd.s32 $0x10000, s8;
	[smem:$0x7ED] =	sst s3  }
0x2d: {  	s12 =	sadd.s32 $0x10800, s8;
	[smem:$0x7EE] =	sst s11  }
0x2e: {  	s16 =	sadd.s32 $0x11800, s8;
	[smem:$0x7EF] =	sst s12  }
0x2f: {  	s17 =	sadd.s32 $0x12000, s8;
	[smem:$0x7F1] =	sst s16  }
0x30: {  	s15 =	sadd.s32 $0x11000, s8;
	[smem:$0x7F2] =	sst s17  }
0x31: {  	s18 =	sadd.s32 $0x12800, s8;
	[smem:$0x7F0] =	sst s15  }
0x32: {  	s19 =	sadd.s32 $0x13000, s8;
	[smem:$0x7F3] =	sst s18  }
0x33: {  	s20 =	sadd.s32 $0x13800, s8;
	[smem:$0x7F4] =	sst s19  }
0x34: {  	s21 =	sadd.s32 $0x14000, s8;
	[smem:$0x7F5] =	sst s20  }
0x35: {  	s22 =	sadd.s32 $0x14800, s8;
	[smem:$0x7F6] =	sst s21  }
0x36: {  	s23 =	sadd.s32 $0x15000, s8;
	[smem:$0x7F7] =	sst s22  }
0x37: {  	s28 =	simm.s32 $0x6000;
	s24 =	sadd.s32 $0x15800, s8;
	[smem:$0x7F8] =	sst s23  }
0x38: {  	s29 =	simm.s32 $0x1;
	s25 =	sadd.s32 $0x16000, s8;
	[smem:$0x7F9] =	sst s24  }
0x39: {  	s13 =	sadd.s32 $0x18000, s8;
	s26 =	sadd.s32 $0x16800, s8;
	[smem:$0x7FA] =	sst s25  }
0x3a: {  	s9 =	sadd.s32 $0x800, s8;
	s30 =	sadd.s32 $0x17000, s8;
	[smem:$0x7FB] =	sst s26  }
0x3b: {  	s14 =	sadd.s32 $0x1000, s8;
	s31 =	sadd.s32 $0x17800, s8;
	[smem:$0x7FC] =	sst s30  }
0x3c: {  	s16 =	simm.s32 $0x2800;
	s17 =	simm.s32 $0x2;
	[smem:$0x7FD] =	sst s31  }
0x3d: {  	s18 =	simm.s32 $0x3;
	s19 =	simm.s32 $0x1400;
	s20 =	simm.s32 $0x80  }
0x3e: {  	s21 =	simm.s32 $0x3000;
	s22 =	simm.s32 $0x3800;
	s23 =	simm.s32 $0x4000  }
0x3f: {  	v0 =	vimm.bf16 $0.0e+00;
	s24 =	simm.s32 $0x4800;
	s25 =	simm.s32 $0x5000;
	s26 =	simm.s32 $0x5800  }
.LBB2_1:
0x40: {  	s0 =	simm.s32 $0x40;
	s3 =	simm.s32 $0x0  }
.LBB2_2:
0x41: {  	p0 =	sne.s32 s0, $0x1FC0;
	[tilespmem:s3+$0x2800] =	vst v0;
	s3 =	smov.u32 s0;
	s0 =	sadd.s32 $0x40, s0  }
.Ltmp0:
0x42: {  	(pc) =	sbr.rel @p0 .LBB2_2-.Ltmp0, $2  }
0x43: {  	_ =	sdelay $0x2  }
0x44: {  	s3 =	sshra.s32 s3, $0x2  }
0x45: {  	[tilespmem:s3+$0x2800] =	vst v0  }
0x46: {  	[spmem:s8] =	stream.linear.scatter [tilespmem:s16], [sflag:$0x2], $0x800, $0x38;
	[tilespmem:$0x1EF00] =	vst v63  }
0x47: {  	_ = 	snop  }
0x48: {  	[spmem:s9] =	stream.linear.scatter [tilespmem:s16], [sflag:$0x2], $0x800, $0x38;
	[tilespmem:$0x1EF00] =	vst v63  }
0x49: {  	s0 =	rddreg [dreg:$0x9]  }
0x4a: {  	[spmem:s14] =	stream.linear.scatter [tilespmem:s16], [sflag:$0x2], $0x800, $0x38;
	[tilespmem:$0x1EF00] =	vst v63  }
0x4b: {  	s30 =	rddreg [dreg:$0xa]  }
0x4c: {  	[spmem:s0] =	stream.linear.scatter [tilespmem:s16], [sflag:$0x2], $0x800, $0x38;
	[tilespmem:$0x1EF00] =	vst v63  }
0x4d: {  	s31 =	rddreg [dreg:$0xb]  }
0x4e: {  	[spmem:s30] =	stream.linear.scatter [tilespmem:s16], [sflag:$0x2], $0x800, $0x38;
	[tilespmem:$0x1EF00] =	vst v63  }
0x4f: {  	s3 =	rddreg [dreg:$0xc]  }
0x50: {  	[spmem:s31] =	stream.linear.scatter [tilespmem:s16], [sflag:$0x2], $0x800, $0x38;
	[tilespmem:$0x1EF00] =	vst v63  }
0x51: {  	s11 =	rddreg [dreg:$0xd]  }
0x52: {  	[spmem:s3] =	stream.linear.scatter [tilespmem:s16], [sflag:$0x2], $0x800, $0x38;
	[tilespmem:$0x1EF00] =	vst v63  }
0x53: {  	s12 =	rddreg [dreg:$0xe]  }
0x54: {  	[spmem:s11] =	stream.linear.scatter [tilespmem:s16], [sflag:$0x2], $0x800, $0x38;
	[tilespmem:$0x1EF00] =	vst v63  }
0x55: {  	s15 =	rddreg [dreg:$0xf]  }
0x56: {  	[spmem:s12] =	stream.linear.scatter [tilespmem:s16], [sflag:$0x2], $0x800, $0x38;
	[tilespmem:$0x1EF00] =	vst v63  }
0x57: {  	s30 =	rddreg [dreg:$0x10]  }
0x58: {  	[spmem:s15] =	stream.linear.scatter [tilespmem:s16], [sflag:$0x2], $0x800, $0x38;
	[tilespmem:$0x1EF00] =	vst v63  }
0x59: {  	s31 =	rddreg [dreg:$0x11]  }
0x5a: {  	[spmem:s30] =	stream.linear.scatter [tilespmem:s16], [sflag:$0x2], $0x800, $0x38;
	[tilespmem:$0x1EF00] =	vst v63  }
0x5b: {  	s3 =	rddreg [dreg:$0x12]  }
0x5c: {  	[spmem:s31] =	stream.linear.scatter [tilespmem:s16], [sflag:$0x2], $0x800, $0x38;
	[tilespmem:$0x1EF00] =	vst v63  }
0x5d: {  	s11 =	rddreg [dreg:$0x13]  }
0x5e: {  	[spmem:s3] =	stream.linear.scatter [tilespmem:s16], [sflag:$0x2], $0x800, $0x38;
	[tilespmem:$0x1EF00] =	vst v63  }
0x5f: {  	s12 =	rddreg [dreg:$0x14]  }
0x60: {  	[spmem:s11] =	stream.linear.scatter [tilespmem:s16], [sflag:$0x2], $0x800, $0x38;
	[tilespmem:$0x1EF00] =	vst v63  }
0x61: {  	s15 =	rddreg [dreg:$0x15]  }
0x62: {  	[spmem:s12] =	stream.linear.scatter [tilespmem:s16], [sflag:$0x2], $0x800, $0x38;
	[tilespmem:$0x1EF00] =	vst v63  }
0x63: {  	s30 =	rddreg [dreg:$0x16]  }
0x64: {  	[spmem:s15] =	stream.linear.scatter [tilespmem:s16], [sflag:$0x2], $0x800, $0x38;
	[tilespmem:$0x1EF00] =	vst v63  }
0x65: {  	s31 =	rddreg [dreg:$0x17]  }
0x66: {  	[spmem:s30] =	stream.linear.scatter [tilespmem:s16], [sflag:$0x2], $0x800, $0x38;
	[tilespmem:$0x1EF00] =	vst v63  }
0x67: {  	s3 =	rddreg [dreg:$0x18]  }
0x68: {  	[spmem:s31] =	stream.linear.scatter [tilespmem:s16], [sflag:$0x2], $0x800, $0x38;
	[tilespmem:$0x1EF00] =	vst v63  }
0x69: {  	s11 =	rddreg [dreg:$0x19]  }
0x6a: {  	[spmem:s3] =	stream.linear.scatter [tilespmem:s16], [sflag:$0x2], $0x800, $0x38;
	[tilespmem:$0x1EF00] =	vst v63  }
0x6b: {  	s12 =	rddreg [dreg:$0x1a]  }
0x6c: {  	[spmem:s11] =	stream.linear.scatter [tilespmem:s16], [sflag:$0x2], $0x800, $0x38;
	[tilespmem:$0x1EF00] =	vst v63  }
0x6d: {  	s15 =	rddreg [dreg:$0x1b]  }
0x6e: {  	[spmem:s12] =	stream.linear.scatter [tilespmem:s16], [sflag:$0x2], $0x800, $0x38;
	[tilespmem:$0x1EF00] =	vst v63  }
0x6f: {  	s30 =	rddreg [dreg:$0x1c]  }
0x70: {  	[spmem:s15] =	stream.linear.scatter [tilespmem:s16], [sflag:$0x2], $0x800, $0x38;
	[tilespmem:$0x1EF00] =	vst v63  }
0x71: {  	s31 =	rddreg [dreg:$0x1d]  }
0x72: {  	[spmem:s30] =	stream.linear.scatter [tilespmem:s16], [sflag:$0x2], $0x800, $0x38;
	[tilespmem:$0x1EF00] =	vst v63  }
0x73: {  	s3 =	rddreg [dreg:$0x1e]  }
0x74: {  	[spmem:s31] =	stream.linear.scatter [tilespmem:s16], [sflag:$0x2], $0x800, $0x38;
	[tilespmem:$0x1EF00] =	vst v63  }
0x75: {  	s11 =	rddreg [dreg:$0x1f]  }
0x76: {  	[spmem:s3] =	stream.linear.scatter [tilespmem:s16], [sflag:$0x2], $0x800, $0x38;
	[tilespmem:$0x1EF00] =	vst v63  }
0x77: {  	s12 =	sld [smem:$0x7E8]  }
0x78: {  	[spmem:s11] =	stream.linear.scatter [tilespmem:s16], [sflag:$0x2], $0x800, $0x38;
	[tilespmem:$0x1EF00] =	vst v63  }
0x79: {  	s15 =	sld [smem:$0x7E9]  }
0x7a: {  	[spmem:s12] =	stream.linear.scatter [tilespmem:s16], [sflag:$0x2], $0x800, $0x38;
	[tilespmem:$0x1EF00] =	vst v63  }
0x7b: {  	s30 =	sld [smem:$0x7EA]  }
0x7c: {  	[spmem:s15] =	stream.linear.scatter [tilespmem:s16], [sflag:$0x2], $0x800, $0x38;
	[tilespmem:$0x1EF00] =	vst v63  }
0x7d: {  	s31 =	sld [smem:$0x7EB]  }
0x7e: {  	[spmem:s30] =	stream.linear.scatter [tilespmem:s16], [sflag:$0x2], $0x800, $0x38;
	[tilespmem:$0x1EF00] =	vst v63  }
0x7f: {  	s3 =	sld [smem:$0x7EC]  }
0x80: {  	[spmem:s31] =	stream.linear.scatter [tilespmem:s16], [sflag:$0x2], $0x800, $0x38;
	[tilespmem:$0x1EF00] =	vst v63  }
0x81: {  	s11 =	sld [smem:$0x7ED]  }
0x82: {  	[spmem:s3] =	stream.linear.scatter [tilespmem:s16], [sflag:$0x2], $0x800, $0x38;
	[tilespmem:$0x1EF00] =	vst v63  }
0x83: {  	s12 =	sld [smem:$0x7EE]  }
0x84: {  	[spmem:s11] =	stream.linear.scatter [tilespmem:s16], [sflag:$0x2], $0x800, $0x38;
	[tilespmem:$0x1EF00] =	vst v63  }
0x85: {  	s15 =	sld [smem:$0x7EF]  }
0x86: {  	[spmem:s12] =	stream.linear.scatter [tilespmem:s16], [sflag:$0x2], $0x800, $0x38;
	[tilespmem:$0x1EF00] =	vst v63  }
0x87: {  	s30 =	sld [smem:$0x7F0]  }
0x88: {  	[spmem:s15] =	stream.linear.scatter [tilespmem:s16], [sflag:$0x2], $0x800, $0x38;
	[tilespmem:$0x1EF00] =	vst v63  }
0x89: {  	s31 =	sld [smem:$0x7F1]  }
0x8a: {  	[spmem:s30] =	stream.linear.scatter [tilespmem:s16], [sflag:$0x2], $0x800, $0x38;
	[tilespmem:$0x1EF00] =	vst v63  }
0x8b: {  	s3 =	sld [smem:$0x7F2]  }
0x8c: {  	[spmem:s31] =	stream.linear.scatter [tilespmem:s16], [sflag:$0x2], $0x800, $0x38;
	[tilespmem:$0x1EF00] =	vst v63  }
0x8d: {  	s11 =	sld [smem:$0x7F3]  }
0x8e: {  	[spmem:s3] =	stream.linear.scatter [tilespmem:s16], [sflag:$0x2], $0x800, $0x38;
	[tilespmem:$0x1EF00] =	vst v63  }
0x8f: {  	s12 =	sld [smem:$0x7F4]  }
0x90: {  	[spmem:s11] =	stream.linear.scatter [tilespmem:s16], [sflag:$0x2], $0x800, $0x38;
	[tilespmem:$0x1EF00] =	vst v63  }
0x91: {  	s15 =	sld [smem:$0x7F5]  }
0x92: {  	[spmem:s12] =	stream.linear.scatter [tilespmem:s16], [sflag:$0x2], $0x800, $0x38;
	[tilespmem:$0x1EF00] =	vst v63  }
0x93: {  	s30 =	sld [smem:$0x7F6]  }
0x94: {  	[spmem:s15] =	stream.linear.scatter [tilespmem:s16], [sflag:$0x2], $0x800, $0x38;
	[tilespmem:$0x1EF00] =	vst v63  }
0x95: {  	s31 =	sld [smem:$0x7F7]  }
0x96: {  	[spmem:s30] =	stream.linear.scatter [tilespmem:s16], [sflag:$0x2], $0x800, $0x38;
	[tilespmem:$0x1EF00] =	vst v63  }
0x97: {  	s3 =	sld [smem:$0x7F8]  }
0x98: {  	[spmem:s31] =	stream.linear.scatter [tilespmem:s16], [sflag:$0x2], $0x800, $0x38;
	[tilespmem:$0x1EF00] =	vst v63  }
0x99: {  	s11 =	sld [smem:$0x7F9]  }
0x9a: {  	[spmem:s3] =	stream.linear.scatter [tilespmem:s16], [sflag:$0x2], $0x800, $0x38;
	[tilespmem:$0x1EF00] =	vst v63  }
0x9b: {  	s12 =	sld [smem:$0x7FA]  }
0x9c: {  	[spmem:s11] =	stream.linear.scatter [tilespmem:s16], [sflag:$0x2], $0x800, $0x38;
	[tilespmem:$0x1EF00] =	vst v63  }
0x9d: {  	s15 =	sld [smem:$0x7FB]  }
0x9e: {  	[spmem:s12] =	stream.linear.scatter [tilespmem:s16], [sflag:$0x2], $0x800, $0x38;
	[tilespmem:$0x1EF00] =	vst v63  }
0x9f: {  	s30 =	sld [smem:$0x7FC]  }
0xa0: {  	[spmem:s15] =	stream.linear.scatter [tilespmem:s16], [sflag:$0x2], $0x800, $0x38;
	[tilespmem:$0x1EF00] =	vst v63  }
0xa1: {  	s31 =	sld [smem:$0x7FD]  }
0xa2: {  	[spmem:s30] =	stream.linear.scatter [tilespmem:s16], [sflag:$0x2], $0x800, $0x38;
	[tilespmem:$0x1EF00] =	vst v63  }
0xa3: {  	_ = 	snop  }
0xa4: {  	[spmem:s31] =	stream.linear.scatter [tilespmem:s16], [sflag:$0x2], $0x800, $0x38;
	[tilespmem:$0x1EF00] =	vst v63  }
0xa5: {  	_ =	swait.ge [sflag:s17], $0x800  }
0xa6: {  	s0 =	simm.s32 $0x2F;
	[sflag:s17] =	ssyncset.done $0x0  }
.LBB2_4:
0xa7: {  	p0 =	sne.s32 s0, $0x1;
	s0 =	sadd.s32 $0xFFFFFFFF, s0;
	[sflag:s17] =	ssyncadd.s32 $0xFFFFF800  }
.Ltmp1:
0xa8: {  	(pc) =	sbr.rel @p0 .LBB2_4-.Ltmp1, $3  }
0xa9: {  	_ =	sdelay $0x1  }
0xaa: {  	_ =	swait.ge [sflag:s17], $0x800  }
0xab: {  	[sflag:s17] =	ssyncset.done $0x0  }
0xac: {  	[sflag:s17] =	ssyncadd.s32 $0xFFFFF800  }
0xad: {  	[spmem:s13] =	stream.linear.scatter [tilespmem:s16], [sflag:$0x3], $0x700, $0x38;
	[tilespmem:$0x1EF00] =	vst v63  }
0xae: {  	_ =	swait.ge [sflag:s18], $0x700  }
0xaf: {  	[sflag:s18] =	ssyncset.done $0x0  }
0xb0: {  	[sflag:s18] =	ssyncadd.s32 $0xFFFFF900  }
0xb1: {  	s30 =	simm.s32 $0x0;
	s0 =	simm.s32 $0x0;
	[bflag:$0x0] =	sbarrier.arrive $0xFFFF  }
.LBB2_6:
0xb2: {  	p0 =	seq.s32 s0, $0x0  }
0xb3: {  	s3 =	simm.s32 @!p0 $0x2  }
0xb4: {  	_ =	swait.ge @!p0 [sflag:s3], $0x800  }
0xb5: {  	[sflag:s3] =	ssyncset.done @!p0 $0x0  }
0xb6: {  	[sflag:s3] =	ssyncadd.s32 @!p0 $0xFFFFF800  }
0xb7: {  	_ =	swait.ge @!p0 [sflag:s3], $0x800  }
0xb8: {  	[sflag:s3] =	ssyncset.done @!p0 $0x0  }
0xb9: {  	[sflag:s3] =	ssyncadd.s32 @!p0 $0xFFFFF800  }
0xba: {  	_ =	swait.ge @!p0 [sflag:s3], $0x800  }
0xbb: {  	s11 =	smul.u32 $0x1400, s0;
	[sflag:s3] =	ssyncset.done @!p0 $0x0  }
0xbc: {  	[sflag:s3] =	ssyncadd.s32 @!p0 $0xFFFFF800  }
0xbd: {  	s11 =	sadd.s32 s10, s11;
	_ =	swait.ge @!p0 [sflag:s3], $0x800  }
0xbe: {  	s11 =	sshrl.u32 s11, $0x3;
	[sflag:s3] =	ssyncset.done @!p0 $0x0  }
0xbf: {  	s31 =	sadd.s32 s6, s11;
	[sflag:s3] =	ssyncadd.s32 @!p0 $0xFFFFF800  }
0xc0: {  	[tilespmem:s30], [sflag:$0x3] =	stream.linear.gather [hbm4b:s31+s30], $0x1400, $0x38;
	[tilespmem:$0x1EF00] =	vst v63  }
0xc1: {  	_ =	swait.ge [sflag:s18], $0x1400  }
0xc2: {  	[sflag:s18] =	ssyncset.done $0x0  }
0xc3: {  	s11 =	sadd.s32 s7, s11;
	[sflag:s18] =	ssyncadd.s32 $0xFFFFEC00  }
0xc4: {  	[tilespmem:s19], [sflag:$0x3] =	stream.linear.gather [hbm4b:s11+s30], $0x1400, $0x38;
	[tilespmem:$0x1EF00] =	vst v63  }
0xc5: {  	_ =	swait.ge [sflag:s18], $0x1400  }
0xc6: {  	[sflag:s18] =	ssyncset.done $0x0  }
0xc7: {  	s12 =	simm.s32 $0x0;
	[sflag:s18] =	ssyncadd.s32 $0xFFFFEC00  }
0xc8: {  	[tilespmem:s16], [sflag:$0x1] =	stream.indirect.gather [hbm4b:s5+s20], $0x10, s12, s20, $0xb8;
	[tilespmem:$0x1EF00] =	vst v63  }
0xc9: {  	s15 =	simm.s32 $0x80  }
0xca: {  	[tilespmem:s21], [sflag:$0x1] =	stream.indirect.gather [hbm4b:s5+s20], $0x10, s15, s20, $0xb8;
	[tilespmem:$0x1EF00] =	vst v63  }
0xcb: {  	p0 =	por $0x1, $0x1;
	s31 =	simm.s32 $0x100  }
0xcc: {  	[tilespmem:s22], [sflag:$0x1] =	stream.indirect.gather [hbm4b:s5+s20], $0x10, s31, s20, $0xb8;
	[tilespmem:$0x1EF00] =	vst v63  }
0xcd: {  	s3 =	simm.s32 @!p0 $0x2;
	s11 =	simm.s32 $0x180  }
0xce: {  	[tilespmem:s23], [sflag:$0x1] =	stream.indirect.gather [hbm4b:s5+s20], $0x10, s11, s20, $0xb8;
	[tilespmem:$0x1EF00] =	vst v63  }
0xcf: {  	_ =	swait.ge @!p0 [sflag:s3], $0x800  }
0xd0: {  	[sflag:s3] =	ssyncset.done @!p0 $0x0  }
0xd1: {  	[sflag:s3] =	ssyncadd.s32 @!p0 $0xFFFFF800  }
0xd2: {  	_ =	swait.ge @!p0 [sflag:s3], $0x800  }
0xd3: {  	[sflag:s3] =	ssyncset.done @!p0 $0x0  }
0xd4: {  	[sflag:s3] =	ssyncadd.s32 @!p0 $0xFFFFF800  }
0xd5: {  	_ =	swait.ge @!p0 [sflag:s3], $0x800  }
0xd6: {  	[sflag:s3] =	ssyncset.done @!p0 $0x0  }
0xd7: {  	[sflag:s3] =	ssyncadd.s32 @!p0 $0xFFFFF800  }
0xd8: {  	_ =	swait.ge @!p0 [sflag:s3], $0x800  }
0xd9: {  	[sflag:s3] =	ssyncset.done @!p0 $0x0  }
0xda: {  	s12 =	simm.s32 $0x200;
	[sflag:s3] =	ssyncadd.s32 @!p0 $0xFFFFF800  }
0xdb: {  	[tilespmem:s24], [sflag:$0x1] =	stream.indirect.gather [hbm4b:s5+s20], $0x10, s12, s20, $0xb8;
	[tilespmem:$0x1EF00] =	vst v63  }
0xdc: {  	s15 =	simm.s32 $0x280  }
0xdd: {  	[tilespmem:s25], [sflag:$0x1] =	stream.indirect.gather [hbm4b:s5+s20], $0x10, s15, s20, $0xb8;
	[tilespmem:$0x1EF00] =	vst v63  }
0xde: {  	s31 =	simm.s32 $0x300  }
0xdf: {  	[tilespmem:s26], [sflag:$0x1] =	stream.indirect.gather [hbm4b:s5+s20], $0x10, s31, s20, $0xb8;
	[tilespmem:$0x1EF00] =	vst v63  }
0xe0: {  	s11 =	simm.s32 $0x380  }
0xe1: {  	[tilespmem:s28], [sflag:$0x1] =	stream.indirect.gather [hbm4b:s5+s20], $0x10, s11, s20, $0xb8;
	[tilespmem:$0x1EF00] =	vst v63  }
0xe2: {  	_ =	swait.ge [sflag:s29], $0x800  }
0xe3: {  	[sflag:s29] =	ssyncset.done $0x0  }
0xe4: {  	[sflag:s29] =	ssyncadd.s32 $0xFFFFF800  }
0xe5: {  	_ =	swait.ge [sflag:s29], $0x800  }
0xe6: {  	[sflag:s29] =	ssyncset.done $0x0  }
0xe7: {  	[sflag:s29] =	ssyncadd.s32 $0xFFFFF800  }
0xe8: {  	_ =	swait.ge [sflag:s29], $0x800  }
0xe9: {  	[sflag:s29] =	ssyncset.done $0x0  }
0xea: {  	[sflag:s29] =	ssyncadd.s32 $0xFFFFF800  }
0xeb: {  	_ =	swait.ge [sflag:s29], $0x800  }
0xec: {  	[sflag:s29] =	ssyncset.done $0x0  }
0xed: {  	s12 =	simm.s32 $0x1400;
	[sflag:s29] =	ssyncadd.s32 $0xFFFFF800  }
0xee: {  	[spmem:s2] =	stream.indirect.scatter.add.bf16 [tilespmem:s16], [sflag:$0x2], $0x10, s12, s20, $0xb8;
	[tilespmem:$0x1EF00] =	vst v63  }
0xef: {  	s15 =	simm.s32 $0x1480  }
0xf0: {  	[spmem:s2] =	stream.indirect.scatter.add.bf16 [tilespmem:s21], [sflag:$0x2], $0x10, s15, s20, $0xb8;
	[tilespmem:$0x1EF00] =	vst v63  }
0xf1: {  	s31 =	simm.s32 $0x1500  }
0xf2: {  	[spmem:s2] =	stream.indirect.scatter.add.bf16 [tilespmem:s22], [sflag:$0x2], $0x10, s31, s20, $0xb8;
	[tilespmem:$0x1EF00] =	vst v63  }
0xf3: {  	s11 =	simm.s32 $0x1580  }
0xf4: {  	[spmem:s2] =	stream.indirect.scatter.add.bf16 [tilespmem:s23], [sflag:$0x2], $0x10, s11, s20, $0xb8;
	[tilespmem:$0x1EF00] =	vst v63  }
0xf5: {  	_ =	swait.ge [sflag:s29], $0x800  }
0xf6: {  	[sflag:s29] =	ssyncset.done $0x0  }
0xf7: {  	[sflag:s29] =	ssyncadd.s32 $0xFFFFF800  }
0xf8: {  	_ =	swait.ge [sflag:s29], $0x800  }
0xf9: {  	[sflag:s29] =	ssyncset.done $0x0  }
0xfa: {  	[sflag:s29] =	ssyncadd.s32 $0xFFFFF800  }
0xfb: {  	_ =	swait.ge [sflag:s29], $0x800  }
0xfc: {  	[sflag:s29] =	ssyncset.done $0x0  }
0xfd: {  	[sflag:s29] =	ssyncadd.s32 $0xFFFFF800  }
0xfe: {  	_ =	swait.ge [sflag:s29], $0x800  }
0xff: {  	[sflag:s29] =	ssyncset.done $0x0  }
0x100: {  	[sflag:s29] =	ssyncadd.s32 $0xFFFFF800  }
0x101: {  	_ =	swait.ge [sflag:s17], $0x800  }
0x102: {  	[sflag:s17] =	ssyncset.done $0x0  }
0x103: {  	[sflag:s17] =	ssyncadd.s32 $0xFFFFF800  }
0x104: {  	_ =	swait.ge [sflag:s17], $0x800  }
0x105: {  	[sflag:s17] =	ssyncset.done $0x0  }
0x106: {  	[sflag:s17] =	ssyncadd.s32 $0xFFFFF800  }
0x107: {  	_ =	swait.ge [sflag:s17], $0x800  }
0x108: {  	[sflag:s17] =	ssyncset.done $0x0  }
0x109: {  	[sflag:s17] =	ssyncadd.s32 $0xFFFFF800  }
0x10a: {  	_ =	swait.ge [sflag:s17], $0x800  }
0x10b: {  	[sflag:s17] =	ssyncset.done $0x0  }
0x10c: {  	s12 =	simm.s32 $0x1600;
	[sflag:s17] =	ssyncadd.s32 $0xFFFFF800  }
0x10d: {  	[spmem:s2] =	stream.indirect.scatter.add.bf16 [tilespmem:s24], [sflag:$0x2], $0x10, s12, s20, $0xb8;
	[tilespmem:$0x1EF00] =	vst v63  }
0x10e: {  	s15 =	simm.s32 $0x1680  }
0x10f: {  	[spmem:s2] =	stream.indirect.scatter.add.bf16 [tilespmem:s25], [sflag:$0x2], $0x10, s15, s20, $0xb8;
	[tilespmem:$0x1EF00] =	vst v63  }
0x110: {  	s3 =	simm.s32 $0x1000;
	s31 =	simm.s32 $0x1700;
	s11 =	simm.s32 $0x1780  }
0x111: {  	[spmem:s2] =	stream.indirect.scatter.add.bf16 [tilespmem:s26], [sflag:$0x2], $0x10, s31, s20, $0xb8;
	[tilespmem:$0x1EF00] =	vst v63  }
.LBB2_7:
0x112: {  	s12 =	smov.u32 s3;
	s3 =	sadd.s32 $0x1000, s3  }
0x113: {  	[spmem:s2] =	stream.indirect.scatter.add.bf16 [tilespmem:s28], [sflag:$0x2], $0x10, s11, s20, $0xb8;
	[tilespmem:$0x1EF00] =	vst v63  }
0x114: {  	s11 =	sshra.s32 s12, $0x2;
	p0 =	sne.s32 s3, $0x5000  }
0x115: {  	[tilespmem:s16], [sflag:$0x1] =	stream.indirect.gather [hbm4b:s5+s20], $0x10, s11, s20, $0xb8;
	[tilespmem:$0x1EF00] =	vst v63  }
0x116: {  	s31 =	sadd.s32 $0x80, s11  }
0x117: {  	[tilespmem:s21], [sflag:$0x1] =	stream.indirect.gather [hbm4b:s5+s20], $0x10, s31, s20, $0xb8;
	[tilespmem:$0x1EF00] =	vst v63  }
0x118: {  	s31 =	sadd.s32 $0x100, s11  }
0x119: {  	[tilespmem:s22], [sflag:$0x1] =	stream.indirect.gather [hbm4b:s5+s20], $0x10, s31, s20, $0xb8;
	[tilespmem:$0x1EF00] =	vst v63  }
0x11a: {  	p1 =	seq.s32 s12, $0x0;
	s31 =	sadd.s32 $0x180, s11  }
0x11b: {  	[tilespmem:s23], [sflag:$0x1] =	stream.indirect.gather [hbm4b:s5+s20], $0x10, s31, s20, $0xb8;
	[tilespmem:$0x1EF00] =	vst v63  }
0x11c: {  	s12 =	simm.s32 @!p1 $0x2  }
0x11d: {  	_ =	swait.ge @!p1 [sflag:s12], $0x800  }
0x11e: {  	[sflag:s12] =	ssyncset.done @!p1 $0x0  }
0x11f: {  	[sflag:s12] =	ssyncadd.s32 @!p1 $0xFFFFF800  }
0x120: {  	_ =	swait.ge @!p1 [sflag:s12], $0x800  }
0x121: {  	[sflag:s12] =	ssyncset.done @!p1 $0x0  }
0x122: {  	[sflag:s12] =	ssyncadd.s32 @!p1 $0xFFFFF800  }
0x123: {  	_ =	swait.ge @!p1 [sflag:s12], $0x800  }
0x124: {  	[sflag:s12] =	ssyncset.done @!p1 $0x0  }
0x125: {  	[sflag:s12] =	ssyncadd.s32 @!p1 $0xFFFFF800  }
0x126: {  	_ =	swait.ge @!p1 [sflag:s12], $0x800  }
0x127: {  	s31 =	sadd.s32 $0x200, s11;
	[sflag:s12] =	ssyncset.done @!p1 $0x0  }
0x128: {  	[sflag:s12] =	ssyncadd.s32 @!p1 $0xFFFFF800;
	s12 =	sadd.s32 $0x280, s11  }
0x129: {  	[tilespmem:s24], [sflag:$0x1] =	stream.indirect.gather [hbm4b:s5+s20], $0x10, s31, s20, $0xb8;
	[tilespmem:$0x1EF00] =	vst v63  }
0x12a: {  	s31 =	sadd.s32 $0x300, s11  }
0x12b: {  	[tilespmem:s25], [sflag:$0x1] =	stream.indirect.gather [hbm4b:s5+s20], $0x10, s12, s20, $0xb8;
	[tilespmem:$0x1EF00] =	vst v63  }
0x12c: {  	s12 =	sadd.s32 $0x380, s11  }
0x12d: {  	[tilespmem:s26], [sflag:$0x1] =	stream.indirect.gather [hbm4b:s5+s20], $0x10, s31, s20, $0xb8;
	[tilespmem:$0x1EF00] =	vst v63  }
0x12e: {  	_ = 	snop  }
0x12f: {  	[tilespmem:s28], [sflag:$0x1] =	stream.indirect.gather [hbm4b:s5+s20], $0x10, s12, s20, $0xb8;
	[tilespmem:$0x1EF00] =	vst v63  }
0x130: {  	_ =	swait.ge [sflag:s29], $0x800  }
0x131: {  	[sflag:s29] =	ssyncset.done $0x0  }
0x132: {  	[sflag:s29] =	ssyncadd.s32 $0xFFFFF800  }
0x133: {  	_ =	swait.ge [sflag:s29], $0x800  }
0x134: {  	[sflag:s29] =	ssyncset.done $0x0  }
0x135: {  	[sflag:s29] =	ssyncadd.s32 $0xFFFFF800  }
0x136: {  	_ =	swait.ge [sflag:s29], $0x800  }
0x137: {  	[sflag:s29] =	ssyncset.done $0x0  }
0x138: {  	[sflag:s29] =	ssyncadd.s32 $0xFFFFF800  }
0x139: {  	_ =	swait.ge [sflag:s29], $0x800  }
0x13a: {  	s12 =	sadd.s32 $0x1400, s11;
	[sflag:s29] =	ssyncset.done $0x0  }
0x13b: {  	s31 =	sadd.s32 $0x1480, s11;
	[sflag:s29] =	ssyncadd.s32 $0xFFFFF800  }
0x13c: {  	[spmem:s2] =	stream.indirect.scatter.add.bf16 [tilespmem:s16], [sflag:$0x2], $0x10, s12, s20, $0xb8;
	[tilespmem:$0x1EF00] =	vst v63  }
0x13d: {  	s12 =	sadd.s32 $0x1500, s11  }
0x13e: {  	[spmem:s2] =	stream.indirect.scatter.add.bf16 [tilespmem:s21], [sflag:$0x2], $0x10, s31, s20, $0xb8;
	[tilespmem:$0x1EF00] =	vst v63  }
0x13f: {  	s31 =	sadd.s32 $0x1580, s11  }
0x140: {  	[spmem:s2] =	stream.indirect.scatter.add.bf16 [tilespmem:s22], [sflag:$0x2], $0x10, s12, s20, $0xb8;
	[tilespmem:$0x1EF00] =	vst v63  }
0x141: {  	_ = 	snop  }
0x142: {  	[spmem:s2] =	stream.indirect.scatter.add.bf16 [tilespmem:s23], [sflag:$0x2], $0x10, s31, s20, $0xb8;
	[tilespmem:$0x1EF00] =	vst v63  }
0x143: {  	_ =	swait.ge [sflag:s29], $0x800  }
0x144: {  	[sflag:s29] =	ssyncset.done $0x0  }
0x145: {  	[sflag:s29] =	ssyncadd.s32 $0xFFFFF800  }
0x146: {  	_ =	swait.ge [sflag:s29], $0x800  }
0x147: {  	[sflag:s29] =	ssyncset.done $0x0  }
0x148: {  	[sflag:s29] =	ssyncadd.s32 $0xFFFFF800  }
0x149: {  	_ =	swait.ge [sflag:s29], $0x800  }
0x14a: {  	[sflag:s29] =	ssyncset.done $0x0  }
0x14b: {  	[sflag:s29] =	ssyncadd.s32 $0xFFFFF800  }
0x14c: {  	_ =	swait.ge [sflag:s29], $0x800  }
0x14d: {  	[sflag:s29] =	ssyncset.done $0x0  }
0x14e: {  	[sflag:s29] =	ssyncadd.s32 $0xFFFFF800  }
0x14f: {  	_ =	swait.ge [sflag:s17], $0x800  }
0x150: {  	[sflag:s17] =	ssyncset.done $0x0  }
0x151: {  	[sflag:s17] =	ssyncadd.s32 $0xFFFFF800  }
0x152: {  	_ =	swait.ge [sflag:s17], $0x800  }
0x153: {  	[sflag:s17] =	ssyncset.done $0x0  }
0x154: {  	[sflag:s17] =	ssyncadd.s32 $0xFFFFF800  }
0x155: {  	_ =	swait.ge [sflag:s17], $0x800  }
0x156: {  	[sflag:s17] =	ssyncset.done $0x0  }
0x157: {  	[sflag:s17] =	ssyncadd.s32 $0xFFFFF800  }
0x158: {  	_ =	swait.ge [sflag:s17], $0x800  }
0x159: {  	s12 =	sadd.s32 $0x1600, s11;
	[sflag:s17] =	ssyncset.done $0x0  }
0x15a: {  	s31 =	sadd.s32 $0x1680, s11;
	[sflag:s17] =	ssyncadd.s32 $0xFFFFF800  }
0x15b: {  	[spmem:s2] =	stream.indirect.scatter.add.bf16 [tilespmem:s24], [sflag:$0x2], $0x10, s12, s20, $0xb8;
	[tilespmem:$0x1EF00] =	vst v63  }
.Ltmp2:
0x15c: {  	_ = 	snop;
	(pc) =	sbr.rel @p0 .LBB2_7-.Ltmp2, $4  }
0x15d: {  	s12 =	sadd.s32 $0x1700, s11  }
0x15e: {  	[spmem:s2] =	stream.indirect.scatter.add.bf16 [tilespmem:s25], [sflag:$0x2], $0x10, s31, s20, $0xb8;
	[tilespmem:$0x1EF00] =	vst v63  }
0x15f: {  	s11 =	sadd.s32 $0x1780, s11  }
0x160: {  	[spmem:s2] =	stream.indirect.scatter.add.bf16 [tilespmem:s26], [sflag:$0x2], $0x10, s12, s20, $0xb8;
	[tilespmem:$0x1EF00] =	vst v63  }
0x161: {  	s0 =	sadd.s32 $0x1, s0  }
0x162: {  	p0 =	sne.s32 s0, $0x5  }
.Ltmp3:
0x163: {  	_ = 	snop;
	(pc) =	sbr.rel @p0 .LBB2_6-.Ltmp3, $2  }
0x164: {  	_ =	sdelay $0x2  }
0x165: {  	[spmem:s2] =	stream.indirect.scatter.add.bf16 [tilespmem:s28], [sflag:$0x2], $0x10, s11, s20, $0xb8;
	[tilespmem:$0x1EF00] =	vst v63  }
0x166: {  	_ =	swait.ge [sflag:s17], $0x800  }
0x167: {  	[sflag:s17] =	ssyncset.done $0x0  }
0x168: {  	[sflag:s17] =	ssyncadd.s32 $0xFFFFF800  }
0x169: {  	_ =	swait.ge [sflag:s17], $0x800  }
0x16a: {  	[sflag:s17] =	ssyncset.done $0x0  }
0x16b: {  	[sflag:s17] =	ssyncadd.s32 $0xFFFFF800  }
0x16c: {  	_ =	swait.ge [sflag:s17], $0x800  }
0x16d: {  	[sflag:s17] =	ssyncset.done $0x0  }
0x16e: {  	[sflag:s17] =	ssyncadd.s32 $0xFFFFF800  }
0x16f: {  	_ =	swait.ge [sflag:s17], $0x800  }
0x170: {  	[sflag:s17] =	ssyncset.done $0x0  }
0x171: {  	[sflag:s17] =	ssyncadd.s32 $0xFFFFF800  }
0x172: {  	s0 =	stileid.u32;
	[bflag:$0x0] =	sbarrier.arrive $0xFFFF  }
0x173: {  	s0 =	sshll.u32 s0, $0x6;
	s12 =	rddreg [dreg:$0x5]  }
0x174: {  	s30 =	sor.u32 $0x1C03, s0;
	s15 =	rddreg [dreg:$0x4];
	s31 =	sshrl.u32 s12, $0x3  }
0x175: {  	[hbm:s15], [sflag:s30] =	dma.local [spmem:s31], $0x30E0  }
0x176: {  	_ =	swait.ge [sflag:s18], $0x30E0  }
0x177: {  	[sflag:s18] =	ssyncset.done $0x0  }
0x178: {  	s3 =	simm.s32 $0x0;
	s0 =	simm.s32 $0x40;
	[sflag:s18] =	ssyncadd.s32 $0xFFFFCF20  }
.LBB2_10:
0x179: {  	p0 =	sne.s32 s0, $0x1FC0;
	[tilespmem:s3+$0x2800] =	vst v0;
	s3 =	smov.u32 s0;
	s0 =	sadd.s32 $0x40, s0  }
.Ltmp4:
0x17a: {  	(pc) =	sbr.rel @p0 .LBB2_10-.Ltmp4, $2  }
0x17b: {  	_ =	sdelay $0x2  }
0x17c: {  	s3 =	sshra.s32 s3, $0x2  }
0x17d: {  	[tilespmem:s3+$0x2800] =	vst v0  }
0x17e: {  	[spmem:s8] =	stream.linear.scatter [tilespmem:s16], [sflag:$0x2], $0x800, $0x38;
	[tilespmem:$0x1EF00] =	vst v63  }
0x17f: {  	_ = 	snop  }
0x180: {  	[spmem:s9] =	stream.linear.scatter [tilespmem:s16], [sflag:$0x2], $0x800, $0x38;
	[tilespmem:$0x1EF00] =	vst v63  }
0x181: {  	s0 =	rddreg [dreg:$0x9]  }
0x182: {  	[spmem:s14] =	stream.linear.scatter [tilespmem:s16], [sflag:$0x2], $0x800, $0x38;
	[tilespmem:$0x1EF00] =	vst v63  }
0x183: {  	s11 =	rddreg [dreg:$0xb]  }
0x184: {  	[spmem:s0] =	stream.linear.scatter [tilespmem:s16], [sflag:$0x2], $0x800, $0x38;
	[tilespmem:$0x1EF00] =	vst v63  }
0x185: {  	s15 =	smov.u32 s9;
	s9 =	rddreg [dreg:$0xa]  }
0x186: {  	[spmem:s9] =	stream.linear.scatter [tilespmem:s16], [sflag:$0x2], $0x800, $0x38;
	[tilespmem:$0x1EF00] =	vst v63  }
0x187: {  	s12 =	rddreg [dreg:$0xc]  }
0x188: {  	[spmem:s11] =	stream.linear.scatter [tilespmem:s16], [sflag:$0x2], $0x800, $0x38;
	[tilespmem:$0x1EF00] =	vst v63  }
0x189: {  	s3 =	rddreg [dreg:$0xe]  }
0x18a: {  	[spmem:s12] =	stream.linear.scatter [tilespmem:s16], [sflag:$0x2], $0x800, $0x38;
	[tilespmem:$0x1EF00] =	vst v63  }
0x18b: {  	s8 =	smov.u32 s14;
	s14 =	rddreg [dreg:$0xd]  }
0x18c: {  	[spmem:s14] =	stream.linear.scatter [tilespmem:s16], [sflag:$0x2], $0x800, $0x38;
	[tilespmem:$0x1EF00] =	vst v63  }
0x18d: {  	s9 =	rddreg [dreg:$0xf]  }
0x18e: {  	[spmem:s3] =	stream.linear.scatter [tilespmem:s16], [sflag:$0x2], $0x800, $0x38;
	[tilespmem:$0x1EF00] =	vst v63  }
0x18f: {  	s11 =	rddreg [dreg:$0x10]  }
0x190: {  	[spmem:s9] =	stream.linear.scatter [tilespmem:s16], [sflag:$0x2], $0x800, $0x38;
	[tilespmem:$0x1EF00] =	vst v63  }
0x191: {  	s12 =	rddreg [dreg:$0x11]  }
0x192: {  	[spmem:s11] =	stream.linear.scatter [tilespmem:s16], [sflag:$0x2], $0x800, $0x38;
	[tilespmem:$0x1EF00] =	vst v63  }
0x193: {  	s14 =	rddreg [dreg:$0x12]  }
0x194: {  	[spmem:s12] =	stream.linear.scatter [tilespmem:s16], [sflag:$0x2], $0x800, $0x38;
	[tilespmem:$0x1EF00] =	vst v63  }
0x195: {  	s3 =	rddreg [dreg:$0x13]  }
0x196: {  	[spmem:s14] =	stream.linear.scatter [tilespmem:s16], [sflag:$0x2], $0x800, $0x38;
	[tilespmem:$0x1EF00] =	vst v63  }
0x197: {  	s9 =	rddreg [dreg:$0x14]  }
0x198: {  	[spmem:s3] =	stream.linear.scatter [tilespmem:s16], [sflag:$0x2], $0x800, $0x38;
	[tilespmem:$0x1EF00] =	vst v63  }
0x199: {  	s11 =	rddreg [dreg:$0x15]  }
0x19a: {  	[spmem:s9] =	stream.linear.scatter [tilespmem:s16], [sflag:$0x2], $0x800, $0x38;
	[tilespmem:$0x1EF00] =	vst v63  }
0x19b: {  	s12 =	rddreg [dreg:$0x16]  }
0x19c: {  	[spmem:s11] =	stream.linear.scatter [tilespmem:s16], [sflag:$0x2], $0x800, $0x38;
	[tilespmem:$0x1EF00] =	vst v63  }
0x19d: {  	s14 =	rddreg [dreg:$0x17]  }
0x19e: {  	[spmem:s12] =	stream.linear.scatter [tilespmem:s16], [sflag:$0x2], $0x800, $0x38;
	[tilespmem:$0x1EF00] =	vst v63  }
0x19f: {  	s3 =	rddreg [dreg:$0x18]  }
0x1a0: {  	[spmem:s14] =	stream.linear.scatter [tilespmem:s16], [sflag:$0x2], $0x800, $0x38;
	[tilespmem:$0x1EF00] =	vst v63  }
0x1a1: {  	s9 =	rddreg [dreg:$0x19]  }
0x1a2: {  	[spmem:s3] =	stream.linear.scatter [tilespmem:s16], [sflag:$0x2], $0x800, $0x38;
	[tilespmem:$0x1EF00] =	vst v63  }
0x1a3: {  	s11 =	rddreg [dreg:$0x1a]  }
0x1a4: {  	[spmem:s9] =	stream.linear.scatter [tilespmem:s16], [sflag:$0x2], $0x800, $0x38;
	[tilespmem:$0x1EF00] =	vst v63  }
0x1a5: {  	s12 =	rddreg [dreg:$0x1b]  }
0x1a6: {  	[spmem:s11] =	stream.linear.scatter [tilespmem:s16], [sflag:$0x2], $0x800, $0x38;
	[tilespmem:$0x1EF00] =	vst v63  }
0x1a7: {  	s14 =	rddreg [dreg:$0x1c]  }
0x1a8: {  	[spmem:s12] =	stream.linear.scatter [tilespmem:s16], [sflag:$0x2], $0x800, $0x38;
	[tilespmem:$0x1EF00] =	vst v63  }
0x1a9: {  	s3 =	rddreg [dreg:$0x1d]  }
0x1aa: {  	[spmem:s14] =	stream.linear.scatter [tilespmem:s16], [sflag:$0x2], $0x800, $0x38;
	[tilespmem:$0x1EF00] =	vst v63  }
0x1ab: {  	s9 =	rddreg [dreg:$0x1e]  }
0x1ac: {  	[spmem:s3] =	stream.linear.scatter [tilespmem:s16], [sflag:$0x2], $0x800, $0x38;
	[tilespmem:$0x1EF00] =	vst v63  }
0x1ad: {  	s11 =	rddreg [dreg:$0x1f]  }
0x1ae: {  	[spmem:s9] =	stream.linear.scatter [tilespmem:s16], [sflag:$0x2], $0x800, $0x38;
	[tilespmem:$0x1EF00] =	vst v63  }
0x1af: {  	s12 =	sld [smem:$0x7E8]  }
0x1b0: {  	[spmem:s11] =	stream.linear.scatter [tilespmem:s16], [sflag:$0x2], $0x800, $0x38;
	[tilespmem:$0x1EF00] =	vst v63  }
0x1b1: {  	s14 =	sld [smem:$0x7E9]  }
0x1b2: {  	[spmem:s12] =	stream.linear.scatter [tilespmem:s16], [sflag:$0x2], $0x800, $0x38;
	[tilespmem:$0x1EF00] =	vst v63  }
0x1b3: {  	s3 =	sld [smem:$0x7EA]  }
0x1b4: {  	[spmem:s14] =	stream.linear.scatter [tilespmem:s16], [sflag:$0x2], $0x800, $0x38;
	[tilespmem:$0x1EF00] =	vst v63  }
0x1b5: {  	s9 =	sld [smem:$0x7EB]  }
0x1b6: {  	[spmem:s3] =	stream.linear.scatter [tilespmem:s16], [sflag:$0x2], $0x800, $0x38;
	[tilespmem:$0x1EF00] =	vst v63  }
0x1b7: {  	s11 =	sld [smem:$0x7EC]  }
0x1b8: {  	[spmem:s9] =	stream.linear.scatter [tilespmem:s16], [sflag:$0x2], $0x800, $0x38;
	[tilespmem:$0x1EF00] =	vst v63  }
0x1b9: {  	s12 =	sld [smem:$0x7ED]  }
0x1ba: {  	[spmem:s11] =	stream.linear.scatter [tilespmem:s16], [sflag:$0x2], $0x800, $0x38;
	[tilespmem:$0x1EF00] =	vst v63  }
0x1bb: {  	s14 =	sld [smem:$0x7EE]  }
0x1bc: {  	[spmem:s12] =	stream.linear.scatter [tilespmem:s16], [sflag:$0x2], $0x800, $0x38;
	[tilespmem:$0x1EF00] =	vst v63  }
0x1bd: {  	s3 =	sld [smem:$0x7EF]  }
0x1be: {  	[spmem:s14] =	stream.linear.scatter [tilespmem:s16], [sflag:$0x2], $0x800, $0x38;
	[tilespmem:$0x1EF00] =	vst v63  }
0x1bf: {  	s9 =	sld [smem:$0x7F0]  }
0x1c0: {  	[spmem:s3] =	stream.linear.scatter [tilespmem:s16], [sflag:$0x2], $0x800, $0x38;
	[tilespmem:$0x1EF00] =	vst v63  }
0x1c1: {  	s11 =	sld [smem:$0x7F1]  }
0x1c2: {  	[spmem:s9] =	stream.linear.scatter [tilespmem:s16], [sflag:$0x2], $0x800, $0x38;
	[tilespmem:$0x1EF00] =	vst v63  }
0x1c3: {  	s12 =	sld [smem:$0x7F2]  }
0x1c4: {  	[spmem:s11] =	stream.linear.scatter [tilespmem:s16], [sflag:$0x2], $0x800, $0x38;
	[tilespmem:$0x1EF00] =	vst v63  }
0x1c5: {  	s14 =	sld [smem:$0x7F3]  }
0x1c6: {  	[spmem:s12] =	stream.linear.scatter [tilespmem:s16], [sflag:$0x2], $0x800, $0x38;
	[tilespmem:$0x1EF00] =	vst v63  }
0x1c7: {  	s3 =	sld [smem:$0x7F4]  }
0x1c8: {  	[spmem:s14] =	stream.linear.scatter [tilespmem:s16], [sflag:$0x2], $0x800, $0x38;
	[tilespmem:$0x1EF00] =	vst v63  }
0x1c9: {  	s9 =	sld [smem:$0x7F5]  }
0x1ca: {  	[spmem:s3] =	stream.linear.scatter [tilespmem:s16], [sflag:$0x2], $0x800, $0x38;
	[tilespmem:$0x1EF00] =	vst v63  }
0x1cb: {  	s11 =	sld [smem:$0x7F6]  }
0x1cc: {  	[spmem:s9] =	stream.linear.scatter [tilespmem:s16], [sflag:$0x2], $0x800, $0x38;
	[tilespmem:$0x1EF00] =	vst v63  }
0x1cd: {  	s12 =	sld [smem:$0x7F7]  }
0x1ce: {  	[spmem:s11] =	stream.linear.scatter [tilespmem:s16], [sflag:$0x2], $0x800, $0x38;
	[tilespmem:$0x1EF00] =	vst v63  }
0x1cf: {  	s14 =	sld [smem:$0x7F8]  }
0x1d0: {  	[spmem:s12] =	stream.linear.scatter [tilespmem:s16], [sflag:$0x2], $0x800, $0x38;
	[tilespmem:$0x1EF00] =	vst v63  }
0x1d1: {  	s3 =	sld [smem:$0x7F9]  }
0x1d2: {  	[spmem:s14] =	stream.linear.scatter [tilespmem:s16], [sflag:$0x2], $0x800, $0x38;
	[tilespmem:$0x1EF00] =	vst v63  }
0x1d3: {  	s9 =	sld [smem:$0x7FA]  }
0x1d4: {  	[spmem:s3] =	stream.linear.scatter [tilespmem:s16], [sflag:$0x2], $0x800, $0x38;
	[tilespmem:$0x1EF00] =	vst v63  }
0x1d5: {  	s11 =	sld [smem:$0x7FB]  }
0x1d6: {  	[spmem:s9] =	stream.linear.scatter [tilespmem:s16], [sflag:$0x2], $0x800, $0x38;
	[tilespmem:$0x1EF00] =	vst v63  }
0x1d7: {  	s12 =	sld [smem:$0x7FC]  }
0x1d8: {  	[spmem:s11] =	stream.linear.scatter [tilespmem:s16], [sflag:$0x2], $0x800, $0x38;
	[tilespmem:$0x1EF00] =	vst v63  }
0x1d9: {  	s14 =	sld [smem:$0x7FD]  }
0x1da: {  	[spmem:s12] =	stream.linear.scatter [tilespmem:s16], [sflag:$0x2], $0x800, $0x38;
	[tilespmem:$0x1EF00] =	vst v63  }
0x1db: {  	_ = 	snop  }
0x1dc: {  	[spmem:s14] =	stream.linear.scatter [tilespmem:s16], [sflag:$0x2], $0x800, $0x38;
	[tilespmem:$0x1EF00] =	vst v63  }
0x1dd: {  	_ =	swait.ge [sflag:s17], $0x800  }
0x1de: {  	s0 =	simm.s32 $0x2F;
	[sflag:s17] =	ssyncset.done $0x0  }
.LBB2_12:
0x1df: {  	p0 =	sne.s32 s0, $0x1;
	s0 =	sadd.s32 $0xFFFFFFFF, s0;
	[sflag:s17] =	ssyncadd.s32 $0xFFFFF800  }
.Ltmp5:
0x1e0: {  	(pc) =	sbr.rel @p0 .LBB2_12-.Ltmp5, $3  }
0x1e1: {  	_ =	sdelay $0x1  }
0x1e2: {  	_ =	swait.ge [sflag:s17], $0x800  }
0x1e3: {  	[sflag:s17] =	ssyncset.done $0x0  }
0x1e4: {  	[sflag:s17] =	ssyncadd.s32 $0xFFFFF800  }
0x1e5: {  	[spmem:s13] =	stream.linear.scatter [tilespmem:s16], [sflag:$0x3], $0x700, $0x38;
	[tilespmem:$0x1EF00] =	vst v63  }
0x1e6: {  	_ =	swait.ge [sflag:s18], $0x700  }
0x1e7: {  	[sflag:s18] =	ssyncset.done $0x0  }
0x1e8: {  	s9 =	smov.u32 s13;
	[sflag:s18] =	ssyncadd.s32 $0xFFFFF900  }
0x1e9: {  	s0 =	simm.s32 $0x0;
	s3 =	simm.s32 $0x0;
	[bflag:$0x0] =	sbarrier.arrive $0xFFFF  }
.LBB2_14:
0x1ea: {  	p0 =	seq.s32 s3, $0x0  }
0x1eb: {  	s11 =	simm.s32 @!p0 $0x2  }
0x1ec: {  	_ =	swait.ge @!p0 [sflag:s11], $0x800  }
0x1ed: {  	[sflag:s11] =	ssyncset.done @!p0 $0x0  }
0x1ee: {  	[sflag:s11] =	ssyncadd.s32 @!p0 $0xFFFFF800  }
0x1ef: {  	_ =	swait.ge @!p0 [sflag:s11], $0x800  }
0x1f0: {  	[sflag:s11] =	ssyncset.done @!p0 $0x0  }
0x1f1: {  	[sflag:s11] =	ssyncadd.s32 @!p0 $0xFFFFF800  }
0x1f2: {  	_ =	swait.ge @!p0 [sflag:s11], $0x800  }
0x1f3: {  	s12 =	smul.u32 $0x1400, s3;
	[sflag:s11] =	ssyncset.done @!p0 $0x0  }
0x1f4: {  	[sflag:s11] =	ssyncadd.s32 @!p0 $0xFFFFF800  }
0x1f5: {  	s12 =	sadd.s32 s10, s12;
	_ =	swait.ge @!p0 [sflag:s11], $0x800  }
0x1f6: {  	s12 =	sshrl.u32 s12, $0x3;
	[sflag:s11] =	ssyncset.done @!p0 $0x0  }
0x1f7: {  	s13 =	sadd.s32 s6, s12;
	[sflag:s11] =	ssyncadd.s32 @!p0 $0xFFFFF800  }
0x1f8: {  	[tilespmem:s0], [sflag:$0x3] =	stream.linear.gather [hbm4b:s13+s0], $0x1400, $0x38;
	[tilespmem:$0x1EF00] =	vst v63  }
0x1f9: {  	_ =	swait.ge [sflag:s18], $0x1400  }
0x1fa: {  	[sflag:s18] =	ssyncset.done $0x0  }
0x1fb: {  	s14 =	sadd.s32 s7, s12;
	[sflag:s18] =	ssyncadd.s32 $0xFFFFEC00  }
0x1fc: {  	[tilespmem:s19], [sflag:$0x3] =	stream.linear.gather [hbm4b:s14+s0], $0x1400, $0x38;
	[tilespmem:$0x1EF00] =	vst v63  }
0x1fd: {  	_ =	swait.ge [sflag:s18], $0x1400  }
0x1fe: {  	[sflag:s18] =	ssyncset.done $0x0  }
0x1ff: {  	s12 =	simm.s32 $0x0;
	[sflag:s18] =	ssyncadd.s32 $0xFFFFEC00  }
0x200: {  	[tilespmem:s16], [sflag:$0x1] =	stream.indirect.gather [hbm4b:s1+s20], $0x10, s12, s20, $0xb8;
	[tilespmem:$0x1EF00] =	vst v63  }
0x201: {  	s13 =	simm.s32 $0x80  }
0x202: {  	[tilespmem:s21], [sflag:$0x1] =	stream.indirect.gather [hbm4b:s1+s20], $0x10, s13, s20, $0xb8;
	[tilespmem:$0x1EF00] =	vst v63  }
0x203: {  	p0 =	por $0x1, $0x1;
	s14 =	simm.s32 $0x100  }
0x204: {  	[tilespmem:s22], [sflag:$0x1] =	stream.indirect.gather [hbm4b:s1+s20], $0x10, s14, s20, $0xb8;
	[tilespmem:$0x1EF00] =	vst v63  }
0x205: {  	s11 =	simm.s32 @!p0 $0x2;
	s12 =	simm.s32 $0x180  }
0x206: {  	[tilespmem:s23], [sflag:$0x1] =	stream.indirect.gather [hbm4b:s1+s20], $0x10, s12, s20, $0xb8;
	[tilespmem:$0x1EF00] =	vst v63  }
0x207: {  	_ =	swait.ge @!p0 [sflag:s11], $0x800  }
0x208: {  	[sflag:s11] =	ssyncset.done @!p0 $0x0  }
0x209: {  	[sflag:s11] =	ssyncadd.s32 @!p0 $0xFFFFF800  }
0x20a: {  	_ =	swait.ge @!p0 [sflag:s11], $0x800  }
0x20b: {  	[sflag:s11] =	ssyncset.done @!p0 $0x0  }
0x20c: {  	[sflag:s11] =	ssyncadd.s32 @!p0 $0xFFFFF800  }
0x20d: {  	_ =	swait.ge @!p0 [sflag:s11], $0x800  }
0x20e: {  	[sflag:s11] =	ssyncset.done @!p0 $0x0  }
0x20f: {  	[sflag:s11] =	ssyncadd.s32 @!p0 $0xFFFFF800  }
0x210: {  	_ =	swait.ge @!p0 [sflag:s11], $0x800  }
0x211: {  	[sflag:s11] =	ssyncset.done @!p0 $0x0  }
0x212: {  	s13 =	simm.s32 $0x200;
	[sflag:s11] =	ssyncadd.s32 @!p0 $0xFFFFF800  }
0x213: {  	[tilespmem:s24], [sflag:$0x1] =	stream.indirect.gather [hbm4b:s1+s20], $0x10, s13, s20, $0xb8;
	[tilespmem:$0x1EF00] =	vst v63  }
0x214: {  	s14 =	simm.s32 $0x280  }
0x215: {  	[tilespmem:s25], [sflag:$0x1] =	stream.indirect.gather [hbm4b:s1+s20], $0x10, s14, s20, $0xb8;
	[tilespmem:$0x1EF00] =	vst v63  }
0x216: {  	s12 =	simm.s32 $0x300  }
0x217: {  	[tilespmem:s26], [sflag:$0x1] =	stream.indirect.gather [hbm4b:s1+s20], $0x10, s12, s20, $0xb8;
	[tilespmem:$0x1EF00] =	vst v63  }
0x218: {  	s13 =	simm.s32 $0x380  }
0x219: {  	[tilespmem:s28], [sflag:$0x1] =	stream.indirect.gather [hbm4b:s1+s20], $0x10, s13, s20, $0xb8;
	[tilespmem:$0x1EF00] =	vst v63  }
0x21a: {  	_ =	swait.ge [sflag:s29], $0x800  }
0x21b: {  	[sflag:s29] =	ssyncset.done $0x0  }
0x21c: {  	[sflag:s29] =	ssyncadd.s32 $0xFFFFF800  }
0x21d: {  	_ =	swait.ge [sflag:s29], $0x800  }
0x21e: {  	[sflag:s29] =	ssyncset.done $0x0  }
0x21f: {  	[sflag:s29] =	ssyncadd.s32 $0xFFFFF800  }
0x220: {  	_ =	swait.ge [sflag:s29], $0x800  }
0x221: {  	[sflag:s29] =	ssyncset.done $0x0  }
0x222: {  	[sflag:s29] =	ssyncadd.s32 $0xFFFFF800  }
0x223: {  	_ =	swait.ge [sflag:s29], $0x800  }
0x224: {  	[sflag:s29] =	ssyncset.done $0x0  }
0x225: {  	s14 =	simm.s32 $0x1400;
	[sflag:s29] =	ssyncadd.s32 $0xFFFFF800  }
0x226: {  	[spmem:s2] =	stream.indirect.scatter.add.bf16 [tilespmem:s16], [sflag:$0x2], $0x10, s14, s20, $0xb8;
	[tilespmem:$0x1EF00] =	vst v63  }
0x227: {  	s12 =	simm.s32 $0x1480  }
0x228: {  	[spmem:s2] =	stream.indirect.scatter.add.bf16 [tilespmem:s21], [sflag:$0x2], $0x10, s12, s20, $0xb8;
	[tilespmem:$0x1EF00] =	vst v63  }
0x229: {  	s13 =	simm.s32 $0x1500  }
0x22a: {  	[spmem:s2] =	stream.indirect.scatter.add.bf16 [tilespmem:s22], [sflag:$0x2], $0x10, s13, s20, $0xb8;
	[tilespmem:$0x1EF00] =	vst v63  }
0x22b: {  	s14 =	simm.s32 $0x1580  }
0x22c: {  	[spmem:s2] =	stream.indirect.scatter.add.bf16 [tilespmem:s23], [sflag:$0x2], $0x10, s14, s20, $0xb8;
	[tilespmem:$0x1EF00] =	vst v63  }
0x22d: {  	_ =	swait.ge [sflag:s29], $0x800  }
0x22e: {  	[sflag:s29] =	ssyncset.done $0x0  }
0x22f: {  	[sflag:s29] =	ssyncadd.s32 $0xFFFFF800  }
0x230: {  	_ =	swait.ge [sflag:s29], $0x800  }
0x231: {  	[sflag:s29] =	ssyncset.done $0x0  }
0x232: {  	[sflag:s29] =	ssyncadd.s32 $0xFFFFF800  }
0x233: {  	_ =	swait.ge [sflag:s29], $0x800  }
0x234: {  	[sflag:s29] =	ssyncset.done $0x0  }
0x235: {  	[sflag:s29] =	ssyncadd.s32 $0xFFFFF800  }
0x236: {  	_ =	swait.ge [sflag:s29], $0x800  }
0x237: {  	[sflag:s29] =	ssyncset.done $0x0  }
0x238: {  	[sflag:s29] =	ssyncadd.s32 $0xFFFFF800  }
0x239: {  	_ =	swait.ge [sflag:s17], $0x800  }
0x23a: {  	[sflag:s17] =	ssyncset.done $0x0  }
0x23b: {  	[sflag:s17] =	ssyncadd.s32 $0xFFFFF800  }
0x23c: {  	_ =	swait.ge [sflag:s17], $0x800  }
0x23d: {  	[sflag:s17] =	ssyncset.done $0x0  }
0x23e: {  	[sflag:s17] =	ssyncadd.s32 $0xFFFFF800  }
0x23f: {  	_ =	swait.ge [sflag:s17], $0x800  }
0x240: {  	[sflag:s17] =	ssyncset.done $0x0  }
0x241: {  	[sflag:s17] =	ssyncadd.s32 $0xFFFFF800  }
0x242: {  	_ =	swait.ge [sflag:s17], $0x800  }
0x243: {  	[sflag:s17] =	ssyncset.done $0x0  }
0x244: {  	s12 =	simm.s32 $0x1600;
	[sflag:s17] =	ssyncadd.s32 $0xFFFFF800  }
0x245: {  	[spmem:s2] =	stream.indirect.scatter.add.bf16 [tilespmem:s24], [sflag:$0x2], $0x10, s12, s20, $0xb8;
	[tilespmem:$0x1EF00] =	vst v63  }
0x246: {  	s13 =	simm.s32 $0x1680  }
0x247: {  	[spmem:s2] =	stream.indirect.scatter.add.bf16 [tilespmem:s25], [sflag:$0x2], $0x10, s13, s20, $0xb8;
	[tilespmem:$0x1EF00] =	vst v63  }
0x248: {  	s11 =	simm.s32 $0x1000;
	s14 =	simm.s32 $0x1700;
	s12 =	simm.s32 $0x1780  }
0x249: {  	[spmem:s2] =	stream.indirect.scatter.add.bf16 [tilespmem:s26], [sflag:$0x2], $0x10, s14, s20, $0xb8;
	[tilespmem:$0x1EF00] =	vst v63  }
.LBB2_15:
0x24a: {  	s13 =	smov.u32 s11;
	s11 =	sadd.s32 $0x1000, s11  }
0x24b: {  	[spmem:s2] =	stream.indirect.scatter.add.bf16 [tilespmem:s28], [sflag:$0x2], $0x10, s12, s20, $0xb8;
	[tilespmem:$0x1EF00] =	vst v63  }
0x24c: {  	s12 =	sshra.s32 s13, $0x2;
	p0 =	sne.s32 s11, $0x5000  }
0x24d: {  	[tilespmem:s16], [sflag:$0x1] =	stream.indirect.gather [hbm4b:s1+s20], $0x10, s12, s20, $0xb8;
	[tilespmem:$0x1EF00] =	vst v63  }
0x24e: {  	s14 =	sadd.s32 $0x80, s12  }
0x24f: {  	[tilespmem:s21], [sflag:$0x1] =	stream.indirect.gather [hbm4b:s1+s20], $0x10, s14, s20, $0xb8;
	[tilespmem:$0x1EF00] =	vst v63  }
0x250: {  	s14 =	sadd.s32 $0x100, s12  }
0x251: {  	[tilespmem:s22], [sflag:$0x1] =	stream.indirect.gather [hbm4b:s1+s20], $0x10, s14, s20, $0xb8;
	[tilespmem:$0x1EF00] =	vst v63  }
0x252: {  	p1 =	seq.s32 s13, $0x0;
	s14 =	sadd.s32 $0x180, s12  }
0x253: {  	[tilespmem:s23], [sflag:$0x1] =	stream.indirect.gather [hbm4b:s1+s20], $0x10, s14, s20, $0xb8;
	[tilespmem:$0x1EF00] =	vst v63  }
0x254: {  	s13 =	simm.s32 @!p1 $0x2  }
0x255: {  	_ =	swait.ge @!p1 [sflag:s13], $0x800  }
0x256: {  	[sflag:s13] =	ssyncset.done @!p1 $0x0  }
0x257: {  	[sflag:s13] =	ssyncadd.s32 @!p1 $0xFFFFF800  }
0x258: {  	_ =	swait.ge @!p1 [sflag:s13], $0x800  }
0x259: {  	[sflag:s13] =	ssyncset.done @!p1 $0x0  }
0x25a: {  	[sflag:s13] =	ssyncadd.s32 @!p1 $0xFFFFF800  }
0x25b: {  	_ =	swait.ge @!p1 [sflag:s13], $0x800  }
0x25c: {  	[sflag:s13] =	ssyncset.done @!p1 $0x0  }
0x25d: {  	[sflag:s13] =	ssyncadd.s32 @!p1 $0xFFFFF800  }
0x25e: {  	_ =	swait.ge @!p1 [sflag:s13], $0x800  }
0x25f: {  	s14 =	sadd.s32 $0x200, s12;
	[sflag:s13] =	ssyncset.done @!p1 $0x0  }
0x260: {  	[sflag:s13] =	ssyncadd.s32 @!p1 $0xFFFFF800;
	s13 =	sadd.s32 $0x280, s12  }
0x261: {  	[tilespmem:s24], [sflag:$0x1] =	stream.indirect.gather [hbm4b:s1+s20], $0x10, s14, s20, $0xb8;
	[tilespmem:$0x1EF00] =	vst v63  }
0x262: {  	s14 =	sadd.s32 $0x300, s12  }
0x263: {  	[tilespmem:s25], [sflag:$0x1] =	stream.indirect.gather [hbm4b:s1+s20], $0x10, s13, s20, $0xb8;
	[tilespmem:$0x1EF00] =	vst v63  }
0x264: {  	s13 =	sadd.s32 $0x380, s12  }
0x265: {  	[tilespmem:s26], [sflag:$0x1] =	stream.indirect.gather [hbm4b:s1+s20], $0x10, s14, s20, $0xb8;
	[tilespmem:$0x1EF00] =	vst v63  }
0x266: {  	_ = 	snop  }
0x267: {  	[tilespmem:s28], [sflag:$0x1] =	stream.indirect.gather [hbm4b:s1+s20], $0x10, s13, s20, $0xb8;
	[tilespmem:$0x1EF00] =	vst v63  }
0x268: {  	_ =	swait.ge [sflag:s29], $0x800  }
0x269: {  	[sflag:s29] =	ssyncset.done $0x0  }
0x26a: {  	[sflag:s29] =	ssyncadd.s32 $0xFFFFF800  }
0x26b: {  	_ =	swait.ge [sflag:s29], $0x800  }
0x26c: {  	[sflag:s29] =	ssyncset.done $0x0  }
0x26d: {  	[sflag:s29] =	ssyncadd.s32 $0xFFFFF800  }
0x26e: {  	_ =	swait.ge [sflag:s29], $0x800  }
0x26f: {  	[sflag:s29] =	ssyncset.done $0x0  }
0x270: {  	[sflag:s29] =	ssyncadd.s32 $0xFFFFF800  }
0x271: {  	_ =	swait.ge [sflag:s29], $0x800  }
0x272: {  	s13 =	sadd.s32 $0x1400, s12;
	[sflag:s29] =	ssyncset.done $0x0  }
0x273: {  	s14 =	sadd.s32 $0x1480, s12;
	[sflag:s29] =	ssyncadd.s32 $0xFFFFF800  }
0x274: {  	[spmem:s2] =	stream.indirect.scatter.add.bf16 [tilespmem:s16], [sflag:$0x2], $0x10, s13, s20, $0xb8;
	[tilespmem:$0x1EF00] =	vst v63  }
0x275: {  	s13 =	sadd.s32 $0x1500, s12  }
0x276: {  	[spmem:s2] =	stream.indirect.scatter.add.bf16 [tilespmem:s21], [sflag:$0x2], $0x10, s14, s20, $0xb8;
	[tilespmem:$0x1EF00] =	vst v63  }
0x277: {  	s14 =	sadd.s32 $0x1580, s12  }
0x278: {  	[spmem:s2] =	stream.indirect.scatter.add.bf16 [tilespmem:s22], [sflag:$0x2], $0x10, s13, s20, $0xb8;
	[tilespmem:$0x1EF00] =	vst v63  }
0x279: {  	_ = 	snop  }
0x27a: {  	[spmem:s2] =	stream.indirect.scatter.add.bf16 [tilespmem:s23], [sflag:$0x2], $0x10, s14, s20, $0xb8;
	[tilespmem:$0x1EF00] =	vst v63  }
0x27b: {  	_ =	swait.ge [sflag:s29], $0x800  }
0x27c: {  	[sflag:s29] =	ssyncset.done $0x0  }
0x27d: {  	[sflag:s29] =	ssyncadd.s32 $0xFFFFF800  }
0x27e: {  	_ =	swait.ge [sflag:s29], $0x800  }
0x27f: {  	[sflag:s29] =	ssyncset.done $0x0  }
0x280: {  	[sflag:s29] =	ssyncadd.s32 $0xFFFFF800  }
0x281: {  	_ =	swait.ge [sflag:s29], $0x800  }
0x282: {  	[sflag:s29] =	ssyncset.done $0x0  }
0x283: {  	[sflag:s29] =	ssyncadd.s32 $0xFFFFF800  }
0x284: {  	_ =	swait.ge [sflag:s29], $0x800  }
0x285: {  	[sflag:s29] =	ssyncset.done $0x0  }
0x286: {  	[sflag:s29] =	ssyncadd.s32 $0xFFFFF800  }
0x287: {  	_ =	swait.ge [sflag:s17], $0x800  }
0x288: {  	[sflag:s17] =	ssyncset.done $0x0  }
0x289: {  	[sflag:s17] =	ssyncadd.s32 $0xFFFFF800  }
0x28a: {  	_ =	swait.ge [sflag:s17], $0x800  }
0x28b: {  	[sflag:s17] =	ssyncset.done $0x0  }
0x28c: {  	[sflag:s17] =	ssyncadd.s32 $0xFFFFF800  }
0x28d: {  	_ =	swait.ge [sflag:s17], $0x800  }
0x28e: {  	[sflag:s17] =	ssyncset.done $0x0  }
0x28f: {  	[sflag:s17] =	ssyncadd.s32 $0xFFFFF800  }
0x290: {  	_ =	swait.ge [sflag:s17], $0x800  }
0x291: {  	s13 =	sadd.s32 $0x1600, s12;
	[sflag:s17] =	ssyncset.done $0x0  }
0x292: {  	s14 =	sadd.s32 $0x1680, s12;
	[sflag:s17] =	ssyncadd.s32 $0xFFFFF800  }
0x293: {  	[spmem:s2] =	stream.indirect.scatter.add.bf16 [tilespmem:s24], [sflag:$0x2], $0x10, s13, s20, $0xb8;
	[tilespmem:$0x1EF00] =	vst v63  }
.Ltmp6:
0x294: {  	_ = 	snop;
	(pc) =	sbr.rel @p0 .LBB2_15-.Ltmp6, $4  }
0x295: {  	s13 =	sadd.s32 $0x1700, s12  }
0x296: {  	[spmem:s2] =	stream.indirect.scatter.add.bf16 [tilespmem:s25], [sflag:$0x2], $0x10, s14, s20, $0xb8;
	[tilespmem:$0x1EF00] =	vst v63  }
0x297: {  	s12 =	sadd.s32 $0x1780, s12  }
0x298: {  	[spmem:s2] =	stream.indirect.scatter.add.bf16 [tilespmem:s26], [sflag:$0x2], $0x10, s13, s20, $0xb8;
	[tilespmem:$0x1EF00] =	vst v63  }
0x299: {  	s3 =	sadd.s32 $0x1, s3  }
0x29a: {  	p0 =	sne.s32 s3, $0x5  }
.Ltmp7:
0x29b: {  	_ = 	snop;
	(pc) =	sbr.rel @p0 .LBB2_14-.Ltmp7, $2  }
0x29c: {  	_ =	sdelay $0x2  }
0x29d: {  	[spmem:s2] =	stream.indirect.scatter.add.bf16 [tilespmem:s28], [sflag:$0x2], $0x10, s12, s20, $0xb8;
	[tilespmem:$0x1EF00] =	vst v63  }
0x29e: {  	_ =	swait.ge [sflag:s17], $0x800  }
0x29f: {  	[sflag:s17] =	ssyncset.done $0x0  }
0x2a0: {  	[sflag:s17] =	ssyncadd.s32 $0xFFFFF800  }
0x2a1: {  	_ =	swait.ge [sflag:s17], $0x800  }
0x2a2: {  	[sflag:s17] =	ssyncset.done $0x0  }
0x2a3: {  	[sflag:s17] =	ssyncadd.s32 $0xFFFFF800  }
0x2a4: {  	_ =	swait.ge [sflag:s17], $0x800  }
0x2a5: {  	[sflag:s17] =	ssyncset.done $0x0  }
0x2a6: {  	[sflag:s17] =	ssyncadd.s32 $0xFFFFF800  }
0x2a7: {  	_ =	swait.ge [sflag:s17], $0x800  }
0x2a8: {  	[sflag:s17] =	ssyncset.done $0x0  }
0x2a9: {  	[sflag:s17] =	ssyncadd.s32 $0xFFFFF800  }
0x2aa: {  	[bflag:$0x0] =	sbarrier.arrive $0xFFFF  }
0x2ab: {  	s0 =	rddreg [dreg:$0x6]  }
0x2ac: {  	[hbm:s0], [sflag:s30] =	dma.local [spmem:s31], $0x30E0  }
0x2ad: {  	_ =	swait.ge [sflag:s18], $0x30E0  }
0x2ae: {  	s4 =	sadd.s32 $0x1, s4;
	s31 =	rddreg [dreg:$0x7]  }
0x2af: {  	p0 =	sne.s32 s4, s31  }
.Ltmp8:
0x2b0: {  	_ = 	snop;
	(pc) =	sbr.rel @p0 .LBB2_1-.Ltmp8, $3  }
0x2b1: {  	_ =	sdelay $0x1  }
0x2b2: {  	s13 =	smov.u32 s9;
	s9 =	smov.u32 s15;
	[sflag:s18] =	ssyncset.done $0x0  }
0x2b3: {  	s14 =	smov.u32 s8;
	s8 =	rddreg [dreg:$0x8];
	[sflag:s18] =	ssyncadd.s32 $0xFFFFCF20  }
0x2b4: {  	_ =	sfence.sel $0x180000  }
0x2b5: {  	[bflag:$0x0] =	sbarrier.arrive $0xFFFF  }
0x2b6: {  	_ =	strace $0x9000004A  }
0x2b7: {  	s0 =	stileid.u32;
	[bflag:$0x2] =	sbarrier.arrive $0xFFFF  }
0x2b8: {  	p0 =	sne.s32 s0, $0x0;
	s0 =	rddreg [dreg:$0x3]  }
0x2b9: {  	s0 =	sadd.s32 @!p0 $0x100000, s0  }
0x2ba: {  	[sflag:s0] =	ssyncadd.tile.s32 @!p0 $0x1;
	_ =	shalt  }
.Lfunc_end2:
_tile_overlayer_lowered:
.L_overlay_start_2:
0x2bb: {  	(tag) =	ssettag $0x2  }
0x2bc: {  	s0 =	rddreg [dreg:$0x0];
	s2 =	stileid.u32  }
0x2bd: {  	s1 =	rddreg [dreg:$0x1];
	p0 =	sne.s32 s2, $0x0  }
0x2be: {  	s3 =	rddreg [dreg:$0x2];
	[bflag:$0x3] =	sbarrier.arrive $0xFFFF;
	s2 =	simm.s32 @!p0 $0x1C03  }
0x2bf: {  	[timem:s3], [sflag:s2] =	dma.local @!p0 [hbm:s0], s1  }
0x2c0: {  	s0 =	simm.s32 @!p0 $0x3  }
0x2c1: {  	_ =	swait.ge @!p0 [sflag:s0], s1  }
0x2c2: {  	s1 =	ssub.s32 @!p0 $0x0, s1;
	[sflag:s0] =	ssyncset.done @!p0 $0x0  }
0x2c3: {  	[sflag:s0] =	ssyncadd.s32 @!p0 s1  }
0x2c4: {  	[bflag:$0x3] =	sbarrier.arrive $0xFFFF  }
0x2c5: {  	_ =	shalt  }

// kernel: kernel.8.cloned.1.call-start
scs
__scs_entry_jumppad:
0x0: {  	(pc) =	sbr.rel $0x88, $3  }
0x1: {  	(tag) =	ssettag $0x0;
	lr =	simm.s32 $0x1  }
0x2: {  	[smem:$0x3F8B] =	sst lr;
	_ =	strace $0xD0000000  }
0x3: {  	_ = 	snop  }
0x4: {  	_ = 	snop  }
0x5: {  	_ = 	snop  }
0x6: {  	_ = 	snop  }
0x7: {  	_ = 	snop  }
__scs_overlays_trampoline_lowered:
0x8: {  	[smem:$0x3F9A] =	sst s0  }
0x9: {  	[smem:$0x3F9B] =	sst s1  }
0xa: {  	[smem:$0x3F9C] =	sst s2  }
0xb: {  	[smem:$0x3F9D] =	sst s3  }
0xc: {  	[smem:$0x3F9E] =	sst s4  }
0xd: {  	[smem:$0x3F9F] =	sst s5  }
0xe: {  	[smem:$0x3FA0] =	sst s6  }
0xf: {  	[smem:$0x3FA1] =	sst s7  }
0x10: {  	[smem:$0x3FA2] =	sst s8  }
0x11: {  	[smem:$0x3FA3] =	sst s9;
	s0 =	simm.s32 @!p0 $0x0  }
0x12: {  	s1 =	sld [smem:$0x3F89];
	s0 =	simm.s32 @p0 $0x1  }
0x13: {  	[smem:$0x3FA4] =	sst s0;
	s0 =	simm.s32 @!p1 $0x0  }
0x14: {  	s2 =	sld [smem:$0x3F88];
	s0 =	simm.s32 @p1 $0x1  }
0x15: {  	[smem:$0x3FA5] =	sst s0;
	s0 =	simm.s32 @!p2 $0x0  }
0x16: {  	s3 =	sld [smem:$0x3FDB];
	s0 =	simm.s32 @p2 $0x1  }
0x17: {  	s4 =	simm.s32 $0x1BF5;
	[smem:$0x3FA7] =	sst s0  }
0x18: {  	s0 =	sld [smem:$0x3F8A];
	_ =	swait.ge [sflag:s4], $0x0  }
0x19: {  	s7 =	sld [smem:$0x3F8B]  }
0x1a: {  	s8 =	sadd.s32 $0xFFFFE003, lr  }
0x1b: {  	s9 =	sadd.s32 $0xFFFFFEF7, lr;
	s5 =	simm.s32 $0xFFFFFFFF;
	p2 =	slt.u32 s8, $0xFFFFF086  }
0x1c: {  	p1 =	slt.u32 s9, $0xF7A;
	s5 =	simm.s32 @!p2 $0x0  }
0x1d: {  	s5 =	simm.s32 @p1 $0x1;
	p0 =	seq.s32 s7, s2  }
0x1e: {  	s7 =	smul.u32 @!p0 $0xF7A, s2;
	p2 =	seq.s32 @!p0 s5, $0x0  }
0x1f: {  	s9 =	smul.u32 $0xF7A, s1;
	s8 =	simm.s32 @!p0 $0x1BF5;
	p2 =	por !p2, p0  }
0x20: {  	[sflag:s8] =	ssyncset.s32 @!p0 $0xFFFFF086;
	s6 =	sadd.s32 @!p0 s3, s7;
	s7 =	simm.s32 @!p0 $0x108  }
0x21: {  	s3 =	sadd.s32 s3, s9;
	s6 =	sadd.s32 @!p0 $0x88, s6;
	s7 =	simm.s32 @p2 $0x1082  }
0x22: {  	[simem:s7], [sflag:s8] =	dma.local @!p0 [hbm:s6], $0xF7A  }
0x23: {  	s9 =	sor.u32 $0xD0000000, s2;
	s6 =	simm.s32 $0x108;
	_ =	swait.ge @!p0 [sflag:s8], $0x0  }
0x24: {  	s3 =	sadd.s32 $0x88, s3;
	s6 =	simm.s32 @!p1 $0x1082;
	[sflag:s4] =	ssyncset.s32 $0xFFFFF086  }
0x25: {  	[simem:s6], [sflag:s4] =	dma.local [hbm:s3], $0xF7A  }
0x26: {  	[smem:$0x3F8B] =	sst s1;
	(tag) =	ssettag s2;
	_ =	strace s9  }
0x27: {  	s1 =	sld [smem:$0x3F9B]  }
0x28: {  	s2 =	sld [smem:$0x3F9C]  }
0x29: {  	s4 =	sld [smem:$0x3F9E]  }
0x2a: {  	p0 =	seq.s32 s5, $0x0;
	s5 =	sld [smem:$0x3F9F]  }
0x2b: {  	s6 =	sld [smem:$0x3FA0]  }
0x2c: {  	s7 =	sld [smem:$0x3FA1]  }
0x2d: {  	s3 =	simm.s32 $0x108;
	s8 =	sld [smem:$0x3FA2]  }
0x2e: {  	s3 =	simm.s32 @!p0 $0x1082;
	s9 =	sld [smem:$0x3FA3]  }
0x2f: {  	lr =	sadd.s32 s0, s3;
	s0 =	sld [smem:$0x3F9A]  }
0x30: {  	s3 =	sld [smem:$0x3F9D]  }
0x31: {  	[smem:$0x3FA6] =	sst s10  }
0x32: {  	s10 =	sld [smem:$0x3FA4];
	_ =	sdelay $0x3  }
0x33: {  	p0 =	seq.s32 s10, $0x1;
	s10 =	sld [smem:$0x3FA6];
	_ =	sdelay $0x3  }
0x34: {  	[smem:$0x3FA6] =	sst s10  }
0x35: {  	s10 =	sld [smem:$0x3FA5];
	_ =	sdelay $0x3  }
0x36: {  	p1 =	seq.s32 s10, $0x1;
	s10 =	sld [smem:$0x3FA6];
	_ =	sdelay $0x3  }
0x37: {  	[smem:$0x3FA6] =	sst s10  }
0x38: {  	s10 =	sld [smem:$0x3FA7]  }
0x39: {  	_ = 	snop;
	(pc) =	sbr.ind lr, $3  }
0x3a: {  	_ = 	snop  }
0x3b: {  	_ = 	snop  }
0x3c: {  	p2 =	seq.s32 s10, $0x1;
	s10 =	sld [smem:$0x3FA6]  }
0x3d: {  	_ =	shalt  }
0x3e: {  	_ =	shalt  }
0x3f: {  	_ =	shalt  }
0x40: {  	_ =	shalt  }
0x41: {  	_ =	shalt  }
0x42: {  	_ =	shalt  }
0x43: {  	_ =	shalt  }
0x44: {  	_ =	shalt  }
0x45: {  	_ =	shalt  }
0x46: {  	_ =	shalt  }
0x47: {  	_ =	shalt  }
0x48: {  	_ =	shalt  }
0x49: {  	_ =	shalt  }
0x4a: {  	_ =	shalt  }
0x4b: {  	_ =	shalt  }
0x4c: {  	_ =	shalt  }
0x4d: {  	_ =	shalt  }
0x4e: {  	_ =	shalt  }
0x4f: {  	_ =	shalt  }
0x50: {  	_ =	shalt  }
0x51: {  	_ =	shalt  }
0x52: {  	_ =	shalt  }
0x53: {  	_ =	shalt  }
0x54: {  	_ =	shalt  }
0x55: {  	_ =	shalt  }
0x56: {  	_ =	shalt  }
0x57: {  	_ =	shalt  }
0x58: {  	_ =	shalt  }
0x59: {  	_ =	shalt  }
0x5a: {  	_ =	shalt  }
0x5b: {  	_ =	shalt  }
0x5c: {  	_ =	shalt  }
0x5d: {  	_ =	shalt  }
0x5e: {  	_ =	shalt  }
0x5f: {  	_ =	shalt  }
0x60: {  	_ =	shalt  }
0x61: {  	_ =	shalt  }
0x62: {  	_ =	shalt  }
0x63: {  	_ =	shalt  }
0x64: {  	_ =	shalt  }
0x65: {  	_ =	shalt  }
0x66: {  	_ =	shalt  }
0x67: {  	_ =	shalt  }
0x68: {  	_ =	shalt  }
0x69: {  	_ =	shalt  }
0x6a: {  	_ =	shalt  }
0x6b: {  	_ =	shalt  }
0x6c: {  	_ =	shalt  }
0x6d: {  	_ =	shalt  }
0x6e: {  	_ =	shalt  }
0x6f: {  	_ =	shalt  }
0x70: {  	_ =	shalt  }
0x71: {  	_ =	shalt  }
0x72: {  	_ =	shalt  }
0x73: {  	_ =	shalt  }
0x74: {  	_ =	shalt  }
0x75: {  	_ =	shalt  }
0x76: {  	_ =	shalt  }
0x77: {  	_ =	shalt  }
0x78: {  	_ =	shalt  }
0x79: {  	_ =	shalt  }
0x7a: {  	_ =	shalt  }
0x7b: {  	_ =	shalt  }
0x7c: {  	_ =	shalt  }
0x7d: {  	_ =	shalt  }
0x7e: {  	_ =	shalt  }
0x7f: {  	_ =	shalt  }
0x80: {  	_ =	shalt  }
0x81: {  	_ =	shalt  }
0x82: {  	_ =	shalt  }
0x83: {  	_ =	shalt  }
0x84: {  	_ =	shalt  }
0x85: {  	_ =	shalt  }
0x86: {  	_ =	shalt  }
0x87: {  	_ =	shalt  }
.Lfunc_end0:
.L_simem_size_0:
called_computation_lowered:
.L_overlay_start_0:
0x88: {  	s2 =	sld [smem:$0x3FD9]  }
0x89: {  	s3 =	sld [smem:$0x3FFE];
	_ =	sdelay $0x1  }
0x8a: {  	s1 =	srdreg.scid  }
0x8b: {  	s0 =	sand.u32 $0x1, s1  }
0x8c: {  	s14 =	sshll.u32 s0, $0xA;
	s2 =	sadd.s32 s3, s2  }
0x8d: {  	s2 =	sadd.s32 s2, s14  }
0x8e: {  	[smem:$0x3FB2] =	sst s2  }
0x8f: {  	_ = 	snop  }
0x90: {  	s2 =	sld [smem:$0x3FD0];
	_ =	sdelay $0x2  }
0x91: {  	s15 =	simm.s32 $0xA;
	s4 =	simm.s32 $0x10  }
0x92: {  	[smem:s4], [sflag:s15] =	dma.local [hbm:s2], $0x1  }
0x93: {  	_ =	swait.eq [sflag:s15], $0x1  }
0x94: {  	[sflag:s15] =	ssyncset.done $0x0  }
0x95: {  	[sflag:s15] =	ssyncadd.s32 $0xFFFFFFFF  }
0x96: {  	s16 =	sld [smem:$0x10];
	(tm) =	ssettm $0x1  }
0x97: {  	s17 =	sld [smem:$0x3FFB];
	_ =	sdelay $0x3  }
0x98: {  	_ =	strace s17  }
0x99: {  	s3 =	sld [smem:$0x3FFC];
	_ =	sdelay $0x3  }
0x9a: {  	_ =	strace s3  }
0x9b: {  	s3 =	sld [smem:$0x3FFD];
	_ =	sdelay $0x3  }
0x9c: {  	_ =	strace s3  }
0x9d: {  	_ =	strace $0x8FFFFFFF  }
0x9e: {  	s18 =	sld [smem:$0x3FDB];
	_ =	sdelay $0x1  }
0x9f: {  	s19 =	simm.s32 $_scs_section_size  }
0xa0: {  	s5 =	simm.s32 $_size__tile_overlayer_lowered;
	s6 =	simm.s32 $_tile_overlayer_lowered  }
0xa1: {  	s22 =	simm.s32 $0x1BFF;
	s21 =	sshll.u32 s6, $0x1;
	s3 =	sadd.s32 s19, s18  }
0xa2: {  	s7 =	simm.s32 $0x0;
	s20 =	sshll.u32 s5, $0x1;
	s5 =	sadd.s32 s21, s3  }
0xa3: {  	[timem:s7], [sflag:s22] =	dma.local [hbm:s5], s20  }
0xa4: {  	_ =	swait.ge [sflag:s22], s20  }
0xa5: {  	s4 =	ssub.s32 $0x0, s20;
	[sflag:s22] =	ssyncset.done $0x0  }
0xa6: {  	[sflag:s22] =	ssyncadd.s32 s4;
	_ =	sdelay $0x1  }
0xa7: {  	s23 =	simm.s32 $0x1B8B  }
0xa8: {  	_ =	swait.ge [sflag:s23], $0x1  }
0xa9: {  	[sflag:s23] =	ssyncset.done $0x0  }
0xaa: {  	s25 =	simm.s32 $0x1B8E;
	s24 =	sld [smem:$0x3FFE];
	[sflag:s23] =	ssyncadd.s32 $0xFFFFFFFF  }
0xab: {  	s26 =	simm.s32 $execute0_lowered;
	[smem:$0x3FD2] =	sst s25  }
0xac: {  	s5 =	sshll.u32 s26, $0x1;
	_ =	strace $0x80000046;
	[dreg:$0x1] =	wrdreg $0xFFFFFFFF  }
0xad: {  	s28 =	simm.s32 $_size_execute0_lowered;
	s3 =	sadd.s32 s3, s5;
	[dreg:$0x0] =	wrdreg $0x0  }
0xae: {  	s5 =	sshll.u32 s28, $0x1;
	[dreg:$0x2] =	wrdreg s3  }
0xaf: {  	[dreg:$0x3] =	wrdreg s5  }
0xb0: {  	[dreg:$0x4] =	wrdreg $0xC0  }
0xb1: {  	_ =	task [dreg:s7], $0x5FFFF  }
0xb2: {  	[dreg:$0x1] =	wrdreg $0xFFFFFFFF  }
0xb3: {  	[dreg:$0x0] =	wrdreg $0x60  }
0xb4: {  	[dreg:$0x2] =	wrdreg s24  }
0xb5: {  	[dreg:$0x3] =	wrdreg s16  }
0xb6: {  	[dreg:$0x4] =	wrdreg $0x68000  }
0xb7: {  	[dreg:$0x5] =	wrdreg $0x9  }
0xb8: {  	_ =	task.clear_ibuf [dreg:s7], $0x6FFFF;
	_ =	strace $0x90000046  }
0xb9: {  	s29 =	simm.s32 $0x9;
	_ =	strace $0x80000048  }
0xba: {  	_ =	swait.ge [sflag:s29], $0x1  }
0xbb: {  	[sflag:s29] =	ssyncadd.s32 $0xFFFFFFFF  }
0xbc: {  	_ =	strace $0x90000048  }
0xbd: {  	_ =	sfence  }
0xbe: {  	s30 =	sld [smem:$0x0];
	_ =	sdelay $0x2  }
0xbf: {  	s31 =	sshll.u32 s1, $0xD;
	s1 =	sshrl.u32 s1, $0x2  }
0xc0: {  	s3 =	sand.u32 $0x4000, s31;
	s1 =	sadd.s32 s1, s30  }
0xc1: {  	s0 =	sor.u32 s3, s0;
	s1 =	sshll.u32 s1, $0x11  }
0xc2: {  	s0 =	sor.u32 s1, s0  }
0xc3: {  	s0 =	sadd.s32 $0x8F2B, s0  }
0xc4: {  	[sflag:s0] =	ssyncadd.remote.s32 $0x1  }
0xc5: {  	_ =	sfence.sel $0xFFFF  }
0xc6: {  	[dreg:$0x0] =	wrdreg $0xFFFFFFFF;
	(pc) =	sbr.abs _section_cstart, $3  }
0xc7: {  	[dreg:$0x1] =	wrdreg $0xFFFFFFFF  }
0xc8: {  	_ =	task.clear_ibuf [dreg:s7], $0x2FFFF;
	_ =	strace $0x9FFFFFFF  }
0xc9: {  	(tm) =	ssettm $0x7FFFFFFF  }
tec
execute0_lowered:
.L_overlay_start_1:
0x0: {  	(tag) =	ssettag $0x1  }
0x1: {  	s1 =	rddreg [dreg:$0x0]  }
0x2: {  	s2 =	srdreg.scid;
	s0 =	rddreg [dreg:$0x1]  }
0x3: {  	s4 =	simm.s32 $0x0;
	s3 =	sand.u32 $0x1, s2;
	s2 =	rddreg [dreg:$0x2]  }
0x4: {  	[smem:$0x7FF] =	sst s4;
	s10 =	sadd.s32 $0xFB800, s1  }
0x5: {  	s26 =	sadd.s32 $0x114800, s1;
	_ =	strace $0x80000047;
	[dreg:$0x1e] =	wrdreg s10  }
0x6: {  	s12 =	simm.s32 $0x1480;
	[dreg:$0x1f] =	wrdreg s26  }
0x7: {  	s13 =	simm.s32 $0x1500;
	[dreg:$0x5] =	wrdreg s12  }
0x8: {  	s15 =	simm.s32 $0x1580;
	[dreg:$0x6] =	wrdreg s13  }
0x9: {  	s17 =	simm.s32 $0x1600;
	[dreg:$0x7] =	wrdreg s15  }
0xa: {  	s18 =	simm.s32 $0x1680;
	[dreg:$0x8] =	wrdreg s17  }
0xb: {  	s19 =	simm.s32 $0x1700;
	[dreg:$0x9] =	wrdreg s18  }
0xc: {  	s11 =	stileid.u32;
	s20 =	simm.s32 $0x1780;
	[dreg:$0xa] =	wrdreg s19  }
0xd: {  	s22 =	simm.s32 $0x1800;
	s23 =	simm.s32 $0x1880;
	[dreg:$0xb] =	wrdreg s20  }
0xe: {  	s25 =	simm.s32 $0x1900;
	s7 =	smul.u32 $0x30E00, s11;
	[dreg:$0xc] =	wrdreg s22  }
0xf: {  	s9 =	smul.u32 $0x6400, s11;
	s4 =	sadd.s32 $0xE3000, s1;
	[dreg:$0xd] =	wrdreg s23  }
0x10: {  	s5 =	sadd.s32 $0xCA800, s1;
	[dreg:$0xe] =	wrdreg s25;
	s12 =	simm.s32 $0x1A80  }
0x11: {  	s16 =	smul.u32 $0x61C00, s11;
	s13 =	simm.s32 $0x1B00;
	[dreg:$0x11] =	wrdreg s12  }
0x12: {  	s6 =	smul.u32 $0x61C000, s3;
	s15 =	simm.s32 $0x1C00;
	[dreg:$0x12] =	wrdreg s13  }
0x13: {  	s8 =	smul.u32 $0x64000, s3;
	s18 =	simm.s32 $0x1D00;
	[dreg:$0x14] =	wrdreg s15  }
0x14: {  	s31 =	ssub.s32 $0x2, s3;
	s20 =	simm.s32 $0x1D80;
	[dreg:$0x16] =	wrdreg s18  }
0x15: {  	s14 =	sshll.u32 s3, $0x4;
	s22 =	simm.s32 $0x1E00;
	[dreg:$0x17] =	wrdreg s20  }
0x16: {  	s3 =	smul.u32 $0x30E000, s3;
	s10 =	sshrl.u32 s31, $0x1;
	[dreg:$0x18] =	wrdreg s22  }
0x17: {  	s6 =	sadd.s32 s7, s6;
	s8 =	sadd.s32 s9, s8;
	s9 =	sor.u32 s11, s14  }
0x18: {  	s11 =	simm.s32 $0x1A00;
	s3 =	sadd.s32 s7, s3;
	s14 =	simm.s32 $0x1B80  }
0x19: {  	s6 =	sshrl.u32 s6, $0x4;
	s8 =	sshrl.u32 s8, $0x3;
	[dreg:$0x10] =	wrdreg s11  }
0x1a: {  	s9 =	smul.u32 $0x6400, s9;
	[dreg:$0x13] =	wrdreg s14;
	s8 =	sadd.s32 s8, s26  }
0x1b: {  	s3 =	sshrl.u32 s3, $0x4;
	s1 =	sadd.s32 s6, s1;
	[dreg:$0x4] =	wrdreg s8  }
0x1c: {  	s6 =	ssub.s32 s31, s10;
	s31 =	simm.s32 $0x1980;
	[smem:$0x7C8] =	sst s9  }
0x1d: {  	s0 =	sadd.s32 s0, s3;
	[dreg:$0xf] =	wrdreg s31  }
0x1e: {  	s10 =	sshrl.u32 s16, $0x2;
	s16 =	simm.s32 $0x1C80;
	[smem:$0x7CC] =	sst s0  }
0x1f: {  	s3 =	simm.s32 $0x1F80;
	[dreg:$0x15] =	wrdreg s16  }
0x20: {  	s26 =	sshrl.u32 s7, $0x1;
	s7 =	simm.s32 $0x2000;
	[dreg:$0x1b] =	wrdreg s3  }
0x21: {  	s24 =	sadd.s32 $0x12D800, s1;
	[dreg:$0x1c] =	wrdreg s7  }
0x22: {  	s9 =	sadd.s32 s26, s2;
	[smem:$0x7C9] =	sst s24  }
0x23: {  	s1 =	sadd.s32 $0x15E600, s1;
	[smem:$0x7CA] =	sst s9  }
0x24: {  	s17 =	smax.u32 s6, $0x1;
	[smem:$0x7CB] =	sst s1  }
0x25: {  	s26 =	simm.s32 $0x1F00;
	[smem:$0x7CD] =	sst s17  }
0x26: {  	s10 =	sadd.s32 s10, s2;
	[dreg:$0x1a] =	wrdreg s26  }
0x27: {  	s21 =	sadd.s32 $0x18000, s10;
	[smem:$0x7FC] =	sst s10  }
0x28: {  	s19 =	sadd.s32 $0x800, s10;
	[smem:$0x7C7] =	sst s21  }
0x29: {  	s23 =	sadd.s32 $0x1800, s10;
	[smem:$0x7CE] =	sst s19  }
0x2a: {  	s25 =	sadd.s32 $0x2000, s10;
	[smem:$0x7D0] =	sst s23  }
0x2b: {  	s24 =	simm.s32 $0x1E80;
	[smem:$0x7D1] =	sst s25  }
0x2c: {  	s31 =	sadd.s32 $0x2800, s10;
	[dreg:$0x19] =	wrdreg s24  }
0x2d: {  	s6 =	sadd.s32 $0x3000, s10;
	[smem:$0x7D2] =	sst s31  }
0x2e: {  	s8 =	sadd.s32 $0x3800, s10;
	[smem:$0x7D3] =	sst s6  }
0x2f: {  	s11 =	sadd.s32 $0x4000, s10;
	[smem:$0x7D4] =	sst s8  }
0x30: {  	s12 =	sadd.s32 $0x4800, s10;
	[smem:$0x7D5] =	sst s11  }
0x31: {  	s9 =	simm.s32 $0x2080;
	[smem:$0x7D6] =	sst s12  }
0x32: {  	s13 =	sadd.s32 $0x5000, s10;
	[dreg:$0x1d] =	wrdreg s9  }
0x33: {  	s14 =	sadd.s32 $0x5800, s10;
	[smem:$0x7D7] =	sst s13  }
0x34: {  	s15 =	sadd.s32 $0x6000, s10;
	[smem:$0x7D8] =	sst s14  }
0x35: {  	s16 =	sadd.s32 $0x6800, s10;
	[smem:$0x7D9] =	sst s15  }
0x36: {  	s17 =	sadd.s32 $0x7000, s10;
	[smem:$0x7DA] =	sst s16  }
0x37: {  	s18 =	sadd.s32 $0x7800, s10;
	[smem:$0x7DB] =	sst s17  }
0x38: {  	s20 =	sadd.s32 $0x8800, s10;
	[smem:$0x7DC] =	sst s18  }
0x39: {  	s22 =	sadd.s32 $0x9800, s10;
	[smem:$0x7DE] =	sst s20  }
0x3a: {  	s26 =	sadd.s32 $0xB800, s10;
	[smem:$0x7E0] =	sst s22  }
0x3b: {  	s1 =	sadd.s32 $0xC800, s10;
	[smem:$0x7E4] =	sst s26  }
0x3c: {  	s3 =	sadd.s32 $0xD000, s10;
	[smem:$0x7E6] =	sst s1  }
0x3d: {  	s7 =	sadd.s32 $0xE000, s10;
	[smem:$0x7E7] =	sst s3  }
0x3e: {  	s21 =	sadd.s32 $0x1000, s10;
	[smem:$0x7E9] =	sst s7  }
0x3f: {  	s19 =	sadd.s32 $0x8000, s10;
	[smem:$0x7CF] =	sst s21  }
0x40: {  	s23 =	sadd.s32 $0xA000, s10;
	[smem:$0x7DD] =	sst s19  }
0x41: {  	s24 =	sadd.s32 $0xA800, s10;
	[smem:$0x7E1] =	sst s23  }
0x42: {  	s25 =	sadd.s32 $0xB000, s10;
	[smem:$0x7E2] =	sst s24  }
0x43: {  	s31 =	sadd.s32 $0xC000, s10;
	[smem:$0x7E3] =	sst s25  }
0x44: {  	s6 =	sadd.s32 $0xD800, s10;
	[smem:$0x7E5] =	sst s31  }
0x45: {  	s8 =	sadd.s32 $0xE800, s10;
	[smem:$0x7E8] =	sst s6  }
0x46: {  	s9 =	sadd.s32 $0xF000, s10;
	[smem:$0x7EA] =	sst s8  }
0x47: {  	s11 =	sadd.s32 $0xF800, s10;
	[smem:$0x7EB] =	sst s9  }
0x48: {  	s12 =	sadd.s32 $0x10000, s10;
	[smem:$0x7EC] =	sst s11  }
0x49: {  	s13 =	sadd.s32 $0x10800, s10;
	[smem:$0x7ED] =	sst s12  }
0x4a: {  	s28 =	simm.s32 $0x5800;
	s14 =	sadd.s32 $0x11000, s10;
	[smem:$0x7EE] =	sst s13  }
0x4b: {  	s29 =	simm.s32 $0x6000;
	s15 =	sadd.s32 $0x11800, s10;
	[smem:$0x7EF] =	sst s14  }
0x4c: {  	s30 =	simm.s32 $0x1;
	s16 =	sadd.s32 $0x12000, s10;
	[smem:$0x7F0] =	sst s15  }
0x4d: {  	s17 =	sadd.s32 $0x12800, s10;
	s18 =	sadd.s32 $0x13000, s10;
	[smem:$0x7F1] =	sst s16  }
0x4e: {  	s20 =	sadd.s32 $0x14000, s10;
	s22 =	sadd.s32 $0x15000, s10;
	[smem:$0x7F2] =	sst s17  }
0x4f: {  	s26 =	sadd.s32 $0x17000, s10;
	s1 =	simm.s32 $0x0;
	[smem:$0x7F3] =	sst s18  }
0x50: {  	s21 =	sadd.s32 $0x9000, s10;
	s19 =	sadd.s32 $0x13800, s10;
	[smem:$0x7F5] =	sst s20  }
0x51: {  	[smem:$0x7F7] =	sst s22;
	s23 =	sadd.s32 $0x15800, s10;
	s24 =	sadd.s32 $0x16000, s10  }
0x52: {  	s25 =	sadd.s32 $0x16800, s10;
	[smem:$0x7FB] =	sst s26;
	s31 =	sadd.s32 $0x17800, s10  }
0x53: {  	s17 =	simm.s32 $0x2800;
	s18 =	simm.s32 $0x2;
	[smem:$0x7DF] =	sst s21  }
0x54: {  	s22 =	simm.s32 $0x3000;
	s26 =	simm.s32 $0x5000;
	[smem:$0x7F4] =	sst s19  }
0x55: {  	s12 =	simm.s32 $0x2100;
	s13 =	simm.s32 $0x2180;
	[smem:$0x7F8] =	sst s23  }
0x56: {  	s14 =	simm.s32 $0x2200;
	s15 =	simm.s32 $0x2280;
	[smem:$0x7F9] =	sst s24  }
0x57: {  	s16 =	simm.s32 $0x2380;
	s20 =	simm.s32 $0x2600;
	[smem:$0x7FA] =	sst s25  }
0x58: {  	s21 =	sadd.s32 $0x14800, s10;
	[smem:$0x7FD] =	sst s31;
	s19 =	simm.s32 $0x3  }
0x59: {  	s23 =	simm.s32 $0x3800;
	s24 =	simm.s32 $0x4000;
	s25 =	simm.s32 $0x4800  }
0x5a: {  	v0 =	vimm.bf16 $0.0e+00;
	v1 =	vimm.bf16 $1.0000e+00;
	s10 =	simm.s32 $0x2580;
	[smem:$0x7F6] =	sst s21;
	s21 =	simm.s32 $0x80  }
.LBB2_1:
0x5b: {  	[smem:$0x7C6] =	sst s1;
	s1 =	simm.s32 $0x40;
	s3 =	simm.s32 $0x0  }
.LBB2_2:
0x5c: {  	p0 =	sne.s32 s1, $0x1FC0;
	[tilespmem:s3+$0x2800] =	vst v0;
	s3 =	smov.u32 s1;
	s1 =	sadd.s32 $0x40, s1  }
.Ltmp0:
0x5d: {  	(pc) =	sbr.rel @p0 .LBB2_2-.Ltmp0, $2  }
0x5e: {  	_ =	sdelay $0x2  }
0x5f: {  	s3 =	sshra.s32 s3, $0x2  }
0x60: {  	s0 =	sld [smem:$0x7FC];
	_ =	sdelay $0x1  }
0x61: {  	[tilespmem:s3+$0x2800] =	vst v0;
	s3 =	sld [smem:$0x7CE]  }
0x62: {  	[spmem:s0] =	stream.linear.scatter [tilespmem:s17], [sflag:$0x2], $0x800, $0x38;
	[tilespmem:$0x1EF00] =	vst v63  }
0x63: {  	s6 =	sld [smem:$0x7CF]  }
0x64: {  	[spmem:s3] =	stream.linear.scatter [tilespmem:s17], [sflag:$0x2], $0x800, $0x38;
	[tilespmem:$0x1EF00] =	vst v63  }
0x65: {  	s7 =	sld [smem:$0x7D0]  }
0x66: {  	[spmem:s6] =	stream.linear.scatter [tilespmem:s17], [sflag:$0x2], $0x800, $0x38;
	[tilespmem:$0x1EF00] =	vst v63  }
0x67: {  	s8 =	sld [smem:$0x7D1]  }
0x68: {  	[spmem:s7] =	stream.linear.scatter [tilespmem:s17], [sflag:$0x2], $0x800, $0x38;
	[tilespmem:$0x1EF00] =	vst v63  }
0x69: {  	s9 =	sld [smem:$0x7D2]  }
0x6a: {  	[spmem:s8] =	stream.linear.scatter [tilespmem:s17], [sflag:$0x2], $0x800, $0x38;
	[tilespmem:$0x1EF00] =	vst v63  }
0x6b: {  	s11 =	sld [smem:$0x7D3]  }
0x6c: {  	[spmem:s9] =	stream.linear.scatter [tilespmem:s17], [sflag:$0x2], $0x800, $0x38;
	[tilespmem:$0x1EF00] =	vst v63  }
0x6d: {  	s31 =	sld [smem:$0x7D4]  }
0x6e: {  	[spmem:s11] =	stream.linear.scatter [tilespmem:s17], [sflag:$0x2], $0x800, $0x38;
	[tilespmem:$0x1EF00] =	vst v63  }
0x6f: {  	s1 =	sld [smem:$0x7D5]  }
0x70: {  	[spmem:s31] =	stream.linear.scatter [tilespmem:s17], [sflag:$0x2], $0x800, $0x38;
	[tilespmem:$0x1EF00] =	vst v63  }
0x71: {  	s3 =	sld [smem:$0x7D6]  }
0x72: {  	[spmem:s1] =	stream.linear.scatter [tilespmem:s17], [sflag:$0x2], $0x800, $0x38;
	[tilespmem:$0x1EF00] =	vst v63  }
0x73: {  	s6 =	sld [smem:$0x7D7]  }
0x74: {  	[spmem:s3] =	stream.linear.scatter [tilespmem:s17], [sflag:$0x2], $0x800, $0x38;
	[tilespmem:$0x1EF00] =	vst v63  }
0x75: {  	s7 =	sld [smem:$0x7D8]  }
0x76: {  	[spmem:s6] =	stream.linear.scatter [tilespmem:s17], [sflag:$0x2], $0x800, $0x38;
	[tilespmem:$0x1EF00] =	vst v63  }
0x77: {  	s8 =	sld [smem:$0x7D9]  }
0x78: {  	[spmem:s7] =	stream.linear.scatter [tilespmem:s17], [sflag:$0x2], $0x800, $0x38;
	[tilespmem:$0x1EF00] =	vst v63  }
0x79: {  	s9 =	sld [smem:$0x7DA]  }
0x7a: {  	[spmem:s8] =	stream.linear.scatter [tilespmem:s17], [sflag:$0x2], $0x800, $0x38;
	[tilespmem:$0x1EF00] =	vst v63  }
0x7b: {  	s11 =	sld [smem:$0x7DB]  }
0x7c: {  	[spmem:s9] =	stream.linear.scatter [tilespmem:s17], [sflag:$0x2], $0x800, $0x38;
	[tilespmem:$0x1EF00] =	vst v63  }
0x7d: {  	s31 =	sld [smem:$0x7DC]  }
0x7e: {  	[spmem:s11] =	stream.linear.scatter [tilespmem:s17], [sflag:$0x2], $0x800, $0x38;
	[tilespmem:$0x1EF00] =	vst v63  }
0x7f: {  	s1 =	sld [smem:$0x7DD]  }
0x80: {  	[spmem:s31] =	stream.linear.scatter [tilespmem:s17], [sflag:$0x2], $0x800, $0x38;
	[tilespmem:$0x1EF00] =	vst v63  }
0x81: {  	s3 =	sld [smem:$0x7DE]  }
0x82: {  	[spmem:s1] =	stream.linear.scatter [tilespmem:s17], [sflag:$0x2], $0x800, $0x38;
	[tilespmem:$0x1EF00] =	vst v63  }
0x83: {  	s6 =	sld [smem:$0x7DF]  }
0x84: {  	[spmem:s3] =	stream.linear.scatter [tilespmem:s17], [sflag:$0x2], $0x800, $0x38;
	[tilespmem:$0x1EF00] =	vst v63  }
0x85: {  	s7 =	sld [smem:$0x7E0]  }
0x86: {  	[spmem:s6] =	stream.linear.scatter [tilespmem:s17], [sflag:$0x2], $0x800, $0x38;
	[tilespmem:$0x1EF00] =	vst v63  }
0x87: {  	s8 =	sld [smem:$0x7E1]  }
0x88: {  	[spmem:s7] =	stream.linear.scatter [tilespmem:s17], [sflag:$0x2], $0x800, $0x38;
	[tilespmem:$0x1EF00] =	vst v63  }
0x89: {  	s9 =	sld [smem:$0x7E2]  }
0x8a: {  	[spmem:s8] =	stream.linear.scatter [tilespmem:s17], [sflag:$0x2], $0x800, $0x38;
	[tilespmem:$0x1EF00] =	vst v63  }
0x8b: {  	s11 =	sld [smem:$0x7E3]  }
0x8c: {  	[spmem:s9] =	stream.linear.scatter [tilespmem:s17], [sflag:$0x2], $0x800, $0x38;
	[tilespmem:$0x1EF00] =	vst v63  }
0x8d: {  	s31 =	sld [smem:$0x7E4]  }
0x8e: {  	[spmem:s11] =	stream.linear.scatter [tilespmem:s17], [sflag:$0x2], $0x800, $0x38;
	[tilespmem:$0x1EF00] =	vst v63  }
0x8f: {  	s1 =	sld [smem:$0x7E5]  }
0x90: {  	[spmem:s31] =	stream.linear.scatter [tilespmem:s17], [sflag:$0x2], $0x800, $0x38;
	[tilespmem:$0x1EF00] =	vst v63  }
0x91: {  	s3 =	sld [smem:$0x7E6]  }
0x92: {  	[spmem:s1] =	stream.linear.scatter [tilespmem:s17], [sflag:$0x2], $0x800, $0x38;
	[tilespmem:$0x1EF00] =	vst v63  }
0x93: {  	s6 =	sld [smem:$0x7E7]  }
0x94: {  	[spmem:s3] =	stream.linear.scatter [tilespmem:s17], [sflag:$0x2], $0x800, $0x38;
	[tilespmem:$0x1EF00] =	vst v63  }
0x95: {  	s7 =	sld [smem:$0x7E8]  }
0x96: {  	[spmem:s6] =	stream.linear.scatter [tilespmem:s17], [sflag:$0x2], $0x800, $0x38;
	[tilespmem:$0x1EF00] =	vst v63  }
0x97: {  	s8 =	sld [smem:$0x7E9]  }
0x98: {  	[spmem:s7] =	stream.linear.scatter [tilespmem:s17], [sflag:$0x2], $0x800, $0x38;
	[tilespmem:$0x1EF00] =	vst v63  }
0x99: {  	s9 =	sld [smem:$0x7EA]  }
0x9a: {  	[spmem:s8] =	stream.linear.scatter [tilespmem:s17], [sflag:$0x2], $0x800, $0x38;
	[tilespmem:$0x1EF00] =	vst v63  }
0x9b: {  	s11 =	sld [smem:$0x7EB]  }
0x9c: {  	[spmem:s9] =	stream.linear.scatter [tilespmem:s17], [sflag:$0x2], $0x800, $0x38;
	[tilespmem:$0x1EF00] =	vst v63  }
0x9d: {  	s31 =	sld [smem:$0x7EC]  }
0x9e: {  	[spmem:s11] =	stream.linear.scatter [tilespmem:s17], [sflag:$0x2], $0x800, $0x38;
	[tilespmem:$0x1EF00] =	vst v63  }
0x9f: {  	s1 =	sld [smem:$0x7ED]  }
0xa0: {  	[spmem:s31] =	stream.linear.scatter [tilespmem:s17], [sflag:$0x2], $0x800, $0x38;
	[tilespmem:$0x1EF00] =	vst v63  }
0xa1: {  	s3 =	sld [smem:$0x7EE]  }
0xa2: {  	[spmem:s1] =	stream.linear.scatter [tilespmem:s17], [sflag:$0x2], $0x800, $0x38;
	[tilespmem:$0x1EF00] =	vst v63  }
0xa3: {  	s6 =	sld [smem:$0x7EF]  }
0xa4: {  	[spmem:s3] =	stream.linear.scatter [tilespmem:s17], [sflag:$0x2], $0x800, $0x38;
	[tilespmem:$0x1EF00] =	vst v63  }
0xa5: {  	s7 =	sld [smem:$0x7F0]  }
0xa6: {  	[spmem:s6] =	stream.linear.scatter [tilespmem:s17], [sflag:$0x2], $0x800, $0x38;
	[tilespmem:$0x1EF00] =	vst v63  }
0xa7: {  	s8 =	sld [smem:$0x7F1]  }
0xa8: {  	[spmem:s7] =	stream.linear.scatter [tilespmem:s17], [sflag:$0x2], $0x800, $0x38;
	[tilespmem:$0x1EF00] =	vst v63  }
0xa9: {  	s9 =	sld [smem:$0x7F2]  }
0xaa: {  	[spmem:s8] =	stream.linear.scatter [tilespmem:s17], [sflag:$0x2], $0x800, $0x38;
	[tilespmem:$0x1EF00] =	vst v63  }
0xab: {  	s11 =	sld [smem:$0x7F3]  }
0xac: {  	[spmem:s9] =	stream.linear.scatter [tilespmem:s17], [sflag:$0x2], $0x800, $0x38;
	[tilespmem:$0x1EF00] =	vst v63  }
0xad: {  	s31 =	sld [smem:$0x7F4]  }
0xae: {  	[spmem:s11] =	stream.linear.scatter [tilespmem:s17], [sflag:$0x2], $0x800, $0x38;
	[tilespmem:$0x1EF00] =	vst v63  }
0xaf: {  	s1 =	sld [smem:$0x7F5]  }
0xb0: {  	[spmem:s31] =	stream.linear.scatter [tilespmem:s17], [sflag:$0x2], $0x800, $0x38;
	[tilespmem:$0x1EF00] =	vst v63  }
0xb1: {  	s3 =	sld [smem:$0x7F6]  }
0xb2: {  	[spmem:s1] =	stream.linear.scatter [tilespmem:s17], [sflag:$0x2], $0x800, $0x38;
	[tilespmem:$0x1EF00] =	vst v63  }
0xb3: {  	s6 =	sld [smem:$0x7F7]  }
0xb4: {  	[spmem:s3] =	stream.linear.scatter [tilespmem:s17], [sflag:$0x2], $0x800, $0x38;
	[tilespmem:$0x1EF00] =	vst v63  }
0xb5: {  	s7 =	sld [smem:$0x7F8]  }
0xb6: {  	[spmem:s6] =	stream.linear.scatter [tilespmem:s17], [sflag:$0x2], $0x800, $0x38;
	[tilespmem:$0x1EF00] =	vst v63  }
0xb7: {  	s8 =	sld [smem:$0x7F9]  }
0xb8: {  	[spmem:s7] =	stream.linear.scatter [tilespmem:s17], [sflag:$0x2], $0x800, $0x38;
	[tilespmem:$0x1EF00] =	vst v63  }
0xb9: {  	s9 =	sld [smem:$0x7FA]  }
0xba: {  	[spmem:s8] =	stream.linear.scatter [tilespmem:s17], [sflag:$0x2], $0x800, $0x38;
	[tilespmem:$0x1EF00] =	vst v63  }
0xbb: {  	s11 =	sld [smem:$0x7FB]  }
0xbc: {  	[spmem:s9] =	stream.linear.scatter [tilespmem:s17], [sflag:$0x2], $0x800, $0x38;
	[tilespmem:$0x1EF00] =	vst v63  }
0xbd: {  	s31 =	sld [smem:$0x7FD]  }
0xbe: {  	[spmem:s11] =	stream.linear.scatter [tilespmem:s17], [sflag:$0x2], $0x800, $0x38;
	[tilespmem:$0x1EF00] =	vst v63  }
0xbf: {  	_ = 	snop  }
0xc0: {  	[spmem:s31] =	stream.linear.scatter [tilespmem:s17], [sflag:$0x2], $0x800, $0x38;
	[tilespmem:$0x1EF00] =	vst v63  }
0xc1: {  	_ =	swait.ge [sflag:s18], $0x800  }
0xc2: {  	s1 =	simm.s32 $0x2F;
	s6 =	simm.s32 $0x1400;
	[sflag:s18] =	ssyncset.done $0x0  }
.LBB2_4:
0xc3: {  	p0 =	sne.s32 s1, $0x1;
	s1 =	sadd.s32 $0xFFFFFFFF, s1;
	[sflag:s18] =	ssyncadd.s32 $0xFFFFF800  }
.Ltmp1:
0xc4: {  	(pc) =	sbr.rel @p0 .LBB2_4-.Ltmp1, $3  }
0xc5: {  	_ =	sdelay $0x1  }
0xc6: {  	_ =	swait.ge [sflag:s18], $0x800  }
0xc7: {  	[sflag:s18] =	ssyncset.done $0x0  }
0xc8: {  	s0 =	sld [smem:$0x7C7];
	_ =	sdelay $0x1  }
0xc9: {  	[sflag:s18] =	ssyncadd.s32 $0xFFFFF800  }
0xca: {  	[spmem:s0] =	stream.linear.scatter [tilespmem:s17], [sflag:$0x3], $0x700, $0x38;
	[tilespmem:$0x1EF00] =	vst v63  }
0xcb: {  	_ =	swait.ge [sflag:s19], $0x700  }
0xcc: {  	[sflag:s19] =	ssyncset.done $0x0  }
0xcd: {  	[sflag:s19] =	ssyncadd.s32 $0xFFFFF900  }
0xce: {  	s7 =	simm.s32 $0x0;
	s31 =	simm.s32 $0x0;
	[bflag:$0x0] =	sbarrier.arrive $0xFFFF  }
.LBB2_6:
0xcf: {  	p0 =	seq.s32 s31, $0x0  }
0xd0: {  	s1 =	simm.s32 @!p0 $0x2  }
0xd1: {  	_ =	swait.ge @!p0 [sflag:s1], $0x800  }
0xd2: {  	[sflag:s1] =	ssyncset.done @!p0 $0x0  }
0xd3: {  	[sflag:s1] =	ssyncadd.s32 @!p0 $0xFFFFF800  }
0xd4: {  	_ =	swait.ge @!p0 [sflag:s1], $0x800  }
0xd5: {  	[sflag:s1] =	ssyncset.done @!p0 $0x0  }
0xd6: {  	[sflag:s1] =	ssyncadd.s32 @!p0 $0xFFFFF800  }
0xd7: {  	_ =	swait.ge @!p0 [sflag:s1], $0x800  }
0xd8: {  	[sflag:s1] =	ssyncset.done @!p0 $0x0  }
0xd9: {  	[sflag:s1] =	ssyncadd.s32 @!p0 $0xFFFFF800  }
0xda: {  	_ =	swait.ge @!p0 [sflag:s1], $0x800  }
0xdb: {  	s0 =	sld [smem:$0x7C8]  }
0xdc: {  	s3 =	smul.u32 $0x1400, s31;
	_ =	sdelay $0x1  }
0xdd: {  	[sflag:s1] =	ssyncset.done @!p0 $0x0;
	s3 =	sadd.s32 s0, s3  }
0xde: {  	[sflag:s1] =	ssyncadd.s32 @!p0 $0xFFFFF800;
	s1 =	rddreg [dreg:$0x1e];
	s3 =	sshrl.u32 s3, $0x3  }
0xdf: {  	s8 =	sadd.s32 s1, s3  }
0xe0: {  	[tilespmem:s7], [sflag:$0x3] =	stream.linear.gather [hbm4b:s8+s7], $0x1400, $0x38;
	[tilespmem:$0x1EF00] =	vst v63  }
0xe1: {  	_ =	swait.ge [sflag:s19], $0x1400  }
0xe2: {  	[sflag:s19] =	ssyncset.done $0x0;
	s9 =	rddreg [dreg:$0x1f]  }
0xe3: {  	[sflag:s19] =	ssyncadd.s32 $0xFFFFEC00;
	s11 =	sadd.s32 s9, s3  }
0xe4: {  	[tilespmem:s6], [sflag:$0x3] =	stream.linear.gather [hbm4b:s11+s7], $0x1400, $0x38;
	[tilespmem:$0x1EF00] =	vst v63  }
0xe5: {  	_ =	swait.ge [sflag:s19], $0x1400  }
0xe6: {  	[sflag:s19] =	ssyncset.done $0x0  }
0xe7: {  	s0 =	simm.s32 $0x0;
	[sflag:s19] =	ssyncadd.s32 $0xFFFFEC00  }
0xe8: {  	[tilespmem:s17], [sflag:$0x1] =	stream.indirect.gather [hbm4b:s4+s21], $0x10, s0, s21, $0xb8;
	[tilespmem:$0x1EF00] =	vst v63  }
0xe9: {  	s3 =	simm.s32 $0x80  }
0xea: {  	[tilespmem:s22], [sflag:$0x1] =	stream.indirect.gather [hbm4b:s4+s21], $0x10, s3, s21, $0xb8;
	[tilespmem:$0x1EF00] =	vst v63  }
0xeb: {  	p0 =	por $0x1, $0x1;
	s8 =	simm.s32 $0x100  }
0xec: {  	[tilespmem:s23], [sflag:$0x1] =	stream.indirect.gather [hbm4b:s4+s21], $0x10, s8, s21, $0xb8;
	[tilespmem:$0x1EF00] =	vst v63  }
0xed: {  	s1 =	simm.s32 @!p0 $0x2;
	s9 =	simm.s32 $0x180  }
0xee: {  	[tilespmem:s24], [sflag:$0x1] =	stream.indirect.gather [hbm4b:s4+s21], $0x10, s9, s21, $0xb8;
	[tilespmem:$0x1EF00] =	vst v63  }
0xef: {  	_ =	swait.ge @!p0 [sflag:s1], $0x800  }
0xf0: {  	[sflag:s1] =	ssyncset.done @!p0 $0x0  }
0xf1: {  	[sflag:s1] =	ssyncadd.s32 @!p0 $0xFFFFF800  }
0xf2: {  	_ =	swait.ge @!p0 [sflag:s1], $0x800  }
0xf3: {  	[sflag:s1] =	ssyncset.done @!p0 $0x0  }
0xf4: {  	[sflag:s1] =	ssyncadd.s32 @!p0 $0xFFFFF800  }
0xf5: {  	_ =	swait.ge @!p0 [sflag:s1], $0x800  }
0xf6: {  	[sflag:s1] =	ssyncset.done @!p0 $0x0  }
0xf7: {  	[sflag:s1] =	ssyncadd.s32 @!p0 $0xFFFFF800  }
0xf8: {  	_ =	swait.ge @!p0 [sflag:s1], $0x800  }
0xf9: {  	[sflag:s1] =	ssyncset.done @!p0 $0x0  }
0xfa: {  	s11 =	simm.s32 $0x200;
	[sflag:s1] =	ssyncadd.s32 @!p0 $0xFFFFF800  }
0xfb: {  	[tilespmem:s25], [sflag:$0x1] =	stream.indirect.gather [hbm4b:s4+s21], $0x10, s11, s21, $0xb8;
	[tilespmem:$0x1EF00] =	vst v63  }
0xfc: {  	s0 =	simm.s32 $0x280  }
0xfd: {  	[tilespmem:s26], [sflag:$0x1] =	stream.indirect.gather [hbm4b:s4+s21], $0x10, s0, s21, $0xb8;
	[tilespmem:$0x1EF00] =	vst v63  }
0xfe: {  	s3 =	simm.s32 $0x300  }
0xff: {  	[tilespmem:s28], [sflag:$0x1] =	stream.indirect.gather [hbm4b:s4+s21], $0x10, s3, s21, $0xb8;
	[tilespmem:$0x1EF00] =	vst v63  }
0x100: {  	s8 =	simm.s32 $0x380  }
0x101: {  	[tilespmem:s29], [sflag:$0x1] =	stream.indirect.gather [hbm4b:s4+s21], $0x10, s8, s21, $0xb8;
	[tilespmem:$0x1EF00] =	vst v63  }
0x102: {  	_ =	swait.ge [sflag:s30], $0x800  }
0x103: {  	[sflag:s30] =	ssyncset.done $0x0  }
0x104: {  	[sflag:s30] =	ssyncadd.s32 $0xFFFFF800  }
0x105: {  	_ =	swait.ge [sflag:s30], $0x800  }
0x106: {  	[sflag:s30] =	ssyncset.done $0x0  }
0x107: {  	[sflag:s30] =	ssyncadd.s32 $0xFFFFF800  }
0x108: {  	_ =	swait.ge [sflag:s30], $0x800  }
0x109: {  	[sflag:s30] =	ssyncset.done $0x0  }
0x10a: {  	[sflag:s30] =	ssyncadd.s32 $0xFFFFF800  }
0x10b: {  	_ =	swait.ge [sflag:s30], $0x800  }
0x10c: {  	[sflag:s30] =	ssyncset.done $0x0  }
0x10d: {  	s9 =	simm.s32 $0x1400;
	[sflag:s30] =	ssyncadd.s32 $0xFFFFF800  }
0x10e: {  	[spmem:s2] =	stream.indirect.scatter.add.bf16 [tilespmem:s17], [sflag:$0x2], $0x10, s9, s21, $0xb8;
	[tilespmem:$0x1EF00] =	vst v63  }
0x10f: {  	s11 =	simm.s32 $0x1480  }
0x110: {  	[spmem:s2] =	stream.indirect.scatter.add.bf16 [tilespmem:s22], [sflag:$0x2], $0x10, s11, s21, $0xb8;
	[tilespmem:$0x1EF00] =	vst v63  }
0x111: {  	s0 =	simm.s32 $0x1500  }
0x112: {  	[spmem:s2] =	stream.indirect.scatter.add.bf16 [tilespmem:s23], [sflag:$0x2], $0x10, s0, s21, $0xb8;
	[tilespmem:$0x1EF00] =	vst v63  }
0x113: {  	s3 =	simm.s32 $0x1580  }
0x114: {  	[spmem:s2] =	stream.indirect.scatter.add.bf16 [tilespmem:s24], [sflag:$0x2], $0x10, s3, s21, $0xb8;
	[tilespmem:$0x1EF00] =	vst v63  }
0x115: {  	_ =	swait.ge [sflag:s30], $0x800  }
0x116: {  	[sflag:s30] =	ssyncset.done $0x0  }
0x117: {  	[sflag:s30] =	ssyncadd.s32 $0xFFFFF800  }
0x118: {  	_ =	swait.ge [sflag:s30], $0x800  }
0x119: {  	[sflag:s30] =	ssyncset.done $0x0  }
0x11a: {  	[sflag:s30] =	ssyncadd.s32 $0xFFFFF800  }
0x11b: {  	_ =	swait.ge [sflag:s30], $0x800  }
0x11c: {  	[sflag:s30] =	ssyncset.done $0x0  }
0x11d: {  	[sflag:s30] =	ssyncadd.s32 $0xFFFFF800  }
0x11e: {  	_ =	swait.ge [sflag:s30], $0x800  }
0x11f: {  	[sflag:s30] =	ssyncset.done $0x0  }
0x120: {  	[sflag:s30] =	ssyncadd.s32 $0xFFFFF800  }
0x121: {  	_ =	swait.ge [sflag:s18], $0x800  }
0x122: {  	[sflag:s18] =	ssyncset.done $0x0  }
0x123: {  	[sflag:s18] =	ssyncadd.s32 $0xFFFFF800  }
0x124: {  	_ =	swait.ge [sflag:s18], $0x800  }
0x125: {  	[sflag:s18] =	ssyncset.done $0x0  }
0x126: {  	[sflag:s18] =	ssyncadd.s32 $0xFFFFF800  }
0x127: {  	_ =	swait.ge [sflag:s18], $0x800  }
0x128: {  	[sflag:s18] =	ssyncset.done $0x0  }
0x129: {  	[sflag:s18] =	ssyncadd.s32 $0xFFFFF800  }
0x12a: {  	_ =	swait.ge [sflag:s18], $0x800  }
0x12b: {  	[sflag:s18] =	ssyncset.done $0x0  }
0x12c: {  	s8 =	simm.s32 $0x1600;
	[sflag:s18] =	ssyncadd.s32 $0xFFFFF800  }
0x12d: {  	[spmem:s2] =	stream.indirect.scatter.add.bf16 [tilespmem:s25], [sflag:$0x2], $0x10, s8, s21, $0xb8;
	[tilespmem:$0x1EF00] =	vst v63  }
0x12e: {  	s9 =	simm.s32 $0x1680  }
0x12f: {  	[spmem:s2] =	stream.indirect.scatter.add.bf16 [tilespmem:s26], [sflag:$0x2], $0x10, s9, s21, $0xb8;
	[tilespmem:$0x1EF00] =	vst v63  }
0x130: {  	s1 =	simm.s32 $0x1780;
	s11 =	simm.s32 $0x1700;
	s3 =	simm.s32 $0x1000  }
0x131: {  	[spmem:s2] =	stream.indirect.scatter.add.bf16 [tilespmem:s28], [sflag:$0x2], $0x10, s11, s21, $0xb8;
	[tilespmem:$0x1EF00] =	vst v63  }
.LBB2_7:
0x132: {  	s0 =	smov.u32 s3;
	s3 =	sadd.s32 $0x1000, s3  }
0x133: {  	[spmem:s2] =	stream.indirect.scatter.add.bf16 [tilespmem:s29], [sflag:$0x2], $0x10, s1, s21, $0xb8;
	[tilespmem:$0x1EF00] =	vst v63  }
0x134: {  	s1 =	sshra.s32 s0, $0x2;
	p0 =	sne.s32 s3, $0x5000  }
0x135: {  	[tilespmem:s17], [sflag:$0x1] =	stream.indirect.gather [hbm4b:s4+s21], $0x10, s1, s21, $0xb8;
	[tilespmem:$0x1EF00] =	vst v63  }
0x136: {  	s11 =	sadd.s32 $0x80, s1  }
0x137: {  	[tilespmem:s22], [sflag:$0x1] =	stream.indirect.gather [hbm4b:s4+s21], $0x10, s11, s21, $0xb8;
	[tilespmem:$0x1EF00] =	vst v63  }
0x138: {  	s11 =	sadd.s32 $0x100, s1  }
0x139: {  	[tilespmem:s23], [sflag:$0x1] =	stream.indirect.gather [hbm4b:s4+s21], $0x10, s11, s21, $0xb8;
	[tilespmem:$0x1EF00] =	vst v63  }
0x13a: {  	p1 =	seq.s32 s0, $0x0;
	s11 =	sadd.s32 $0x180, s1  }
0x13b: {  	[tilespmem:s24], [sflag:$0x1] =	stream.indirect.gather [hbm4b:s4+s21], $0x10, s11, s21, $0xb8;
	[tilespmem:$0x1EF00] =	vst v63  }
0x13c: {  	s0 =	simm.s32 @!p1 $0x2  }
0x13d: {  	_ =	swait.ge @!p1 [sflag:s0], $0x800  }
0x13e: {  	[sflag:s0] =	ssyncset.done @!p1 $0x0  }
0x13f: {  	[sflag:s0] =	ssyncadd.s32 @!p1 $0xFFFFF800  }
0x140: {  	_ =	swait.ge @!p1 [sflag:s0], $0x800  }
0x141: {  	[sflag:s0] =	ssyncset.done @!p1 $0x0  }
0x142: {  	[sflag:s0] =	ssyncadd.s32 @!p1 $0xFFFFF800  }
0x143: {  	_ =	swait.ge @!p1 [sflag:s0], $0x800  }
0x144: {  	[sflag:s0] =	ssyncset.done @!p1 $0x0  }
0x145: {  	[sflag:s0] =	ssyncadd.s32 @!p1 $0xFFFFF800  }
0x146: {  	_ =	swait.ge @!p1 [sflag:s0], $0x800  }
0x147: {  	s11 =	sadd.s32 $0x200, s1;
	[sflag:s0] =	ssyncset.done @!p1 $0x0  }
0x148: {  	[sflag:s0] =	ssyncadd.s32 @!p1 $0xFFFFF800;
	s0 =	sadd.s32 $0x280, s1  }
0x149: {  	[tilespmem:s25], [sflag:$0x1] =	stream.indirect.gather [hbm4b:s4+s21], $0x10, s11, s21, $0xb8;
	[tilespmem:$0x1EF00] =	vst v63  }
0x14a: {  	s11 =	sadd.s32 $0x300, s1  }
0x14b: {  	[tilespmem:s26], [sflag:$0x1] =	stream.indirect.gather [hbm4b:s4+s21], $0x10, s0, s21, $0xb8;
	[tilespmem:$0x1EF00] =	vst v63  }
0x14c: {  	s0 =	sadd.s32 $0x380, s1  }
0x14d: {  	[tilespmem:s28], [sflag:$0x1] =	stream.indirect.gather [hbm4b:s4+s21], $0x10, s11, s21, $0xb8;
	[tilespmem:$0x1EF00] =	vst v63  }
0x14e: {  	_ = 	snop  }
0x14f: {  	[tilespmem:s29], [sflag:$0x1] =	stream.indirect.gather [hbm4b:s4+s21], $0x10, s0, s21, $0xb8;
	[tilespmem:$0x1EF00] =	vst v63  }
0x150: {  	_ =	swait.ge [sflag:s30], $0x800  }
0x151: {  	[sflag:s30] =	ssyncset.done $0x0  }
0x152: {  	[sflag:s30] =	ssyncadd.s32 $0xFFFFF800  }
0x153: {  	_ =	swait.ge [sflag:s30], $0x800  }
0x154: {  	[sflag:s30] =	ssyncset.done $0x0  }
0x155: {  	[sflag:s30] =	ssyncadd.s32 $0xFFFFF800  }
0x156: {  	_ =	swait.ge [sflag:s30], $0x800  }
0x157: {  	[sflag:s30] =	ssyncset.done $0x0  }
0x158: {  	[sflag:s30] =	ssyncadd.s32 $0xFFFFF800  }
0x159: {  	_ =	swait.ge [sflag:s30], $0x800  }
0x15a: {  	s0 =	sadd.s32 $0x1400, s1;
	[sflag:s30] =	ssyncset.done $0x0  }
0x15b: {  	s11 =	sadd.s32 $0x1480, s1;
	[sflag:s30] =	ssyncadd.s32 $0xFFFFF800  }
0x15c: {  	[spmem:s2] =	stream.indirect.scatter.add.bf16 [tilespmem:s17], [sflag:$0x2], $0x10, s0, s21, $0xb8;
	[tilespmem:$0x1EF00] =	vst v63  }
0x15d: {  	s0 =	sadd.s32 $0x1500, s1  }
0x15e: {  	[spmem:s2] =	stream.indirect.scatter.add.bf16 [tilespmem:s22], [sflag:$0x2], $0x10, s11, s21, $0xb8;
	[tilespmem:$0x1EF00] =	vst v63  }
0x15f: {  	s11 =	sadd.s32 $0x1580, s1  }
0x160: {  	[spmem:s2] =	stream.indirect.scatter.add.bf16 [tilespmem:s23], [sflag:$0x2], $0x10, s0, s21, $0xb8;
	[tilespmem:$0x1EF00] =	vst v63  }
0x161: {  	_ = 	snop  }
0x162: {  	[spmem:s2] =	stream.indirect.scatter.add.bf16 [tilespmem:s24], [sflag:$0x2], $0x10, s11, s21, $0xb8;
	[tilespmem:$0x1EF00] =	vst v63  }
0x163: {  	_ =	swait.ge [sflag:s30], $0x800  }
0x164: {  	[sflag:s30] =	ssyncset.done $0x0  }
0x165: {  	[sflag:s30] =	ssyncadd.s32 $0xFFFFF800  }
0x166: {  	_ =	swait.ge [sflag:s30], $0x800  }
0x167: {  	[sflag:s30] =	ssyncset.done $0x0  }
0x168: {  	[sflag:s30] =	ssyncadd.s32 $0xFFFFF800  }
0x169: {  	_ =	swait.ge [sflag:s30], $0x800  }
0x16a: {  	[sflag:s30] =	ssyncset.done $0x0  }
0x16b: {  	[sflag:s30] =	ssyncadd.s32 $0xFFFFF800  }
0x16c: {  	_ =	swait.ge [sflag:s30], $0x800  }
0x16d: {  	[sflag:s30] =	ssyncset.done $0x0  }
0x16e: {  	[sflag:s30] =	ssyncadd.s32 $0xFFFFF800  }
0x16f: {  	_ =	swait.ge [sflag:s18], $0x800  }
0x170: {  	[sflag:s18] =	ssyncset.done $0x0  }
0x171: {  	[sflag:s18] =	ssyncadd.s32 $0xFFFFF800  }
0x172: {  	_ =	swait.ge [sflag:s18], $0x800  }
0x173: {  	[sflag:s18] =	ssyncset.done $0x0  }
0x174: {  	[sflag:s18] =	ssyncadd.s32 $0xFFFFF800  }
0x175: {  	_ =	swait.ge [sflag:s18], $0x800  }
0x176: {  	[sflag:s18] =	ssyncset.done $0x0  }
0x177: {  	[sflag:s18] =	ssyncadd.s32 $0xFFFFF800  }
0x178: {  	_ =	swait.ge [sflag:s18], $0x800  }
0x179: {  	s0 =	sadd.s32 $0x1600, s1;
	[sflag:s18] =	ssyncset.done $0x0  }
0x17a: {  	s11 =	sadd.s32 $0x1680, s1;
	[sflag:s18] =	ssyncadd.s32 $0xFFFFF800  }
0x17b: {  	[spmem:s2] =	stream.indirect.scatter.add.bf16 [tilespmem:s25], [sflag:$0x2], $0x10, s0, s21, $0xb8;
	[tilespmem:$0x1EF00] =	vst v63  }
.Ltmp2:
0x17c: {  	_ = 	snop;
	(pc) =	sbr.rel @p0 .LBB2_7-.Ltmp2, $4  }
0x17d: {  	s0 =	sadd.s32 $0x1700, s1  }
0x17e: {  	[spmem:s2] =	stream.indirect.scatter.add.bf16 [tilespmem:s26], [sflag:$0x2], $0x10, s11, s21, $0xb8;
	[tilespmem:$0x1EF00] =	vst v63  }
0x17f: {  	s1 =	sadd.s32 $0x1780, s1  }
0x180: {  	[spmem:s2] =	stream.indirect.scatter.add.bf16 [tilespmem:s28], [sflag:$0x2], $0x10, s0, s21, $0xb8;
	[tilespmem:$0x1EF00] =	vst v63  }
0x181: {  	s31 =	sadd.s32 $0x1, s31  }
0x182: {  	p0 =	sne.s32 s31, $0x5  }
.Ltmp3:
0x183: {  	_ = 	snop;
	(pc) =	sbr.rel @p0 .LBB2_6-.Ltmp3, $2  }
0x184: {  	_ =	sdelay $0x2  }
0x185: {  	[spmem:s2] =	stream.indirect.scatter.add.bf16 [tilespmem:s29], [sflag:$0x2], $0x10, s1, s21, $0xb8;
	[tilespmem:$0x1EF00] =	vst v63  }
0x186: {  	_ =	swait.ge [sflag:s18], $0x800  }
0x187: {  	[sflag:s18] =	ssyncset.done $0x0  }
0x188: {  	[sflag:s18] =	ssyncadd.s32 $0xFFFFF800  }
0x189: {  	_ =	swait.ge [sflag:s18], $0x800  }
0x18a: {  	[sflag:s18] =	ssyncset.done $0x0  }
0x18b: {  	[sflag:s18] =	ssyncadd.s32 $0xFFFFF800  }
0x18c: {  	_ =	swait.ge [sflag:s18], $0x800  }
0x18d: {  	[sflag:s18] =	ssyncset.done $0x0  }
0x18e: {  	[sflag:s18] =	ssyncadd.s32 $0xFFFFF800  }
0x18f: {  	_ =	swait.ge [sflag:s18], $0x800  }
0x190: {  	[sflag:s18] =	ssyncset.done $0x0  }
0x191: {  	[sflag:s18] =	ssyncadd.s32 $0xFFFFF800  }
0x192: {  	[bflag:$0x0] =	sbarrier.arrive $0xFFFF  }
0x193: {  	s11 =	sld [smem:$0x7CA]  }
0x194: {  	s0 =	stileid.u32;
	s31 =	sld [smem:$0x7C9]  }
0x195: {  	s0 =	sshll.u32 s0, $0x6  }
0x196: {  	s7 =	sor.u32 $0x1C03, s0;
	s8 =	sshrl.u32 s11, $0x3  }
0x197: {  	[hbm:s31], [sflag:s7] =	dma.local [spmem:s8], $0x30E0  }
0x198: {  	_ =	swait.ge [sflag:s19], $0x30E0  }
0x199: {  	[sflag:s19] =	ssyncset.done $0x0  }
0x19a: {  	s1 =	simm.s32 $0x40;
	s3 =	simm.s32 $0x0;
	[sflag:s19] =	ssyncadd.s32 $0xFFFFCF20  }
.LBB2_10:
0x19b: {  	p0 =	sne.s32 s1, $0x1FC0;
	[tilespmem:s3+$0x2800] =	vst v0;
	s0 =	smov.u32 s1;
	s1 =	sadd.s32 $0x40, s1  }
.Ltmp4:
0x19c: {  	(pc) =	sbr.rel @p0 .LBB2_10-.Ltmp4, $2  }
0x19d: {  	_ =	sdelay $0x2  }
0x19e: {  	s3 =	sshra.s32 s0, $0x2  }
0x19f: {  	s0 =	sld [smem:$0x7FC];
	_ =	sdelay $0x1  }
0x1a0: {  	[tilespmem:s3+$0x2800] =	vst v0;
	s11 =	sld [smem:$0x7CE]  }
0x1a1: {  	[spmem:s0] =	stream.linear.scatter [tilespmem:s17], [sflag:$0x2], $0x800, $0x38;
	[tilespmem:$0x1EF00] =	vst v63  }
0x1a2: {  	s31 =	sld [smem:$0x7CF]  }
0x1a3: {  	[spmem:s11] =	stream.linear.scatter [tilespmem:s17], [sflag:$0x2], $0x800, $0x38;
	[tilespmem:$0x1EF00] =	vst v63  }
0x1a4: {  	s1 =	sld [smem:$0x7D0]  }
0x1a5: {  	[spmem:s31] =	stream.linear.scatter [tilespmem:s17], [sflag:$0x2], $0x800, $0x38;
	[tilespmem:$0x1EF00] =	vst v63  }
0x1a6: {  	s3 =	sld [smem:$0x7D1]  }
0x1a7: {  	[spmem:s1] =	stream.linear.scatter [tilespmem:s17], [sflag:$0x2], $0x800, $0x38;
	[tilespmem:$0x1EF00] =	vst v63  }
0x1a8: {  	s9 =	sld [smem:$0x7D2]  }
0x1a9: {  	[spmem:s3] =	stream.linear.scatter [tilespmem:s17], [sflag:$0x2], $0x800, $0x38;
	[tilespmem:$0x1EF00] =	vst v63  }
0x1aa: {  	s11 =	sld [smem:$0x7D3]  }
0x1ab: {  	[spmem:s9] =	stream.linear.scatter [tilespmem:s17], [sflag:$0x2], $0x800, $0x38;
	[tilespmem:$0x1EF00] =	vst v63  }
0x1ac: {  	s31 =	sld [smem:$0x7D4]  }
0x1ad: {  	[spmem:s11] =	stream.linear.scatter [tilespmem:s17], [sflag:$0x2], $0x800, $0x38;
	[tilespmem:$0x1EF00] =	vst v63  }
0x1ae: {  	s1 =	sld [smem:$0x7D5]  }
0x1af: {  	[spmem:s31] =	stream.linear.scatter [tilespmem:s17], [sflag:$0x2], $0x800, $0x38;
	[tilespmem:$0x1EF00] =	vst v63  }
0x1b0: {  	s3 =	sld [smem:$0x7D6]  }
0x1b1: {  	[spmem:s1] =	stream.linear.scatter [tilespmem:s17], [sflag:$0x2], $0x800, $0x38;
	[tilespmem:$0x1EF00] =	vst v63  }
0x1b2: {  	s9 =	sld [smem:$0x7D7]  }
0x1b3: {  	[spmem:s3] =	stream.linear.scatter [tilespmem:s17], [sflag:$0x2], $0x800, $0x38;
	[tilespmem:$0x1EF00] =	vst v63  }
0x1b4: {  	s11 =	sld [smem:$0x7D8]  }
0x1b5: {  	[spmem:s9] =	stream.linear.scatter [tilespmem:s17], [sflag:$0x2], $0x800, $0x38;
	[tilespmem:$0x1EF00] =	vst v63  }
0x1b6: {  	s31 =	sld [smem:$0x7D9]  }
0x1b7: {  	[spmem:s11] =	stream.linear.scatter [tilespmem:s17], [sflag:$0x2], $0x800, $0x38;
	[tilespmem:$0x1EF00] =	vst v63  }
0x1b8: {  	s1 =	sld [smem:$0x7DA]  }
0x1b9: {  	[spmem:s31] =	stream.linear.scatter [tilespmem:s17], [sflag:$0x2], $0x800, $0x38;
	[tilespmem:$0x1EF00] =	vst v63  }
0x1ba: {  	s3 =	sld [smem:$0x7DB]  }
0x1bb: {  	[spmem:s1] =	stream.linear.scatter [tilespmem:s17], [sflag:$0x2], $0x800, $0x38;
	[tilespmem:$0x1EF00] =	vst v63  }
0x1bc: {  	s9 =	sld [smem:$0x7DC]  }
0x1bd: {  	[spmem:s3] =	stream.linear.scatter [tilespmem:s17], [sflag:$0x2], $0x800, $0x38;
	[tilespmem:$0x1EF00] =	vst v63  }
0x1be: {  	s11 =	sld [smem:$0x7DD]  }
0x1bf: {  	[spmem:s9] =	stream.linear.scatter [tilespmem:s17], [sflag:$0x2], $0x800, $0x38;
	[tilespmem:$0x1EF00] =	vst v63  }
0x1c0: {  	s31 =	sld [smem:$0x7DE]  }
0x1c1: {  	[spmem:s11] =	stream.linear.scatter [tilespmem:s17], [sflag:$0x2], $0x800, $0x38;
	[tilespmem:$0x1EF00] =	vst v63  }
0x1c2: {  	s1 =	sld [smem:$0x7DF]  }
0x1c3: {  	[spmem:s31] =	stream.linear.scatter [tilespmem:s17], [sflag:$0x2], $0x800, $0x38;
	[tilespmem:$0x1EF00] =	vst v63  }
0x1c4: {  	s3 =	sld [smem:$0x7E0]  }
0x1c5: {  	[spmem:s1] =	stream.linear.scatter [tilespmem:s17], [sflag:$0x2], $0x800, $0x38;
	[tilespmem:$0x1EF00] =	vst v63  }
0x1c6: {  	s9 =	sld [smem:$0x7E1]  }
0x1c7: {  	[spmem:s3] =	stream.linear.scatter [tilespmem:s17], [sflag:$0x2], $0x800, $0x38;
	[tilespmem:$0x1EF00] =	vst v63  }
0x1c8: {  	s11 =	sld [smem:$0x7E2]  }
0x1c9: {  	[spmem:s9] =	stream.linear.scatter [tilespmem:s17], [sflag:$0x2], $0x800, $0x38;
	[tilespmem:$0x1EF00] =	vst v63  }
0x1ca: {  	s31 =	sld [smem:$0x7E3]  }
0x1cb: {  	[spmem:s11] =	stream.linear.scatter [tilespmem:s17], [sflag:$0x2], $0x800, $0x38;
	[tilespmem:$0x1EF00] =	vst v63  }
0x1cc: {  	s1 =	sld [smem:$0x7E4]  }
0x1cd: {  	[spmem:s31] =	stream.linear.scatter [tilespmem:s17], [sflag:$0x2], $0x800, $0x38;
	[tilespmem:$0x1EF00] =	vst v63  }
0x1ce: {  	s3 =	sld [smem:$0x7E5]  }
0x1cf: {  	[spmem:s1] =	stream.linear.scatter [tilespmem:s17], [sflag:$0x2], $0x800, $0x38;
	[tilespmem:$0x1EF00] =	vst v63  }
0x1d0: {  	s9 =	sld [smem:$0x7E6]  }
0x1d1: {  	[spmem:s3] =	stream.linear.scatter [tilespmem:s17], [sflag:$0x2], $0x800, $0x38;
	[tilespmem:$0x1EF00] =	vst v63  }
0x1d2: {  	s11 =	sld [smem:$0x7E7]  }
0x1d3: {  	[spmem:s9] =	stream.linear.scatter [tilespmem:s17], [sflag:$0x2], $0x800, $0x38;
	[tilespmem:$0x1EF00] =	vst v63  }
0x1d4: {  	s31 =	sld [smem:$0x7E8]  }
0x1d5: {  	[spmem:s11] =	stream.linear.scatter [tilespmem:s17], [sflag:$0x2], $0x800, $0x38;
	[tilespmem:$0x1EF00] =	vst v63  }
0x1d6: {  	s1 =	sld [smem:$0x7E9]  }
0x1d7: {  	[spmem:s31] =	stream.linear.scatter [tilespmem:s17], [sflag:$0x2], $0x800, $0x38;
	[tilespmem:$0x1EF00] =	vst v63  }
0x1d8: {  	s3 =	sld [smem:$0x7EA]  }
0x1d9: {  	[spmem:s1] =	stream.linear.scatter [tilespmem:s17], [sflag:$0x2], $0x800, $0x38;
	[tilespmem:$0x1EF00] =	vst v63  }
0x1da: {  	s9 =	sld [smem:$0x7EB]  }
0x1db: {  	[spmem:s3] =	stream.linear.scatter [tilespmem:s17], [sflag:$0x2], $0x800, $0x38;
	[tilespmem:$0x1EF00] =	vst v63  }
0x1dc: {  	s11 =	sld [smem:$0x7EC]  }
0x1dd: {  	[spmem:s9] =	stream.linear.scatter [tilespmem:s17], [sflag:$0x2], $0x800, $0x38;
	[tilespmem:$0x1EF00] =	vst v63  }
0x1de: {  	s31 =	sld [smem:$0x7ED]  }
0x1df: {  	[spmem:s11] =	stream.linear.scatter [tilespmem:s17], [sflag:$0x2], $0x800, $0x38;
	[tilespmem:$0x1EF00] =	vst v63  }
0x1e0: {  	s1 =	sld [smem:$0x7EE]  }
0x1e1: {  	[spmem:s31] =	stream.linear.scatter [tilespmem:s17], [sflag:$0x2], $0x800, $0x38;
	[tilespmem:$0x1EF00] =	vst v63  }
0x1e2: {  	s3 =	sld [smem:$0x7EF]  }
0x1e3: {  	[spmem:s1] =	stream.linear.scatter [tilespmem:s17], [sflag:$0x2], $0x800, $0x38;
	[tilespmem:$0x1EF00] =	vst v63  }
0x1e4: {  	s9 =	sld [smem:$0x7F0]  }
0x1e5: {  	[spmem:s3] =	stream.linear.scatter [tilespmem:s17], [sflag:$0x2], $0x800, $0x38;
	[tilespmem:$0x1EF00] =	vst v63  }
0x1e6: {  	s11 =	sld [smem:$0x7F1]  }
0x1e7: {  	[spmem:s9] =	stream.linear.scatter [tilespmem:s17], [sflag:$0x2], $0x800, $0x38;
	[tilespmem:$0x1EF00] =	vst v63  }
0x1e8: {  	s31 =	sld [smem:$0x7F2]  }
0x1e9: {  	[spmem:s11] =	stream.linear.scatter [tilespmem:s17], [sflag:$0x2], $0x800, $0x38;
	[tilespmem:$0x1EF00] =	vst v63  }
0x1ea: {  	s1 =	sld [smem:$0x7F3]  }
0x1eb: {  	[spmem:s31] =	stream.linear.scatter [tilespmem:s17], [sflag:$0x2], $0x800, $0x38;
	[tilespmem:$0x1EF00] =	vst v63  }
0x1ec: {  	s3 =	sld [smem:$0x7F4]  }
0x1ed: {  	[spmem:s1] =	stream.linear.scatter [tilespmem:s17], [sflag:$0x2], $0x800, $0x38;
	[tilespmem:$0x1EF00] =	vst v63  }
0x1ee: {  	s9 =	sld [smem:$0x7F5]  }
0x1ef: {  	[spmem:s3] =	stream.linear.scatter [tilespmem:s17], [sflag:$0x2], $0x800, $0x38;
	[tilespmem:$0x1EF00] =	vst v63  }
0x1f0: {  	s11 =	sld [smem:$0x7F6]  }
0x1f1: {  	[spmem:s9] =	stream.linear.scatter [tilespmem:s17], [sflag:$0x2], $0x800, $0x38;
	[tilespmem:$0x1EF00] =	vst v63  }
0x1f2: {  	s31 =	sld [smem:$0x7F7]  }
0x1f3: {  	[spmem:s11] =	stream.linear.scatter [tilespmem:s17], [sflag:$0x2], $0x800, $0x38;
	[tilespmem:$0x1EF00] =	vst v63  }
0x1f4: {  	s1 =	sld [smem:$0x7F8]  }
0x1f5: {  	[spmem:s31] =	stream.linear.scatter [tilespmem:s17], [sflag:$0x2], $0x800, $0x38;
	[tilespmem:$0x1EF00] =	vst v63  }
0x1f6: {  	s3 =	sld [smem:$0x7F9]  }
0x1f7: {  	[spmem:s1] =	stream.linear.scatter [tilespmem:s17], [sflag:$0x2], $0x800, $0x38;
	[tilespmem:$0x1EF00] =	vst v63  }
0x1f8: {  	s9 =	sld [smem:$0x7FA]  }
0x1f9: {  	[spmem:s3] =	stream.linear.scatter [tilespmem:s17], [sflag:$0x2], $0x800, $0x38;
	[tilespmem:$0x1EF00] =	vst v63  }
0x1fa: {  	s11 =	sld [smem:$0x7FB]  }
0x1fb: {  	[spmem:s9] =	stream.linear.scatter [tilespmem:s17], [sflag:$0x2], $0x800, $0x38;
	[tilespmem:$0x1EF00] =	vst v63  }
0x1fc: {  	s31 =	sld [smem:$0x7FD]  }
0x1fd: {  	[spmem:s11] =	stream.linear.scatter [tilespmem:s17], [sflag:$0x2], $0x800, $0x38;
	[tilespmem:$0x1EF00] =	vst v63  }
0x1fe: {  	_ = 	snop  }
0x1ff: {  	[spmem:s31] =	stream.linear.scatter [tilespmem:s17], [sflag:$0x2], $0x800, $0x38;
	[tilespmem:$0x1EF00] =	vst v63  }
0x200: {  	_ =	swait.ge [sflag:s18], $0x800  }
0x201: {  	s1 =	simm.s32 $0x2F;
	[sflag:s18] =	ssyncset.done $0x0  }
.LBB2_12:
0x202: {  	p0 =	sne.s32 s1, $0x1;
	s1 =	sadd.s32 $0xFFFFFFFF, s1;
	[sflag:s18] =	ssyncadd.s32 $0xFFFFF800  }
.Ltmp5:
0x203: {  	(pc) =	sbr.rel @p0 .LBB2_12-.Ltmp5, $3  }
0x204: {  	_ =	sdelay $0x1  }
0x205: {  	_ =	swait.ge [sflag:s18], $0x800  }
0x206: {  	[sflag:s18] =	ssyncset.done $0x0  }
0x207: {  	s0 =	sld [smem:$0x7C7];
	_ =	sdelay $0x1  }
0x208: {  	[sflag:s18] =	ssyncadd.s32 $0xFFFFF800  }
0x209: {  	[spmem:s0] =	stream.linear.scatter [tilespmem:s17], [sflag:$0x3], $0x700, $0x38;
	[tilespmem:$0x1EF00] =	vst v63  }
0x20a: {  	_ =	swait.ge [sflag:s19], $0x700  }
0x20b: {  	[sflag:s19] =	ssyncset.done $0x0  }
0x20c: {  	[sflag:s19] =	ssyncadd.s32 $0xFFFFF900  }
0x20d: {  	s9 =	simm.s32 $0x0;
	s31 =	simm.s32 $0x0;
	[bflag:$0x0] =	sbarrier.arrive $0xFFFF  }
.LBB2_14:
0x20e: {  	p0 =	seq.s32 s31, $0x0  }
0x20f: {  	s0 =	simm.s32 @!p0 $0x2  }
0x210: {  	_ =	swait.ge @!p0 [sflag:s0], $0x800  }
0x211: {  	[sflag:s0] =	ssyncset.done @!p0 $0x0  }
0x212: {  	[sflag:s0] =	ssyncadd.s32 @!p0 $0xFFFFF800  }
0x213: {  	_ =	swait.ge @!p0 [sflag:s0], $0x800  }
0x214: {  	[sflag:s0] =	ssyncset.done @!p0 $0x0  }
0x215: {  	[sflag:s0] =	ssyncadd.s32 @!p0 $0xFFFFF800  }
0x216: {  	_ =	swait.ge @!p0 [sflag:s0], $0x800  }
0x217: {  	[sflag:s0] =	ssyncset.done @!p0 $0x0  }
0x218: {  	[sflag:s0] =	ssyncadd.s32 @!p0 $0xFFFFF800  }
0x219: {  	_ =	swait.ge @!p0 [sflag:s0], $0x800  }
0x21a: {  	s3 =	sld [smem:$0x7C8]  }
0x21b: {  	s1 =	smul.u32 $0x1400, s31;
	_ =	sdelay $0x1  }
0x21c: {  	s1 =	sadd.s32 s3, s1  }
0x21d: {  	[sflag:s0] =	ssyncset.done @!p0 $0x0;
	s3 =	rddreg [dreg:$0x1e];
	s1 =	sshrl.u32 s1, $0x3  }
0x21e: {  	[sflag:s0] =	ssyncadd.s32 @!p0 $0xFFFFF800;
	s0 =	sadd.s32 s3, s1  }
0x21f: {  	[tilespmem:s9], [sflag:$0x3] =	stream.linear.gather [hbm4b:s0+s9], $0x1400, $0x38;
	[tilespmem:$0x1EF00] =	vst v63  }
0x220: {  	_ =	swait.ge [sflag:s19], $0x1400  }
0x221: {  	[sflag:s19] =	ssyncset.done $0x0;
	s11 =	rddreg [dreg:$0x1f]  }
0x222: {  	[sflag:s19] =	ssyncadd.s32 $0xFFFFEC00;
	s0 =	sadd.s32 s11, s1  }
0x223: {  	[tilespmem:s6], [sflag:$0x3] =	stream.linear.gather [hbm4b:s0+s9], $0x1400, $0x38;
	[tilespmem:$0x1EF00] =	vst v63  }
0x224: {  	_ =	swait.ge [sflag:s19], $0x1400  }
0x225: {  	[sflag:s19] =	ssyncset.done $0x0  }
0x226: {  	s1 =	simm.s32 $0x0;
	[sflag:s19] =	ssyncadd.s32 $0xFFFFEC00  }
0x227: {  	[tilespmem:s17], [sflag:$0x1] =	stream.indirect.gather [hbm4b:s5+s21], $0x10, s1, s21, $0xb8;
	[tilespmem:$0x1EF00] =	vst v63  }
0x228: {  	s3 =	simm.s32 $0x80  }
0x229: {  	[tilespmem:s22], [sflag:$0x1] =	stream.indirect.gather [hbm4b:s5+s21], $0x10, s3, s21, $0xb8;
	[tilespmem:$0x1EF00] =	vst v63  }
0x22a: {  	p0 =	por $0x1, $0x1;
	s11 =	simm.s32 $0x100  }
0x22b: {  	[tilespmem:s23], [sflag:$0x1] =	stream.indirect.gather [hbm4b:s5+s21], $0x10, s11, s21, $0xb8;
	[tilespmem:$0x1EF00] =	vst v63  }
0x22c: {  	s0 =	simm.s32 @!p0 $0x2;
	s1 =	simm.s32 $0x180  }
0x22d: {  	[tilespmem:s24], [sflag:$0x1] =	stream.indirect.gather [hbm4b:s5+s21], $0x10, s1, s21, $0xb8;
	[tilespmem:$0x1EF00] =	vst v63  }
0x22e: {  	_ =	swait.ge @!p0 [sflag:s0], $0x800  }
0x22f: {  	[sflag:s0] =	ssyncset.done @!p0 $0x0  }
0x230: {  	[sflag:s0] =	ssyncadd.s32 @!p0 $0xFFFFF800  }
0x231: {  	_ =	swait.ge @!p0 [sflag:s0], $0x800  }
0x232: {  	[sflag:s0] =	ssyncset.done @!p0 $0x0  }
0x233: {  	[sflag:s0] =	ssyncadd.s32 @!p0 $0xFFFFF800  }
0x234: {  	_ =	swait.ge @!p0 [sflag:s0], $0x800  }
0x235: {  	[sflag:s0] =	ssyncset.done @!p0 $0x0  }
0x236: {  	[sflag:s0] =	ssyncadd.s32 @!p0 $0xFFFFF800  }
0x237: {  	_ =	swait.ge @!p0 [sflag:s0], $0x800  }
0x238: {  	[sflag:s0] =	ssyncset.done @!p0 $0x0  }
0x239: {  	s3 =	simm.s32 $0x200;
	[sflag:s0] =	ssyncadd.s32 @!p0 $0xFFFFF800  }
0x23a: {  	[tilespmem:s25], [sflag:$0x1] =	stream.indirect.gather [hbm4b:s5+s21], $0x10, s3, s21, $0xb8;
	[tilespmem:$0x1EF00] =	vst v63  }
0x23b: {  	s11 =	simm.s32 $0x280  }
0x23c: {  	[tilespmem:s26], [sflag:$0x1] =	stream.indirect.gather [hbm4b:s5+s21], $0x10, s11, s21, $0xb8;
	[tilespmem:$0x1EF00] =	vst v63  }
0x23d: {  	s1 =	simm.s32 $0x300  }
0x23e: {  	[tilespmem:s28], [sflag:$0x1] =	stream.indirect.gather [hbm4b:s5+s21], $0x10, s1, s21, $0xb8;
	[tilespmem:$0x1EF00] =	vst v63  }
0x23f: {  	s3 =	simm.s32 $0x380  }
0x240: {  	[tilespmem:s29], [sflag:$0x1] =	stream.indirect.gather [hbm4b:s5+s21], $0x10, s3, s21, $0xb8;
	[tilespmem:$0x1EF00] =	vst v63  }
0x241: {  	_ =	swait.ge [sflag:s30], $0x800  }
0x242: {  	[sflag:s30] =	ssyncset.done $0x0  }
0x243: {  	[sflag:s30] =	ssyncadd.s32 $0xFFFFF800  }
0x244: {  	_ =	swait.ge [sflag:s30], $0x800  }
0x245: {  	[sflag:s30] =	ssyncset.done $0x0  }
0x246: {  	[sflag:s30] =	ssyncadd.s32 $0xFFFFF800  }
0x247: {  	_ =	swait.ge [sflag:s30], $0x800  }
0x248: {  	[sflag:s30] =	ssyncset.done $0x0  }
0x249: {  	[sflag:s30] =	ssyncadd.s32 $0xFFFFF800  }
0x24a: {  	_ =	swait.ge [sflag:s30], $0x800  }
0x24b: {  	[sflag:s30] =	ssyncset.done $0x0  }
0x24c: {  	s11 =	simm.s32 $0x1400;
	[sflag:s30] =	ssyncadd.s32 $0xFFFFF800  }
0x24d: {  	[spmem:s2] =	stream.indirect.scatter.add.bf16 [tilespmem:s17], [sflag:$0x2], $0x10, s11, s21, $0xb8;
	[tilespmem:$0x1EF00] =	vst v63  }
0x24e: {  	s1 =	simm.s32 $0x1480  }
0x24f: {  	[spmem:s2] =	stream.indirect.scatter.add.bf16 [tilespmem:s22], [sflag:$0x2], $0x10, s1, s21, $0xb8;
	[tilespmem:$0x1EF00] =	vst v63  }
0x250: {  	s3 =	simm.s32 $0x1500  }
0x251: {  	[spmem:s2] =	stream.indirect.scatter.add.bf16 [tilespmem:s23], [sflag:$0x2], $0x10, s3, s21, $0xb8;
	[tilespmem:$0x1EF00] =	vst v63  }
0x252: {  	s11 =	simm.s32 $0x1580  }
0x253: {  	[spmem:s2] =	stream.indirect.scatter.add.bf16 [tilespmem:s24], [sflag:$0x2], $0x10, s11, s21, $0xb8;
	[tilespmem:$0x1EF00] =	vst v63  }
0x254: {  	_ =	swait.ge [sflag:s30], $0x800  }
0x255: {  	[sflag:s30] =	ssyncset.done $0x0  }
0x256: {  	[sflag:s30] =	ssyncadd.s32 $0xFFFFF800  }
0x257: {  	_ =	swait.ge [sflag:s30], $0x800  }
0x258: {  	[sflag:s30] =	ssyncset.done $0x0  }
0x259: {  	[sflag:s30] =	ssyncadd.s32 $0xFFFFF800  }
0x25a: {  	_ =	swait.ge [sflag:s30], $0x800  }
0x25b: {  	[sflag:s30] =	ssyncset.done $0x0  }
0x25c: {  	[sflag:s30] =	ssyncadd.s32 $0xFFFFF800  }
0x25d: {  	_ =	swait.ge [sflag:s30], $0x800  }
0x25e: {  	[sflag:s30] =	ssyncset.done $0x0  }
0x25f: {  	[sflag:s30] =	ssyncadd.s32 $0xFFFFF800  }
0x260: {  	_ =	swait.ge [sflag:s18], $0x800  }
0x261: {  	[sflag:s18] =	ssyncset.done $0x0  }
0x262: {  	[sflag:s18] =	ssyncadd.s32 $0xFFFFF800  }
0x263: {  	_ =	swait.ge [sflag:s18], $0x800  }
0x264: {  	[sflag:s18] =	ssyncset.done $0x0  }
0x265: {  	[sflag:s18] =	ssyncadd.s32 $0xFFFFF800  }
0x266: {  	_ =	swait.ge [sflag:s18], $0x800  }
0x267: {  	[sflag:s18] =	ssyncset.done $0x0  }
0x268: {  	[sflag:s18] =	ssyncadd.s32 $0xFFFFF800  }
0x269: {  	_ =	swait.ge [sflag:s18], $0x800  }
0x26a: {  	[sflag:s18] =	ssyncset.done $0x0  }
0x26b: {  	s1 =	simm.s32 $0x1600;
	[sflag:s18] =	ssyncadd.s32 $0xFFFFF800  }
0x26c: {  	[spmem:s2] =	stream.indirect.scatter.add.bf16 [tilespmem:s25], [sflag:$0x2], $0x10, s1, s21, $0xb8;
	[tilespmem:$0x1EF00] =	vst v63  }
0x26d: {  	s3 =	simm.s32 $0x1680  }
0x26e: {  	[spmem:s2] =	stream.indirect.scatter.add.bf16 [tilespmem:s26], [sflag:$0x2], $0x10, s3, s21, $0xb8;
	[tilespmem:$0x1EF00] =	vst v63  }
0x26f: {  	s11 =	simm.s32 $0x1700;
	s1 =	simm.s32 $0x1780;
	s3 =	simm.s32 $0x1000  }
0x270: {  	[spmem:s2] =	stream.indirect.scatter.add.bf16 [tilespmem:s28], [sflag:$0x2], $0x10, s11, s21, $0xb8;
	[tilespmem:$0x1EF00] =	vst v63  }
.LBB2_15:
0x271: {  	s0 =	smov.u32 s3;
	s3 =	sadd.s32 $0x1000, s3  }
0x272: {  	[spmem:s2] =	stream.indirect.scatter.add.bf16 [tilespmem:s29], [sflag:$0x2], $0x10, s1, s21, $0xb8;
	[tilespmem:$0x1EF00] =	vst v63  }
0x273: {  	s1 =	sshra.s32 s0, $0x2;
	p0 =	sne.s32 s3, $0x5000  }
0x274: {  	[tilespmem:s17], [sflag:$0x1] =	stream.indirect.gather [hbm4b:s5+s21], $0x10, s1, s21, $0xb8;
	[tilespmem:$0x1EF00] =	vst v63  }
0x275: {  	s11 =	sadd.s32 $0x80, s1  }
0x276: {  	[tilespmem:s22], [sflag:$0x1] =	stream.indirect.gather [hbm4b:s5+s21], $0x10, s11, s21, $0xb8;
	[tilespmem:$0x1EF00] =	vst v63  }
0x277: {  	s11 =	sadd.s32 $0x100, s1  }
0x278: {  	[tilespmem:s23], [sflag:$0x1] =	stream.indirect.gather [hbm4b:s5+s21], $0x10, s11, s21, $0xb8;
	[tilespmem:$0x1EF00] =	vst v63  }
0x279: {  	p1 =	seq.s32 s0, $0x0;
	s11 =	sadd.s32 $0x180, s1  }
0x27a: {  	[tilespmem:s24], [sflag:$0x1] =	stream.indirect.gather [hbm4b:s5+s21], $0x10, s11, s21, $0xb8;
	[tilespmem:$0x1EF00] =	vst v63  }
0x27b: {  	s0 =	simm.s32 @!p1 $0x2  }
0x27c: {  	_ =	swait.ge @!p1 [sflag:s0], $0x800  }
0x27d: {  	[sflag:s0] =	ssyncset.done @!p1 $0x0  }
0x27e: {  	[sflag:s0] =	ssyncadd.s32 @!p1 $0xFFFFF800  }
0x27f: {  	_ =	swait.ge @!p1 [sflag:s0], $0x800  }
0x280: {  	[sflag:s0] =	ssyncset.done @!p1 $0x0  }
0x281: {  	[sflag:s0] =	ssyncadd.s32 @!p1 $0xFFFFF800  }
0x282: {  	_ =	swait.ge @!p1 [sflag:s0], $0x800  }
0x283: {  	[sflag:s0] =	ssyncset.done @!p1 $0x0  }
0x284: {  	[sflag:s0] =	ssyncadd.s32 @!p1 $0xFFFFF800  }
0x285: {  	_ =	swait.ge @!p1 [sflag:s0], $0x800  }
0x286: {  	s11 =	sadd.s32 $0x200, s1;
	[sflag:s0] =	ssyncset.done @!p1 $0x0  }
0x287: {  	[sflag:s0] =	ssyncadd.s32 @!p1 $0xFFFFF800;
	s0 =	sadd.s32 $0x280, s1  }
0x288: {  	[tilespmem:s25], [sflag:$0x1] =	stream.indirect.gather [hbm4b:s5+s21], $0x10, s11, s21, $0xb8;
	[tilespmem:$0x1EF00] =	vst v63  }
0x289: {  	s11 =	sadd.s32 $0x300, s1  }
0x28a: {  	[tilespmem:s26], [sflag:$0x1] =	stream.indirect.gather [hbm4b:s5+s21], $0x10, s0, s21, $0xb8;
	[tilespmem:$0x1EF00] =	vst v63  }
0x28b: {  	s0 =	sadd.s32 $0x380, s1  }
0x28c: {  	[tilespmem:s28], [sflag:$0x1] =	stream.indirect.gather [hbm4b:s5+s21], $0x10, s11, s21, $0xb8;
	[tilespmem:$0x1EF00] =	vst v63  }
0x28d: {  	_ = 	snop  }
0x28e: {  	[tilespmem:s29], [sflag:$0x1] =	stream.indirect.gather [hbm4b:s5+s21], $0x10, s0, s21, $0xb8;
	[tilespmem:$0x1EF00] =	vst v63  }
0x28f: {  	_ =	swait.ge [sflag:s30], $0x800  }
0x290: {  	[sflag:s30] =	ssyncset.done $0x0  }
0x291: {  	[sflag:s30] =	ssyncadd.s32 $0xFFFFF800  }
0x292: {  	_ =	swait.ge [sflag:s30], $0x800  }
0x293: {  	[sflag:s30] =	ssyncset.done $0x0  }
0x294: {  	[sflag:s30] =	ssyncadd.s32 $0xFFFFF800  }
0x295: {  	_ =	swait.ge [sflag:s30], $0x800  }
0x296: {  	[sflag:s30] =	ssyncset.done $0x0  }
0x297: {  	[sflag:s30] =	ssyncadd.s32 $0xFFFFF800  }
0x298: {  	_ =	swait.ge [sflag:s30], $0x800  }
0x299: {  	s0 =	sadd.s32 $0x1400, s1;
	[sflag:s30] =	ssyncset.done $0x0  }
0x29a: {  	s11 =	sadd.s32 $0x1480, s1;
	[sflag:s30] =	ssyncadd.s32 $0xFFFFF800  }
0x29b: {  	[spmem:s2] =	stream.indirect.scatter.add.bf16 [tilespmem:s17], [sflag:$0x2], $0x10, s0, s21, $0xb8;
	[tilespmem:$0x1EF00] =	vst v63  }
0x29c: {  	s0 =	sadd.s32 $0x1500, s1  }
0x29d: {  	[spmem:s2] =	stream.indirect.scatter.add.bf16 [tilespmem:s22], [sflag:$0x2], $0x10, s11, s21, $0xb8;
	[tilespmem:$0x1EF00] =	vst v63  }
0x29e: {  	s11 =	sadd.s32 $0x1580, s1  }
0x29f: {  	[spmem:s2] =	stream.indirect.scatter.add.bf16 [tilespmem:s23], [sflag:$0x2], $0x10, s0, s21, $0xb8;
	[tilespmem:$0x1EF00] =	vst v63  }
0x2a0: {  	_ = 	snop  }
0x2a1: {  	[spmem:s2] =	stream.indirect.scatter.add.bf16 [tilespmem:s24], [sflag:$0x2], $0x10, s11, s21, $0xb8;
	[tilespmem:$0x1EF00] =	vst v63  }
0x2a2: {  	_ =	swait.ge [sflag:s30], $0x800  }
0x2a3: {  	[sflag:s30] =	ssyncset.done $0x0  }
0x2a4: {  	[sflag:s30] =	ssyncadd.s32 $0xFFFFF800  }
0x2a5: {  	_ =	swait.ge [sflag:s30], $0x800  }
0x2a6: {  	[sflag:s30] =	ssyncset.done $0x0  }
0x2a7: {  	[sflag:s30] =	ssyncadd.s32 $0xFFFFF800  }
0x2a8: {  	_ =	swait.ge [sflag:s30], $0x800  }
0x2a9: {  	[sflag:s30] =	ssyncset.done $0x0  }
0x2aa: {  	[sflag:s30] =	ssyncadd.s32 $0xFFFFF800  }
0x2ab: {  	_ =	swait.ge [sflag:s30], $0x800  }
0x2ac: {  	[sflag:s30] =	ssyncset.done $0x0  }
0x2ad: {  	[sflag:s30] =	ssyncadd.s32 $0xFFFFF800  }
0x2ae: {  	_ =	swait.ge [sflag:s18], $0x800  }
0x2af: {  	[sflag:s18] =	ssyncset.done $0x0  }
0x2b0: {  	[sflag:s18] =	ssyncadd.s32 $0xFFFFF800  }
0x2b1: {  	_ =	swait.ge [sflag:s18], $0x800  }
0x2b2: {  	[sflag:s18] =	ssyncset.done $0x0  }
0x2b3: {  	[sflag:s18] =	ssyncadd.s32 $0xFFFFF800  }
0x2b4: {  	_ =	swait.ge [sflag:s18], $0x800  }
0x2b5: {  	[sflag:s18] =	ssyncset.done $0x0  }
0x2b6: {  	[sflag:s18] =	ssyncadd.s32 $0xFFFFF800  }
0x2b7: {  	_ =	swait.ge [sflag:s18], $0x800  }
0x2b8: {  	s0 =	sadd.s32 $0x1600, s1;
	[sflag:s18] =	ssyncset.done $0x0  }
0x2b9: {  	s11 =	sadd.s32 $0x1680, s1;
	[sflag:s18] =	ssyncadd.s32 $0xFFFFF800  }
0x2ba: {  	[spmem:s2] =	stream.indirect.scatter.add.bf16 [tilespmem:s25], [sflag:$0x2], $0x10, s0, s21, $0xb8;
	[tilespmem:$0x1EF00] =	vst v63  }
.Ltmp6:
0x2bb: {  	_ = 	snop;
	(pc) =	sbr.rel @p0 .LBB2_15-.Ltmp6, $4  }
0x2bc: {  	s0 =	sadd.s32 $0x1700, s1  }
0x2bd: {  	[spmem:s2] =	stream.indirect.scatter.add.bf16 [tilespmem:s26], [sflag:$0x2], $0x10, s11, s21, $0xb8;
	[tilespmem:$0x1EF00] =	vst v63  }
0x2be: {  	s1 =	sadd.s32 $0x1780, s1  }
0x2bf: {  	[spmem:s2] =	stream.indirect.scatter.add.bf16 [tilespmem:s28], [sflag:$0x2], $0x10, s0, s21, $0xb8;
	[tilespmem:$0x1EF00] =	vst v63  }
0x2c0: {  	s31 =	sadd.s32 $0x1, s31  }
0x2c1: {  	p0 =	sne.s32 s31, $0x5  }
.Ltmp7:
0x2c2: {  	_ = 	snop;
	(pc) =	sbr.rel @p0 .LBB2_14-.Ltmp7, $2  }
0x2c3: {  	_ =	sdelay $0x2  }
0x2c4: {  	[spmem:s2] =	stream.indirect.scatter.add.bf16 [tilespmem:s29], [sflag:$0x2], $0x10, s1, s21, $0xb8;
	[tilespmem:$0x1EF00] =	vst v63  }
0x2c5: {  	_ =	swait.ge [sflag:s18], $0x800  }
0x2c6: {  	[sflag:s18] =	ssyncset.done $0x0  }
0x2c7: {  	[sflag:s18] =	ssyncadd.s32 $0xFFFFF800  }
0x2c8: {  	_ =	swait.ge [sflag:s18], $0x800  }
0x2c9: {  	[sflag:s18] =	ssyncset.done $0x0  }
0x2ca: {  	[sflag:s18] =	ssyncadd.s32 $0xFFFFF800  }
0x2cb: {  	_ =	swait.ge [sflag:s18], $0x800  }
0x2cc: {  	[sflag:s18] =	ssyncset.done $0x0  }
0x2cd: {  	[sflag:s18] =	ssyncadd.s32 $0xFFFFF800  }
0x2ce: {  	_ =	swait.ge [sflag:s18], $0x800  }
0x2cf: {  	[sflag:s18] =	ssyncset.done $0x0  }
0x2d0: {  	[sflag:s18] =	ssyncadd.s32 $0xFFFFF800  }
0x2d1: {  	[bflag:$0x0] =	sbarrier.arrive $0xFFFF  }
0x2d2: {  	s0 =	sld [smem:$0x7CB];
	_ =	sdelay $0x2  }
0x2d3: {  	[hbm:s0], [sflag:s7] =	dma.local [spmem:s8], $0x30E0  }
0x2d4: {  	_ =	swait.ge [sflag:s19], $0x30E0  }
0x2d5: {  	[sflag:s19] =	ssyncset.done $0x0  }
0x2d6: {  	s1 =	simm.s32 $0x40;
	s3 =	simm.s32 $0x0;
	[sflag:s19] =	ssyncadd.s32 $0xFFFFCF20  }
.LBB2_18:
0x2d7: {  	p0 =	sne.s32 s1, $0x1FC0;
	[tilespmem:s3+$0x2800] =	vst v0;
	s0 =	smov.u32 s1;
	s1 =	sadd.s32 $0x40, s1  }
.Ltmp8:
0x2d8: {  	(pc) =	sbr.rel @p0 .LBB2_18-.Ltmp8, $2  }
0x2d9: {  	_ =	sdelay $0x2  }
0x2da: {  	s3 =	sshra.s32 s0, $0x2  }
0x2db: {  	s0 =	sld [smem:$0x7FC];
	_ =	sdelay $0x1  }
0x2dc: {  	[tilespmem:s3+$0x2800] =	vst v0;
	s11 =	sld [smem:$0x7CE]  }
0x2dd: {  	[spmem:s0] =	stream.linear.scatter [tilespmem:s17], [sflag:$0x2], $0x800, $0x38;
	[tilespmem:$0x1EF00] =	vst v63  }
0x2de: {  	s31 =	sld [smem:$0x7CF]  }
0x2df: {  	[spmem:s11] =	stream.linear.scatter [tilespmem:s17], [sflag:$0x2], $0x800, $0x38;
	[tilespmem:$0x1EF00] =	vst v63  }
0x2e0: {  	s1 =	sld [smem:$0x7D0]  }
0x2e1: {  	[spmem:s31] =	stream.linear.scatter [tilespmem:s17], [sflag:$0x2], $0x800, $0x38;
	[tilespmem:$0x1EF00] =	vst v63  }
0x2e2: {  	s3 =	sld [smem:$0x7D1]  }
0x2e3: {  	[spmem:s1] =	stream.linear.scatter [tilespmem:s17], [sflag:$0x2], $0x800, $0x38;
	[tilespmem:$0x1EF00] =	vst v63  }
0x2e4: {  	s9 =	sld [smem:$0x7D2]  }
0x2e5: {  	[spmem:s3] =	stream.linear.scatter [tilespmem:s17], [sflag:$0x2], $0x800, $0x38;
	[tilespmem:$0x1EF00] =	vst v63  }
0x2e6: {  	s11 =	sld [smem:$0x7D3]  }
0x2e7: {  	[spmem:s9] =	stream.linear.scatter [tilespmem:s17], [sflag:$0x2], $0x800, $0x38;
	[tilespmem:$0x1EF00] =	vst v63  }
0x2e8: {  	s31 =	sld [smem:$0x7D4]  }
0x2e9: {  	[spmem:s11] =	stream.linear.scatter [tilespmem:s17], [sflag:$0x2], $0x800, $0x38;
	[tilespmem:$0x1EF00] =	vst v63  }
0x2ea: {  	s1 =	sld [smem:$0x7D5]  }
0x2eb: {  	[spmem:s31] =	stream.linear.scatter [tilespmem:s17], [sflag:$0x2], $0x800, $0x38;
	[tilespmem:$0x1EF00] =	vst v63  }
0x2ec: {  	s3 =	sld [smem:$0x7D6]  }
0x2ed: {  	[spmem:s1] =	stream.linear.scatter [tilespmem:s17], [sflag:$0x2], $0x800, $0x38;
	[tilespmem:$0x1EF00] =	vst v63  }
0x2ee: {  	s9 =	sld [smem:$0x7D7]  }
0x2ef: {  	[spmem:s3] =	stream.linear.scatter [tilespmem:s17], [sflag:$0x2], $0x800, $0x38;
	[tilespmem:$0x1EF00] =	vst v63  }
0x2f0: {  	s11 =	sld [smem:$0x7D8]  }
0x2f1: {  	[spmem:s9] =	stream.linear.scatter [tilespmem:s17], [sflag:$0x2], $0x800, $0x38;
	[tilespmem:$0x1EF00] =	vst v63  }
0x2f2: {  	s31 =	sld [smem:$0x7D9]  }
0x2f3: {  	[spmem:s11] =	stream.linear.scatter [tilespmem:s17], [sflag:$0x2], $0x800, $0x38;
	[tilespmem:$0x1EF00] =	vst v63  }
0x2f4: {  	s1 =	sld [smem:$0x7DA]  }
0x2f5: {  	[spmem:s31] =	stream.linear.scatter [tilespmem:s17], [sflag:$0x2], $0x800, $0x38;
	[tilespmem:$0x1EF00] =	vst v63  }
0x2f6: {  	s3 =	sld [smem:$0x7DB]  }
0x2f7: {  	[spmem:s1] =	stream.linear.scatter [tilespmem:s17], [sflag:$0x2], $0x800, $0x38;
	[tilespmem:$0x1EF00] =	vst v63  }
0x2f8: {  	s9 =	sld [smem:$0x7DC]  }
0x2f9: {  	[spmem:s3] =	stream.linear.scatter [tilespmem:s17], [sflag:$0x2], $0x800, $0x38;
	[tilespmem:$0x1EF00] =	vst v63  }
0x2fa: {  	s11 =	sld [smem:$0x7DD]  }
0x2fb: {  	[spmem:s9] =	stream.linear.scatter [tilespmem:s17], [sflag:$0x2], $0x800, $0x38;
	[tilespmem:$0x1EF00] =	vst v63  }
0x2fc: {  	s31 =	sld [smem:$0x7DE]  }
0x2fd: {  	[spmem:s11] =	stream.linear.scatter [tilespmem:s17], [sflag:$0x2], $0x800, $0x38;
	[tilespmem:$0x1EF00] =	vst v63  }
0x2fe: {  	s1 =	sld [smem:$0x7DF]  }
0x2ff: {  	[spmem:s31] =	stream.linear.scatter [tilespmem:s17], [sflag:$0x2], $0x800, $0x38;
	[tilespmem:$0x1EF00] =	vst v63  }
0x300: {  	s3 =	sld [smem:$0x7E0]  }
0x301: {  	[spmem:s1] =	stream.linear.scatter [tilespmem:s17], [sflag:$0x2], $0x800, $0x38;
	[tilespmem:$0x1EF00] =	vst v63  }
0x302: {  	s9 =	sld [smem:$0x7E1]  }
0x303: {  	[spmem:s3] =	stream.linear.scatter [tilespmem:s17], [sflag:$0x2], $0x800, $0x38;
	[tilespmem:$0x1EF00] =	vst v63  }
0x304: {  	s11 =	sld [smem:$0x7E2]  }
0x305: {  	[spmem:s9] =	stream.linear.scatter [tilespmem:s17], [sflag:$0x2], $0x800, $0x38;
	[tilespmem:$0x1EF00] =	vst v63  }
0x306: {  	s31 =	sld [smem:$0x7E3]  }
0x307: {  	[spmem:s11] =	stream.linear.scatter [tilespmem:s17], [sflag:$0x2], $0x800, $0x38;
	[tilespmem:$0x1EF00] =	vst v63  }
0x308: {  	s1 =	sld [smem:$0x7E4]  }
0x309: {  	[spmem:s31] =	stream.linear.scatter [tilespmem:s17], [sflag:$0x2], $0x800, $0x38;
	[tilespmem:$0x1EF00] =	vst v63  }
0x30a: {  	s3 =	sld [smem:$0x7E5]  }
0x30b: {  	[spmem:s1] =	stream.linear.scatter [tilespmem:s17], [sflag:$0x2], $0x800, $0x38;
	[tilespmem:$0x1EF00] =	vst v63  }
0x30c: {  	s9 =	sld [smem:$0x7E6]  }
0x30d: {  	[spmem:s3] =	stream.linear.scatter [tilespmem:s17], [sflag:$0x2], $0x800, $0x38;
	[tilespmem:$0x1EF00] =	vst v63  }
0x30e: {  	s11 =	sld [smem:$0x7E7]  }
0x30f: {  	[spmem:s9] =	stream.linear.scatter [tilespmem:s17], [sflag:$0x2], $0x800, $0x38;
	[tilespmem:$0x1EF00] =	vst v63  }
0x310: {  	s31 =	sld [smem:$0x7E8]  }
0x311: {  	[spmem:s11] =	stream.linear.scatter [tilespmem:s17], [sflag:$0x2], $0x800, $0x38;
	[tilespmem:$0x1EF00] =	vst v63  }
0x312: {  	s1 =	sld [smem:$0x7E9]  }
0x313: {  	[spmem:s31] =	stream.linear.scatter [tilespmem:s17], [sflag:$0x2], $0x800, $0x38;
	[tilespmem:$0x1EF00] =	vst v63  }
0x314: {  	s3 =	sld [smem:$0x7EA]  }
0x315: {  	[spmem:s1] =	stream.linear.scatter [tilespmem:s17], [sflag:$0x2], $0x800, $0x38;
	[tilespmem:$0x1EF00] =	vst v63  }
0x316: {  	s9 =	sld [smem:$0x7EB]  }
0x317: {  	[spmem:s3] =	stream.linear.scatter [tilespmem:s17], [sflag:$0x2], $0x800, $0x38;
	[tilespmem:$0x1EF00] =	vst v63  }
0x318: {  	s11 =	sld [smem:$0x7EC]  }
0x319: {  	[spmem:s9] =	stream.linear.scatter [tilespmem:s17], [sflag:$0x2], $0x800, $0x38;
	[tilespmem:$0x1EF00] =	vst v63  }
0x31a: {  	s31 =	sld [smem:$0x7ED]  }
0x31b: {  	[spmem:s11] =	stream.linear.scatter [tilespmem:s17], [sflag:$0x2], $0x800, $0x38;
	[tilespmem:$0x1EF00] =	vst v63  }
0x31c: {  	s1 =	sld [smem:$0x7EE]  }
0x31d: {  	[spmem:s31] =	stream.linear.scatter [tilespmem:s17], [sflag:$0x2], $0x800, $0x38;
	[tilespmem:$0x1EF00] =	vst v63  }
0x31e: {  	s3 =	sld [smem:$0x7EF]  }
0x31f: {  	[spmem:s1] =	stream.linear.scatter [tilespmem:s17], [sflag:$0x2], $0x800, $0x38;
	[tilespmem:$0x1EF00] =	vst v63  }
0x320: {  	s9 =	sld [smem:$0x7F0]  }
0x321: {  	[spmem:s3] =	stream.linear.scatter [tilespmem:s17], [sflag:$0x2], $0x800, $0x38;
	[tilespmem:$0x1EF00] =	vst v63  }
0x322: {  	s11 =	sld [smem:$0x7F1]  }
0x323: {  	[spmem:s9] =	stream.linear.scatter [tilespmem:s17], [sflag:$0x2], $0x800, $0x38;
	[tilespmem:$0x1EF00] =	vst v63  }
0x324: {  	s31 =	sld [smem:$0x7F2]  }
0x325: {  	[spmem:s11] =	stream.linear.scatter [tilespmem:s17], [sflag:$0x2], $0x800, $0x38;
	[tilespmem:$0x1EF00] =	vst v63  }
0x326: {  	s1 =	sld [smem:$0x7F3]  }
0x327: {  	[spmem:s31] =	stream.linear.scatter [tilespmem:s17], [sflag:$0x2], $0x800, $0x38;
	[tilespmem:$0x1EF00] =	vst v63  }
0x328: {  	s3 =	sld [smem:$0x7F4]  }
0x329: {  	[spmem:s1] =	stream.linear.scatter [tilespmem:s17], [sflag:$0x2], $0x800, $0x38;
	[tilespmem:$0x1EF00] =	vst v63  }
0x32a: {  	s9 =	sld [smem:$0x7F5]  }
0x32b: {  	[spmem:s3] =	stream.linear.scatter [tilespmem:s17], [sflag:$0x2], $0x800, $0x38;
	[tilespmem:$0x1EF00] =	vst v63  }
0x32c: {  	s11 =	sld [smem:$0x7F6]  }
0x32d: {  	[spmem:s9] =	stream.linear.scatter [tilespmem:s17], [sflag:$0x2], $0x800, $0x38;
	[tilespmem:$0x1EF00] =	vst v63  }
0x32e: {  	s31 =	sld [smem:$0x7F7]  }
0x32f: {  	[spmem:s11] =	stream.linear.scatter [tilespmem:s17], [sflag:$0x2], $0x800, $0x38;
	[tilespmem:$0x1EF00] =	vst v63  }
0x330: {  	s1 =	sld [smem:$0x7F8]  }
0x331: {  	[spmem:s31] =	stream.linear.scatter [tilespmem:s17], [sflag:$0x2], $0x800, $0x38;
	[tilespmem:$0x1EF00] =	vst v63  }
0x332: {  	s3 =	sld [smem:$0x7F9]  }
0x333: {  	[spmem:s1] =	stream.linear.scatter [tilespmem:s17], [sflag:$0x2], $0x800, $0x38;
	[tilespmem:$0x1EF00] =	vst v63  }
0x334: {  	s9 =	sld [smem:$0x7FA]  }
0x335: {  	[spmem:s3] =	stream.linear.scatter [tilespmem:s17], [sflag:$0x2], $0x800, $0x38;
	[tilespmem:$0x1EF00] =	vst v63  }
0x336: {  	s11 =	sld [smem:$0x7FB]  }
0x337: {  	[spmem:s9] =	stream.linear.scatter [tilespmem:s17], [sflag:$0x2], $0x800, $0x38;
	[tilespmem:$0x1EF00] =	vst v63  }
0x338: {  	s31 =	sld [smem:$0x7FD]  }
0x339: {  	[spmem:s11] =	stream.linear.scatter [tilespmem:s17], [sflag:$0x2], $0x800, $0x38;
	[tilespmem:$0x1EF00] =	vst v63  }
0x33a: {  	_ = 	snop  }
0x33b: {  	[spmem:s31] =	stream.linear.scatter [tilespmem:s17], [sflag:$0x2], $0x800, $0x38;
	[tilespmem:$0x1EF00] =	vst v63  }
0x33c: {  	_ =	swait.ge [sflag:s18], $0x800  }
0x33d: {  	s1 =	simm.s32 $0x2F;
	s9 =	simm.s32 $0x0;
	[sflag:s18] =	ssyncset.done $0x0  }
.LBB2_20:
0x33e: {  	p0 =	sne.s32 s1, $0x1;
	s1 =	sadd.s32 $0xFFFFFFFF, s1;
	[sflag:s18] =	ssyncadd.s32 $0xFFFFF800  }
.Ltmp9:
0x33f: {  	(pc) =	sbr.rel @p0 .LBB2_20-.Ltmp9, $3  }
0x340: {  	_ =	sdelay $0x1  }
0x341: {  	_ =	swait.ge [sflag:s18], $0x800  }
0x342: {  	[sflag:s18] =	ssyncset.done $0x0  }
0x343: {  	s0 =	sld [smem:$0x7C7];
	_ =	sdelay $0x1  }
0x344: {  	[sflag:s18] =	ssyncadd.s32 $0xFFFFF800  }
0x345: {  	[spmem:s0] =	stream.linear.scatter [tilespmem:s17], [sflag:$0x3], $0x700, $0x38;
	[tilespmem:$0x1EF00] =	vst v63  }
0x346: {  	_ =	swait.ge [sflag:s19], $0x700  }
0x347: {  	[sflag:s19] =	ssyncset.done $0x0  }
0x348: {  	[sflag:s19] =	ssyncadd.s32 $0xFFFFF900  }
0x349: {  	s1 =	simm.s32 $0x40;
	s3 =	simm.s32 $0x0;
	[bflag:$0x0] =	sbarrier.arrive $0xFFFF  }
.LBB2_22:
0x34a: {  	p0 =	sne.s32 s1, $0x1FC0;
	[tilespmem:s3+$0x2800] =	vst v1;
	s0 =	smov.u32 s1;
	s1 =	sadd.s32 $0x40, s1  }
.Ltmp10:
0x34b: {  	(pc) =	sbr.rel @p0 .LBB2_22-.Ltmp10, $2  }
0x34c: {  	_ =	sdelay $0x2  }
0x34d: {  	s3 =	sshra.s32 s0, $0x2  }
0x34e: {  	[tilespmem:s3+$0x2800] =	vst v1;
	s1 =	simm.s32 $0x40;
	s3 =	simm.s32 $0x0  }
.LBB2_24:
0x34f: {  	p0 =	sne.s32 s1, $0x1FC0;
	[tilespmem:s3+$0x3000] =	vst v1;
	s0 =	smov.u32 s1;
	s1 =	sadd.s32 $0x40, s1  }
.Ltmp11:
0x350: {  	(pc) =	sbr.rel @p0 .LBB2_24-.Ltmp11, $2  }
0x351: {  	_ =	sdelay $0x2  }
0x352: {  	s3 =	sshra.s32 s0, $0x2  }
0x353: {  	[tilespmem:s3+$0x3000] =	vst v1;
	s1 =	simm.s32 $0x40;
	s3 =	simm.s32 $0x0  }
.LBB2_26:
0x354: {  	p0 =	sne.s32 s1, $0x1FC0;
	[tilespmem:s3+$0x3800] =	vst v1;
	s0 =	smov.u32 s1;
	s1 =	sadd.s32 $0x40, s1  }
.Ltmp12:
0x355: {  	(pc) =	sbr.rel @p0 .LBB2_26-.Ltmp12, $2  }
0x356: {  	_ =	sdelay $0x2  }
0x357: {  	s3 =	sshra.s32 s0, $0x2  }
0x358: {  	[tilespmem:s3+$0x3800] =	vst v1;
	s1 =	simm.s32 $0x40;
	s3 =	simm.s32 $0x0  }
.LBB2_28:
0x359: {  	p0 =	sne.s32 s1, $0x1FC0;
	[tilespmem:s3+$0x4000] =	vst v1;
	s0 =	smov.u32 s1;
	s1 =	sadd.s32 $0x40, s1  }
.Ltmp13:
0x35a: {  	(pc) =	sbr.rel @p0 .LBB2_28-.Ltmp13, $2  }
0x35b: {  	_ =	sdelay $0x2  }
0x35c: {  	s3 =	sshra.s32 s0, $0x2  }
0x35d: {  	[tilespmem:s3+$0x4000] =	vst v1;
	s1 =	simm.s32 $0x40;
	s3 =	simm.s32 $0x0  }
.LBB2_30:
0x35e: {  	p0 =	sne.s32 s1, $0x1FC0;
	[tilespmem:s3+$0x4800] =	vst v1;
	s0 =	smov.u32 s1;
	s1 =	sadd.s32 $0x40, s1  }
.Ltmp14:
0x35f: {  	(pc) =	sbr.rel @p0 .LBB2_30-.Ltmp14, $2  }
0x360: {  	_ =	sdelay $0x2  }
0x361: {  	s3 =	sshra.s32 s0, $0x2  }
0x362: {  	[tilespmem:s3+$0x4800] =	vst v1;
	s1 =	simm.s32 $0x40;
	s3 =	simm.s32 $0x0  }
.LBB2_32:
0x363: {  	p0 =	sne.s32 s1, $0x1FC0;
	[tilespmem:s3+$0x5000] =	vst v1;
	s0 =	smov.u32 s1;
	s1 =	sadd.s32 $0x40, s1  }
.Ltmp15:
0x364: {  	(pc) =	sbr.rel @p0 .LBB2_32-.Ltmp15, $2  }
0x365: {  	_ =	sdelay $0x2  }
0x366: {  	s3 =	sshra.s32 s0, $0x2  }
0x367: {  	[tilespmem:s3+$0x5000] =	vst v1;
	s1 =	simm.s32 $0x0;
	s3 =	simm.s32 $0x40;
	s31 =	simm.s32 $0x0  }
.LBB2_34:
0x368: {  	p0 =	sne.s32 s3, $0x1FC0;
	[tilespmem:s31+$0x5800] =	vst v1;
	s0 =	smov.u32 s3;
	s3 =	sadd.s32 $0x40, s3  }
.Ltmp16:
0x369: {  	(pc) =	sbr.rel @p0 .LBB2_34-.Ltmp16, $2  }
0x36a: {  	_ =	sdelay $0x2  }
0x36b: {  	s31 =	sshra.s32 s0, $0x2  }
0x36c: {  	[smem:$0x7C4] =	sst s8  }
0x36d: {  	[smem:$0x7C5] =	sst s7;
	[tilespmem:s31+$0x5800] =	vst v1  }
.LBB2_36:
0x36e: {  	p0 =	sne.s32 s1, $0x1FC0  }
.Ltmp17:
0x36f: {  	_ = 	snop;
	(pc) =	sbr.rel @p0 .LBB2_36-.Ltmp17, $3  }
0x370: {  	_ =	sdelay $0x1  }
0x371: {  	s0 =	sshra.s32 s1, $0x2  }
0x372: {  	s1 =	sadd.s32 $0x40, s1;
	[tilespmem:s0+$0x6000] =	vst v1  }
0x373: {  	s0 =	rddreg [dreg:$0x4]  }
0x374: {  	s0 =	sadd.s32 $0x0, s0  }
0x375: {  	[tilespmem:s6], [sflag:$0x3] =	stream.linear.gather [hbm4b:s0+s9], $0x1400, $0x38;
	[tilespmem:$0x1EF00] =	vst v63  }
0x376: {  	_ =	swait.ge [sflag:s19], $0x1400  }
0x377: {  	[sflag:s19] =	ssyncset.done $0x0  }
0x378: {  	[sflag:s19] =	ssyncadd.s32 $0xFFFFEC00  }
0x379: {  	[spmem:s2] =	stream.indirect.scatter.add.bf16 [tilespmem:s17], [sflag:$0x2], $0x10, s6, s21, $0xb8;
	[tilespmem:$0x1EF00] =	vst v63  }
0x37a: {  	s3 =	rddreg [dreg:$0x5]  }
0x37b: {  	[spmem:s2] =	stream.indirect.scatter.add.bf16 [tilespmem:s22], [sflag:$0x2], $0x10, s3, s21, $0xb8;
	[tilespmem:$0x1EF00] =	vst v63  }
0x37c: {  	s1 =	rddreg [dreg:$0x6]  }
0x37d: {  	[spmem:s2] =	stream.indirect.scatter.add.bf16 [tilespmem:s23], [sflag:$0x2], $0x10, s1, s21, $0xb8;
	[tilespmem:$0x1EF00] =	vst v63  }
0x37e: {  	s6 =	rddreg [dreg:$0x7]  }
0x37f: {  	[spmem:s2] =	stream.indirect.scatter.add.bf16 [tilespmem:s24], [sflag:$0x2], $0x10, s6, s21, $0xb8;
	[tilespmem:$0x1EF00] =	vst v63  }
0x380: {  	s7 =	rddreg [dreg:$0x8]  }
0x381: {  	[spmem:s2] =	stream.indirect.scatter.add.bf16 [tilespmem:s25], [sflag:$0x2], $0x10, s7, s21, $0xb8;
	[tilespmem:$0x1EF00] =	vst v63  }
0x382: {  	s8 =	rddreg [dreg:$0x9]  }
0x383: {  	[spmem:s2] =	stream.indirect.scatter.add.bf16 [tilespmem:s26], [sflag:$0x2], $0x10, s8, s21, $0xb8;
	[tilespmem:$0x1EF00] =	vst v63  }
0x384: {  	s9 =	rddreg [dreg:$0xa]  }
0x385: {  	[spmem:s2] =	stream.indirect.scatter.add.bf16 [tilespmem:s28], [sflag:$0x2], $0x10, s9, s21, $0xb8;
	[tilespmem:$0x1EF00] =	vst v63  }
0x386: {  	s11 =	rddreg [dreg:$0xb]  }
0x387: {  	[spmem:s2] =	stream.indirect.scatter.add.bf16 [tilespmem:s29], [sflag:$0x2], $0x10, s11, s21, $0xb8;
	[tilespmem:$0x1EF00] =	vst v63  }
0x388: {  	_ =	swait.ge [sflag:s18], $0x800  }
0x389: {  	[sflag:s18] =	ssyncset.done $0x0  }
0x38a: {  	[sflag:s18] =	ssyncadd.s32 $0xFFFFF800  }
0x38b: {  	_ =	swait.ge [sflag:s18], $0x800  }
0x38c: {  	[sflag:s18] =	ssyncset.done $0x0  }
0x38d: {  	[sflag:s18] =	ssyncadd.s32 $0xFFFFF800  }
0x38e: {  	_ =	swait.ge [sflag:s18], $0x800  }
0x38f: {  	[sflag:s18] =	ssyncset.done $0x0  }
0x390: {  	[sflag:s18] =	ssyncadd.s32 $0xFFFFF800  }
0x391: {  	_ =	swait.ge [sflag:s18], $0x800  }
0x392: {  	[sflag:s18] =	ssyncset.done $0x0  }
0x393: {  	[sflag:s18] =	ssyncadd.s32 $0xFFFFF800  }
0x394: {  	_ =	swait.ge [sflag:s18], $0x800  }
0x395: {  	[sflag:s18] =	ssyncset.done $0x0  }
0x396: {  	[sflag:s18] =	ssyncadd.s32 $0xFFFFF800  }
0x397: {  	_ =	swait.ge [sflag:s18], $0x800  }
0x398: {  	[sflag:s18] =	ssyncset.done $0x0  }
0x399: {  	[sflag:s18] =	ssyncadd.s32 $0xFFFFF800  }
0x39a: {  	_ =	swait.ge [sflag:s18], $0x800  }
0x39b: {  	[sflag:s18] =	ssyncset.done $0x0  }
0x39c: {  	[sflag:s18] =	ssyncadd.s32 $0xFFFFF800  }
0x39d: {  	_ =	swait.ge [sflag:s18], $0x800  }
0x39e: {  	[sflag:s18] =	ssyncset.done $0x0  }
0x39f: {  	s3 =	rddreg [dreg:$0xc];
	[sflag:s18] =	ssyncadd.s32 $0xFFFFF800  }
0x3a0: {  	[spmem:s2] =	stream.indirect.scatter.add.bf16 [tilespmem:s17], [sflag:$0x2], $0x10, s3, s21, $0xb8;
	[tilespmem:$0x1EF00] =	vst v63  }
0x3a1: {  	s6 =	rddreg [dreg:$0xd]  }
0x3a2: {  	[spmem:s2] =	stream.indirect.scatter.add.bf16 [tilespmem:s22], [sflag:$0x2], $0x10, s6, s21, $0xb8;
	[tilespmem:$0x1EF00] =	vst v63  }
0x3a3: {  	s7 =	rddreg [dreg:$0xe]  }
0x3a4: {  	[spmem:s2] =	stream.indirect.scatter.add.bf16 [tilespmem:s23], [sflag:$0x2], $0x10, s7, s21, $0xb8;
	[tilespmem:$0x1EF00] =	vst v63  }
0x3a5: {  	s8 =	rddreg [dreg:$0xf]  }
0x3a6: {  	[spmem:s2] =	stream.indirect.scatter.add.bf16 [tilespmem:s24], [sflag:$0x2], $0x10, s8, s21, $0xb8;
	[tilespmem:$0x1EF00] =	vst v63  }
0x3a7: {  	s9 =	rddreg [dreg:$0x10]  }
0x3a8: {  	[spmem:s2] =	stream.indirect.scatter.add.bf16 [tilespmem:s25], [sflag:$0x2], $0x10, s9, s21, $0xb8;
	[tilespmem:$0x1EF00] =	vst v63  }
0x3a9: {  	s11 =	rddreg [dreg:$0x11]  }
0x3aa: {  	[spmem:s2] =	stream.indirect.scatter.add.bf16 [tilespmem:s26], [sflag:$0x2], $0x10, s11, s21, $0xb8;
	[tilespmem:$0x1EF00] =	vst v63  }
0x3ab: {  	s3 =	rddreg [dreg:$0x12]  }
0x3ac: {  	[spmem:s2] =	stream.indirect.scatter.add.bf16 [tilespmem:s28], [sflag:$0x2], $0x10, s3, s21, $0xb8;
	[tilespmem:$0x1EF00] =	vst v63  }
0x3ad: {  	s6 =	rddreg [dreg:$0x13]  }
0x3ae: {  	[spmem:s2] =	stream.indirect.scatter.add.bf16 [tilespmem:s29], [sflag:$0x2], $0x10, s6, s21, $0xb8;
	[tilespmem:$0x1EF00] =	vst v63  }
0x3af: {  	_ =	swait.ge [sflag:s18], $0x800  }
0x3b0: {  	[sflag:s18] =	ssyncset.done $0x0  }
0x3b1: {  	[sflag:s18] =	ssyncadd.s32 $0xFFFFF800  }
0x3b2: {  	_ =	swait.ge [sflag:s18], $0x800  }
0x3b3: {  	[sflag:s18] =	ssyncset.done $0x0  }
0x3b4: {  	[sflag:s18] =	ssyncadd.s32 $0xFFFFF800  }
0x3b5: {  	_ =	swait.ge [sflag:s18], $0x800  }
0x3b6: {  	[sflag:s18] =	ssyncset.done $0x0  }
0x3b7: {  	[sflag:s18] =	ssyncadd.s32 $0xFFFFF800  }
0x3b8: {  	_ =	swait.ge [sflag:s18], $0x800  }
0x3b9: {  	[sflag:s18] =	ssyncset.done $0x0  }
0x3ba: {  	[sflag:s18] =	ssyncadd.s32 $0xFFFFF800  }
0x3bb: {  	_ =	swait.ge [sflag:s18], $0x800  }
0x3bc: {  	[sflag:s18] =	ssyncset.done $0x0  }
0x3bd: {  	[sflag:s18] =	ssyncadd.s32 $0xFFFFF800  }
0x3be: {  	_ =	swait.ge [sflag:s18], $0x800  }
0x3bf: {  	[sflag:s18] =	ssyncset.done $0x0  }
0x3c0: {  	[sflag:s18] =	ssyncadd.s32 $0xFFFFF800  }
0x3c1: {  	_ =	swait.ge [sflag:s18], $0x800  }
0x3c2: {  	[sflag:s18] =	ssyncset.done $0x0  }
0x3c3: {  	[sflag:s18] =	ssyncadd.s32 $0xFFFFF800  }
0x3c4: {  	_ =	swait.ge [sflag:s18], $0x800  }
0x3c5: {  	[sflag:s18] =	ssyncset.done $0x0  }
0x3c6: {  	s7 =	rddreg [dreg:$0x14];
	[sflag:s18] =	ssyncadd.s32 $0xFFFFF800  }
0x3c7: {  	[spmem:s2] =	stream.indirect.scatter.add.bf16 [tilespmem:s17], [sflag:$0x2], $0x10, s7, s21, $0xb8;
	[tilespmem:$0x1EF00] =	vst v63  }
0x3c8: {  	s8 =	rddreg [dreg:$0x15]  }
0x3c9: {  	[spmem:s2] =	stream.indirect.scatter.add.bf16 [tilespmem:s22], [sflag:$0x2], $0x10, s8, s21, $0xb8;
	[tilespmem:$0x1EF00] =	vst v63  }
0x3ca: {  	s9 =	rddreg [dreg:$0x16]  }
0x3cb: {  	[spmem:s2] =	stream.indirect.scatter.add.bf16 [tilespmem:s23], [sflag:$0x2], $0x10, s9, s21, $0xb8;
	[tilespmem:$0x1EF00] =	vst v63  }
0x3cc: {  	s11 =	rddreg [dreg:$0x17]  }
0x3cd: {  	[spmem:s2] =	stream.indirect.scatter.add.bf16 [tilespmem:s24], [sflag:$0x2], $0x10, s11, s21, $0xb8;
	[tilespmem:$0x1EF00] =	vst v63  }
0x3ce: {  	s3 =	rddreg [dreg:$0x18]  }
0x3cf: {  	[spmem:s2] =	stream.indirect.scatter.add.bf16 [tilespmem:s25], [sflag:$0x2], $0x10, s3, s21, $0xb8;
	[tilespmem:$0x1EF00] =	vst v63  }
0x3d0: {  	s6 =	rddreg [dreg:$0x19]  }
0x3d1: {  	[spmem:s2] =	stream.indirect.scatter.add.bf16 [tilespmem:s26], [sflag:$0x2], $0x10, s6, s21, $0xb8;
	[tilespmem:$0x1EF00] =	vst v63  }
0x3d2: {  	s7 =	rddreg [dreg:$0x1a]  }
0x3d3: {  	[spmem:s2] =	stream.indirect.scatter.add.bf16 [tilespmem:s28], [sflag:$0x2], $0x10, s7, s21, $0xb8;
	[tilespmem:$0x1EF00] =	vst v63  }
0x3d4: {  	s8 =	rddreg [dreg:$0x1b]  }
0x3d5: {  	[spmem:s2] =	stream.indirect.scatter.add.bf16 [tilespmem:s29], [sflag:$0x2], $0x10, s8, s21, $0xb8;
	[tilespmem:$0x1EF00] =	vst v63  }
0x3d6: {  	_ =	swait.ge [sflag:s18], $0x800  }
0x3d7: {  	[sflag:s18] =	ssyncset.done $0x0  }
0x3d8: {  	[sflag:s18] =	ssyncadd.s32 $0xFFFFF800  }
0x3d9: {  	_ =	swait.ge [sflag:s18], $0x800  }
0x3da: {  	[sflag:s18] =	ssyncset.done $0x0  }
0x3db: {  	[sflag:s18] =	ssyncadd.s32 $0xFFFFF800  }
0x3dc: {  	_ =	swait.ge [sflag:s18], $0x800  }
0x3dd: {  	[sflag:s18] =	ssyncset.done $0x0  }
0x3de: {  	[sflag:s18] =	ssyncadd.s32 $0xFFFFF800  }
0x3df: {  	_ =	swait.ge [sflag:s18], $0x800  }
0x3e0: {  	[sflag:s18] =	ssyncset.done $0x0  }
0x3e1: {  	[sflag:s18] =	ssyncadd.s32 $0xFFFFF800  }
0x3e2: {  	_ =	swait.ge [sflag:s18], $0x800  }
0x3e3: {  	[sflag:s18] =	ssyncset.done $0x0  }
0x3e4: {  	[sflag:s18] =	ssyncadd.s32 $0xFFFFF800  }
0x3e5: {  	_ =	swait.ge [sflag:s18], $0x800  }
0x3e6: {  	[sflag:s18] =	ssyncset.done $0x0  }
0x3e7: {  	[sflag:s18] =	ssyncadd.s32 $0xFFFFF800  }
0x3e8: {  	_ =	swait.ge [sflag:s18], $0x800  }
0x3e9: {  	[sflag:s18] =	ssyncset.done $0x0  }
0x3ea: {  	[sflag:s18] =	ssyncadd.s32 $0xFFFFF800  }
0x3eb: {  	_ =	swait.ge [sflag:s18], $0x800  }
0x3ec: {  	[sflag:s18] =	ssyncset.done $0x0  }
0x3ed: {  	s9 =	rddreg [dreg:$0x1c];
	[sflag:s18] =	ssyncadd.s32 $0xFFFFF800  }
0x3ee: {  	[spmem:s2] =	stream.indirect.scatter.add.bf16 [tilespmem:s17], [sflag:$0x2], $0x10, s9, s21, $0xb8;
	[tilespmem:$0x1EF00] =	vst v63  }
0x3ef: {  	s11 =	rddreg [dreg:$0x1d]  }
0x3f0: {  	[spmem:s2] =	stream.indirect.scatter.add.bf16 [tilespmem:s22], [sflag:$0x2], $0x10, s11, s21, $0xb8;
	[tilespmem:$0x1EF00] =	vst v63  }
0x3f1: {  	_ = 	snop  }
0x3f2: {  	[spmem:s2] =	stream.indirect.scatter.add.bf16 [tilespmem:s23], [sflag:$0x2], $0x10, s12, s21, $0xb8;
	[tilespmem:$0x1EF00] =	vst v63  }
0x3f3: {  	_ = 	snop  }
0x3f4: {  	[spmem:s2] =	stream.indirect.scatter.add.bf16 [tilespmem:s24], [sflag:$0x2], $0x10, s13, s21, $0xb8;
	[tilespmem:$0x1EF00] =	vst v63  }
0x3f5: {  	_ = 	snop  }
0x3f6: {  	[spmem:s2] =	stream.indirect.scatter.add.bf16 [tilespmem:s25], [sflag:$0x2], $0x10, s14, s21, $0xb8;
	[tilespmem:$0x1EF00] =	vst v63  }
0x3f7: {  	_ = 	snop  }
0x3f8: {  	[spmem:s2] =	stream.indirect.scatter.add.bf16 [tilespmem:s26], [sflag:$0x2], $0x10, s15, s21, $0xb8;
	[tilespmem:$0x1EF00] =	vst v63  }
0x3f9: {  	s9 =	simm.s32 $0x2300  }
0x3fa: {  	[spmem:s2] =	stream.indirect.scatter.add.bf16 [tilespmem:s28], [sflag:$0x2], $0x10, s9, s21, $0xb8;
	[tilespmem:$0x1EF00] =	vst v63  }
0x3fb: {  	_ = 	snop  }
0x3fc: {  	[spmem:s2] =	stream.indirect.scatter.add.bf16 [tilespmem:s29], [sflag:$0x2], $0x10, s16, s21, $0xb8;
	[tilespmem:$0x1EF00] =	vst v63  }
0x3fd: {  	_ =	swait.ge [sflag:s18], $0x800  }
0x3fe: {  	[sflag:s18] =	ssyncset.done $0x0  }
0x3ff: {  	[sflag:s18] =	ssyncadd.s32 $0xFFFFF800  }
0x400: {  	_ =	swait.ge [sflag:s18], $0x800  }
0x401: {  	[sflag:s18] =	ssyncset.done $0x0  }
0x402: {  	[sflag:s18] =	ssyncadd.s32 $0xFFFFF800  }
0x403: {  	_ =	swait.ge [sflag:s18], $0x800  }
0x404: {  	[sflag:s18] =	ssyncset.done $0x0  }
0x405: {  	[sflag:s18] =	ssyncadd.s32 $0xFFFFF800  }
0x406: {  	_ =	swait.ge [sflag:s18], $0x800  }
0x407: {  	[sflag:s18] =	ssyncset.done $0x0  }
0x408: {  	[sflag:s18] =	ssyncadd.s32 $0xFFFFF800  }
0x409: {  	_ =	swait.ge [sflag:s18], $0x800  }
0x40a: {  	[sflag:s18] =	ssyncset.done $0x0  }
0x40b: {  	[sflag:s18] =	ssyncadd.s32 $0xFFFFF800  }
0x40c: {  	_ =	swait.ge [sflag:s18], $0x800  }
0x40d: {  	[sflag:s18] =	ssyncset.done $0x0  }
0x40e: {  	[sflag:s18] =	ssyncadd.s32 $0xFFFFF800  }
0x40f: {  	_ =	swait.ge [sflag:s18], $0x800  }
0x410: {  	[sflag:s18] =	ssyncset.done $0x0  }
0x411: {  	[sflag:s18] =	ssyncadd.s32 $0xFFFFF800  }
0x412: {  	_ =	swait.ge [sflag:s18], $0x800  }
0x413: {  	[sflag:s18] =	ssyncset.done $0x0  }
0x414: {  	s8 =	simm.s32 $0x2400;
	[sflag:s18] =	ssyncadd.s32 $0xFFFFF800  }
0x415: {  	[spmem:s2] =	stream.indirect.scatter.add.bf16 [tilespmem:s17], [sflag:$0x2], $0x10, s8, s21, $0xb8;
	[tilespmem:$0x1EF00] =	vst v63  }
0x416: {  	s1 =	simm.s32 $0x2480  }
0x417: {  	[spmem:s2] =	stream.indirect.scatter.add.bf16 [tilespmem:s22], [sflag:$0x2], $0x10, s1, s21, $0xb8;
	[tilespmem:$0x1EF00] =	vst v63  }
0x418: {  	s7 =	simm.s32 $0x2500  }
0x419: {  	[spmem:s2] =	stream.indirect.scatter.add.bf16 [tilespmem:s23], [sflag:$0x2], $0x10, s7, s21, $0xb8;
	[tilespmem:$0x1EF00] =	vst v63  }
0x41a: {  	_ = 	snop  }
0x41b: {  	[spmem:s2] =	stream.indirect.scatter.add.bf16 [tilespmem:s24], [sflag:$0x2], $0x10, s10, s21, $0xb8;
	[tilespmem:$0x1EF00] =	vst v63  }
0x41c: {  	_ = 	snop  }
0x41d: {  	[spmem:s2] =	stream.indirect.scatter.add.bf16 [tilespmem:s25], [sflag:$0x2], $0x10, s20, s21, $0xb8;
	[tilespmem:$0x1EF00] =	vst v63  }
0x41e: {  	s3 =	simm.s32 $0x2680  }
0x41f: {  	[spmem:s2] =	stream.indirect.scatter.add.bf16 [tilespmem:s26], [sflag:$0x2], $0x10, s3, s21, $0xb8;
	[tilespmem:$0x1EF00] =	vst v63  }
0x420: {  	s1 =	simm.s32 $0x2700  }
0x421: {  	[spmem:s2] =	stream.indirect.scatter.add.bf16 [tilespmem:s28], [sflag:$0x2], $0x10, s1, s21, $0xb8;
	[tilespmem:$0x1EF00] =	vst v63  }
0x422: {  	s3 =	simm.s32 $0x2780  }
0x423: {  	[spmem:s2] =	stream.indirect.scatter.add.bf16 [tilespmem:s29], [sflag:$0x2], $0x10, s3, s21, $0xb8;
	[tilespmem:$0x1EF00] =	vst v63  }
0x424: {  	_ =	swait.ge [sflag:s18], $0x800  }
0x425: {  	[sflag:s18] =	ssyncset.done $0x0  }
0x426: {  	[sflag:s18] =	ssyncadd.s32 $0xFFFFF800  }
0x427: {  	_ =	swait.ge [sflag:s18], $0x800  }
0x428: {  	[sflag:s18] =	ssyncset.done $0x0  }
0x429: {  	[sflag:s18] =	ssyncadd.s32 $0xFFFFF800  }
0x42a: {  	_ =	swait.ge [sflag:s18], $0x800  }
0x42b: {  	[sflag:s18] =	ssyncset.done $0x0  }
0x42c: {  	[sflag:s18] =	ssyncadd.s32 $0xFFFFF800  }
0x42d: {  	_ =	swait.ge [sflag:s18], $0x800  }
0x42e: {  	[sflag:s18] =	ssyncset.done $0x0  }
0x42f: {  	[sflag:s18] =	ssyncadd.s32 $0xFFFFF800  }
0x430: {  	_ =	swait.ge [sflag:s18], $0x800  }
0x431: {  	[sflag:s18] =	ssyncset.done $0x0  }
0x432: {  	[sflag:s18] =	ssyncadd.s32 $0xFFFFF800  }
0x433: {  	_ =	swait.ge [sflag:s18], $0x800  }
0x434: {  	[sflag:s18] =	ssyncset.done $0x0  }
0x435: {  	[sflag:s18] =	ssyncadd.s32 $0xFFFFF800  }
0x436: {  	_ =	swait.ge [sflag:s18], $0x800  }
0x437: {  	[sflag:s18] =	ssyncset.done $0x0  }
0x438: {  	s31 =	simm.s32 $0x500;
	[sflag:s18] =	ssyncadd.s32 $0xFFFFF800  }
0x439: {  	s6 =	simm.s32 $0x0;
	s11 =	simm.s32 $0x1400;
	_ =	swait.ge [sflag:s18], $0x800  }
0x43a: {  	s3 =	simm.s32 $0x280;
	s1 =	rddreg [dreg:$0x4];
	[sflag:s18] =	ssyncset.done $0x0  }
.LBB2_38:
0x43b: {  	[sflag:s18] =	ssyncadd.s32 $0xFFFFF800;
	s1 =	sadd.s32 s3, s1  }
0x43c: {  	[tilespmem:s11], [sflag:$0x3] =	stream.linear.gather [hbm4b:s1+s6], $0x1400, $0x38;
	[tilespmem:$0x1EF00] =	vst v63  }
0x43d: {  	_ =	swait.ge [sflag:s19], $0x1400  }
0x43e: {  	[sflag:s19] =	ssyncset.done $0x0  }
0x43f: {  	s0 =	smov.u32 s31;
	[sflag:s19] =	ssyncadd.s32 $0xFFFFEC00  }
0x440: {  	[spmem:s2] =	stream.indirect.scatter.add.bf16 [tilespmem:s17], [sflag:$0x2], $0x10, s11, s21, $0xb8;
	[tilespmem:$0x1EF00] =	vst v63  }
0x441: {  	s3 =	smov.u32 s0;
	s0 =	rddreg [dreg:$0x5]  }
0x442: {  	[spmem:s2] =	stream.indirect.scatter.add.bf16 [tilespmem:s22], [sflag:$0x2], $0x10, s0, s21, $0xb8;
	[tilespmem:$0x1EF00] =	vst v63  }
0x443: {  	s1 =	rddreg [dreg:$0x6]  }
0x444: {  	[spmem:s2] =	stream.indirect.scatter.add.bf16 [tilespmem:s23], [sflag:$0x2], $0x10, s1, s21, $0xb8;
	[tilespmem:$0x1EF00] =	vst v63  }
0x445: {  	s0 =	rddreg [dreg:$0x7]  }
0x446: {  	[spmem:s2] =	stream.indirect.scatter.add.bf16 [tilespmem:s24], [sflag:$0x2], $0x10, s0, s21, $0xb8;
	[tilespmem:$0x1EF00] =	vst v63  }
0x447: {  	s1 =	rddreg [dreg:$0x8]  }
0x448: {  	[spmem:s2] =	stream.indirect.scatter.add.bf16 [tilespmem:s25], [sflag:$0x2], $0x10, s1, s21, $0xb8;
	[tilespmem:$0x1EF00] =	vst v63  }
0x449: {  	s0 =	rddreg [dreg:$0x9]  }
0x44a: {  	[spmem:s2] =	stream.indirect.scatter.add.bf16 [tilespmem:s26], [sflag:$0x2], $0x10, s0, s21, $0xb8;
	[tilespmem:$0x1EF00] =	vst v63  }
0x44b: {  	s1 =	rddreg [dreg:$0xa]  }
0x44c: {  	[spmem:s2] =	stream.indirect.scatter.add.bf16 [tilespmem:s28], [sflag:$0x2], $0x10, s1, s21, $0xb8;
	[tilespmem:$0x1EF00] =	vst v63  }
0x44d: {  	s0 =	rddreg [dreg:$0xb]  }
0x44e: {  	[spmem:s2] =	stream.indirect.scatter.add.bf16 [tilespmem:s29], [sflag:$0x2], $0x10, s0, s21, $0xb8;
	[tilespmem:$0x1EF00] =	vst v63  }
0x44f: {  	_ =	swait.ge [sflag:s18], $0x800  }
0x450: {  	[sflag:s18] =	ssyncset.done $0x0  }
0x451: {  	[sflag:s18] =	ssyncadd.s32 $0xFFFFF800  }
0x452: {  	_ =	swait.ge [sflag:s18], $0x800  }
0x453: {  	[sflag:s18] =	ssyncset.done $0x0  }
0x454: {  	[sflag:s18] =	ssyncadd.s32 $0xFFFFF800  }
0x455: {  	_ =	swait.ge [sflag:s18], $0x800  }
0x456: {  	[sflag:s18] =	ssyncset.done $0x0  }
0x457: {  	[sflag:s18] =	ssyncadd.s32 $0xFFFFF800  }
0x458: {  	_ =	swait.ge [sflag:s18], $0x800  }
0x459: {  	[sflag:s18] =	ssyncset.done $0x0  }
0x45a: {  	[sflag:s18] =	ssyncadd.s32 $0xFFFFF800  }
0x45b: {  	_ =	swait.ge [sflag:s18], $0x800  }
0x45c: {  	[sflag:s18] =	ssyncset.done $0x0  }
0x45d: {  	[sflag:s18] =	ssyncadd.s32 $0xFFFFF800  }
0x45e: {  	_ =	swait.ge [sflag:s18], $0x800  }
0x45f: {  	[sflag:s18] =	ssyncset.done $0x0  }
0x460: {  	[sflag:s18] =	ssyncadd.s32 $0xFFFFF800  }
0x461: {  	_ =	swait.ge [sflag:s18], $0x800  }
0x462: {  	[sflag:s18] =	ssyncset.done $0x0  }
0x463: {  	[sflag:s18] =	ssyncadd.s32 $0xFFFFF800  }
0x464: {  	_ =	swait.ge [sflag:s18], $0x800  }
0x465: {  	[sflag:s18] =	ssyncset.done $0x0  }
0x466: {  	s0 =	rddreg [dreg:$0xc];
	[sflag:s18] =	ssyncadd.s32 $0xFFFFF800  }
0x467: {  	[spmem:s2] =	stream.indirect.scatter.add.bf16 [tilespmem:s17], [sflag:$0x2], $0x10, s0, s21, $0xb8;
	[tilespmem:$0x1EF00] =	vst v63  }
0x468: {  	s1 =	rddreg [dreg:$0xd]  }
0x469: {  	[spmem:s2] =	stream.indirect.scatter.add.bf16 [tilespmem:s22], [sflag:$0x2], $0x10, s1, s21, $0xb8;
	[tilespmem:$0x1EF00] =	vst v63  }
0x46a: {  	s0 =	rddreg [dreg:$0xe]  }
0x46b: {  	[spmem:s2] =	stream.indirect.scatter.add.bf16 [tilespmem:s23], [sflag:$0x2], $0x10, s0, s21, $0xb8;
	[tilespmem:$0x1EF00] =	vst v63  }
0x46c: {  	s1 =	rddreg [dreg:$0xf]  }
0x46d: {  	[spmem:s2] =	stream.indirect.scatter.add.bf16 [tilespmem:s24], [sflag:$0x2], $0x10, s1, s21, $0xb8;
	[tilespmem:$0x1EF00] =	vst v63  }
0x46e: {  	s0 =	rddreg [dreg:$0x10]  }
0x46f: {  	[spmem:s2] =	stream.indirect.scatter.add.bf16 [tilespmem:s25], [sflag:$0x2], $0x10, s0, s21, $0xb8;
	[tilespmem:$0x1EF00] =	vst v63  }
0x470: {  	s1 =	rddreg [dreg:$0x11]  }
0x471: {  	[spmem:s2] =	stream.indirect.scatter.add.bf16 [tilespmem:s26], [sflag:$0x2], $0x10, s1, s21, $0xb8;
	[tilespmem:$0x1EF00] =	vst v63  }
0x472: {  	s0 =	rddreg [dreg:$0x12]  }
0x473: {  	[spmem:s2] =	stream.indirect.scatter.add.bf16 [tilespmem:s28], [sflag:$0x2], $0x10, s0, s21, $0xb8;
	[tilespmem:$0x1EF00] =	vst v63  }
0x474: {  	s1 =	rddreg [dreg:$0x13]  }
0x475: {  	[spmem:s2] =	stream.indirect.scatter.add.bf16 [tilespmem:s29], [sflag:$0x2], $0x10, s1, s21, $0xb8;
	[tilespmem:$0x1EF00] =	vst v63  }
0x476: {  	_ =	swait.ge [sflag:s18], $0x800  }
0x477: {  	[sflag:s18] =	ssyncset.done $0x0  }
0x478: {  	[sflag:s18] =	ssyncadd.s32 $0xFFFFF800  }
0x479: {  	_ =	swait.ge [sflag:s18], $0x800  }
0x47a: {  	[sflag:s18] =	ssyncset.done $0x0  }
0x47b: {  	[sflag:s18] =	ssyncadd.s32 $0xFFFFF800  }
0x47c: {  	_ =	swait.ge [sflag:s18], $0x800  }
0x47d: {  	[sflag:s18] =	ssyncset.done $0x0  }
0x47e: {  	[sflag:s18] =	ssyncadd.s32 $0xFFFFF800  }
0x47f: {  	_ =	swait.ge [sflag:s18], $0x800  }
0x480: {  	[sflag:s18] =	ssyncset.done $0x0  }
0x481: {  	[sflag:s18] =	ssyncadd.s32 $0xFFFFF800  }
0x482: {  	_ =	swait.ge [sflag:s18], $0x800  }
0x483: {  	[sflag:s18] =	ssyncset.done $0x0  }
0x484: {  	[sflag:s18] =	ssyncadd.s32 $0xFFFFF800  }
0x485: {  	_ =	swait.ge [sflag:s18], $0x800  }
0x486: {  	[sflag:s18] =	ssyncset.done $0x0  }
0x487: {  	[sflag:s18] =	ssyncadd.s32 $0xFFFFF800  }
0x488: {  	_ =	swait.ge [sflag:s18], $0x800  }
0x489: {  	[sflag:s18] =	ssyncset.done $0x0  }
0x48a: {  	[sflag:s18] =	ssyncadd.s32 $0xFFFFF800  }
0x48b: {  	_ =	swait.ge [sflag:s18], $0x800  }
0x48c: {  	[sflag:s18] =	ssyncset.done $0x0  }
0x48d: {  	s0 =	rddreg [dreg:$0x14];
	[sflag:s18] =	ssyncadd.s32 $0xFFFFF800  }
0x48e: {  	[spmem:s2] =	stream.indirect.scatter.add.bf16 [tilespmem:s17], [sflag:$0x2], $0x10, s0, s21, $0xb8;
	[tilespmem:$0x1EF00] =	vst v63  }
0x48f: {  	s1 =	rddreg [dreg:$0x15]  }
0x490: {  	[spmem:s2] =	stream.indirect.scatter.add.bf16 [tilespmem:s22], [sflag:$0x2], $0x10, s1, s21, $0xb8;
	[tilespmem:$0x1EF00] =	vst v63  }
0x491: {  	s0 =	rddreg [dreg:$0x16]  }
0x492: {  	[spmem:s2] =	stream.indirect.scatter.add.bf16 [tilespmem:s23], [sflag:$0x2], $0x10, s0, s21, $0xb8;
	[tilespmem:$0x1EF00] =	vst v63  }
0x493: {  	s1 =	rddreg [dreg:$0x17]  }
0x494: {  	[spmem:s2] =	stream.indirect.scatter.add.bf16 [tilespmem:s24], [sflag:$0x2], $0x10, s1, s21, $0xb8;
	[tilespmem:$0x1EF00] =	vst v63  }
0x495: {  	s0 =	rddreg [dreg:$0x18]  }
0x496: {  	[spmem:s2] =	stream.indirect.scatter.add.bf16 [tilespmem:s25], [sflag:$0x2], $0x10, s0, s21, $0xb8;
	[tilespmem:$0x1EF00] =	vst v63  }
0x497: {  	s1 =	rddreg [dreg:$0x19]  }
0x498: {  	[spmem:s2] =	stream.indirect.scatter.add.bf16 [tilespmem:s26], [sflag:$0x2], $0x10, s1, s21, $0xb8;
	[tilespmem:$0x1EF00] =	vst v63  }
0x499: {  	s0 =	rddreg [dreg:$0x1a]  }
0x49a: {  	[spmem:s2] =	stream.indirect.scatter.add.bf16 [tilespmem:s28], [sflag:$0x2], $0x10, s0, s21, $0xb8;
	[tilespmem:$0x1EF00] =	vst v63  }
0x49b: {  	s1 =	rddreg [dreg:$0x1b]  }
0x49c: {  	[spmem:s2] =	stream.indirect.scatter.add.bf16 [tilespmem:s29], [sflag:$0x2], $0x10, s1, s21, $0xb8;
	[tilespmem:$0x1EF00] =	vst v63  }
0x49d: {  	_ =	swait.ge [sflag:s18], $0x800  }
0x49e: {  	[sflag:s18] =	ssyncset.done $0x0  }
0x49f: {  	[sflag:s18] =	ssyncadd.s32 $0xFFFFF800  }
0x4a0: {  	_ =	swait.ge [sflag:s18], $0x800  }
0x4a1: {  	[sflag:s18] =	ssyncset.done $0x0  }
0x4a2: {  	[sflag:s18] =	ssyncadd.s32 $0xFFFFF800  }
0x4a3: {  	_ =	swait.ge [sflag:s18], $0x800  }
0x4a4: {  	[sflag:s18] =	ssyncset.done $0x0  }
0x4a5: {  	[sflag:s18] =	ssyncadd.s32 $0xFFFFF800  }
0x4a6: {  	_ =	swait.ge [sflag:s18], $0x800  }
0x4a7: {  	[sflag:s18] =	ssyncset.done $0x0  }
0x4a8: {  	[sflag:s18] =	ssyncadd.s32 $0xFFFFF800  }
0x4a9: {  	_ =	swait.ge [sflag:s18], $0x800  }
0x4aa: {  	[sflag:s18] =	ssyncset.done $0x0  }
0x4ab: {  	[sflag:s18] =	ssyncadd.s32 $0xFFFFF800  }
0x4ac: {  	_ =	swait.ge [sflag:s18], $0x800  }
0x4ad: {  	[sflag:s18] =	ssyncset.done $0x0  }
0x4ae: {  	[sflag:s18] =	ssyncadd.s32 $0xFFFFF800  }
0x4af: {  	_ =	swait.ge [sflag:s18], $0x800  }
0x4b0: {  	[sflag:s18] =	ssyncset.done $0x0  }
0x4b1: {  	[sflag:s18] =	ssyncadd.s32 $0xFFFFF800  }
0x4b2: {  	_ =	swait.ge [sflag:s18], $0x800  }
0x4b3: {  	[sflag:s18] =	ssyncset.done $0x0  }
0x4b4: {  	s0 =	rddreg [dreg:$0x1c];
	[sflag:s18] =	ssyncadd.s32 $0xFFFFF800  }
0x4b5: {  	[spmem:s2] =	stream.indirect.scatter.add.bf16 [tilespmem:s17], [sflag:$0x2], $0x10, s0, s21, $0xb8;
	[tilespmem:$0x1EF00] =	vst v63  }
0x4b6: {  	s1 =	rddreg [dreg:$0x1d]  }
0x4b7: {  	[spmem:s2] =	stream.indirect.scatter.add.bf16 [tilespmem:s22], [sflag:$0x2], $0x10, s1, s21, $0xb8;
	[tilespmem:$0x1EF00] =	vst v63  }
0x4b8: {  	_ = 	snop  }
0x4b9: {  	[spmem:s2] =	stream.indirect.scatter.add.bf16 [tilespmem:s23], [sflag:$0x2], $0x10, s12, s21, $0xb8;
	[tilespmem:$0x1EF00] =	vst v63  }
0x4ba: {  	_ = 	snop  }
0x4bb: {  	[spmem:s2] =	stream.indirect.scatter.add.bf16 [tilespmem:s24], [sflag:$0x2], $0x10, s13, s21, $0xb8;
	[tilespmem:$0x1EF00] =	vst v63  }
0x4bc: {  	_ = 	snop  }
0x4bd: {  	[spmem:s2] =	stream.indirect.scatter.add.bf16 [tilespmem:s25], [sflag:$0x2], $0x10, s14, s21, $0xb8;
	[tilespmem:$0x1EF00] =	vst v63  }
0x4be: {  	_ = 	snop  }
0x4bf: {  	[spmem:s2] =	stream.indirect.scatter.add.bf16 [tilespmem:s26], [sflag:$0x2], $0x10, s15, s21, $0xb8;
	[tilespmem:$0x1EF00] =	vst v63  }
0x4c0: {  	_ = 	snop  }
0x4c1: {  	[spmem:s2] =	stream.indirect.scatter.add.bf16 [tilespmem:s28], [sflag:$0x2], $0x10, s9, s21, $0xb8;
	[tilespmem:$0x1EF00] =	vst v63  }
0x4c2: {  	_ = 	snop  }
0x4c3: {  	[spmem:s2] =	stream.indirect.scatter.add.bf16 [tilespmem:s29], [sflag:$0x2], $0x10, s16, s21, $0xb8;
	[tilespmem:$0x1EF00] =	vst v63  }
0x4c4: {  	_ =	swait.ge [sflag:s18], $0x800  }
0x4c5: {  	[sflag:s18] =	ssyncset.done $0x0  }
0x4c6: {  	[sflag:s18] =	ssyncadd.s32 $0xFFFFF800  }
0x4c7: {  	_ =	swait.ge [sflag:s18], $0x800  }
0x4c8: {  	[sflag:s18] =	ssyncset.done $0x0  }
0x4c9: {  	[sflag:s18] =	ssyncadd.s32 $0xFFFFF800  }
0x4ca: {  	_ =	swait.ge [sflag:s18], $0x800  }
0x4cb: {  	[sflag:s18] =	ssyncset.done $0x0  }
0x4cc: {  	[sflag:s18] =	ssyncadd.s32 $0xFFFFF800  }
0x4cd: {  	_ =	swait.ge [sflag:s18], $0x800  }
0x4ce: {  	[sflag:s18] =	ssyncset.done $0x0  }
0x4cf: {  	[sflag:s18] =	ssyncadd.s32 $0xFFFFF800  }
0x4d0: {  	_ =	swait.ge [sflag:s18], $0x800  }
0x4d1: {  	[sflag:s18] =	ssyncset.done $0x0  }
0x4d2: {  	[sflag:s18] =	ssyncadd.s32 $0xFFFFF800  }
0x4d3: {  	_ =	swait.ge [sflag:s18], $0x800  }
0x4d4: {  	[sflag:s18] =	ssyncset.done $0x0  }
0x4d5: {  	[sflag:s18] =	ssyncadd.s32 $0xFFFFF800  }
0x4d6: {  	_ =	swait.ge [sflag:s18], $0x800  }
0x4d7: {  	[sflag:s18] =	ssyncset.done $0x0  }
0x4d8: {  	[sflag:s18] =	ssyncadd.s32 $0xFFFFF800  }
0x4d9: {  	_ =	swait.ge [sflag:s18], $0x800  }
0x4da: {  	[sflag:s18] =	ssyncset.done $0x0  }
0x4db: {  	[sflag:s18] =	ssyncadd.s32 $0xFFFFF800  }
0x4dc: {  	[spmem:s2] =	stream.indirect.scatter.add.bf16 [tilespmem:s17], [sflag:$0x2], $0x10, s8, s21, $0xb8;
	[tilespmem:$0x1EF00] =	vst v63  }
0x4dd: {  	s1 =	simm.s32 $0x2480  }
0x4de: {  	[spmem:s2] =	stream.indirect.scatter.add.bf16 [tilespmem:s22], [sflag:$0x2], $0x10, s1, s21, $0xb8;
	[tilespmem:$0x1EF00] =	vst v63  }
0x4df: {  	_ = 	snop  }
0x4e0: {  	[spmem:s2] =	stream.indirect.scatter.add.bf16 [tilespmem:s23], [sflag:$0x2], $0x10, s7, s21, $0xb8;
	[tilespmem:$0x1EF00] =	vst v63  }
0x4e1: {  	_ = 	snop  }
0x4e2: {  	[spmem:s2] =	stream.indirect.scatter.add.bf16 [tilespmem:s24], [sflag:$0x2], $0x10, s10, s21, $0xb8;
	[tilespmem:$0x1EF00] =	vst v63  }
0x4e3: {  	_ = 	snop  }
0x4e4: {  	[spmem:s2] =	stream.indirect.scatter.add.bf16 [tilespmem:s25], [sflag:$0x2], $0x10, s20, s21, $0xb8;
	[tilespmem:$0x1EF00] =	vst v63  }
0x4e5: {  	s1 =	simm.s32 $0x2680  }
0x4e6: {  	[spmem:s2] =	stream.indirect.scatter.add.bf16 [tilespmem:s26], [sflag:$0x2], $0x10, s1, s21, $0xb8;
	[tilespmem:$0x1EF00] =	vst v63  }
0x4e7: {  	s1 =	simm.s32 $0x2700  }
0x4e8: {  	[spmem:s2] =	stream.indirect.scatter.add.bf16 [tilespmem:s28], [sflag:$0x2], $0x10, s1, s21, $0xb8;
	[tilespmem:$0x1EF00] =	vst v63  }
0x4e9: {  	s1 =	simm.s32 $0x2780  }
0x4ea: {  	[spmem:s2] =	stream.indirect.scatter.add.bf16 [tilespmem:s29], [sflag:$0x2], $0x10, s1, s21, $0xb8;
	[tilespmem:$0x1EF00] =	vst v63  }
0x4eb: {  	_ =	swait.ge [sflag:s18], $0x800  }
0x4ec: {  	[sflag:s18] =	ssyncset.done $0x0  }
0x4ed: {  	[sflag:s18] =	ssyncadd.s32 $0xFFFFF800  }
0x4ee: {  	_ =	swait.ge [sflag:s18], $0x800  }
0x4ef: {  	[sflag:s18] =	ssyncset.done $0x0  }
0x4f0: {  	[sflag:s18] =	ssyncadd.s32 $0xFFFFF800  }
0x4f1: {  	_ =	swait.ge [sflag:s18], $0x800  }
0x4f2: {  	[sflag:s18] =	ssyncset.done $0x0  }
0x4f3: {  	[sflag:s18] =	ssyncadd.s32 $0xFFFFF800  }
0x4f4: {  	_ =	swait.ge [sflag:s18], $0x800  }
0x4f5: {  	[sflag:s18] =	ssyncset.done $0x0  }
0x4f6: {  	[sflag:s18] =	ssyncadd.s32 $0xFFFFF800  }
0x4f7: {  	_ =	swait.ge [sflag:s18], $0x800  }
0x4f8: {  	[sflag:s18] =	ssyncset.done $0x0  }
0x4f9: {  	[sflag:s18] =	ssyncadd.s32 $0xFFFFF800  }
0x4fa: {  	_ =	swait.ge [sflag:s18], $0x800  }
0x4fb: {  	[sflag:s18] =	ssyncset.done $0x0  }
0x4fc: {  	p0 =	sne.s32 s31, $0xA00;
	[sflag:s18] =	ssyncadd.s32 $0xFFFFF800  }
.Ltmp18:
0x4fd: {  	_ =	swait.ge [sflag:s18], $0x800;
	(pc) =	sbr.rel @p0 .LBB2_38-.Ltmp18, $4  }
0x4fe: {  	[sflag:s18] =	ssyncset.done $0x0  }
0x4ff: {  	[sflag:s18] =	ssyncadd.s32 $0xFFFFF800  }
0x500: {  	_ =	swait.ge [sflag:s18], $0x800  }
0x501: {  	s31 =	sadd.s32 $0x280, s31;
	s1 =	rddreg [dreg:$0x4];
	[sflag:s18] =	ssyncset.done $0x0  }
0x502: {  	[sflag:s18] =	ssyncadd.s32 $0xFFFFF800;
	s0 =	sadd.s32 s3, s1  }
0x503: {  	[tilespmem:s11], [sflag:$0x3] =	stream.linear.gather [hbm4b:s0+s6], $0x1400, $0x38;
	[tilespmem:$0x1EF00] =	vst v63  }
0x504: {  	_ =	swait.ge [sflag:s19], $0x1400  }
0x505: {  	[sflag:s19] =	ssyncset.done $0x0  }
0x506: {  	[sflag:s19] =	ssyncadd.s32 $0xFFFFEC00  }
0x507: {  	[spmem:s2] =	stream.indirect.scatter.add.bf16 [tilespmem:s17], [sflag:$0x2], $0x10, s11, s21, $0xb8;
	[tilespmem:$0x1EF00] =	vst v63  }
0x508: {  	s6 =	rddreg [dreg:$0x5]  }
0x509: {  	[spmem:s2] =	stream.indirect.scatter.add.bf16 [tilespmem:s22], [sflag:$0x2], $0x10, s6, s21, $0xb8;
	[tilespmem:$0x1EF00] =	vst v63  }
0x50a: {  	s31 =	rddreg [dreg:$0x6]  }
0x50b: {  	[spmem:s2] =	stream.indirect.scatter.add.bf16 [tilespmem:s23], [sflag:$0x2], $0x10, s31, s21, $0xb8;
	[tilespmem:$0x1EF00] =	vst v63  }
0x50c: {  	s3 =	rddreg [dreg:$0x7]  }
0x50d: {  	[spmem:s2] =	stream.indirect.scatter.add.bf16 [tilespmem:s24], [sflag:$0x2], $0x10, s3, s21, $0xb8;
	[tilespmem:$0x1EF00] =	vst v63  }
0x50e: {  	s6 =	rddreg [dreg:$0x8]  }
0x50f: {  	[spmem:s2] =	stream.indirect.scatter.add.bf16 [tilespmem:s25], [sflag:$0x2], $0x10, s6, s21, $0xb8;
	[tilespmem:$0x1EF00] =	vst v63  }
0x510: {  	s11 =	rddreg [dreg:$0x9]  }
0x511: {  	[spmem:s2] =	stream.indirect.scatter.add.bf16 [tilespmem:s26], [sflag:$0x2], $0x10, s11, s21, $0xb8;
	[tilespmem:$0x1EF00] =	vst v63  }
0x512: {  	s31 =	rddreg [dreg:$0xa]  }
0x513: {  	[spmem:s2] =	stream.indirect.scatter.add.bf16 [tilespmem:s28], [sflag:$0x2], $0x10, s31, s21, $0xb8;
	[tilespmem:$0x1EF00] =	vst v63  }
0x514: {  	s3 =	rddreg [dreg:$0xb]  }
0x515: {  	[spmem:s2] =	stream.indirect.scatter.add.bf16 [tilespmem:s29], [sflag:$0x2], $0x10, s3, s21, $0xb8;
	[tilespmem:$0x1EF00] =	vst v63  }
0x516: {  	_ =	swait.ge [sflag:s18], $0x800  }
0x517: {  	[sflag:s18] =	ssyncset.done $0x0  }
0x518: {  	[sflag:s18] =	ssyncadd.s32 $0xFFFFF800  }
0x519: {  	_ =	swait.ge [sflag:s18], $0x800  }
0x51a: {  	[sflag:s18] =	ssyncset.done $0x0  }
0x51b: {  	[sflag:s18] =	ssyncadd.s32 $0xFFFFF800  }
0x51c: {  	_ =	swait.ge [sflag:s18], $0x800  }
0x51d: {  	[sflag:s18] =	ssyncset.done $0x0  }
0x51e: {  	[sflag:s18] =	ssyncadd.s32 $0xFFFFF800  }
0x51f: {  	_ =	swait.ge [sflag:s18], $0x800  }
0x520: {  	[sflag:s18] =	ssyncset.done $0x0  }
0x521: {  	[sflag:s18] =	ssyncadd.s32 $0xFFFFF800  }
0x522: {  	_ =	swait.ge [sflag:s18], $0x800  }
0x523: {  	[sflag:s18] =	ssyncset.done $0x0  }
0x524: {  	[sflag:s18] =	ssyncadd.s32 $0xFFFFF800  }
0x525: {  	_ =	swait.ge [sflag:s18], $0x800  }
0x526: {  	[sflag:s18] =	ssyncset.done $0x0  }
0x527: {  	[sflag:s18] =	ssyncadd.s32 $0xFFFFF800  }
0x528: {  	_ =	swait.ge [sflag:s18], $0x800  }
0x529: {  	[sflag:s18] =	ssyncset.done $0x0  }
0x52a: {  	[sflag:s18] =	ssyncadd.s32 $0xFFFFF800  }
0x52b: {  	_ =	swait.ge [sflag:s18], $0x800  }
0x52c: {  	[sflag:s18] =	ssyncset.done $0x0  }
0x52d: {  	s6 =	rddreg [dreg:$0xc];
	[sflag:s18] =	ssyncadd.s32 $0xFFFFF800  }
0x52e: {  	[spmem:s2] =	stream.indirect.scatter.add.bf16 [tilespmem:s17], [sflag:$0x2], $0x10, s6, s21, $0xb8;
	[tilespmem:$0x1EF00] =	vst v63  }
0x52f: {  	s11 =	rddreg [dreg:$0xd]  }
0x530: {  	[spmem:s2] =	stream.indirect.scatter.add.bf16 [tilespmem:s22], [sflag:$0x2], $0x10, s11, s21, $0xb8;
	[tilespmem:$0x1EF00] =	vst v63  }
0x531: {  	s31 =	rddreg [dreg:$0xe]  }
0x532: {  	[spmem:s2] =	stream.indirect.scatter.add.bf16 [tilespmem:s23], [sflag:$0x2], $0x10, s31, s21, $0xb8;
	[tilespmem:$0x1EF00] =	vst v63  }
0x533: {  	s3 =	rddreg [dreg:$0xf]  }
0x534: {  	[spmem:s2] =	stream.indirect.scatter.add.bf16 [tilespmem:s24], [sflag:$0x2], $0x10, s3, s21, $0xb8;
	[tilespmem:$0x1EF00] =	vst v63  }
0x535: {  	s6 =	rddreg [dreg:$0x10]  }
0x536: {  	[spmem:s2] =	stream.indirect.scatter.add.bf16 [tilespmem:s25], [sflag:$0x2], $0x10, s6, s21, $0xb8;
	[tilespmem:$0x1EF00] =	vst v63  }
0x537: {  	s11 =	rddreg [dreg:$0x11]  }
0x538: {  	[spmem:s2] =	stream.indirect.scatter.add.bf16 [tilespmem:s26], [sflag:$0x2], $0x10, s11, s21, $0xb8;
	[tilespmem:$0x1EF00] =	vst v63  }
0x539: {  	s31 =	rddreg [dreg:$0x12]  }
0x53a: {  	[spmem:s2] =	stream.indirect.scatter.add.bf16 [tilespmem:s28], [sflag:$0x2], $0x10, s31, s21, $0xb8;
	[tilespmem:$0x1EF00] =	vst v63  }
0x53b: {  	s3 =	rddreg [dreg:$0x13]  }
0x53c: {  	[spmem:s2] =	stream.indirect.scatter.add.bf16 [tilespmem:s29], [sflag:$0x2], $0x10, s3, s21, $0xb8;
	[tilespmem:$0x1EF00] =	vst v63  }
0x53d: {  	_ =	swait.ge [sflag:s18], $0x800  }
0x53e: {  	[sflag:s18] =	ssyncset.done $0x0  }
0x53f: {  	[sflag:s18] =	ssyncadd.s32 $0xFFFFF800  }
0x540: {  	_ =	swait.ge [sflag:s18], $0x800  }
0x541: {  	[sflag:s18] =	ssyncset.done $0x0  }
0x542: {  	[sflag:s18] =	ssyncadd.s32 $0xFFFFF800  }
0x543: {  	_ =	swait.ge [sflag:s18], $0x800  }
0x544: {  	[sflag:s18] =	ssyncset.done $0x0  }
0x545: {  	[sflag:s18] =	ssyncadd.s32 $0xFFFFF800  }
0x546: {  	_ =	swait.ge [sflag:s18], $0x800  }
0x547: {  	[sflag:s18] =	ssyncset.done $0x0  }
0x548: {  	[sflag:s18] =	ssyncadd.s32 $0xFFFFF800  }
0x549: {  	_ =	swait.ge [sflag:s18], $0x800  }
0x54a: {  	[sflag:s18] =	ssyncset.done $0x0  }
0x54b: {  	[sflag:s18] =	ssyncadd.s32 $0xFFFFF800  }
0x54c: {  	_ =	swait.ge [sflag:s18], $0x800  }
0x54d: {  	[sflag:s18] =	ssyncset.done $0x0  }
0x54e: {  	[sflag:s18] =	ssyncadd.s32 $0xFFFFF800  }
0x54f: {  	_ =	swait.ge [sflag:s18], $0x800  }
0x550: {  	[sflag:s18] =	ssyncset.done $0x0  }
0x551: {  	[sflag:s18] =	ssyncadd.s32 $0xFFFFF800  }
0x552: {  	_ =	swait.ge [sflag:s18], $0x800  }
0x553: {  	[sflag:s18] =	ssyncset.done $0x0  }
0x554: {  	s6 =	rddreg [dreg:$0x14];
	[sflag:s18] =	ssyncadd.s32 $0xFFFFF800  }
0x555: {  	[spmem:s2] =	stream.indirect.scatter.add.bf16 [tilespmem:s17], [sflag:$0x2], $0x10, s6, s21, $0xb8;
	[tilespmem:$0x1EF00] =	vst v63  }
0x556: {  	s11 =	rddreg [dreg:$0x15]  }
0x557: {  	[spmem:s2] =	stream.indirect.scatter.add.bf16 [tilespmem:s22], [sflag:$0x2], $0x10, s11, s21, $0xb8;
	[tilespmem:$0x1EF00] =	vst v63  }
0x558: {  	s31 =	rddreg [dreg:$0x16]  }
0x559: {  	[spmem:s2] =	stream.indirect.scatter.add.bf16 [tilespmem:s23], [sflag:$0x2], $0x10, s31, s21, $0xb8;
	[tilespmem:$0x1EF00] =	vst v63  }
0x55a: {  	s3 =	rddreg [dreg:$0x17]  }
0x55b: {  	[spmem:s2] =	stream.indirect.scatter.add.bf16 [tilespmem:s24], [sflag:$0x2], $0x10, s3, s21, $0xb8;
	[tilespmem:$0x1EF00] =	vst v63  }
0x55c: {  	s6 =	rddreg [dreg:$0x18]  }
0x55d: {  	[spmem:s2] =	stream.indirect.scatter.add.bf16 [tilespmem:s25], [sflag:$0x2], $0x10, s6, s21, $0xb8;
	[tilespmem:$0x1EF00] =	vst v63  }
0x55e: {  	s11 =	rddreg [dreg:$0x19]  }
0x55f: {  	[spmem:s2] =	stream.indirect.scatter.add.bf16 [tilespmem:s26], [sflag:$0x2], $0x10, s11, s21, $0xb8;
	[tilespmem:$0x1EF00] =	vst v63  }
0x560: {  	s31 =	rddreg [dreg:$0x1a]  }
0x561: {  	[spmem:s2] =	stream.indirect.scatter.add.bf16 [tilespmem:s28], [sflag:$0x2], $0x10, s31, s21, $0xb8;
	[tilespmem:$0x1EF00] =	vst v63  }
0x562: {  	s3 =	rddreg [dreg:$0x1b]  }
0x563: {  	[spmem:s2] =	stream.indirect.scatter.add.bf16 [tilespmem:s29], [sflag:$0x2], $0x10, s3, s21, $0xb8;
	[tilespmem:$0x1EF00] =	vst v63  }
0x564: {  	_ =	swait.ge [sflag:s18], $0x800  }
0x565: {  	[sflag:s18] =	ssyncset.done $0x0  }
0x566: {  	[sflag:s18] =	ssyncadd.s32 $0xFFFFF800  }
0x567: {  	_ =	swait.ge [sflag:s18], $0x800  }
0x568: {  	[sflag:s18] =	ssyncset.done $0x0  }
0x569: {  	[sflag:s18] =	ssyncadd.s32 $0xFFFFF800  }
0x56a: {  	_ =	swait.ge [sflag:s18], $0x800  }
0x56b: {  	[sflag:s18] =	ssyncset.done $0x0  }
0x56c: {  	[sflag:s18] =	ssyncadd.s32 $0xFFFFF800  }
0x56d: {  	_ =	swait.ge [sflag:s18], $0x800  }
0x56e: {  	[sflag:s18] =	ssyncset.done $0x0  }
0x56f: {  	[sflag:s18] =	ssyncadd.s32 $0xFFFFF800  }
0x570: {  	_ =	swait.ge [sflag:s18], $0x800  }
0x571: {  	[sflag:s18] =	ssyncset.done $0x0  }
0x572: {  	[sflag:s18] =	ssyncadd.s32 $0xFFFFF800  }
0x573: {  	_ =	swait.ge [sflag:s18], $0x800  }
0x574: {  	[sflag:s18] =	ssyncset.done $0x0  }
0x575: {  	[sflag:s18] =	ssyncadd.s32 $0xFFFFF800  }
0x576: {  	_ =	swait.ge [sflag:s18], $0x800  }
0x577: {  	[sflag:s18] =	ssyncset.done $0x0  }
0x578: {  	[sflag:s18] =	ssyncadd.s32 $0xFFFFF800  }
0x579: {  	_ =	swait.ge [sflag:s18], $0x800  }
0x57a: {  	[sflag:s18] =	ssyncset.done $0x0  }
0x57b: {  	s6 =	rddreg [dreg:$0x1c];
	[sflag:s18] =	ssyncadd.s32 $0xFFFFF800  }
0x57c: {  	[spmem:s2] =	stream.indirect.scatter.add.bf16 [tilespmem:s17], [sflag:$0x2], $0x10, s6, s21, $0xb8;
	[tilespmem:$0x1EF00] =	vst v63  }
0x57d: {  	s11 =	rddreg [dreg:$0x1d]  }
0x57e: {  	[spmem:s2] =	stream.indirect.scatter.add.bf16 [tilespmem:s22], [sflag:$0x2], $0x10, s11, s21, $0xb8;
	[tilespmem:$0x1EF00] =	vst v63  }
0x57f: {  	_ = 	snop  }
0x580: {  	[spmem:s2] =	stream.indirect.scatter.add.bf16 [tilespmem:s23], [sflag:$0x2], $0x10, s12, s21, $0xb8;
	[tilespmem:$0x1EF00] =	vst v63  }
0x581: {  	_ = 	snop  }
0x582: {  	[spmem:s2] =	stream.indirect.scatter.add.bf16 [tilespmem:s24], [sflag:$0x2], $0x10, s13, s21, $0xb8;
	[tilespmem:$0x1EF00] =	vst v63  }
0x583: {  	_ = 	snop  }
0x584: {  	[spmem:s2] =	stream.indirect.scatter.add.bf16 [tilespmem:s25], [sflag:$0x2], $0x10, s14, s21, $0xb8;
	[tilespmem:$0x1EF00] =	vst v63  }
0x585: {  	_ = 	snop  }
0x586: {  	[spmem:s2] =	stream.indirect.scatter.add.bf16 [tilespmem:s26], [sflag:$0x2], $0x10, s15, s21, $0xb8;
	[tilespmem:$0x1EF00] =	vst v63  }
0x587: {  	_ = 	snop  }
0x588: {  	[spmem:s2] =	stream.indirect.scatter.add.bf16 [tilespmem:s28], [sflag:$0x2], $0x10, s9, s21, $0xb8;
	[tilespmem:$0x1EF00] =	vst v63  }
0x589: {  	_ = 	snop  }
0x58a: {  	[spmem:s2] =	stream.indirect.scatter.add.bf16 [tilespmem:s29], [sflag:$0x2], $0x10, s16, s21, $0xb8;
	[tilespmem:$0x1EF00] =	vst v63  }
0x58b: {  	_ =	swait.ge [sflag:s18], $0x800  }
0x58c: {  	[sflag:s18] =	ssyncset.done $0x0  }
0x58d: {  	[sflag:s18] =	ssyncadd.s32 $0xFFFFF800  }
0x58e: {  	_ =	swait.ge [sflag:s18], $0x800  }
0x58f: {  	[sflag:s18] =	ssyncset.done $0x0  }
0x590: {  	[sflag:s18] =	ssyncadd.s32 $0xFFFFF800  }
0x591: {  	_ =	swait.ge [sflag:s18], $0x800  }
0x592: {  	[sflag:s18] =	ssyncset.done $0x0  }
0x593: {  	[sflag:s18] =	ssyncadd.s32 $0xFFFFF800  }
0x594: {  	_ =	swait.ge [sflag:s18], $0x800  }
0x595: {  	[sflag:s18] =	ssyncset.done $0x0  }
0x596: {  	[sflag:s18] =	ssyncadd.s32 $0xFFFFF800  }
0x597: {  	_ =	swait.ge [sflag:s18], $0x800  }
0x598: {  	[sflag:s18] =	ssyncset.done $0x0  }
0x599: {  	[sflag:s18] =	ssyncadd.s32 $0xFFFFF800  }
0x59a: {  	_ =	swait.ge [sflag:s18], $0x800  }
0x59b: {  	[sflag:s18] =	ssyncset.done $0x0  }
0x59c: {  	[sflag:s18] =	ssyncadd.s32 $0xFFFFF800  }
0x59d: {  	_ =	swait.ge [sflag:s18], $0x800  }
0x59e: {  	[sflag:s18] =	ssyncset.done $0x0  }
0x59f: {  	[sflag:s18] =	ssyncadd.s32 $0xFFFFF800  }
0x5a0: {  	_ =	swait.ge [sflag:s18], $0x800  }
0x5a1: {  	[sflag:s18] =	ssyncset.done $0x0  }
0x5a2: {  	[sflag:s18] =	ssyncadd.s32 $0xFFFFF800  }
0x5a3: {  	[spmem:s2] =	stream.indirect.scatter.add.bf16 [tilespmem:s17], [sflag:$0x2], $0x10, s8, s21, $0xb8;
	[tilespmem:$0x1EF00] =	vst v63  }
0x5a4: {  	s31 =	simm.s32 $0x2480  }
0x5a5: {  	[spmem:s2] =	stream.indirect.scatter.add.bf16 [tilespmem:s22], [sflag:$0x2], $0x10, s31, s21, $0xb8;
	[tilespmem:$0x1EF00] =	vst v63  }
0x5a6: {  	_ = 	snop  }
0x5a7: {  	[spmem:s2] =	stream.indirect.scatter.add.bf16 [tilespmem:s23], [sflag:$0x2], $0x10, s7, s21, $0xb8;
	[tilespmem:$0x1EF00] =	vst v63  }
0x5a8: {  	_ = 	snop  }
0x5a9: {  	[spmem:s2] =	stream.indirect.scatter.add.bf16 [tilespmem:s24], [sflag:$0x2], $0x10, s10, s21, $0xb8;
	[tilespmem:$0x1EF00] =	vst v63  }
0x5aa: {  	_ = 	snop  }
0x5ab: {  	[spmem:s2] =	stream.indirect.scatter.add.bf16 [tilespmem:s25], [sflag:$0x2], $0x10, s20, s21, $0xb8;
	[tilespmem:$0x1EF00] =	vst v63  }
0x5ac: {  	s1 =	simm.s32 $0x2680  }
0x5ad: {  	[spmem:s2] =	stream.indirect.scatter.add.bf16 [tilespmem:s26], [sflag:$0x2], $0x10, s1, s21, $0xb8;
	[tilespmem:$0x1EF00] =	vst v63  }
0x5ae: {  	s3 =	simm.s32 $0x2700  }
0x5af: {  	[spmem:s2] =	stream.indirect.scatter.add.bf16 [tilespmem:s28], [sflag:$0x2], $0x10, s3, s21, $0xb8;
	[tilespmem:$0x1EF00] =	vst v63  }
0x5b0: {  	s6 =	simm.s32 $0x2780  }
0x5b1: {  	[spmem:s2] =	stream.indirect.scatter.add.bf16 [tilespmem:s29], [sflag:$0x2], $0x10, s6, s21, $0xb8;
	[tilespmem:$0x1EF00] =	vst v63  }
0x5b2: {  	_ =	swait.ge [sflag:s18], $0x800  }
0x5b3: {  	[sflag:s18] =	ssyncset.done $0x0  }
0x5b4: {  	[sflag:s18] =	ssyncadd.s32 $0xFFFFF800  }
0x5b5: {  	_ =	swait.ge [sflag:s18], $0x800  }
0x5b6: {  	[sflag:s18] =	ssyncset.done $0x0  }
0x5b7: {  	[sflag:s18] =	ssyncadd.s32 $0xFFFFF800  }
0x5b8: {  	_ =	swait.ge [sflag:s18], $0x800  }
0x5b9: {  	[sflag:s18] =	ssyncset.done $0x0  }
0x5ba: {  	[sflag:s18] =	ssyncadd.s32 $0xFFFFF800  }
0x5bb: {  	_ =	swait.ge [sflag:s18], $0x800  }
0x5bc: {  	[sflag:s18] =	ssyncset.done $0x0  }
0x5bd: {  	[sflag:s18] =	ssyncadd.s32 $0xFFFFF800  }
0x5be: {  	_ =	swait.ge [sflag:s18], $0x800  }
0x5bf: {  	[sflag:s18] =	ssyncset.done $0x0  }
0x5c0: {  	[sflag:s18] =	ssyncadd.s32 $0xFFFFF800  }
0x5c1: {  	_ =	swait.ge [sflag:s18], $0x800  }
0x5c2: {  	[sflag:s18] =	ssyncset.done $0x0  }
0x5c3: {  	[sflag:s18] =	ssyncadd.s32 $0xFFFFF800  }
0x5c4: {  	_ =	swait.ge [sflag:s18], $0x800  }
0x5c5: {  	[sflag:s18] =	ssyncset.done $0x0  }
0x5c6: {  	[sflag:s18] =	ssyncadd.s32 $0xFFFFF800  }
0x5c7: {  	_ =	swait.ge [sflag:s18], $0x800  }
0x5c8: {  	[sflag:s18] =	ssyncset.done $0x0  }
0x5c9: {  	[sflag:s18] =	ssyncadd.s32 $0xFFFFF800  }
0x5ca: {  	[bflag:$0x0] =	sbarrier.arrive $0xFFFF  }
0x5cb: {  	s7 =	sld [smem:$0x7CC]  }
0x5cc: {  	s8 =	sld [smem:$0x7C5]  }
0x5cd: {  	s9 =	sld [smem:$0x7C4];
	_ =	sdelay $0x2  }
0x5ce: {  	[hbm:s7], [sflag:s8] =	dma.local [spmem:s9], $0x30E0  }
0x5cf: {  	_ =	swait.ge [sflag:s19], $0x30E0  }
0x5d0: {  	s11 =	sld [smem:$0x7C6]  }
0x5d1: {  	s31 =	sld [smem:$0x7CD];
	_ =	sdelay $0x1  }
0x5d2: {  	s1 =	sadd.s32 $0x1, s11  }
0x5d3: {  	p0 =	sne.s32 s1, s31  }
.Ltmp19:
0x5d4: {  	_ = 	snop;
	(pc) =	sbr.rel @p0 .LBB2_1-.Ltmp19, $3  }
0x5d5: {  	_ =	sdelay $0x1  }
0x5d6: {  	[sflag:s19] =	ssyncset.done $0x0  }
0x5d7: {  	[sflag:s19] =	ssyncadd.s32 $0xFFFFCF20  }
0x5d8: {  	_ =	sfence.sel $0x180000  }
0x5d9: {  	[bflag:$0x0] =	sbarrier.arrive $0xFFFF  }
0x5da: {  	_ =	strace $0x90000047  }
0x5db: {  	s0 =	stileid.u32;
	[bflag:$0x2] =	sbarrier.arrive $0xFFFF  }
0x5dc: {  	p0 =	sne.s32 s0, $0x0;
	s0 =	rddreg [dreg:$0x3]  }
0x5dd: {  	s0 =	sadd.s32 @!p0 $0x100000, s0  }
0x5de: {  	[sflag:s0] =	ssyncadd.tile.s32 @!p0 $0x1;
	_ =	shalt  }
.Lfunc_end2:
_tile_overlayer_lowered:
.L_overlay_start_2:
0x5df: {  	(tag) =	ssettag $0x2  }
0x5e0: {  	s0 =	rddreg [dreg:$0x0];
	s2 =	stileid.u32  }
0x5e1: {  	s1 =	rddreg [dreg:$0x1];
	p0 =	sne.s32 s2, $0x0  }
0x5e2: {  	s3 =	rddreg [dreg:$0x2];
	[bflag:$0x3] =	sbarrier.arrive $0xFFFF;
	s2 =	simm.s32 @!p0 $0x1C03  }
0x5e3: {  	[timem:s3], [sflag:s2] =	dma.local @!p0 [hbm:s0], s1  }
0x5e4: {  	s0 =	simm.s32 @!p0 $0x3  }
0x5e5: {  	_ =	swait.ge @!p0 [sflag:s0], s1  }
0x5e6: {  	s1 =	ssub.s32 @!p0 $0x0, s1;
	[sflag:s0] =	ssyncset.done @!p0 $0x0  }
0x5e7: {  	[sflag:s0] =	ssyncadd.s32 @!p0 s1  }
0x5e8: {  	[bflag:$0x3] =	sbarrier.arrive $0xFFFF  }
0x5e9: {  	_ =	shalt  }

</sc_bundles>
